<compile_context>
chip_gen: v7x
topology: tpu7x:2x2x1
jax: 0.10.2.dev20260603
libtpu: 0.0.44.dev20260713+nightly
codegen_flags: <defaults>
</compile_context>

<pallas_src>
import functools

import jax
import jax.numpy as jnp
from jax import lax
from jax.experimental import pallas as pl
from jax.experimental.pallas import tpu as pltpu
from jax.experimental.pallas import tpu_sc as plsc

H = 112
W = 112
L = 16
BAND_ROWS = H // 16
BAND_PIX = BAND_ROWS * W
W_CHUNKS = W // L
NEG = -999999.0


def _iota():
    return lax.iota(jnp.int32, L)


def _sc_body(nv, nt, ng, verts_hbm, cols_hbm, tris_hbm, mask_out, img_out,
             vx, vy, vz, cr, cg, cb, t0, t1, t2,
             umin_r, umax_r, vmin_r, vmax_r, dep_r, txr, txg, txb,
             zbuf, idb, om, o0, o1, o2):
    c = lax.axis_index("c")
    s = lax.axis_index("s")
    band_lo = s * BAND_ROWS

    vbase = c * 3 * nv
    pltpu.sync_copy(verts_hbm.at[pl.ds(vbase, nv)], vx)
    pltpu.sync_copy(verts_hbm.at[pl.ds(vbase + nv, nv)], vy)
    pltpu.sync_copy(verts_hbm.at[pl.ds(vbase + 2 * nv, nv)], vz)
    pltpu.sync_copy(cols_hbm.at[pl.ds(vbase, nv)], cr)
    pltpu.sync_copy(cols_hbm.at[pl.ds(vbase + nv, nv)], cg)
    pltpu.sync_copy(cols_hbm.at[pl.ds(vbase + 2 * nv, nv)], cb)
    pltpu.sync_copy(tris_hbm.at[pl.ds(0, nt)], t0.at[pl.ds(0, nt)])
    pltpu.sync_copy(tris_hbm.at[pl.ds(nt, nt)], t1.at[pl.ds(0, nt)])
    pltpu.sync_copy(tris_hbm.at[pl.ds(2 * nt, nt)], t2.at[pl.ds(0, nt)])

    lastg = (ng - 1) * L
    tail_ok = (lastg + _iota()) < nt
    for tref in (t0, t1, t2):
        tv = tref[pl.ds(lastg, L)]
        tref[pl.ds(lastg, L)] = jnp.where(tail_ok, tv, 0)

    def meta_step(g, _):
        sl = pl.ds(g * L, L)
        i0 = t0[sl]
        i1 = t1[sl]
        i2 = t2[sl]
        dep_r[sl] = (plsc.load_gather(vz, [i0]) + plsc.load_gather(vz, [i1])
                     + plsc.load_gather(vz, [i2])) / 3.0
        x0 = plsc.load_gather(vx, [i0])
        x1 = plsc.load_gather(vx, [i1])
        x2 = plsc.load_gather(vx, [i2])
        xm = jnp.minimum(jnp.minimum(x0, x1), x2)
        xM = jnp.maximum(jnp.maximum(x0, x1), x2)
        y0 = plsc.load_gather(vy, [i0])
        y1 = plsc.load_gather(vy, [i1])
        y2 = plsc.load_gather(vy, [i2])
        ym = jnp.minimum(jnp.minimum(y0, y1), y2)
        yM = jnp.maximum(jnp.maximum(y0, y1), y2)
        xmi = xm.astype(jnp.int32)
        umin = xmi + jnp.where(xmi.astype(jnp.float32) < xm, 1, 0)
        umax = xM.astype(jnp.int32)
        ymi = ym.astype(jnp.int32)
        vmin = ymi + jnp.where(ymi.astype(jnp.float32) < ym, 1, 0)
        vmax = yM.astype(jnp.int32)
        umin = jnp.maximum(umin, 0)
        umax = jnp.minimum(umax, W - 1)
        vmin = jnp.maximum(vmin, 0)
        vmax = jnp.minimum(vmax, H - 1)
        pad = (g * L + _iota()) >= nt
        umin_r[sl] = jnp.where(pad, 1, umin)
        umax_r[sl] = jnp.where(pad, 0, umax)
        vmin_r[sl] = jnp.where(pad, 1, vmin)
        vmax_r[sl] = jnp.where(pad, 0, vmax)
        txr[sl] = (plsc.load_gather(cr, [i0]) + plsc.load_gather(cr, [i1])
                   + plsc.load_gather(cr, [i2])) / 3.0
        txg[sl] = (plsc.load_gather(cg, [i0]) + plsc.load_gather(cg, [i1])
                   + plsc.load_gather(cg, [i2])) / 3.0
        txb[sl] = (plsc.load_gather(cb, [i0]) + plsc.load_gather(cb, [i1])
                   + plsc.load_gather(cb, [i2])) / 3.0
        return _
    lax.fori_loop(0, ng, meta_step, 0, unroll=False)

    def init_step(p, _):
        sl = pl.ds(p * L, L)
        zbuf[sl] = jnp.full((L,), NEG, jnp.float32)
        idb[sl] = jnp.full((L,), -1, jnp.int32)
        return _
    lax.fori_loop(0, BAND_PIX // L, init_step, 0, unroll=False)

    def tri_group(g, _):
        base = g * L
        sl = pl.ds(base, L)
        umin_v = umin_r[sl]
        umax_v = umax_r[sl]
        vmin_v = vmin_r[sl]
        vmax_v = vmax_r[sl]
        dep_v = dep_r[sl]
        for l in range(L):
            u0 = umin_v[l]
            u1 = umax_v[l]
            rlo = jnp.maximum(vmin_v[l], band_lo)
            rhi = jnp.minimum(vmax_v[l], band_lo + (BAND_ROWS - 1))
            d = dep_v[l]
            t = base + l

            @pl.when(jnp.logical_and(u0 <= u1, rlo <= rhi))
            def _raster(u0=u0, u1=u1, rlo=rlo, rhi=rhi, d=d, t=t):
                c0 = lax.shift_right_logical(u0, 4)
                c1 = lax.shift_right_logical(u1, 4)

                def row_step(r, _r):
                    row_off = (r - band_lo) * W

                    def col_step(cc, _c):
                        off = row_off + cc * L
                        colv = cc * L + _iota()
                        inb = jnp.logical_and(colv >= u0, colv <= u1)
                        z = zbuf[pl.ds(off, L)]
                        win = jnp.logical_and(inb, d > z)
                        zbuf[pl.ds(off, L)] = jnp.where(win, d, z)
                        ids = idb[pl.ds(off, L)]
                        idb[pl.ds(off, L)] = jnp.where(win, t, ids)
                        return _c
                    lax.fori_loop(c0, c1 + 1, col_step, 0, unroll=False)
                    return _r
                lax.fori_loop(rlo, rhi + 1, row_step, 0, unroll=False)
        return _
    lax.fori_loop(0, ng, tri_group, 0, unroll=False)

    def out_step(p, _):
        sl = pl.ds(p * L, L)
        ids = idb[sl]
        hit = ids >= 0
        safe = jnp.maximum(ids, 0)
        om[sl] = jnp.where(hit, jnp.float32(1.0), jnp.float32(0.0))
        zero = jnp.float32(0.0)
        o0[sl] = jnp.where(hit, plsc.load_gather(txr, [safe]), zero)
        o1[sl] = jnp.where(hit, plsc.load_gather(txg, [safe]), zero)
        o2[sl] = jnp.where(hit, plsc.load_gather(txb, [safe]), zero)
        return _
    lax.fori_loop(0, BAND_PIX // L, out_step, 0, unroll=False)

    band = c * 16 + s
    pltpu.sync_copy(om, mask_out.at[pl.ds(band * BAND_PIX, BAND_PIX)])
    for ch, oref in enumerate((o0, o1, o2)):
        off = ((c * 3 + ch) * 16 + s) * BAND_PIX
        pltpu.sync_copy(oref, img_out.at[pl.ds(off, BAND_PIX)])


def kernel(vertices, colors, triangles):
    b, _, nv = vertices.shape
    nt = triangles.shape[1]
    ng = (nt + L - 1) // L
    ntp = ng * L

    mesh = plsc.VectorSubcoreMesh(core_axis_name="c", subcore_axis_name="s")
    run = pl.kernel(
        functools.partial(_sc_body, nv, nt, ng),
        out_type=(
            jax.ShapeDtypeStruct((b * 16 * BAND_PIX,), jnp.float32),
            jax.ShapeDtypeStruct((b * 3 * 16 * BAND_PIX,), jnp.float32),
        ),
        mesh=mesh,
        compiler_params=pltpu.CompilerParams(needs_layout_passes=False),
        scratch_types=(
            [pltpu.VMEM((nv,), jnp.float32) for _ in range(6)]
            + [pltpu.VMEM((ntp,), jnp.int32) for _ in range(3)]
            + [pltpu.VMEM((ntp,), jnp.int32) for _ in range(4)]
            + [pltpu.VMEM((ntp,), jnp.float32) for _ in range(4)]
            + [pltpu.VMEM((BAND_PIX,), jnp.float32),
               pltpu.VMEM((BAND_PIX,), jnp.int32)]
            + [pltpu.VMEM((BAND_PIX,), jnp.float32) for _ in range(4)]
        ),
    )
    mask_flat, img_flat = run(vertices.reshape(-1), colors.reshape(-1),
                              triangles.reshape(-1))
    face_mask = mask_flat.reshape(b, 1, H, W)
    new_image = img_flat.reshape(b, 3, H, W)
    return (face_mask, new_image)

# --- scband reference (transcript-rebuilt; emitter-appended) ---
"""Pipeline reference for scband-face-xzoo-projector-2130303778910 (READ-ONLY COPY).

The authoritative reference and input builder live on the scoring server;
editing this copy changes nothing except your own understanding.
"""

import jax, jax.numpy as jnp
import numpy as np

B, H, W, NV, NT = 2, 112, 112, 8192, 1000


def setup_inputs(seed: int = 0) -> dict:
    key = jax.random.key(seed)
    k1, k2, k3, k4 = jax.random.split(key, 4)
    x = jax.random.uniform(k1, (B, 1, NV), dtype=jnp.float32) * (W - 1)
    y = jax.random.uniform(k2, (B, 1, NV), dtype=jnp.float32) * (H - 1)
    z = jax.random.normal(k3, (B, 1, NV), dtype=jnp.float32) * 10.0
    vertices = jnp.concatenate([x, y, z], axis=1)
    colors = jax.random.uniform(jax.random.fold_in(key, 7), (B, 3, NV), dtype=jnp.float32)
    triangles = jax.random.randint(k4, (3, NT), 0, NV, dtype=jnp.int32)
    return {"vertices": vertices, "colors": colors, "triangles": triangles}


def _get_image_unique_small(bboxes, tri_depth, tri_tex, h, w, valid):
    n = tri_depth.shape[0]
    # sort by depth, descending (faithful to torch.sort(descending=True));
    # invalid entries carry an +inf key so they sort after every valid entry
    sort_key = jnp.where(valid, -tri_depth, jnp.inf)
    order = jnp.argsort(sort_key)
    depth_sorted = tri_depth[order]
    bb_sorted = bboxes[order]
    texture_sorted = tri_tex[:, order]
    # unique bboxes (rows) + first-occurrence index (get_unique_first_indices)
    bu, inv = jnp.unique(bb_sorted, axis=0, return_inverse=True, size=n, fill_value=-1)
    inv = jnp.ravel(inv)
    uni_idx = jax.ops.segment_min(jnp.arange(n), inv, num_segments=n)
    padded = uni_idx >= n
    safe_idx = jnp.minimum(uni_idx, n - 1)
    depth_u = jnp.where(padded, -jnp.inf, depth_sorted[safe_idx])
    tex_u = texture_sorted[:, safe_idx]
    # cartesian_prod(arange(h), arange(w)) -> column0 = row (v), column1 = col (u)
    p_y = jnp.repeat(jnp.arange(h), w)
    p_x = jnp.tile(jnp.arange(w), h)
    c1 = p_y[:, None] >= bu[None, :, 2]
    c2 = p_y[:, None] <= bu[None, :, 3]
    c3 = p_x[:, None] >= bu[None, :, 0]
    c4 = p_x[:, None] <= bu[None, :, 1]
    mask = (c1 & c2 & c3 & c4).reshape(h, w, -1)
    buf = jnp.where(mask, depth_u[None, None, :], jnp.float32(-999999.0))
    dp = jnp.argmax(buf, axis=-1)
    nomask = mask.sum(axis=-1) == 0
    tex = tex_u.T[dp]  # [h, w, 3]
    color_img = jnp.where(nomask[None, :, :], jnp.zeros((3, h, w), jnp.float32), jnp.transpose(tex, (2, 0, 1)))
    mask_img = jnp.where(nomask[None, :, :], jnp.zeros((1, h, w), jnp.float32), jnp.ones((1, h, w), jnp.float32))
    return color_img, mask_img


def reference(vertices, colors, triangles):
    # faithful jax port of render_cy_pt / render_texture_pt (the compute core of FaceXZooProjector)
    b, h, w = vertices.shape[0], H, W
    t0, t1, t2 = triangles[0], triangles[1], triangles[2]
    tri_depth = (vertices[:, 2, t0] + vertices[:, 2, t1] + vertices[:, 2, t2]) / 3.0
    tri_tex = (colors[:, :, t0] + colors[:, :, t1] + colors[:, :, t2]) / 3.0
    vx = vertices[:, 0, :][:, triangles]  # [B, 3, NT]
    vy = vertices[:, 1, :][:, triangles]
    umins = jnp.maximum(jnp.ceil(jnp.min(vx, axis=1)).astype(jnp.int32), 0)
    umaxs = jnp.minimum(jnp.floor(jnp.max(vx, axis=1)).astype(jnp.int32), w - 1)
    vmins = jnp.maximum(jnp.ceil(jnp.min(vy, axis=1)).astype(jnp.int32), 0)
    vmaxs = jnp.minimum(jnp.floor(jnp.max(vy, axis=1)).astype(jnp.int32), h - 1)
    valid = (umins <= umaxs) & (vmins <= vmaxs)
    sentinel = jnp.array([w, -1, h, -1], dtype=jnp.int32)
    images, face_masks = [], []
    for i in range(b):
        bboxes = jnp.stack([umins[i], umaxs[i], vmins[i], vmaxs[i]], axis=0).T  # [NT, 4]
        bboxes = jnp.where(valid[i][:, None], bboxes, sentinel[None, :])
        ntd = tri_depth[i]
        ntt = tri_tex[i]
        img, fm = _get_image_unique_small(bboxes, ntd, ntt, h, w, valid[i])
        images.append(img)
        face_masks.append(fm)
    new_image = jnp.stack(images)
    face_mask = jnp.stack(face_masks)
    return (face_mask, new_image)

if __name__ == "__main__":
    import jax
    _d = setup_inputs()
    print(jax.jit(kernel)(*tuple(_d.values())))

</pallas_src>

<mosaic_0001>
#map = affine_map<(d0, d1) -> (0)>
module attributes {stable_mosaic.version = 14 : i64} {
  func.func @_sc_body(%arg0: i32, %arg1: i32, %arg2: memref<49152xf32, #tpu.memory_space<hbm>>, %arg3: memref<49152xf32, #tpu.memory_space<hbm>>, %arg4: memref<3000xi32, #tpu.memory_space<hbm>>, %arg5: memref<25088xf32, #tpu.memory_space<hbm>>, %arg6: memref<75264xf32, #tpu.memory_space<hbm>>, %arg7: memref<8192xf32, #tpu.memory_space<vmem>>, %arg8: memref<8192xf32, #tpu.memory_space<vmem>>, %arg9: memref<8192xf32, #tpu.memory_space<vmem>>, %arg10: memref<8192xf32, #tpu.memory_space<vmem>>, %arg11: memref<8192xf32, #tpu.memory_space<vmem>>, %arg12: memref<8192xf32, #tpu.memory_space<vmem>>, %arg13: memref<1008xi32, #tpu.memory_space<vmem>>, %arg14: memref<1008xi32, #tpu.memory_space<vmem>>, %arg15: memref<1008xi32, #tpu.memory_space<vmem>>, %arg16: memref<1008xi32, #tpu.memory_space<vmem>>, %arg17: memref<1008xi32, #tpu.memory_space<vmem>>, %arg18: memref<1008xi32, #tpu.memory_space<vmem>>, %arg19: memref<1008xi32, #tpu.memory_space<vmem>>, %arg20: memref<1008xf32, #tpu.memory_space<vmem>>, %arg21: memref<1008xf32, #tpu.memory_space<vmem>>, %arg22: memref<1008xf32, #tpu.memory_space<vmem>>, %arg23: memref<1008xf32, #tpu.memory_space<vmem>>, %arg24: memref<784xf32, #tpu.memory_space<vmem>>, %arg25: memref<784xi32, #tpu.memory_space<vmem>>, %arg26: memref<784xf32, #tpu.memory_space<vmem>>, %arg27: memref<784xf32, #tpu.memory_space<vmem>>, %arg28: memref<784xf32, #tpu.memory_space<vmem>>, %arg29: memref<784xf32, #tpu.memory_space<vmem>>) attributes {dimension_semantics = [#tpu.dimension_semantics<core_parallel>, #tpu.dimension_semantics<subcore_parallel>], iteration_bounds = array<i64: 2, 16>, scalar_prefetch = 0 : i64, scratch_operands = 23 : i64, tpu.core_type = #tpu.core_type<sc_vector_subcore>, window_params = [{transform_indices = #map}, {transform_indices = #map}, {transform_indices = #map}, {transform_indices = #map}, {transform_indices = #map}]} {
    %mul3A = arith.constant 7 : i32
    %mul3A_0 = arith.muli %arg1, %mul3A : i32
    %mul3A_1 = arith.constant 3 : i32
    %mul3A_2 = arith.muli %arg0, %mul3A_1 : i32
    %mul3A_3 = arith.constant 8192 : i32
    %mul3A_4 = arith.muli %mul3A_2, %mul3A_3 : i32
    "tpu.region"() ({
      %run_scoped3A = tpu.sem_alloc : memref<!tpu.dma_semaphore, #tpu.memory_space<semaphore_mem>>
      %dma_start3A = tpu.memref_slice %arg2[%mul3A_4] : memref<49152xf32, #tpu.memory_space<hbm>> -> memref<8192xf32, #tpu.memory_space<hbm>>
      %dma_start3A_88 = tpu.memref_slice %arg2[%mul3A_4] : memref<49152xf32, #tpu.memory_space<hbm>> -> memref<8192xf32, #tpu.memory_space<hbm>>
      tpu.enqueue_dma source(%dma_start3A_88 : memref<8192xf32, #tpu.memory_space<hbm>>) target(%arg7 : memref<8192xf32, #tpu.memory_space<vmem>>) target_semaphore(%run_scoped3A : memref<!tpu.dma_semaphore, #tpu.memory_space<semaphore_mem>>)
      %dma_wait3A = tpu.memref_slice %arg2[%mul3A_4] : memref<49152xf32, #tpu.memory_space<hbm>> -> memref<8192xf32, #tpu.memory_space<hbm>>
      %dma_wait3A_89 = tpu.memref_slice %arg2[%mul3A_4] : memref<49152xf32, #tpu.memory_space<hbm>> -> memref<8192xf32, #tpu.memory_space<hbm>>
      tpu.wait_dma2 semaphore(%run_scoped3A : memref<!tpu.dma_semaphore, #tpu.memory_space<semaphore_mem>>) src(%dma_wait3A_89 : memref<8192xf32, #tpu.memory_space<hbm>>) dst(%arg7 : memref<8192xf32, #tpu.memory_space<vmem>>)
      tpu.yield
    }) : () -> ()
    %add3A = arith.constant 8192 : i32
    %add3A_5 = arith.addi %mul3A_4, %add3A : i32
    "tpu.region"() ({
      %run_scoped3A = tpu.sem_alloc : memref<!tpu.dma_semaphore, #tpu.memory_space<semaphore_mem>>
      %dma_start3A = tpu.memref_slice %arg2[%add3A_5] : memref<49152xf32, #tpu.memory_space<hbm>> -> memref<8192xf32, #tpu.memory_space<hbm>>
      %dma_start3A_88 = tpu.memref_slice %arg2[%add3A_5] : memref<49152xf32, #tpu.memory_space<hbm>> -> memref<8192xf32, #tpu.memory_space<hbm>>
      tpu.enqueue_dma source(%dma_start3A_88 : memref<8192xf32, #tpu.memory_space<hbm>>) target(%arg8 : memref<8192xf32, #tpu.memory_space<vmem>>) target_semaphore(%run_scoped3A : memref<!tpu.dma_semaphore, #tpu.memory_space<semaphore_mem>>)
      %dma_wait3A = tpu.memref_slice %arg2[%add3A_5] : memref<49152xf32, #tpu.memory_space<hbm>> -> memref<8192xf32, #tpu.memory_space<hbm>>
      %dma_wait3A_89 = tpu.memref_slice %arg2[%add3A_5] : memref<49152xf32, #tpu.memory_space<hbm>> -> memref<8192xf32, #tpu.memory_space<hbm>>
      tpu.wait_dma2 semaphore(%run_scoped3A : memref<!tpu.dma_semaphore, #tpu.memory_space<semaphore_mem>>) src(%dma_wait3A_89 : memref<8192xf32, #tpu.memory_space<hbm>>) dst(%arg8 : memref<8192xf32, #tpu.memory_space<vmem>>)
      tpu.yield
    }) : () -> ()
    %add3A_6 = arith.constant 16384 : i32
    %add3A_7 = arith.addi %mul3A_4, %add3A_6 : i32
    "tpu.region"() ({
      %run_scoped3A = tpu.sem_alloc : memref<!tpu.dma_semaphore, #tpu.memory_space<semaphore_mem>>
      %dma_start3A = tpu.memref_slice %arg2[%add3A_7] : memref<49152xf32, #tpu.memory_space<hbm>> -> memref<8192xf32, #tpu.memory_space<hbm>>
      %dma_start3A_88 = tpu.memref_slice %arg2[%add3A_7] : memref<49152xf32, #tpu.memory_space<hbm>> -> memref<8192xf32, #tpu.memory_space<hbm>>
      tpu.enqueue_dma source(%dma_start3A_88 : memref<8192xf32, #tpu.memory_space<hbm>>) target(%arg9 : memref<8192xf32, #tpu.memory_space<vmem>>) target_semaphore(%run_scoped3A : memref<!tpu.dma_semaphore, #tpu.memory_space<semaphore_mem>>)
      %dma_wait3A = tpu.memref_slice %arg2[%add3A_7] : memref<49152xf32, #tpu.memory_space<hbm>> -> memref<8192xf32, #tpu.memory_space<hbm>>
      %dma_wait3A_89 = tpu.memref_slice %arg2[%add3A_7] : memref<49152xf32, #tpu.memory_space<hbm>> -> memref<8192xf32, #tpu.memory_space<hbm>>
      tpu.wait_dma2 semaphore(%run_scoped3A : memref<!tpu.dma_semaphore, #tpu.memory_space<semaphore_mem>>) src(%dma_wait3A_89 : memref<8192xf32, #tpu.memory_space<hbm>>) dst(%arg9 : memref<8192xf32, #tpu.memory_space<vmem>>)
      tpu.yield
    }) : () -> ()
    "tpu.region"() ({
      %run_scoped3A = tpu.sem_alloc : memref<!tpu.dma_semaphore, #tpu.memory_space<semaphore_mem>>
      %dma_start3A = tpu.memref_slice %arg3[%mul3A_4] : memref<49152xf32, #tpu.memory_space<hbm>> -> memref<8192xf32, #tpu.memory_space<hbm>>
      %dma_start3A_88 = tpu.memref_slice %arg3[%mul3A_4] : memref<49152xf32, #tpu.memory_space<hbm>> -> memref<8192xf32, #tpu.memory_space<hbm>>
      tpu.enqueue_dma source(%dma_start3A_88 : memref<8192xf32, #tpu.memory_space<hbm>>) target(%arg10 : memref<8192xf32, #tpu.memory_space<vmem>>) target_semaphore(%run_scoped3A : memref<!tpu.dma_semaphore, #tpu.memory_space<semaphore_mem>>)
      %dma_wait3A = tpu.memref_slice %arg3[%mul3A_4] : memref<49152xf32, #tpu.memory_space<hbm>> -> memref<8192xf32, #tpu.memory_space<hbm>>
      %dma_wait3A_89 = tpu.memref_slice %arg3[%mul3A_4] : memref<49152xf32, #tpu.memory_space<hbm>> -> memref<8192xf32, #tpu.memory_space<hbm>>
      tpu.wait_dma2 semaphore(%run_scoped3A : memref<!tpu.dma_semaphore, #tpu.memory_space<semaphore_mem>>) src(%dma_wait3A_89 : memref<8192xf32, #tpu.memory_space<hbm>>) dst(%arg10 : memref<8192xf32, #tpu.memory_space<vmem>>)
      tpu.yield
    }) : () -> ()
    %add3A_8 = arith.constant 8192 : i32
    %add3A_9 = arith.addi %mul3A_4, %add3A_8 : i32
    "tpu.region"() ({
      %run_scoped3A = tpu.sem_alloc : memref<!tpu.dma_semaphore, #tpu.memory_space<semaphore_mem>>
      %dma_start3A = tpu.memref_slice %arg3[%add3A_9] : memref<49152xf32, #tpu.memory_space<hbm>> -> memref<8192xf32, #tpu.memory_space<hbm>>
      %dma_start3A_88 = tpu.memref_slice %arg3[%add3A_9] : memref<49152xf32, #tpu.memory_space<hbm>> -> memref<8192xf32, #tpu.memory_space<hbm>>
      tpu.enqueue_dma source(%dma_start3A_88 : memref<8192xf32, #tpu.memory_space<hbm>>) target(%arg11 : memref<8192xf32, #tpu.memory_space<vmem>>) target_semaphore(%run_scoped3A : memref<!tpu.dma_semaphore, #tpu.memory_space<semaphore_mem>>)
      %dma_wait3A = tpu.memref_slice %arg3[%add3A_9] : memref<49152xf32, #tpu.memory_space<hbm>> -> memref<8192xf32, #tpu.memory_space<hbm>>
      %dma_wait3A_89 = tpu.memref_slice %arg3[%add3A_9] : memref<49152xf32, #tpu.memory_space<hbm>> -> memref<8192xf32, #tpu.memory_space<hbm>>
      tpu.wait_dma2 semaphore(%run_scoped3A : memref<!tpu.dma_semaphore, #tpu.memory_space<semaphore_mem>>) src(%dma_wait3A_89 : memref<8192xf32, #tpu.memory_space<hbm>>) dst(%arg11 : memref<8192xf32, #tpu.memory_space<vmem>>)
      tpu.yield
    }) : () -> ()
    %add3A_10 = arith.constant 16384 : i32
    %add3A_11 = arith.addi %mul3A_4, %add3A_10 : i32
    "tpu.region"() ({
      %run_scoped3A = tpu.sem_alloc : memref<!tpu.dma_semaphore, #tpu.memory_space<semaphore_mem>>
      %dma_start3A = tpu.memref_slice %arg3[%add3A_11] : memref<49152xf32, #tpu.memory_space<hbm>> -> memref<8192xf32, #tpu.memory_space<hbm>>
      %dma_start3A_88 = tpu.memref_slice %arg3[%add3A_11] : memref<49152xf32, #tpu.memory_space<hbm>> -> memref<8192xf32, #tpu.memory_space<hbm>>
      tpu.enqueue_dma source(%dma_start3A_88 : memref<8192xf32, #tpu.memory_space<hbm>>) target(%arg12 : memref<8192xf32, #tpu.memory_space<vmem>>) target_semaphore(%run_scoped3A : memref<!tpu.dma_semaphore, #tpu.memory_space<semaphore_mem>>)
      %dma_wait3A = tpu.memref_slice %arg3[%add3A_11] : memref<49152xf32, #tpu.memory_space<hbm>> -> memref<8192xf32, #tpu.memory_space<hbm>>
      %dma_wait3A_89 = tpu.memref_slice %arg3[%add3A_11] : memref<49152xf32, #tpu.memory_space<hbm>> -> memref<8192xf32, #tpu.memory_space<hbm>>
      tpu.wait_dma2 semaphore(%run_scoped3A : memref<!tpu.dma_semaphore, #tpu.memory_space<semaphore_mem>>) src(%dma_wait3A_89 : memref<8192xf32, #tpu.memory_space<hbm>>) dst(%arg12 : memref<8192xf32, #tpu.memory_space<vmem>>)
      tpu.yield
    }) : () -> ()
    "tpu.region"() ({
      %run_scoped3A = tpu.sem_alloc : memref<!tpu.dma_semaphore, #tpu.memory_space<semaphore_mem>>
      %dma_start3A = arith.constant 0 : i32
      %dma_start3A_88 = tpu.memref_slice %arg13[%dma_start3A] : memref<1008xi32, #tpu.memory_space<vmem>> -> memref<1000xi32, #tpu.memory_space<vmem>>
      %dma_start3A_89 = arith.constant 0 : i32
      %dma_start3A_90 = tpu.memref_slice %arg4[%dma_start3A_89] : memref<3000xi32, #tpu.memory_space<hbm>> -> memref<1000xi32, #tpu.memory_space<hbm>>
      %dma_start3A_91 = arith.constant 0 : i32
      %dma_start3A_92 = tpu.memref_slice %arg13[%dma_start3A_91] : memref<1008xi32, #tpu.memory_space<vmem>> -> memref<1000xi32, #tpu.memory_space<vmem>>
      %dma_start3A_93 = arith.constant 0 : i32
      %dma_start3A_94 = tpu.memref_slice %arg4[%dma_start3A_93] : memref<3000xi32, #tpu.memory_space<hbm>> -> memref<1000xi32, #tpu.memory_space<hbm>>
      tpu.enqueue_dma source(%dma_start3A_94 : memref<1000xi32, #tpu.memory_space<hbm>>) target(%dma_start3A_92 : memref<1000xi32, #tpu.memory_space<vmem>>) target_semaphore(%run_scoped3A : memref<!tpu.dma_semaphore, #tpu.memory_space<semaphore_mem>>)
      %dma_wait3A = arith.constant 0 : i32
      %dma_wait3A_95 = tpu.memref_slice %arg13[%dma_wait3A] : memref<1008xi32, #tpu.memory_space<vmem>> -> memref<1000xi32, #tpu.memory_space<vmem>>
      %dma_wait3A_96 = arith.constant 0 : i32
      %dma_wait3A_97 = tpu.memref_slice %arg4[%dma_wait3A_96] : memref<3000xi32, #tpu.memory_space<hbm>> -> memref<1000xi32, #tpu.memory_space<hbm>>
      %dma_wait3A_98 = arith.constant 0 : i32
      %dma_wait3A_99 = tpu.memref_slice %arg13[%dma_wait3A_98] : memref<1008xi32, #tpu.memory_space<vmem>> -> memref<1000xi32, #tpu.memory_space<vmem>>
      %dma_wait3A_100 = arith.constant 0 : i32
      %dma_wait3A_101 = tpu.memref_slice %arg4[%dma_wait3A_100] : memref<3000xi32, #tpu.memory_space<hbm>> -> memref<1000xi32, #tpu.memory_space<hbm>>
      tpu.wait_dma2 semaphore(%run_scoped3A : memref<!tpu.dma_semaphore, #tpu.memory_space<semaphore_mem>>) src(%dma_wait3A_101 : memref<1000xi32, #tpu.memory_space<hbm>>) dst(%dma_wait3A_99 : memref<1000xi32, #tpu.memory_space<vmem>>)
      tpu.yield
    }) : () -> ()
    "tpu.region"() ({
      %run_scoped3A = tpu.sem_alloc : memref<!tpu.dma_semaphore, #tpu.memory_space<semaphore_mem>>
      %dma_start3A = arith.constant 0 : i32
      %dma_start3A_88 = tpu.memref_slice %arg14[%dma_start3A] : memref<1008xi32, #tpu.memory_space<vmem>> -> memref<1000xi32, #tpu.memory_space<vmem>>
      %dma_start3A_89 = arith.constant 1000 : i32
      %dma_start3A_90 = tpu.memref_slice %arg4[%dma_start3A_89] : memref<3000xi32, #tpu.memory_space<hbm>> -> memref<1000xi32, #tpu.memory_space<hbm>>
      %dma_start3A_91 = arith.constant 0 : i32
      %dma_start3A_92 = tpu.memref_slice %arg14[%dma_start3A_91] : memref<1008xi32, #tpu.memory_space<vmem>> -> memref<1000xi32, #tpu.memory_space<vmem>>
      %dma_start3A_93 = arith.constant 1000 : i32
      %dma_start3A_94 = tpu.memref_slice %arg4[%dma_start3A_93] : memref<3000xi32, #tpu.memory_space<hbm>> -> memref<1000xi32, #tpu.memory_space<hbm>>
      tpu.enqueue_dma source(%dma_start3A_94 : memref<1000xi32, #tpu.memory_space<hbm>>) target(%dma_start3A_92 : memref<1000xi32, #tpu.memory_space<vmem>>) target_semaphore(%run_scoped3A : memref<!tpu.dma_semaphore, #tpu.memory_space<semaphore_mem>>)
      %dma_wait3A = arith.constant 0 : i32
      %dma_wait3A_95 = tpu.memref_slice %arg14[%dma_wait3A] : memref<1008xi32, #tpu.memory_space<vmem>> -> memref<1000xi32, #tpu.memory_space<vmem>>
      %dma_wait3A_96 = arith.constant 1000 : i32
      %dma_wait3A_97 = tpu.memref_slice %arg4[%dma_wait3A_96] : memref<3000xi32, #tpu.memory_space<hbm>> -> memref<1000xi32, #tpu.memory_space<hbm>>
      %dma_wait3A_98 = arith.constant 0 : i32
      %dma_wait3A_99 = tpu.memref_slice %arg14[%dma_wait3A_98] : memref<1008xi32, #tpu.memory_space<vmem>> -> memref<1000xi32, #tpu.memory_space<vmem>>
      %dma_wait3A_100 = arith.constant 1000 : i32
      %dma_wait3A_101 = tpu.memref_slice %arg4[%dma_wait3A_100] : memref<3000xi32, #tpu.memory_space<hbm>> -> memref<1000xi32, #tpu.memory_space<hbm>>
      tpu.wait_dma2 semaphore(%run_scoped3A : memref<!tpu.dma_semaphore, #tpu.memory_space<semaphore_mem>>) src(%dma_wait3A_101 : memref<1000xi32, #tpu.memory_space<hbm>>) dst(%dma_wait3A_99 : memref<1000xi32, #tpu.memory_space<vmem>>)
      tpu.yield
    }) : () -> ()
    "tpu.region"() ({
      %run_scoped3A = tpu.sem_alloc : memref<!tpu.dma_semaphore, #tpu.memory_space<semaphore_mem>>
      %dma_start3A = arith.constant 0 : i32
      %dma_start3A_88 = tpu.memref_slice %arg15[%dma_start3A] : memref<1008xi32, #tpu.memory_space<vmem>> -> memref<1000xi32, #tpu.memory_space<vmem>>
      %dma_start3A_89 = arith.constant 2000 : i32
      %dma_start3A_90 = tpu.memref_slice %arg4[%dma_start3A_89] : memref<3000xi32, #tpu.memory_space<hbm>> -> memref<1000xi32, #tpu.memory_space<hbm>>
      %dma_start3A_91 = arith.constant 0 : i32
      %dma_start3A_92 = tpu.memref_slice %arg15[%dma_start3A_91] : memref<1008xi32, #tpu.memory_space<vmem>> -> memref<1000xi32, #tpu.memory_space<vmem>>
      %dma_start3A_93 = arith.constant 2000 : i32
      %dma_start3A_94 = tpu.memref_slice %arg4[%dma_start3A_93] : memref<3000xi32, #tpu.memory_space<hbm>> -> memref<1000xi32, #tpu.memory_space<hbm>>
      tpu.enqueue_dma source(%dma_start3A_94 : memref<1000xi32, #tpu.memory_space<hbm>>) target(%dma_start3A_92 : memref<1000xi32, #tpu.memory_space<vmem>>) target_semaphore(%run_scoped3A : memref<!tpu.dma_semaphore, #tpu.memory_space<semaphore_mem>>)
      %dma_wait3A = arith.constant 0 : i32
      %dma_wait3A_95 = tpu.memref_slice %arg15[%dma_wait3A] : memref<1008xi32, #tpu.memory_space<vmem>> -> memref<1000xi32, #tpu.memory_space<vmem>>
      %dma_wait3A_96 = arith.constant 2000 : i32
      %dma_wait3A_97 = tpu.memref_slice %arg4[%dma_wait3A_96] : memref<3000xi32, #tpu.memory_space<hbm>> -> memref<1000xi32, #tpu.memory_space<hbm>>
      %dma_wait3A_98 = arith.constant 0 : i32
      %dma_wait3A_99 = tpu.memref_slice %arg15[%dma_wait3A_98] : memref<1008xi32, #tpu.memory_space<vmem>> -> memref<1000xi32, #tpu.memory_space<vmem>>
      %dma_wait3A_100 = arith.constant 2000 : i32
      %dma_wait3A_101 = tpu.memref_slice %arg4[%dma_wait3A_100] : memref<3000xi32, #tpu.memory_space<hbm>> -> memref<1000xi32, #tpu.memory_space<hbm>>
      tpu.wait_dma2 semaphore(%run_scoped3A : memref<!tpu.dma_semaphore, #tpu.memory_space<semaphore_mem>>) src(%dma_wait3A_101 : memref<1000xi32, #tpu.memory_space<hbm>>) dst(%dma_wait3A_99 : memref<1000xi32, #tpu.memory_space<vmem>>)
      tpu.yield
    }) : () -> ()
    %iota3A = tpu.iota {dimensions = array<i32: 0>} : vector<16xi32>
    %add3A_12 = arith.constant 992 : i32
    %add3A_13 = vector.broadcast %add3A_12 : i32 to vector<16xi32>
    %add3A_14 = arith.addi %add3A_13, %iota3A : vector<16xi32>
    %lt3A = arith.constant 1000 : i32
    %lt3A_15 = vector.broadcast %lt3A : i32 to vector<16xi32>
    %lt3A_16 = arith.cmpi slt, %add3A_14, %lt3A_15 : vector<16xi32>
    %get3A = arith.constant 992 : index
    %get3A_17 = tpu.vector_load %arg13[%get3A] {strides = array<i32>} : memref<1008xi32, #tpu.memory_space<vmem>>, vector<16xi32>,
    %jit3A = arith.constant 0 : i32
    %broadcast_in_dim3A = vector.broadcast %jit3A : i32 to vector<16xi32>
    %select_n3A = arith.select %lt3A_16, %get3A_17, %broadcast_in_dim3A : vector<16xi1>, vector<16xi32>
    %swap3A = arith.constant 992 : index
    %swap3A_18 = tpu.vector_load %arg13[%swap3A] {strides = array<i32>} : memref<1008xi32, #tpu.memory_space<vmem>>, vector<16xi32>,
    tpu.vector_store %arg13[%swap3A], %select_n3A {strides = array<i32>} : memref<1008xi32, #tpu.memory_space<vmem>>, vector<16xi32>,
    %get3A_19 = arith.constant 992 : index
    %get3A_20 = tpu.vector_load %arg14[%get3A_19] {strides = array<i32>} : memref<1008xi32, #tpu.memory_space<vmem>>, vector<16xi32>,
    %jit3A_21 = arith.constant 0 : i32
    %broadcast_in_dim3A_22 = vector.broadcast %jit3A_21 : i32 to vector<16xi32>
    %select_n3A_23 = arith.select %lt3A_16, %get3A_20, %broadcast_in_dim3A_22 : vector<16xi1>, vector<16xi32>
    %swap3A_24 = arith.constant 992 : index
    %swap3A_25 = tpu.vector_load %arg14[%swap3A_24] {strides = array<i32>} : memref<1008xi32, #tpu.memory_space<vmem>>, vector<16xi32>,
    tpu.vector_store %arg14[%swap3A_24], %select_n3A_23 {strides = array<i32>} : memref<1008xi32, #tpu.memory_space<vmem>>, vector<16xi32>,
    %get3A_26 = arith.constant 992 : index
    %get3A_27 = tpu.vector_load %arg15[%get3A_26] {strides = array<i32>} : memref<1008xi32, #tpu.memory_space<vmem>>, vector<16xi32>,
    %jit3A_28 = arith.constant 0 : i32
    %broadcast_in_dim3A_29 = vector.broadcast %jit3A_28 : i32 to vector<16xi32>
    %select_n3A_30 = arith.select %lt3A_16, %get3A_27, %broadcast_in_dim3A_29 : vector<16xi1>, vector<16xi32>
    %swap3A_31 = arith.constant 992 : index
    %swap3A_32 = tpu.vector_load %arg15[%swap3A_31] {strides = array<i32>} : memref<1008xi32, #tpu.memory_space<vmem>>, vector<16xi32>,
    tpu.vector_store %arg15[%swap3A_31], %select_n3A_30 {strides = array<i32>} : memref<1008xi32, #tpu.memory_space<vmem>>, vector<16xi32>,
    %scan3A = arith.constant 0 : i32
    %scan3A_33 = arith.constant 0 : i32
    %scan3A_34 = arith.constant 63 : i32
    %scan3A_35 = arith.addi %scan3A_33, %scan3A_34 : i32
    %scan3A_36 = arith.constant 1 : i32
    scf.for %scan3A_88 = %scan3A_33 to %scan3A_35 step %scan3A_36  : i32 {
      %mul3A_89 = arith.constant 16 : i32
      %mul3A_90 = arith.muli %scan3A_88, %mul3A_89 : i32
      %get3A_91 = arith.index_cast %mul3A_90 : i32 to index
      %get3A_92 = tpu.vector_load %arg13[%get3A_91] {strides = array<i32>} : memref<1008xi32, #tpu.memory_space<vmem>>, vector<16xi32>,
      %get3A_93 = arith.index_cast %mul3A_90 : i32 to index
      %get3A_94 = tpu.vector_load %arg14[%get3A_93] {strides = array<i32>} : memref<1008xi32, #tpu.memory_space<vmem>>, vector<16xi32>,
      %get3A_95 = arith.index_cast %mul3A_90 : i32 to index
      %get3A_96 = tpu.vector_load %arg15[%get3A_95] {strides = array<i32>} : memref<1008xi32, #tpu.memory_space<vmem>>, vector<16xi32>,
      %gather3A = tpu.vector_load_idx %arg9[%get3A_92] : memref<8192xf32, #tpu.memory_space<vmem>>[vector<16xi32>], vector<16xf32>,
      %gather3A_97 = tpu.vector_load_idx %arg9[%get3A_94] : memref<8192xf32, #tpu.memory_space<vmem>>[vector<16xi32>], vector<16xf32>,
      %add3A_98 = arith.addf %gather3A, %gather3A_97 : vector<16xf32>
      %gather3A_99 = tpu.vector_load_idx %arg9[%get3A_96] : memref<8192xf32, #tpu.memory_space<vmem>>[vector<16xi32>], vector<16xf32>,
      %add3A_100 = arith.addf %add3A_98, %gather3A_99 : vector<16xf32>
      %div3A = arith.constant 3.000000e+00 : f32
      %div3A_101 = vector.broadcast %div3A : f32 to vector<16xf32>
      %div3A_102 = arith.divf %add3A_100, %div3A_101 : vector<16xf32>
      %swap3A_103 = arith.index_cast %mul3A_90 : i32 to index
      %swap3A_104 = tpu.vector_load %arg20[%swap3A_103] {strides = array<i32>} : memref<1008xf32, #tpu.memory_space<vmem>>, vector<16xf32>,
      tpu.vector_store %arg20[%swap3A_103], %div3A_102 {strides = array<i32>} : memref<1008xf32, #tpu.memory_space<vmem>>, vector<16xf32>,
      %gather3A_105 = tpu.vector_load_idx %arg7[%get3A_92] : memref<8192xf32, #tpu.memory_space<vmem>>[vector<16xi32>], vector<16xf32>,
      %gather3A_106 = tpu.vector_load_idx %arg7[%get3A_94] : memref<8192xf32, #tpu.memory_space<vmem>>[vector<16xi32>], vector<16xf32>,
      %gather3A_107 = tpu.vector_load_idx %arg7[%get3A_96] : memref<8192xf32, #tpu.memory_space<vmem>>[vector<16xi32>], vector<16xf32>,
      %min3A = arith.minimumf %gather3A_105, %gather3A_106 : vector<16xf32>
      %min3A_108 = arith.minimumf %min3A, %gather3A_107 : vector<16xf32>
      %max3A = arith.maximumf %gather3A_105, %gather3A_106 : vector<16xf32>
      %max3A_109 = arith.maximumf %max3A, %gather3A_107 : vector<16xf32>
      %gather3A_110 = tpu.vector_load_idx %arg8[%get3A_92] : memref<8192xf32, #tpu.memory_space<vmem>>[vector<16xi32>], vector<16xf32>,
      %gather3A_111 = tpu.vector_load_idx %arg8[%get3A_94] : memref<8192xf32, #tpu.memory_space<vmem>>[vector<16xi32>], vector<16xf32>,
      %gather3A_112 = tpu.vector_load_idx %arg8[%get3A_96] : memref<8192xf32, #tpu.memory_space<vmem>>[vector<16xi32>], vector<16xf32>,
      %min3A_113 = arith.minimumf %gather3A_110, %gather3A_111 : vector<16xf32>
      %min3A_114 = arith.minimumf %min3A_113, %gather3A_112 : vector<16xf32>
      %max3A_115 = arith.maximumf %gather3A_110, %gather3A_111 : vector<16xf32>
      %max3A_116 = arith.maximumf %max3A_115, %gather3A_112 : vector<16xf32>
      %convert_element_type3A = arith.fptosi %min3A_108 : vector<16xf32> to vector<16xi32>
      %convert_element_type3A_117 = arith.sitofp %convert_element_type3A : vector<16xi32> to vector<16xf32>
      %lt3A_118 = arith.cmpf olt, %convert_element_type3A_117, %min3A_108 : vector<16xf32>
      %jit3A_119 = arith.constant 1 : i32
      %jit3A_120 = arith.constant 0 : i32
      %broadcast_in_dim3A_121 = vector.broadcast %jit3A_119 : i32 to vector<16xi32>
      %broadcast_in_dim3A_122 = vector.broadcast %jit3A_120 : i32 to vector<16xi32>
      %select_n3A_123 = arith.select %lt3A_118, %broadcast_in_dim3A_121, %broadcast_in_dim3A_122 : vector<16xi1>, vector<16xi32>
      %add3A_124 = arith.addi %convert_element_type3A, %select_n3A_123 : vector<16xi32>
      %convert_element_type3A_125 = arith.fptosi %max3A_109 : vector<16xf32> to vector<16xi32>
      %convert_element_type3A_126 = arith.fptosi %min3A_114 : vector<16xf32> to vector<16xi32>
      %convert_element_type3A_127 = arith.sitofp %convert_element_type3A_126 : vector<16xi32> to vector<16xf32>
      %lt3A_128 = arith.cmpf olt, %convert_element_type3A_127, %min3A_114 : vector<16xf32>
      %jit3A_129 = arith.constant 1 : i32
      %jit3A_130 = arith.constant 0 : i32
      %broadcast_in_dim3A_131 = vector.broadcast %jit3A_129 : i32 to vector<16xi32>
      %broadcast_in_dim3A_132 = vector.broadcast %jit3A_130 : i32 to vector<16xi32>
      %select_n3A_133 = arith.select %lt3A_128, %broadcast_in_dim3A_131, %broadcast_in_dim3A_132 : vector<16xi1>, vector<16xi32>
      %add3A_134 = arith.addi %convert_element_type3A_126, %select_n3A_133 : vector<16xi32>
      %convert_element_type3A_135 = arith.fptosi %max3A_116 : vector<16xf32> to vector<16xi32>
      %max3A_136 = arith.constant 0 : i32
      %max3A_137 = vector.broadcast %max3A_136 : i32 to vector<16xi32>
      %max3A_138 = arith.maxsi %add3A_124, %max3A_137 : vector<16xi32>
      %min3A_139 = arith.constant 111 : i32
      %min3A_140 = vector.broadcast %min3A_139 : i32 to vector<16xi32>
      %min3A_141 = arith.minsi %convert_element_type3A_125, %min3A_140 : vector<16xi32>
      %max3A_142 = arith.constant 0 : i32
      %max3A_143 = vector.broadcast %max3A_142 : i32 to vector<16xi32>
      %max3A_144 = arith.maxsi %add3A_134, %max3A_143 : vector<16xi32>
      %min3A_145 = arith.constant 111 : i32
      %min3A_146 = vector.broadcast %min3A_145 : i32 to vector<16xi32>
      %min3A_147 = arith.minsi %convert_element_type3A_135, %min3A_146 : vector<16xi32>
      %mul3A_148 = arith.constant 16 : i32
      %mul3A_149 = arith.muli %scan3A_88, %mul3A_148 : i32
      %iota3A_150 = tpu.iota {dimensions = array<i32: 0>} : vector<16xi32>
      %add3A_151 = vector.broadcast %mul3A_149 : i32 to vector<16xi32>
      %add3A_152 = arith.addi %add3A_151, %iota3A_150 : vector<16xi32>
      %ge3A = arith.constant 1000 : i32
      %ge3A_153 = vector.broadcast %ge3A : i32 to vector<16xi32>
      %ge3A_154 = arith.cmpi sge, %add3A_152, %ge3A_153 : vector<16xi32>
      %jit3A_155 = arith.constant 1 : i32
      %broadcast_in_dim3A_156 = vector.broadcast %jit3A_155 : i32 to vector<16xi32>
      %select_n3A_157 = arith.select %ge3A_154, %broadcast_in_dim3A_156, %max3A_138 : vector<16xi1>, vector<16xi32>
      %swap3A_158 = arith.index_cast %mul3A_90 : i32 to index
      %swap3A_159 = tpu.vector_load %arg16[%swap3A_158] {strides = array<i32>} : memref<1008xi32, #tpu.memory_space<vmem>>, vector<16xi32>,
      tpu.vector_store %arg16[%swap3A_158], %select_n3A_157 {strides = array<i32>} : memref<1008xi32, #tpu.memory_space<vmem>>, vector<16xi32>,
      %jit3A_160 = arith.constant 0 : i32
      %broadcast_in_dim3A_161 = vector.broadcast %jit3A_160 : i32 to vector<16xi32>
      %select_n3A_162 = arith.select %ge3A_154, %broadcast_in_dim3A_161, %min3A_141 : vector<16xi1>, vector<16xi32>
      %swap3A_163 = arith.index_cast %mul3A_90 : i32 to index
      %swap3A_164 = tpu.vector_load %arg17[%swap3A_163] {strides = array<i32>} : memref<1008xi32, #tpu.memory_space<vmem>>, vector<16xi32>,
      tpu.vector_store %arg17[%swap3A_163], %select_n3A_162 {strides = array<i32>} : memref<1008xi32, #tpu.memory_space<vmem>>, vector<16xi32>,
      %jit3A_165 = arith.constant 1 : i32
      %broadcast_in_dim3A_166 = vector.broadcast %jit3A_165 : i32 to vector<16xi32>
      %select_n3A_167 = arith.select %ge3A_154, %broadcast_in_dim3A_166, %max3A_144 : vector<16xi1>, vector<16xi32>
      %swap3A_168 = arith.index_cast %mul3A_90 : i32 to index
      %swap3A_169 = tpu.vector_load %arg18[%swap3A_168] {strides = array<i32>} : memref<1008xi32, #tpu.memory_space<vmem>>, vector<16xi32>,
      tpu.vector_store %arg18[%swap3A_168], %select_n3A_167 {strides = array<i32>} : memref<1008xi32, #tpu.memory_space<vmem>>, vector<16xi32>,
      %jit3A_170 = arith.constant 0 : i32
      %broadcast_in_dim3A_171 = vector.broadcast %jit3A_170 : i32 to vector<16xi32>
      %select_n3A_172 = arith.select %ge3A_154, %broadcast_in_dim3A_171, %min3A_147 : vector<16xi1>, vector<16xi32>
      %swap3A_173 = arith.index_cast %mul3A_90 : i32 to index
      %swap3A_174 = tpu.vector_load %arg19[%swap3A_173] {strides = array<i32>} : memref<1008xi32, #tpu.memory_space<vmem>>, vector<16xi32>,
      tpu.vector_store %arg19[%swap3A_173], %select_n3A_172 {strides = array<i32>} : memref<1008xi32, #tpu.memory_space<vmem>>, vector<16xi32>,
      %gather3A_175 = tpu.vector_load_idx %arg10[%get3A_92] : memref<8192xf32, #tpu.memory_space<vmem>>[vector<16xi32>], vector<16xf32>,
      %gather3A_176 = tpu.vector_load_idx %arg10[%get3A_94] : memref<8192xf32, #tpu.memory_space<vmem>>[vector<16xi32>], vector<16xf32>,
      %add3A_177 = arith.addf %gather3A_175, %gather3A_176 : vector<16xf32>
      %gather3A_178 = tpu.vector_load_idx %arg10[%get3A_96] : memref<8192xf32, #tpu.memory_space<vmem>>[vector<16xi32>], vector<16xf32>,
      %add3A_179 = arith.addf %add3A_177, %gather3A_178 : vector<16xf32>
      %div3A_180 = arith.constant 3.000000e+00 : f32
      %div3A_181 = vector.broadcast %div3A_180 : f32 to vector<16xf32>
      %div3A_182 = arith.divf %add3A_179, %div3A_181 : vector<16xf32>
      %swap3A_183 = arith.index_cast %mul3A_90 : i32 to index
      %swap3A_184 = tpu.vector_load %arg21[%swap3A_183] {strides = array<i32>} : memref<1008xf32, #tpu.memory_space<vmem>>, vector<16xf32>,
      tpu.vector_store %arg21[%swap3A_183], %div3A_182 {strides = array<i32>} : memref<1008xf32, #tpu.memory_space<vmem>>, vector<16xf32>,
      %gather3A_185 = tpu.vector_load_idx %arg11[%get3A_92] : memref<8192xf32, #tpu.memory_space<vmem>>[vector<16xi32>], vector<16xf32>,
      %gather3A_186 = tpu.vector_load_idx %arg11[%get3A_94] : memref<8192xf32, #tpu.memory_space<vmem>>[vector<16xi32>], vector<16xf32>,
      %add3A_187 = arith.addf %gather3A_185, %gather3A_186 : vector<16xf32>
      %gather3A_188 = tpu.vector_load_idx %arg11[%get3A_96] : memref<8192xf32, #tpu.memory_space<vmem>>[vector<16xi32>], vector<16xf32>,
      %add3A_189 = arith.addf %add3A_187, %gather3A_188 : vector<16xf32>
      %div3A_190 = arith.constant 3.000000e+00 : f32
      %div3A_191 = vector.broadcast %div3A_190 : f32 to vector<16xf32>
      %div3A_192 = arith.divf %add3A_189, %div3A_191 : vector<16xf32>
      %swap3A_193 = arith.index_cast %mul3A_90 : i32 to index
      %swap3A_194 = tpu.vector_load %arg22[%swap3A_193] {strides = array<i32>} : memref<1008xf32, #tpu.memory_space<vmem>>, vector<16xf32>,
      tpu.vector_store %arg22[%swap3A_193], %div3A_192 {strides = array<i32>} : memref<1008xf32, #tpu.memory_space<vmem>>, vector<16xf32>,
      %gather3A_195 = tpu.vector_load_idx %arg12[%get3A_92] : memref<8192xf32, #tpu.memory_space<vmem>>[vector<16xi32>], vector<16xf32>,
      %gather3A_196 = tpu.vector_load_idx %arg12[%get3A_94] : memref<8192xf32, #tpu.memory_space<vmem>>[vector<16xi32>], vector<16xf32>,
      %add3A_197 = arith.addf %gather3A_195, %gather3A_196 : vector<16xf32>
      %gather3A_198 = tpu.vector_load_idx %arg12[%get3A_96] : memref<8192xf32, #tpu.memory_space<vmem>>[vector<16xi32>], vector<16xf32>,
      %add3A_199 = arith.addf %add3A_197, %gather3A_198 : vector<16xf32>
      %div3A_200 = arith.constant 3.000000e+00 : f32
      %div3A_201 = vector.broadcast %div3A_200 : f32 to vector<16xf32>
      %div3A_202 = arith.divf %add3A_199, %div3A_201 : vector<16xf32>
      %swap3A_203 = arith.index_cast %mul3A_90 : i32 to index
      %swap3A_204 = tpu.vector_load %arg23[%swap3A_203] {strides = array<i32>} : memref<1008xf32, #tpu.memory_space<vmem>>, vector<16xf32>,
      tpu.vector_store %arg23[%swap3A_203], %div3A_202 {strides = array<i32>} : memref<1008xf32, #tpu.memory_space<vmem>>, vector<16xf32>,
    }
    %scan3A_37 = arith.constant 63 : i32
    %scan3A_38 = arith.constant 0 : i32
    %scan3A_39 = arith.constant 0 : i32
    %scan3A_40 = arith.constant 49 : i32
    %scan3A_41 = arith.addi %scan3A_39, %scan3A_40 : i32
    %scan3A_42 = arith.constant 1 : i32
    scf.for %scan3A_88 = %scan3A_39 to %scan3A_41 step %scan3A_42  : i32 {
      %mul3A_89 = arith.constant 16 : i32
      %mul3A_90 = arith.muli %scan3A_88, %mul3A_89 : i32
      %broadcast_in_dim3A_91 = arith.constant -9.999990e+05 : f32
      %broadcast_in_dim3A_92 = vector.broadcast %broadcast_in_dim3A_91 : f32 to vector<16xf32>
      %swap3A_93 = arith.index_cast %mul3A_90 : i32 to index
      %swap3A_94 = tpu.vector_load %arg24[%swap3A_93] {strides = array<i32>} : memref<784xf32, #tpu.memory_space<vmem>>, vector<16xf32>,
      tpu.vector_store %arg24[%swap3A_93], %broadcast_in_dim3A_92 {strides = array<i32>} : memref<784xf32, #tpu.memory_space<vmem>>, vector<16xf32>,
      %broadcast_in_dim3A_95 = arith.constant -1 : i32
      %broadcast_in_dim3A_96 = vector.broadcast %broadcast_in_dim3A_95 : i32 to vector<16xi32>
      %swap3A_97 = arith.index_cast %mul3A_90 : i32 to index
      %swap3A_98 = tpu.vector_load %arg25[%swap3A_97] {strides = array<i32>} : memref<784xi32, #tpu.memory_space<vmem>>, vector<16xi32>,
      tpu.vector_store %arg25[%swap3A_97], %broadcast_in_dim3A_96 {strides = array<i32>} : memref<784xi32, #tpu.memory_space<vmem>>, vector<16xi32>,
    }
    %scan3A_43 = arith.constant 49 : i32
    %scan3A_44 = arith.constant 0 : i32
    %scan3A_45 = arith.constant 0 : i32
    %scan3A_46 = arith.constant 63 : i32
    %scan3A_47 = arith.addi %scan3A_45, %scan3A_46 : i32
    %scan3A_48 = arith.constant 1 : i32
    scf.for %scan3A_88 = %scan3A_45 to %scan3A_47 step %scan3A_48  : i32 {
      %mul3A_89 = arith.constant 16 : i32
      %mul3A_90 = arith.muli %scan3A_88, %mul3A_89 : i32
      %get3A_91 = arith.index_cast %mul3A_90 : i32 to index
      %get3A_92 = tpu.vector_load %arg16[%get3A_91] {strides = array<i32>} : memref<1008xi32, #tpu.memory_space<vmem>>, vector<16xi32>,
      %get3A_93 = arith.index_cast %mul3A_90 : i32 to index
      %get3A_94 = tpu.vector_load %arg17[%get3A_93] {strides = array<i32>} : memref<1008xi32, #tpu.memory_space<vmem>>, vector<16xi32>,
      %get3A_95 = arith.index_cast %mul3A_90 : i32 to index
      %get3A_96 = tpu.vector_load %arg18[%get3A_95] {strides = array<i32>} : memref<1008xi32, #tpu.memory_space<vmem>>, vector<16xi32>,
      %get3A_97 = arith.index_cast %mul3A_90 : i32 to index
      %get3A_98 = tpu.vector_load %arg19[%get3A_97] {strides = array<i32>} : memref<1008xi32, #tpu.memory_space<vmem>>, vector<16xi32>,
      %get3A_99 = arith.index_cast %mul3A_90 : i32 to index
      %get3A_100 = tpu.vector_load %arg20[%get3A_99] {strides = array<i32>} : memref<1008xf32, #tpu.memory_space<vmem>>, vector<16xf32>,
      %slice3A = vector.extract_strided_slice %get3A_92 {offsets = [0], sizes = [1], strides = [1]} : vector<16xi32> to vector<1xi32>
      %squeeze3A = vector.extract %slice3A[0] : i32 from vector<1xi32>
      %slice3A_101 = vector.extract_strided_slice %get3A_94 {offsets = [0], sizes = [1], strides = [1]} : vector<16xi32> to vector<1xi32>
      %squeeze3A_102 = vector.extract %slice3A_101[0] : i32 from vector<1xi32>
      %slice3A_103 = vector.extract_strided_slice %get3A_96 {offsets = [0], sizes = [1], strides = [1]} : vector<16xi32> to vector<1xi32>
      %squeeze3A_104 = vector.extract %slice3A_103[0] : i32 from vector<1xi32>
      %max3A = arith.maxsi %squeeze3A_104, %mul3A_0 : i32
      %slice3A_105 = vector.extract_strided_slice %get3A_98 {offsets = [0], sizes = [1], strides = [1]} : vector<16xi32> to vector<1xi32>
      %squeeze3A_106 = vector.extract %slice3A_105[0] : i32 from vector<1xi32>
      %add3A_107 = arith.constant 6 : i32
      %add3A_108 = arith.addi %mul3A_0, %add3A_107 : i32
      %min3A = arith.minsi %squeeze3A_106, %add3A_108 : i32
      %slice3A_109 = vector.extract_strided_slice %get3A_100 {offsets = [0], sizes = [1], strides = [1]} : vector<16xf32> to vector<1xf32>
      %squeeze3A_110 = vector.extract %slice3A_109[0] : f32 from vector<1xf32>
      %add3A_111 = arith.constant 0 : i32
      %add3A_112 = arith.addi %mul3A_90, %add3A_111 : i32
      %le3A = arith.cmpi sle, %squeeze3A, %squeeze3A_102 : i32
      %le3A_113 = arith.cmpi sle, %max3A, %min3A : i32
      %and3A = arith.andi %le3A, %le3A_113 : i1
      %convert_element_type3A = arith.extui %and3A : i1 to i32
      %cond3A = arith.constant 0 : i32
      %cond3A_114 = arith.cmpi ne, %convert_element_type3A, %cond3A : i32
      scf.if %cond3A_114 {
        %shift_right_logical3A = arith.constant 4 : i32
        %shift_right_logical3A_445 = arith.shrui %squeeze3A, %shift_right_logical3A : i32
        %shift_right_logical3A_446 = arith.constant 4 : i32
        %shift_right_logical3A_447 = arith.shrui %squeeze3A_102, %shift_right_logical3A_446 : i32
        %add3A_448 = arith.constant 1 : i32
        %add3A_449 = arith.addi %min3A, %add3A_448 : i32
        %while3A = arith.constant 0 : i32
        %while3A_450 = arith.subi %add3A_449, %max3A : i32
        %while3A_451 = arith.addi %max3A, %while3A_450 : i32
        %while3A_452 = arith.constant 1 : i32
        %while3A_453 = arith.divsi %while3A_450, %while3A_452 : i32
        %while3A_454 = arith.muli %while3A_453, %while3A_452 : i32
        %while3A_455 = arith.addi %max3A, %while3A_454 : i32
        %while3A_456 = arith.constant 1 : i32
        scf.for %while3A_458 = %max3A to %while3A_455 step %while3A_456  : i32 {
          %sub3A = arith.subi %while3A_458, %mul3A_0 : i32
          %mul3A_459 = arith.constant 112 : i32
          %mul3A_460 = arith.muli %sub3A, %mul3A_459 : i32
          %add3A_461 = arith.constant 1 : i32
          %add3A_462 = arith.addi %shift_right_logical3A_447, %add3A_461 : i32
          %while3A_463 = arith.constant 0 : i32
          %while3A_464 = arith.subi %add3A_462, %shift_right_logical3A_445 : i32
          %while3A_465 = arith.addi %shift_right_logical3A_445, %while3A_464 : i32
          %while3A_466 = arith.constant 1 : i32
          %while3A_467 = arith.divsi %while3A_464, %while3A_466 : i32
          %while3A_468 = arith.muli %while3A_467, %while3A_466 : i32
          %while3A_469 = arith.addi %shift_right_logical3A_445, %while3A_468 : i32
          %while3A_470 = arith.constant 1 : i32
          scf.for %while3A_472 = %shift_right_logical3A_445 to %while3A_469 step %while3A_470  : i32 {
            %mul3A_473 = arith.constant 16 : i32
            %mul3A_474 = arith.muli %while3A_472, %mul3A_473 : i32
            %add3A_475 = arith.addi %mul3A_460, %mul3A_474 : i32
            %mul3A_476 = arith.constant 16 : i32
            %mul3A_477 = arith.muli %while3A_472, %mul3A_476 : i32
            %iota3A_478 = tpu.iota {dimensions = array<i32: 0>} : vector<16xi32>
            %add3A_479 = vector.broadcast %mul3A_477 : i32 to vector<16xi32>
            %add3A_480 = arith.addi %add3A_479, %iota3A_478 : vector<16xi32>
            %ge3A = vector.broadcast %squeeze3A : i32 to vector<16xi32>
            %ge3A_481 = arith.cmpi sge, %add3A_480, %ge3A : vector<16xi32>
            %le3A_482 = vector.broadcast %squeeze3A_102 : i32 to vector<16xi32>
            %le3A_483 = arith.cmpi sle, %add3A_480, %le3A_482 : vector<16xi32>
            %and3A_484 = arith.andi %ge3A_481, %le3A_483 : vector<16xi1>
            %get3A_485 = arith.index_cast %add3A_475 : i32 to index
            %get3A_486 = tpu.vector_load %arg24[%get3A_485] {strides = array<i32>} : memref<784xf32, #tpu.memory_space<vmem>>, vector<16xf32>,
            %gt3A = vector.broadcast %squeeze3A_110 : f32 to vector<16xf32>
            %gt3A_487 = arith.cmpf ogt, %gt3A, %get3A_486 : vector<16xf32>
            %and3A_488 = arith.andi %and3A_484, %gt3A_487 : vector<16xi1>
            %broadcast_in_dim3A_489 = vector.broadcast %squeeze3A_110 : f32 to vector<16xf32>
            %select_n3A_490 = arith.select %and3A_488, %broadcast_in_dim3A_489, %get3A_486 : vector<16xi1>, vector<16xf32>
            %swap3A_491 = arith.index_cast %add3A_475 : i32 to index
            %swap3A_492 = tpu.vector_load %arg24[%swap3A_491] {strides = array<i32>} : memref<784xf32, #tpu.memory_space<vmem>>, vector<16xf32>,
            tpu.vector_store %arg24[%swap3A_491], %select_n3A_490 {strides = array<i32>} : memref<784xf32, #tpu.memory_space<vmem>>, vector<16xf32>,
            %get3A_493 = arith.index_cast %add3A_475 : i32 to index
            %get3A_494 = tpu.vector_load %arg25[%get3A_493] {strides = array<i32>} : memref<784xi32, #tpu.memory_space<vmem>>, vector<16xi32>,
            %broadcast_in_dim3A_495 = vector.broadcast %add3A_112 : i32 to vector<16xi32>
            %select_n3A_496 = arith.select %and3A_488, %broadcast_in_dim3A_495, %get3A_494 : vector<16xi1>, vector<16xi32>
            %swap3A_497 = arith.index_cast %add3A_475 : i32 to index
            %swap3A_498 = tpu.vector_load %arg25[%swap3A_497] {strides = array<i32>} : memref<784xi32, #tpu.memory_space<vmem>>, vector<16xi32>,
            tpu.vector_store %arg25[%swap3A_497], %select_n3A_496 {strides = array<i32>} : memref<784xi32, #tpu.memory_space<vmem>>, vector<16xi32>,
          }
          %while3A_471 = arith.constant 1 : i32
          scf.for %while3A_472 = %while3A_469 to %while3A_465 step %while3A_471  : i32 {
            %mul3A_473 = arith.constant 16 : i32
            %mul3A_474 = arith.muli %while3A_472, %mul3A_473 : i32
            %add3A_475 = arith.addi %mul3A_460, %mul3A_474 : i32
            %mul3A_476 = arith.constant 16 : i32
            %mul3A_477 = arith.muli %while3A_472, %mul3A_476 : i32
            %iota3A_478 = tpu.iota {dimensions = array<i32: 0>} : vector<16xi32>
            %add3A_479 = vector.broadcast %mul3A_477 : i32 to vector<16xi32>
            %add3A_480 = arith.addi %add3A_479, %iota3A_478 : vector<16xi32>
            %ge3A = vector.broadcast %squeeze3A : i32 to vector<16xi32>
            %ge3A_481 = arith.cmpi sge, %add3A_480, %ge3A : vector<16xi32>
            %le3A_482 = vector.broadcast %squeeze3A_102 : i32 to vector<16xi32>
            %le3A_483 = arith.cmpi sle, %add3A_480, %le3A_482 : vector<16xi32>
            %and3A_484 = arith.andi %ge3A_481, %le3A_483 : vector<16xi1>
            %get3A_485 = arith.index_cast %add3A_475 : i32 to index
            %get3A_486 = tpu.vector_load %arg24[%get3A_485] {strides = array<i32>} : memref<784xf32, #tpu.memory_space<vmem>>, vector<16xf32>,
            %gt3A = vector.broadcast %squeeze3A_110 : f32 to vector<16xf32>
            %gt3A_487 = arith.cmpf ogt, %gt3A, %get3A_486 : vector<16xf32>
            %and3A_488 = arith.andi %and3A_484, %gt3A_487 : vector<16xi1>
            %broadcast_in_dim3A_489 = vector.broadcast %squeeze3A_110 : f32 to vector<16xf32>
            %select_n3A_490 = arith.select %and3A_488, %broadcast_in_dim3A_489, %get3A_486 : vector<16xi1>, vector<16xf32>
            %swap3A_491 = arith.index_cast %add3A_475 : i32 to index
            %swap3A_492 = tpu.vector_load %arg24[%swap3A_491] {strides = array<i32>} : memref<784xf32, #tpu.memory_space<vmem>>, vector<16xf32>,
            tpu.vector_store %arg24[%swap3A_491], %select_n3A_490 {strides = array<i32>} : memref<784xf32, #tpu.memory_space<vmem>>, vector<16xf32>,
            %get3A_493 = arith.index_cast %add3A_475 : i32 to index
            %get3A_494 = tpu.vector_load %arg25[%get3A_493] {strides = array<i32>} : memref<784xi32, #tpu.memory_space<vmem>>, vector<16xi32>,
            %broadcast_in_dim3A_495 = vector.broadcast %add3A_112 : i32 to vector<16xi32>
            %select_n3A_496 = arith.select %and3A_488, %broadcast_in_dim3A_495, %get3A_494 : vector<16xi1>, vector<16xi32>
            %swap3A_497 = arith.index_cast %add3A_475 : i32 to index
            %swap3A_498 = tpu.vector_load %arg25[%swap3A_497] {strides = array<i32>} : memref<784xi32, #tpu.memory_space<vmem>>, vector<16xi32>,
            tpu.vector_store %arg25[%swap3A_497], %select_n3A_496 {strides = array<i32>} : memref<784xi32, #tpu.memory_space<vmem>>, vector<16xi32>,
          }
        }
        %while3A_457 = arith.constant 1 : i32
        scf.for %while3A_458 = %while3A_455 to %while3A_451 step %while3A_457  : i32 {
          %sub3A = arith.subi %while3A_458, %mul3A_0 : i32
          %mul3A_459 = arith.constant 112 : i32
          %mul3A_460 = arith.muli %sub3A, %mul3A_459 : i32
          %add3A_461 = arith.constant 1 : i32
          %add3A_462 = arith.addi %shift_right_logical3A_447, %add3A_461 : i32
          %while3A_463 = arith.constant 0 : i32
          %while3A_464 = arith.subi %add3A_462, %shift_right_logical3A_445 : i32
          %while3A_465 = arith.addi %shift_right_logical3A_445, %while3A_464 : i32
          %while3A_466 = arith.constant 1 : i32
          %while3A_467 = arith.divsi %while3A_464, %while3A_466 : i32
          %while3A_468 = arith.muli %while3A_467, %while3A_466 : i32
          %while3A_469 = arith.addi %shift_right_logical3A_445, %while3A_468 : i32
          %while3A_470 = arith.constant 1 : i32
          scf.for %while3A_472 = %shift_right_logical3A_445 to %while3A_469 step %while3A_470  : i32 {
            %mul3A_473 = arith.constant 16 : i32
            %mul3A_474 = arith.muli %while3A_472, %mul3A_473 : i32
            %add3A_475 = arith.addi %mul3A_460, %mul3A_474 : i32
            %mul3A_476 = arith.constant 16 : i32
            %mul3A_477 = arith.muli %while3A_472, %mul3A_476 : i32
            %iota3A_478 = tpu.iota {dimensions = array<i32: 0>} : vector<16xi32>
            %add3A_479 = vector.broadcast %mul3A_477 : i32 to vector<16xi32>
            %add3A_480 = arith.addi %add3A_479, %iota3A_478 : vector<16xi32>
            %ge3A = vector.broadcast %squeeze3A : i32 to vector<16xi32>
            %ge3A_481 = arith.cmpi sge, %add3A_480, %ge3A : vector<16xi32>
            %le3A_482 = vector.broadcast %squeeze3A_102 : i32 to vector<16xi32>
            %le3A_483 = arith.cmpi sle, %add3A_480, %le3A_482 : vector<16xi32>
            %and3A_484 = arith.andi %ge3A_481, %le3A_483 : vector<16xi1>
            %get3A_485 = arith.index_cast %add3A_475 : i32 to index
            %get3A_486 = tpu.vector_load %arg24[%get3A_485] {strides = array<i32>} : memref<784xf32, #tpu.memory_space<vmem>>, vector<16xf32>,
            %gt3A = vector.broadcast %squeeze3A_110 : f32 to vector<16xf32>
            %gt3A_487 = arith.cmpf ogt, %gt3A, %get3A_486 : vector<16xf32>
            %and3A_488 = arith.andi %and3A_484, %gt3A_487 : vector<16xi1>
            %broadcast_in_dim3A_489 = vector.broadcast %squeeze3A_110 : f32 to vector<16xf32>
            %select_n3A_490 = arith.select %and3A_488, %broadcast_in_dim3A_489, %get3A_486 : vector<16xi1>, vector<16xf32>
            %swap3A_491 = arith.index_cast %add3A_475 : i32 to index
            %swap3A_492 = tpu.vector_load %arg24[%swap3A_491] {strides = array<i32>} : memref<784xf32, #tpu.memory_space<vmem>>, vector<16xf32>,
            tpu.vector_store %arg24[%swap3A_491], %select_n3A_490 {strides = array<i32>} : memref<784xf32, #tpu.memory_space<vmem>>, vector<16xf32>,
            %get3A_493 = arith.index_cast %add3A_475 : i32 to index
            %get3A_494 = tpu.vector_load %arg25[%get3A_493] {strides = array<i32>} : memref<784xi32, #tpu.memory_space<vmem>>, vector<16xi32>,
            %broadcast_in_dim3A_495 = vector.broadcast %add3A_112 : i32 to vector<16xi32>
            %select_n3A_496 = arith.select %and3A_488, %broadcast_in_dim3A_495, %get3A_494 : vector<16xi1>, vector<16xi32>
            %swap3A_497 = arith.index_cast %add3A_475 : i32 to index
            %swap3A_498 = tpu.vector_load %arg25[%swap3A_497] {strides = array<i32>} : memref<784xi32, #tpu.memory_space<vmem>>, vector<16xi32>,
            tpu.vector_store %arg25[%swap3A_497], %select_n3A_496 {strides = array<i32>} : memref<784xi32, #tpu.memory_space<vmem>>, vector<16xi32>,
          }
          %while3A_471 = arith.constant 1 : i32
          scf.for %while3A_472 = %while3A_469 to %while3A_465 step %while3A_471  : i32 {
            %mul3A_473 = arith.constant 16 : i32
            %mul3A_474 = arith.muli %while3A_472, %mul3A_473 : i32
            %add3A_475 = arith.addi %mul3A_460, %mul3A_474 : i32
            %mul3A_476 = arith.constant 16 : i32
            %mul3A_477 = arith.muli %while3A_472, %mul3A_476 : i32
            %iota3A_478 = tpu.iota {dimensions = array<i32: 0>} : vector<16xi32>
            %add3A_479 = vector.broadcast %mul3A_477 : i32 to vector<16xi32>
            %add3A_480 = arith.addi %add3A_479, %iota3A_478 : vector<16xi32>
            %ge3A = vector.broadcast %squeeze3A : i32 to vector<16xi32>
            %ge3A_481 = arith.cmpi sge, %add3A_480, %ge3A : vector<16xi32>
            %le3A_482 = vector.broadcast %squeeze3A_102 : i32 to vector<16xi32>
            %le3A_483 = arith.cmpi sle, %add3A_480, %le3A_482 : vector<16xi32>
            %and3A_484 = arith.andi %ge3A_481, %le3A_483 : vector<16xi1>
            %get3A_485 = arith.index_cast %add3A_475 : i32 to index
            %get3A_486 = tpu.vector_load %arg24[%get3A_485] {strides = array<i32>} : memref<784xf32, #tpu.memory_space<vmem>>, vector<16xf32>,
            %gt3A = vector.broadcast %squeeze3A_110 : f32 to vector<16xf32>
            %gt3A_487 = arith.cmpf ogt, %gt3A, %get3A_486 : vector<16xf32>
            %and3A_488 = arith.andi %and3A_484, %gt3A_487 : vector<16xi1>
            %broadcast_in_dim3A_489 = vector.broadcast %squeeze3A_110 : f32 to vector<16xf32>
            %select_n3A_490 = arith.select %and3A_488, %broadcast_in_dim3A_489, %get3A_486 : vector<16xi1>, vector<16xf32>
            %swap3A_491 = arith.index_cast %add3A_475 : i32 to index
            %swap3A_492 = tpu.vector_load %arg24[%swap3A_491] {strides = array<i32>} : memref<784xf32, #tpu.memory_space<vmem>>, vector<16xf32>,
            tpu.vector_store %arg24[%swap3A_491], %select_n3A_490 {strides = array<i32>} : memref<784xf32, #tpu.memory_space<vmem>>, vector<16xf32>,
            %get3A_493 = arith.index_cast %add3A_475 : i32 to index
            %get3A_494 = tpu.vector_load %arg25[%get3A_493] {strides = array<i32>} : memref<784xi32, #tpu.memory_space<vmem>>, vector<16xi32>,
            %broadcast_in_dim3A_495 = vector.broadcast %add3A_112 : i32 to vector<16xi32>
            %select_n3A_496 = arith.select %and3A_488, %broadcast_in_dim3A_495, %get3A_494 : vector<16xi1>, vector<16xi32>
            %swap3A_497 = arith.index_cast %add3A_475 : i32 to index
            %swap3A_498 = tpu.vector_load %arg25[%swap3A_497] {strides = array<i32>} : memref<784xi32, #tpu.memory_space<vmem>>, vector<16xi32>,
            tpu.vector_store %arg25[%swap3A_497], %select_n3A_496 {strides = array<i32>} : memref<784xi32, #tpu.memory_space<vmem>>, vector<16xi32>,
          }
        }
      } else {
      }
      %slice3A_115 = vector.extract_strided_slice %get3A_92 {offsets = [1], sizes = [1], strides = [1]} : vector<16xi32> to vector<1xi32>
      %squeeze3A_116 = vector.extract %slice3A_115[0] : i32 from vector<1xi32>
      %slice3A_117 = vector.extract_strided_slice %get3A_94 {offsets = [1], sizes = [1], strides = [1]} : vector<16xi32> to vector<1xi32>
      %squeeze3A_118 = vector.extract %slice3A_117[0] : i32 from vector<1xi32>
      %slice3A_119 = vector.extract_strided_slice %get3A_96 {offsets = [1], sizes = [1], strides = [1]} : vector<16xi32> to vector<1xi32>
      %squeeze3A_120 = vector.extract %slice3A_119[0] : i32 from vector<1xi32>
      %max3A_121 = arith.maxsi %squeeze3A_120, %mul3A_0 : i32
      %slice3A_122 = vector.extract_strided_slice %get3A_98 {offsets = [1], sizes = [1], strides = [1]} : vector<16xi32> to vector<1xi32>
      %squeeze3A_123 = vector.extract %slice3A_122[0] : i32 from vector<1xi32>
      %add3A_124 = arith.constant 6 : i32
      %add3A_125 = arith.addi %mul3A_0, %add3A_124 : i32
      %min3A_126 = arith.minsi %squeeze3A_123, %add3A_125 : i32
      %slice3A_127 = vector.extract_strided_slice %get3A_100 {offsets = [1], sizes = [1], strides = [1]} : vector<16xf32> to vector<1xf32>
      %squeeze3A_128 = vector.extract %slice3A_127[0] : f32 from vector<1xf32>
      %add3A_129 = arith.constant 1 : i32
      %add3A_130 = arith.addi %mul3A_90, %add3A_129 : i32
      %le3A_131 = arith.cmpi sle, %squeeze3A_116, %squeeze3A_118 : i32
      %le3A_132 = arith.cmpi sle, %max3A_121, %min3A_126 : i32
      %and3A_133 = arith.andi %le3A_131, %le3A_132 : i1
      %convert_element_type3A_134 = arith.extui %and3A_133 : i1 to i32
      %cond3A_135 = arith.constant 0 : i32
      %cond3A_136 = arith.cmpi ne, %convert_element_type3A_134, %cond3A_135 : i32
      scf.if %cond3A_136 {
        %shift_right_logical3A = arith.constant 4 : i32
        %shift_right_logical3A_445 = arith.shrui %squeeze3A_116, %shift_right_logical3A : i32
        %shift_right_logical3A_446 = arith.constant 4 : i32
        %shift_right_logical3A_447 = arith.shrui %squeeze3A_118, %shift_right_logical3A_446 : i32
        %add3A_448 = arith.constant 1 : i32
        %add3A_449 = arith.addi %min3A_126, %add3A_448 : i32
        %while3A = arith.constant 0 : i32
        %while3A_450 = arith.subi %add3A_449, %max3A_121 : i32
        %while3A_451 = arith.addi %max3A_121, %while3A_450 : i32
        %while3A_452 = arith.constant 1 : i32
        %while3A_453 = arith.divsi %while3A_450, %while3A_452 : i32
        %while3A_454 = arith.muli %while3A_453, %while3A_452 : i32
        %while3A_455 = arith.addi %max3A_121, %while3A_454 : i32
        %while3A_456 = arith.constant 1 : i32
        scf.for %while3A_458 = %max3A_121 to %while3A_455 step %while3A_456  : i32 {
          %sub3A = arith.subi %while3A_458, %mul3A_0 : i32
          %mul3A_459 = arith.constant 112 : i32
          %mul3A_460 = arith.muli %sub3A, %mul3A_459 : i32
          %add3A_461 = arith.constant 1 : i32
          %add3A_462 = arith.addi %shift_right_logical3A_447, %add3A_461 : i32
          %while3A_463 = arith.constant 0 : i32
          %while3A_464 = arith.subi %add3A_462, %shift_right_logical3A_445 : i32
          %while3A_465 = arith.addi %shift_right_logical3A_445, %while3A_464 : i32
          %while3A_466 = arith.constant 1 : i32
          %while3A_467 = arith.divsi %while3A_464, %while3A_466 : i32
          %while3A_468 = arith.muli %while3A_467, %while3A_466 : i32
          %while3A_469 = arith.addi %shift_right_logical3A_445, %while3A_468 : i32
          %while3A_470 = arith.constant 1 : i32
          scf.for %while3A_472 = %shift_right_logical3A_445 to %while3A_469 step %while3A_470  : i32 {
            %mul3A_473 = arith.constant 16 : i32
            %mul3A_474 = arith.muli %while3A_472, %mul3A_473 : i32
            %add3A_475 = arith.addi %mul3A_460, %mul3A_474 : i32
            %mul3A_476 = arith.constant 16 : i32
            %mul3A_477 = arith.muli %while3A_472, %mul3A_476 : i32
            %iota3A_478 = tpu.iota {dimensions = array<i32: 0>} : vector<16xi32>
            %add3A_479 = vector.broadcast %mul3A_477 : i32 to vector<16xi32>
            %add3A_480 = arith.addi %add3A_479, %iota3A_478 : vector<16xi32>
            %ge3A = vector.broadcast %squeeze3A_116 : i32 to vector<16xi32>
            %ge3A_481 = arith.cmpi sge, %add3A_480, %ge3A : vector<16xi32>
            %le3A_482 = vector.broadcast %squeeze3A_118 : i32 to vector<16xi32>
            %le3A_483 = arith.cmpi sle, %add3A_480, %le3A_482 : vector<16xi32>
            %and3A_484 = arith.andi %ge3A_481, %le3A_483 : vector<16xi1>
            %get3A_485 = arith.index_cast %add3A_475 : i32 to index
            %get3A_486 = tpu.vector_load %arg24[%get3A_485] {strides = array<i32>} : memref<784xf32, #tpu.memory_space<vmem>>, vector<16xf32>,
            %gt3A = vector.broadcast %squeeze3A_128 : f32 to vector<16xf32>
            %gt3A_487 = arith.cmpf ogt, %gt3A, %get3A_486 : vector<16xf32>
            %and3A_488 = arith.andi %and3A_484, %gt3A_487 : vector<16xi1>
            %broadcast_in_dim3A_489 = vector.broadcast %squeeze3A_128 : f32 to vector<16xf32>
            %select_n3A_490 = arith.select %and3A_488, %broadcast_in_dim3A_489, %get3A_486 : vector<16xi1>, vector<16xf32>
            %swap3A_491 = arith.index_cast %add3A_475 : i32 to index
            %swap3A_492 = tpu.vector_load %arg24[%swap3A_491] {strides = array<i32>} : memref<784xf32, #tpu.memory_space<vmem>>, vector<16xf32>,
            tpu.vector_store %arg24[%swap3A_491], %select_n3A_490 {strides = array<i32>} : memref<784xf32, #tpu.memory_space<vmem>>, vector<16xf32>,
            %get3A_493 = arith.index_cast %add3A_475 : i32 to index
            %get3A_494 = tpu.vector_load %arg25[%get3A_493] {strides = array<i32>} : memref<784xi32, #tpu.memory_space<vmem>>, vector<16xi32>,
            %broadcast_in_dim3A_495 = vector.broadcast %add3A_130 : i32 to vector<16xi32>
            %select_n3A_496 = arith.select %and3A_488, %broadcast_in_dim3A_495, %get3A_494 : vector<16xi1>, vector<16xi32>
            %swap3A_497 = arith.index_cast %add3A_475 : i32 to index
            %swap3A_498 = tpu.vector_load %arg25[%swap3A_497] {strides = array<i32>} : memref<784xi32, #tpu.memory_space<vmem>>, vector<16xi32>,
            tpu.vector_store %arg25[%swap3A_497], %select_n3A_496 {strides = array<i32>} : memref<784xi32, #tpu.memory_space<vmem>>, vector<16xi32>,
          }
          %while3A_471 = arith.constant 1 : i32
          scf.for %while3A_472 = %while3A_469 to %while3A_465 step %while3A_471  : i32 {
            %mul3A_473 = arith.constant 16 : i32
            %mul3A_474 = arith.muli %while3A_472, %mul3A_473 : i32
            %add3A_475 = arith.addi %mul3A_460, %mul3A_474 : i32
            %mul3A_476 = arith.constant 16 : i32
            %mul3A_477 = arith.muli %while3A_472, %mul3A_476 : i32
            %iota3A_478 = tpu.iota {dimensions = array<i32: 0>} : vector<16xi32>
            %add3A_479 = vector.broadcast %mul3A_477 : i32 to vector<16xi32>
            %add3A_480 = arith.addi %add3A_479, %iota3A_478 : vector<16xi32>
            %ge3A = vector.broadcast %squeeze3A_116 : i32 to vector<16xi32>
            %ge3A_481 = arith.cmpi sge, %add3A_480, %ge3A : vector<16xi32>
            %le3A_482 = vector.broadcast %squeeze3A_118 : i32 to vector<16xi32>
            %le3A_483 = arith.cmpi sle, %add3A_480, %le3A_482 : vector<16xi32>
            %and3A_484 = arith.andi %ge3A_481, %le3A_483 : vector<16xi1>
            %get3A_485 = arith.index_cast %add3A_475 : i32 to index
            %get3A_486 = tpu.vector_load %arg24[%get3A_485] {strides = array<i32>} : memref<784xf32, #tpu.memory_space<vmem>>, vector<16xf32>,
            %gt3A = vector.broadcast %squeeze3A_128 : f32 to vector<16xf32>
            %gt3A_487 = arith.cmpf ogt, %gt3A, %get3A_486 : vector<16xf32>
            %and3A_488 = arith.andi %and3A_484, %gt3A_487 : vector<16xi1>
            %broadcast_in_dim3A_489 = vector.broadcast %squeeze3A_128 : f32 to vector<16xf32>
            %select_n3A_490 = arith.select %and3A_488, %broadcast_in_dim3A_489, %get3A_486 : vector<16xi1>, vector<16xf32>
            %swap3A_491 = arith.index_cast %add3A_475 : i32 to index
            %swap3A_492 = tpu.vector_load %arg24[%swap3A_491] {strides = array<i32>} : memref<784xf32, #tpu.memory_space<vmem>>, vector<16xf32>,
            tpu.vector_store %arg24[%swap3A_491], %select_n3A_490 {strides = array<i32>} : memref<784xf32, #tpu.memory_space<vmem>>, vector<16xf32>,
            %get3A_493 = arith.index_cast %add3A_475 : i32 to index
            %get3A_494 = tpu.vector_load %arg25[%get3A_493] {strides = array<i32>} : memref<784xi32, #tpu.memory_space<vmem>>, vector<16xi32>,
            %broadcast_in_dim3A_495 = vector.broadcast %add3A_130 : i32 to vector<16xi32>
            %select_n3A_496 = arith.select %and3A_488, %broadcast_in_dim3A_495, %get3A_494 : vector<16xi1>, vector<16xi32>
            %swap3A_497 = arith.index_cast %add3A_475 : i32 to index
            %swap3A_498 = tpu.vector_load %arg25[%swap3A_497] {strides = array<i32>} : memref<784xi32, #tpu.memory_space<vmem>>, vector<16xi32>,
            tpu.vector_store %arg25[%swap3A_497], %select_n3A_496 {strides = array<i32>} : memref<784xi32, #tpu.memory_space<vmem>>, vector<16xi32>,
          }
        }
        %while3A_457 = arith.constant 1 : i32
        scf.for %while3A_458 = %while3A_455 to %while3A_451 step %while3A_457  : i32 {
          %sub3A = arith.subi %while3A_458, %mul3A_0 : i32
          %mul3A_459 = arith.constant 112 : i32
          %mul3A_460 = arith.muli %sub3A, %mul3A_459 : i32
          %add3A_461 = arith.constant 1 : i32
          %add3A_462 = arith.addi %shift_right_logical3A_447, %add3A_461 : i32
          %while3A_463 = arith.constant 0 : i32
          %while3A_464 = arith.subi %add3A_462, %shift_right_logical3A_445 : i32
          %while3A_465 = arith.addi %shift_right_logical3A_445, %while3A_464 : i32
          %while3A_466 = arith.constant 1 : i32
          %while3A_467 = arith.divsi %while3A_464, %while3A_466 : i32
          %while3A_468 = arith.muli %while3A_467, %while3A_466 : i32
          %while3A_469 = arith.addi %shift_right_logical3A_445, %while3A_468 : i32
          %while3A_470 = arith.constant 1 : i32
          scf.for %while3A_472 = %shift_right_logical3A_445 to %while3A_469 step %while3A_470  : i32 {
            %mul3A_473 = arith.constant 16 : i32
            %mul3A_474 = arith.muli %while3A_472, %mul3A_473 : i32
            %add3A_475 = arith.addi %mul3A_460, %mul3A_474 : i32
            %mul3A_476 = arith.constant 16 : i32
            %mul3A_477 = arith.muli %while3A_472, %mul3A_476 : i32
            %iota3A_478 = tpu.iota {dimensions = array<i32: 0>} : vector<16xi32>
            %add3A_479 = vector.broadcast %mul3A_477 : i32 to vector<16xi32>
            %add3A_480 = arith.addi %add3A_479, %iota3A_478 : vector<16xi32>
            %ge3A = vector.broadcast %squeeze3A_116 : i32 to vector<16xi32>
            %ge3A_481 = arith.cmpi sge, %add3A_480, %ge3A : vector<16xi32>
            %le3A_482 = vector.broadcast %squeeze3A_118 : i32 to vector<16xi32>
            %le3A_483 = arith.cmpi sle, %add3A_480, %le3A_482 : vector<16xi32>
            %and3A_484 = arith.andi %ge3A_481, %le3A_483 : vector<16xi1>
            %get3A_485 = arith.index_cast %add3A_475 : i32 to index
            %get3A_486 = tpu.vector_load %arg24[%get3A_485] {strides = array<i32>} : memref<784xf32, #tpu.memory_space<vmem>>, vector<16xf32>,
            %gt3A = vector.broadcast %squeeze3A_128 : f32 to vector<16xf32>
            %gt3A_487 = arith.cmpf ogt, %gt3A, %get3A_486 : vector<16xf32>
            %and3A_488 = arith.andi %and3A_484, %gt3A_487 : vector<16xi1>
            %broadcast_in_dim3A_489 = vector.broadcast %squeeze3A_128 : f32 to vector<16xf32>
            %select_n3A_490 = arith.select %and3A_488, %broadcast_in_dim3A_489, %get3A_486 : vector<16xi1>, vector<16xf32>
            %swap3A_491 = arith.index_cast %add3A_475 : i32 to index
            %swap3A_492 = tpu.vector_load %arg24[%swap3A_491] {strides = array<i32>} : memref<784xf32, #tpu.memory_space<vmem>>, vector<16xf32>,
            tpu.vector_store %arg24[%swap3A_491], %select_n3A_490 {strides = array<i32>} : memref<784xf32, #tpu.memory_space<vmem>>, vector<16xf32>,
            %get3A_493 = arith.index_cast %add3A_475 : i32 to index
            %get3A_494 = tpu.vector_load %arg25[%get3A_493] {strides = array<i32>} : memref<784xi32, #tpu.memory_space<vmem>>, vector<16xi32>,
            %broadcast_in_dim3A_495 = vector.broadcast %add3A_130 : i32 to vector<16xi32>
            %select_n3A_496 = arith.select %and3A_488, %broadcast_in_dim3A_495, %get3A_494 : vector<16xi1>, vector<16xi32>
            %swap3A_497 = arith.index_cast %add3A_475 : i32 to index
            %swap3A_498 = tpu.vector_load %arg25[%swap3A_497] {strides = array<i32>} : memref<784xi32, #tpu.memory_space<vmem>>, vector<16xi32>,
            tpu.vector_store %arg25[%swap3A_497], %select_n3A_496 {strides = array<i32>} : memref<784xi32, #tpu.memory_space<vmem>>, vector<16xi32>,
          }
          %while3A_471 = arith.constant 1 : i32
          scf.for %while3A_472 = %while3A_469 to %while3A_465 step %while3A_471  : i32 {
            %mul3A_473 = arith.constant 16 : i32
            %mul3A_474 = arith.muli %while3A_472, %mul3A_473 : i32
            %add3A_475 = arith.addi %mul3A_460, %mul3A_474 : i32
            %mul3A_476 = arith.constant 16 : i32
            %mul3A_477 = arith.muli %while3A_472, %mul3A_476 : i32
            %iota3A_478 = tpu.iota {dimensions = array<i32: 0>} : vector<16xi32>
            %add3A_479 = vector.broadcast %mul3A_477 : i32 to vector<16xi32>
            %add3A_480 = arith.addi %add3A_479, %iota3A_478 : vector<16xi32>
            %ge3A = vector.broadcast %squeeze3A_116 : i32 to vector<16xi32>
            %ge3A_481 = arith.cmpi sge, %add3A_480, %ge3A : vector<16xi32>
            %le3A_482 = vector.broadcast %squeeze3A_118 : i32 to vector<16xi32>
            %le3A_483 = arith.cmpi sle, %add3A_480, %le3A_482 : vector<16xi32>
            %and3A_484 = arith.andi %ge3A_481, %le3A_483 : vector<16xi1>
            %get3A_485 = arith.index_cast %add3A_475 : i32 to index
            %get3A_486 = tpu.vector_load %arg24[%get3A_485] {strides = array<i32>} : memref<784xf32, #tpu.memory_space<vmem>>, vector<16xf32>,
            %gt3A = vector.broadcast %squeeze3A_128 : f32 to vector<16xf32>
            %gt3A_487 = arith.cmpf ogt, %gt3A, %get3A_486 : vector<16xf32>
            %and3A_488 = arith.andi %and3A_484, %gt3A_487 : vector<16xi1>
            %broadcast_in_dim3A_489 = vector.broadcast %squeeze3A_128 : f32 to vector<16xf32>
            %select_n3A_490 = arith.select %and3A_488, %broadcast_in_dim3A_489, %get3A_486 : vector<16xi1>, vector<16xf32>
            %swap3A_491 = arith.index_cast %add3A_475 : i32 to index
            %swap3A_492 = tpu.vector_load %arg24[%swap3A_491] {strides = array<i32>} : memref<784xf32, #tpu.memory_space<vmem>>, vector<16xf32>,
            tpu.vector_store %arg24[%swap3A_491], %select_n3A_490 {strides = array<i32>} : memref<784xf32, #tpu.memory_space<vmem>>, vector<16xf32>,
            %get3A_493 = arith.index_cast %add3A_475 : i32 to index
            %get3A_494 = tpu.vector_load %arg25[%get3A_493] {strides = array<i32>} : memref<784xi32, #tpu.memory_space<vmem>>, vector<16xi32>,
            %broadcast_in_dim3A_495 = vector.broadcast %add3A_130 : i32 to vector<16xi32>
            %select_n3A_496 = arith.select %and3A_488, %broadcast_in_dim3A_495, %get3A_494 : vector<16xi1>, vector<16xi32>
            %swap3A_497 = arith.index_cast %add3A_475 : i32 to index
            %swap3A_498 = tpu.vector_load %arg25[%swap3A_497] {strides = array<i32>} : memref<784xi32, #tpu.memory_space<vmem>>, vector<16xi32>,
            tpu.vector_store %arg25[%swap3A_497], %select_n3A_496 {strides = array<i32>} : memref<784xi32, #tpu.memory_space<vmem>>, vector<16xi32>,
          }
        }
      } else {
      }
      %slice3A_137 = vector.extract_strided_slice %get3A_92 {offsets = [2], sizes = [1], strides = [1]} : vector<16xi32> to vector<1xi32>
      %squeeze3A_138 = vector.extract %slice3A_137[0] : i32 from vector<1xi32>
      %slice3A_139 = vector.extract_strided_slice %get3A_94 {offsets = [2], sizes = [1], strides = [1]} : vector<16xi32> to vector<1xi32>
      %squeeze3A_140 = vector.extract %slice3A_139[0] : i32 from vector<1xi32>
      %slice3A_141 = vector.extract_strided_slice %get3A_96 {offsets = [2], sizes = [1], strides = [1]} : vector<16xi32> to vector<1xi32>
      %squeeze3A_142 = vector.extract %slice3A_141[0] : i32 from vector<1xi32>
      %max3A_143 = arith.maxsi %squeeze3A_142, %mul3A_0 : i32
      %slice3A_144 = vector.extract_strided_slice %get3A_98 {offsets = [2], sizes = [1], strides = [1]} : vector<16xi32> to vector<1xi32>
      %squeeze3A_145 = vector.extract %slice3A_144[0] : i32 from vector<1xi32>
      %add3A_146 = arith.constant 6 : i32
      %add3A_147 = arith.addi %mul3A_0, %add3A_146 : i32
      %min3A_148 = arith.minsi %squeeze3A_145, %add3A_147 : i32
      %slice3A_149 = vector.extract_strided_slice %get3A_100 {offsets = [2], sizes = [1], strides = [1]} : vector<16xf32> to vector<1xf32>
      %squeeze3A_150 = vector.extract %slice3A_149[0] : f32 from vector<1xf32>
      %add3A_151 = arith.constant 2 : i32
      %add3A_152 = arith.addi %mul3A_90, %add3A_151 : i32
      %le3A_153 = arith.cmpi sle, %squeeze3A_138, %squeeze3A_140 : i32
      %le3A_154 = arith.cmpi sle, %max3A_143, %min3A_148 : i32
      %and3A_155 = arith.andi %le3A_153, %le3A_154 : i1
      %convert_element_type3A_156 = arith.extui %and3A_155 : i1 to i32
      %cond3A_157 = arith.constant 0 : i32
      %cond3A_158 = arith.cmpi ne, %convert_element_type3A_156, %cond3A_157 : i32
      scf.if %cond3A_158 {
        %shift_right_logical3A = arith.constant 4 : i32
        %shift_right_logical3A_445 = arith.shrui %squeeze3A_138, %shift_right_logical3A : i32
        %shift_right_logical3A_446 = arith.constant 4 : i32
        %shift_right_logical3A_447 = arith.shrui %squeeze3A_140, %shift_right_logical3A_446 : i32
        %add3A_448 = arith.constant 1 : i32
        %add3A_449 = arith.addi %min3A_148, %add3A_448 : i32
        %while3A = arith.constant 0 : i32
        %while3A_450 = arith.subi %add3A_449, %max3A_143 : i32
        %while3A_451 = arith.addi %max3A_143, %while3A_450 : i32
        %while3A_452 = arith.constant 1 : i32
        %while3A_453 = arith.divsi %while3A_450, %while3A_452 : i32
        %while3A_454 = arith.muli %while3A_453, %while3A_452 : i32
        %while3A_455 = arith.addi %max3A_143, %while3A_454 : i32
        %while3A_456 = arith.constant 1 : i32
        scf.for %while3A_458 = %max3A_143 to %while3A_455 step %while3A_456  : i32 {
          %sub3A = arith.subi %while3A_458, %mul3A_0 : i32
          %mul3A_459 = arith.constant 112 : i32
          %mul3A_460 = arith.muli %sub3A, %mul3A_459 : i32
          %add3A_461 = arith.constant 1 : i32
          %add3A_462 = arith.addi %shift_right_logical3A_447, %add3A_461 : i32
          %while3A_463 = arith.constant 0 : i32
          %while3A_464 = arith.subi %add3A_462, %shift_right_logical3A_445 : i32
          %while3A_465 = arith.addi %shift_right_logical3A_445, %while3A_464 : i32
          %while3A_466 = arith.constant 1 : i32
          %while3A_467 = arith.divsi %while3A_464, %while3A_466 : i32
          %while3A_468 = arith.muli %while3A_467, %while3A_466 : i32
          %while3A_469 = arith.addi %shift_right_logical3A_445, %while3A_468 : i32
          %while3A_470 = arith.constant 1 : i32
          scf.for %while3A_472 = %shift_right_logical3A_445 to %while3A_469 step %while3A_470  : i32 {
            %mul3A_473 = arith.constant 16 : i32
            %mul3A_474 = arith.muli %while3A_472, %mul3A_473 : i32
            %add3A_475 = arith.addi %mul3A_460, %mul3A_474 : i32
            %mul3A_476 = arith.constant 16 : i32
            %mul3A_477 = arith.muli %while3A_472, %mul3A_476 : i32
            %iota3A_478 = tpu.iota {dimensions = array<i32: 0>} : vector<16xi32>
            %add3A_479 = vector.broadcast %mul3A_477 : i32 to vector<16xi32>
            %add3A_480 = arith.addi %add3A_479, %iota3A_478 : vector<16xi32>
            %ge3A = vector.broadcast %squeeze3A_138 : i32 to vector<16xi32>
            %ge3A_481 = arith.cmpi sge, %add3A_480, %ge3A : vector<16xi32>
            %le3A_482 = vector.broadcast %squeeze3A_140 : i32 to vector<16xi32>
            %le3A_483 = arith.cmpi sle, %add3A_480, %le3A_482 : vector<16xi32>
            %and3A_484 = arith.andi %ge3A_481, %le3A_483 : vector<16xi1>
            %get3A_485 = arith.index_cast %add3A_475 : i32 to index
            %get3A_486 = tpu.vector_load %arg24[%get3A_485] {strides = array<i32>} : memref<784xf32, #tpu.memory_space<vmem>>, vector<16xf32>,
            %gt3A = vector.broadcast %squeeze3A_150 : f32 to vector<16xf32>
            %gt3A_487 = arith.cmpf ogt, %gt3A, %get3A_486 : vector<16xf32>
            %and3A_488 = arith.andi %and3A_484, %gt3A_487 : vector<16xi1>
            %broadcast_in_dim3A_489 = vector.broadcast %squeeze3A_150 : f32 to vector<16xf32>
            %select_n3A_490 = arith.select %and3A_488, %broadcast_in_dim3A_489, %get3A_486 : vector<16xi1>, vector<16xf32>
            %swap3A_491 = arith.index_cast %add3A_475 : i32 to index
            %swap3A_492 = tpu.vector_load %arg24[%swap3A_491] {strides = array<i32>} : memref<784xf32, #tpu.memory_space<vmem>>, vector<16xf32>,
            tpu.vector_store %arg24[%swap3A_491], %select_n3A_490 {strides = array<i32>} : memref<784xf32, #tpu.memory_space<vmem>>, vector<16xf32>,
            %get3A_493 = arith.index_cast %add3A_475 : i32 to index
            %get3A_494 = tpu.vector_load %arg25[%get3A_493] {strides = array<i32>} : memref<784xi32, #tpu.memory_space<vmem>>, vector<16xi32>,
            %broadcast_in_dim3A_495 = vector.broadcast %add3A_152 : i32 to vector<16xi32>
            %select_n3A_496 = arith.select %and3A_488, %broadcast_in_dim3A_495, %get3A_494 : vector<16xi1>, vector<16xi32>
            %swap3A_497 = arith.index_cast %add3A_475 : i32 to index
            %swap3A_498 = tpu.vector_load %arg25[%swap3A_497] {strides = array<i32>} : memref<784xi32, #tpu.memory_space<vmem>>, vector<16xi32>,
            tpu.vector_store %arg25[%swap3A_497], %select_n3A_496 {strides = array<i32>} : memref<784xi32, #tpu.memory_space<vmem>>, vector<16xi32>,
          }
          %while3A_471 = arith.constant 1 : i32
          scf.for %while3A_472 = %while3A_469 to %while3A_465 step %while3A_471  : i32 {
            %mul3A_473 = arith.constant 16 : i32
            %mul3A_474 = arith.muli %while3A_472, %mul3A_473 : i32
            %add3A_475 = arith.addi %mul3A_460, %mul3A_474 : i32
            %mul3A_476 = arith.constant 16 : i32
            %mul3A_477 = arith.muli %while3A_472, %mul3A_476 : i32
            %iota3A_478 = tpu.iota {dimensions = array<i32: 0>} : vector<16xi32>
            %add3A_479 = vector.broadcast %mul3A_477 : i32 to vector<16xi32>
            %add3A_480 = arith.addi %add3A_479, %iota3A_478 : vector<16xi32>
            %ge3A = vector.broadcast %squeeze3A_138 : i32 to vector<16xi32>
            %ge3A_481 = arith.cmpi sge, %add3A_480, %ge3A : vector<16xi32>
            %le3A_482 = vector.broadcast %squeeze3A_140 : i32 to vector<16xi32>
            %le3A_483 = arith.cmpi sle, %add3A_480, %le3A_482 : vector<16xi32>
            %and3A_484 = arith.andi %ge3A_481, %le3A_483 : vector<16xi1>
            %get3A_485 = arith.index_cast %add3A_475 : i32 to index
            %get3A_486 = tpu.vector_load %arg24[%get3A_485] {strides = array<i32>} : memref<784xf32, #tpu.memory_space<vmem>>, vector<16xf32>,
            %gt3A = vector.broadcast %squeeze3A_150 : f32 to vector<16xf32>
            %gt3A_487 = arith.cmpf ogt, %gt3A, %get3A_486 : vector<16xf32>
            %and3A_488 = arith.andi %and3A_484, %gt3A_487 : vector<16xi1>
            %broadcast_in_dim3A_489 = vector.broadcast %squeeze3A_150 : f32 to vector<16xf32>
            %select_n3A_490 = arith.select %and3A_488, %broadcast_in_dim3A_489, %get3A_486 : vector<16xi1>, vector<16xf32>
            %swap3A_491 = arith.index_cast %add3A_475 : i32 to index
            %swap3A_492 = tpu.vector_load %arg24[%swap3A_491] {strides = array<i32>} : memref<784xf32, #tpu.memory_space<vmem>>, vector<16xf32>,
            tpu.vector_store %arg24[%swap3A_491], %select_n3A_490 {strides = array<i32>} : memref<784xf32, #tpu.memory_space<vmem>>, vector<16xf32>,
            %get3A_493 = arith.index_cast %add3A_475 : i32 to index
            %get3A_494 = tpu.vector_load %arg25[%get3A_493] {strides = array<i32>} : memref<784xi32, #tpu.memory_space<vmem>>, vector<16xi32>,
            %broadcast_in_dim3A_495 = vector.broadcast %add3A_152 : i32 to vector<16xi32>
            %select_n3A_496 = arith.select %and3A_488, %broadcast_in_dim3A_495, %get3A_494 : vector<16xi1>, vector<16xi32>
            %swap3A_497 = arith.index_cast %add3A_475 : i32 to index
            %swap3A_498 = tpu.vector_load %arg25[%swap3A_497] {strides = array<i32>} : memref<784xi32, #tpu.memory_space<vmem>>, vector<16xi32>,
            tpu.vector_store %arg25[%swap3A_497], %select_n3A_496 {strides = array<i32>} : memref<784xi32, #tpu.memory_space<vmem>>, vector<16xi32>,
          }
        }
        %while3A_457 = arith.constant 1 : i32
        scf.for %while3A_458 = %while3A_455 to %while3A_451 step %while3A_457  : i32 {
          %sub3A = arith.subi %while3A_458, %mul3A_0 : i32
          %mul3A_459 = arith.constant 112 : i32
          %mul3A_460 = arith.muli %sub3A, %mul3A_459 : i32
          %add3A_461 = arith.constant 1 : i32
          %add3A_462 = arith.addi %shift_right_logical3A_447, %add3A_461 : i32
          %while3A_463 = arith.constant 0 : i32
          %while3A_464 = arith.subi %add3A_462, %shift_right_logical3A_445 : i32
          %while3A_465 = arith.addi %shift_right_logical3A_445, %while3A_464 : i32
          %while3A_466 = arith.constant 1 : i32
          %while3A_467 = arith.divsi %while3A_464, %while3A_466 : i32
          %while3A_468 = arith.muli %while3A_467, %while3A_466 : i32
          %while3A_469 = arith.addi %shift_right_logical3A_445, %while3A_468 : i32
          %while3A_470 = arith.constant 1 : i32
          scf.for %while3A_472 = %shift_right_logical3A_445 to %while3A_469 step %while3A_470  : i32 {
            %mul3A_473 = arith.constant 16 : i32
            %mul3A_474 = arith.muli %while3A_472, %mul3A_473 : i32
            %add3A_475 = arith.addi %mul3A_460, %mul3A_474 : i32
            %mul3A_476 = arith.constant 16 : i32
            %mul3A_477 = arith.muli %while3A_472, %mul3A_476 : i32
            %iota3A_478 = tpu.iota {dimensions = array<i32: 0>} : vector<16xi32>
            %add3A_479 = vector.broadcast %mul3A_477 : i32 to vector<16xi32>
            %add3A_480 = arith.addi %add3A_479, %iota3A_478 : vector<16xi32>
            %ge3A = vector.broadcast %squeeze3A_138 : i32 to vector<16xi32>
            %ge3A_481 = arith.cmpi sge, %add3A_480, %ge3A : vector<16xi32>
            %le3A_482 = vector.broadcast %squeeze3A_140 : i32 to vector<16xi32>
            %le3A_483 = arith.cmpi sle, %add3A_480, %le3A_482 : vector<16xi32>
            %and3A_484 = arith.andi %ge3A_481, %le3A_483 : vector<16xi1>
            %get3A_485 = arith.index_cast %add3A_475 : i32 to index
            %get3A_486 = tpu.vector_load %arg24[%get3A_485] {strides = array<i32>} : memref<784xf32, #tpu.memory_space<vmem>>, vector<16xf32>,
            %gt3A = vector.broadcast %squeeze3A_150 : f32 to vector<16xf32>
            %gt3A_487 = arith.cmpf ogt, %gt3A, %get3A_486 : vector<16xf32>
            %and3A_488 = arith.andi %and3A_484, %gt3A_487 : vector<16xi1>
            %broadcast_in_dim3A_489 = vector.broadcast %squeeze3A_150 : f32 to vector<16xf32>
            %select_n3A_490 = arith.select %and3A_488, %broadcast_in_dim3A_489, %get3A_486 : vector<16xi1>, vector<16xf32>
            %swap3A_491 = arith.index_cast %add3A_475 : i32 to index
            %swap3A_492 = tpu.vector_load %arg24[%swap3A_491] {strides = array<i32>} : memref<784xf32, #tpu.memory_space<vmem>>, vector<16xf32>,
            tpu.vector_store %arg24[%swap3A_491], %select_n3A_490 {strides = array<i32>} : memref<784xf32, #tpu.memory_space<vmem>>, vector<16xf32>,
            %get3A_493 = arith.index_cast %add3A_475 : i32 to index
            %get3A_494 = tpu.vector_load %arg25[%get3A_493] {strides = array<i32>} : memref<784xi32, #tpu.memory_space<vmem>>, vector<16xi32>,
            %broadcast_in_dim3A_495 = vector.broadcast %add3A_152 : i32 to vector<16xi32>
            %select_n3A_496 = arith.select %and3A_488, %broadcast_in_dim3A_495, %get3A_494 : vector<16xi1>, vector<16xi32>
            %swap3A_497 = arith.index_cast %add3A_475 : i32 to index
            %swap3A_498 = tpu.vector_load %arg25[%swap3A_497] {strides = array<i32>} : memref<784xi32, #tpu.memory_space<vmem>>, vector<16xi32>,
            tpu.vector_store %arg25[%swap3A_497], %select_n3A_496 {strides = array<i32>} : memref<784xi32, #tpu.memory_space<vmem>>, vector<16xi32>,
          }
          %while3A_471 = arith.constant 1 : i32
          scf.for %while3A_472 = %while3A_469 to %while3A_465 step %while3A_471  : i32 {
            %mul3A_473 = arith.constant 16 : i32
            %mul3A_474 = arith.muli %while3A_472, %mul3A_473 : i32
            %add3A_475 = arith.addi %mul3A_460, %mul3A_474 : i32
            %mul3A_476 = arith.constant 16 : i32
            %mul3A_477 = arith.muli %while3A_472, %mul3A_476 : i32
            %iota3A_478 = tpu.iota {dimensions = array<i32: 0>} : vector<16xi32>
            %add3A_479 = vector.broadcast %mul3A_477 : i32 to vector<16xi32>
            %add3A_480 = arith.addi %add3A_479, %iota3A_478 : vector<16xi32>
            %ge3A = vector.broadcast %squeeze3A_138 : i32 to vector<16xi32>
            %ge3A_481 = arith.cmpi sge, %add3A_480, %ge3A : vector<16xi32>
            %le3A_482 = vector.broadcast %squeeze3A_140 : i32 to vector<16xi32>
            %le3A_483 = arith.cmpi sle, %add3A_480, %le3A_482 : vector<16xi32>
            %and3A_484 = arith.andi %ge3A_481, %le3A_483 : vector<16xi1>
            %get3A_485 = arith.index_cast %add3A_475 : i32 to index
            %get3A_486 = tpu.vector_load %arg24[%get3A_485] {strides = array<i32>} : memref<784xf32, #tpu.memory_space<vmem>>, vector<16xf32>,
            %gt3A = vector.broadcast %squeeze3A_150 : f32 to vector<16xf32>
            %gt3A_487 = arith.cmpf ogt, %gt3A, %get3A_486 : vector<16xf32>
            %and3A_488 = arith.andi %and3A_484, %gt3A_487 : vector<16xi1>
            %broadcast_in_dim3A_489 = vector.broadcast %squeeze3A_150 : f32 to vector<16xf32>
            %select_n3A_490 = arith.select %and3A_488, %broadcast_in_dim3A_489, %get3A_486 : vector<16xi1>, vector<16xf32>
            %swap3A_491 = arith.index_cast %add3A_475 : i32 to index
            %swap3A_492 = tpu.vector_load %arg24[%swap3A_491] {strides = array<i32>} : memref<784xf32, #tpu.memory_space<vmem>>, vector<16xf32>,
            tpu.vector_store %arg24[%swap3A_491], %select_n3A_490 {strides = array<i32>} : memref<784xf32, #tpu.memory_space<vmem>>, vector<16xf32>,
            %get3A_493 = arith.index_cast %add3A_475 : i32 to index
            %get3A_494 = tpu.vector_load %arg25[%get3A_493] {strides = array<i32>} : memref<784xi32, #tpu.memory_space<vmem>>, vector<16xi32>,
            %broadcast_in_dim3A_495 = vector.broadcast %add3A_152 : i32 to vector<16xi32>
            %select_n3A_496 = arith.select %and3A_488, %broadcast_in_dim3A_495, %get3A_494 : vector<16xi1>, vector<16xi32>
            %swap3A_497 = arith.index_cast %add3A_475 : i32 to index
            %swap3A_498 = tpu.vector_load %arg25[%swap3A_497] {strides = array<i32>} : memref<784xi32, #tpu.memory_space<vmem>>, vector<16xi32>,
            tpu.vector_store %arg25[%swap3A_497], %select_n3A_496 {strides = array<i32>} : memref<784xi32, #tpu.memory_space<vmem>>, vector<16xi32>,
          }
        }
      } else {
      }
      %slice3A_159 = vector.extract_strided_slice %get3A_92 {offsets = [3], sizes = [1], strides = [1]} : vector<16xi32> to vector<1xi32>
      %squeeze3A_160 = vector.extract %slice3A_159[0] : i32 from vector<1xi32>
      %slice3A_161 = vector.extract_strided_slice %get3A_94 {offsets = [3], sizes = [1], strides = [1]} : vector<16xi32> to vector<1xi32>
      %squeeze3A_162 = vector.extract %slice3A_161[0] : i32 from vector<1xi32>
      %slice3A_163 = vector.extract_strided_slice %get3A_96 {offsets = [3], sizes = [1], strides = [1]} : vector<16xi32> to vector<1xi32>
      %squeeze3A_164 = vector.extract %slice3A_163[0] : i32 from vector<1xi32>
      %max3A_165 = arith.maxsi %squeeze3A_164, %mul3A_0 : i32
      %slice3A_166 = vector.extract_strided_slice %get3A_98 {offsets = [3], sizes = [1], strides = [1]} : vector<16xi32> to vector<1xi32>
      %squeeze3A_167 = vector.extract %slice3A_166[0] : i32 from vector<1xi32>
      %add3A_168 = arith.constant 6 : i32
      %add3A_169 = arith.addi %mul3A_0, %add3A_168 : i32
      %min3A_170 = arith.minsi %squeeze3A_167, %add3A_169 : i32
      %slice3A_171 = vector.extract_strided_slice %get3A_100 {offsets = [3], sizes = [1], strides = [1]} : vector<16xf32> to vector<1xf32>
      %squeeze3A_172 = vector.extract %slice3A_171[0] : f32 from vector<1xf32>
      %add3A_173 = arith.constant 3 : i32
      %add3A_174 = arith.addi %mul3A_90, %add3A_173 : i32
      %le3A_175 = arith.cmpi sle, %squeeze3A_160, %squeeze3A_162 : i32
      %le3A_176 = arith.cmpi sle, %max3A_165, %min3A_170 : i32
      %and3A_177 = arith.andi %le3A_175, %le3A_176 : i1
      %convert_element_type3A_178 = arith.extui %and3A_177 : i1 to i32
      %cond3A_179 = arith.constant 0 : i32
      %cond3A_180 = arith.cmpi ne, %convert_element_type3A_178, %cond3A_179 : i32
      scf.if %cond3A_180 {
        %shift_right_logical3A = arith.constant 4 : i32
        %shift_right_logical3A_445 = arith.shrui %squeeze3A_160, %shift_right_logical3A : i32
        %shift_right_logical3A_446 = arith.constant 4 : i32
        %shift_right_logical3A_447 = arith.shrui %squeeze3A_162, %shift_right_logical3A_446 : i32
        %add3A_448 = arith.constant 1 : i32
        %add3A_449 = arith.addi %min3A_170, %add3A_448 : i32
        %while3A = arith.constant 0 : i32
        %while3A_450 = arith.subi %add3A_449, %max3A_165 : i32
        %while3A_451 = arith.addi %max3A_165, %while3A_450 : i32
        %while3A_452 = arith.constant 1 : i32
        %while3A_453 = arith.divsi %while3A_450, %while3A_452 : i32
        %while3A_454 = arith.muli %while3A_453, %while3A_452 : i32
        %while3A_455 = arith.addi %max3A_165, %while3A_454 : i32
        %while3A_456 = arith.constant 1 : i32
        scf.for %while3A_458 = %max3A_165 to %while3A_455 step %while3A_456  : i32 {
          %sub3A = arith.subi %while3A_458, %mul3A_0 : i32
          %mul3A_459 = arith.constant 112 : i32
          %mul3A_460 = arith.muli %sub3A, %mul3A_459 : i32
          %add3A_461 = arith.constant 1 : i32
          %add3A_462 = arith.addi %shift_right_logical3A_447, %add3A_461 : i32
          %while3A_463 = arith.constant 0 : i32
          %while3A_464 = arith.subi %add3A_462, %shift_right_logical3A_445 : i32
          %while3A_465 = arith.addi %shift_right_logical3A_445, %while3A_464 : i32
          %while3A_466 = arith.constant 1 : i32
          %while3A_467 = arith.divsi %while3A_464, %while3A_466 : i32
          %while3A_468 = arith.muli %while3A_467, %while3A_466 : i32
          %while3A_469 = arith.addi %shift_right_logical3A_445, %while3A_468 : i32
          %while3A_470 = arith.constant 1 : i32
          scf.for %while3A_472 = %shift_right_logical3A_445 to %while3A_469 step %while3A_470  : i32 {
            %mul3A_473 = arith.constant 16 : i32
            %mul3A_474 = arith.muli %while3A_472, %mul3A_473 : i32
            %add3A_475 = arith.addi %mul3A_460, %mul3A_474 : i32
            %mul3A_476 = arith.constant 16 : i32
            %mul3A_477 = arith.muli %while3A_472, %mul3A_476 : i32
            %iota3A_478 = tpu.iota {dimensions = array<i32: 0>} : vector<16xi32>
            %add3A_479 = vector.broadcast %mul3A_477 : i32 to vector<16xi32>
            %add3A_480 = arith.addi %add3A_479, %iota3A_478 : vector<16xi32>
            %ge3A = vector.broadcast %squeeze3A_160 : i32 to vector<16xi32>
            %ge3A_481 = arith.cmpi sge, %add3A_480, %ge3A : vector<16xi32>
            %le3A_482 = vector.broadcast %squeeze3A_162 : i32 to vector<16xi32>
            %le3A_483 = arith.cmpi sle, %add3A_480, %le3A_482 : vector<16xi32>
            %and3A_484 = arith.andi %ge3A_481, %le3A_483 : vector<16xi1>
            %get3A_485 = arith.index_cast %add3A_475 : i32 to index
            %get3A_486 = tpu.vector_load %arg24[%get3A_485] {strides = array<i32>} : memref<784xf32, #tpu.memory_space<vmem>>, vector<16xf32>,
            %gt3A = vector.broadcast %squeeze3A_172 : f32 to vector<16xf32>
            %gt3A_487 = arith.cmpf ogt, %gt3A, %get3A_486 : vector<16xf32>
            %and3A_488 = arith.andi %and3A_484, %gt3A_487 : vector<16xi1>
            %broadcast_in_dim3A_489 = vector.broadcast %squeeze3A_172 : f32 to vector<16xf32>
            %select_n3A_490 = arith.select %and3A_488, %broadcast_in_dim3A_489, %get3A_486 : vector<16xi1>, vector<16xf32>
            %swap3A_491 = arith.index_cast %add3A_475 : i32 to index
            %swap3A_492 = tpu.vector_load %arg24[%swap3A_491] {strides = array<i32>} : memref<784xf32, #tpu.memory_space<vmem>>, vector<16xf32>,
            tpu.vector_store %arg24[%swap3A_491], %select_n3A_490 {strides = array<i32>} : memref<784xf32, #tpu.memory_space<vmem>>, vector<16xf32>,
            %get3A_493 = arith.index_cast %add3A_475 : i32 to index
            %get3A_494 = tpu.vector_load %arg25[%get3A_493] {strides = array<i32>} : memref<784xi32, #tpu.memory_space<vmem>>, vector<16xi32>,
            %broadcast_in_dim3A_495 = vector.broadcast %add3A_174 : i32 to vector<16xi32>
            %select_n3A_496 = arith.select %and3A_488, %broadcast_in_dim3A_495, %get3A_494 : vector<16xi1>, vector<16xi32>
            %swap3A_497 = arith.index_cast %add3A_475 : i32 to index
            %swap3A_498 = tpu.vector_load %arg25[%swap3A_497] {strides = array<i32>} : memref<784xi32, #tpu.memory_space<vmem>>, vector<16xi32>,
            tpu.vector_store %arg25[%swap3A_497], %select_n3A_496 {strides = array<i32>} : memref<784xi32, #tpu.memory_space<vmem>>, vector<16xi32>,
          }
          %while3A_471 = arith.constant 1 : i32
          scf.for %while3A_472 = %while3A_469 to %while3A_465 step %while3A_471  : i32 {
            %mul3A_473 = arith.constant 16 : i32
            %mul3A_474 = arith.muli %while3A_472, %mul3A_473 : i32
            %add3A_475 = arith.addi %mul3A_460, %mul3A_474 : i32
            %mul3A_476 = arith.constant 16 : i32
            %mul3A_477 = arith.muli %while3A_472, %mul3A_476 : i32
            %iota3A_478 = tpu.iota {dimensions = array<i32: 0>} : vector<16xi32>
            %add3A_479 = vector.broadcast %mul3A_477 : i32 to vector<16xi32>
            %add3A_480 = arith.addi %add3A_479, %iota3A_478 : vector<16xi32>
            %ge3A = vector.broadcast %squeeze3A_160 : i32 to vector<16xi32>
            %ge3A_481 = arith.cmpi sge, %add3A_480, %ge3A : vector<16xi32>
            %le3A_482 = vector.broadcast %squeeze3A_162 : i32 to vector<16xi32>
            %le3A_483 = arith.cmpi sle, %add3A_480, %le3A_482 : vector<16xi32>
            %and3A_484 = arith.andi %ge3A_481, %le3A_483 : vector<16xi1>
            %get3A_485 = arith.index_cast %add3A_475 : i32 to index
            %get3A_486 = tpu.vector_load %arg24[%get3A_485] {strides = array<i32>} : memref<784xf32, #tpu.memory_space<vmem>>, vector<16xf32>,
            %gt3A = vector.broadcast %squeeze3A_172 : f32 to vector<16xf32>
            %gt3A_487 = arith.cmpf ogt, %gt3A, %get3A_486 : vector<16xf32>
            %and3A_488 = arith.andi %and3A_484, %gt3A_487 : vector<16xi1>
            %broadcast_in_dim3A_489 = vector.broadcast %squeeze3A_172 : f32 to vector<16xf32>
            %select_n3A_490 = arith.select %and3A_488, %broadcast_in_dim3A_489, %get3A_486 : vector<16xi1>, vector<16xf32>
            %swap3A_491 = arith.index_cast %add3A_475 : i32 to index
            %swap3A_492 = tpu.vector_load %arg24[%swap3A_491] {strides = array<i32>} : memref<784xf32, #tpu.memory_space<vmem>>, vector<16xf32>,
            tpu.vector_store %arg24[%swap3A_491], %select_n3A_490 {strides = array<i32>} : memref<784xf32, #tpu.memory_space<vmem>>, vector<16xf32>,
            %get3A_493 = arith.index_cast %add3A_475 : i32 to index
            %get3A_494 = tpu.vector_load %arg25[%get3A_493] {strides = array<i32>} : memref<784xi32, #tpu.memory_space<vmem>>, vector<16xi32>,
            %broadcast_in_dim3A_495 = vector.broadcast %add3A_174 : i32 to vector<16xi32>
            %select_n3A_496 = arith.select %and3A_488, %broadcast_in_dim3A_495, %get3A_494 : vector<16xi1>, vector<16xi32>
            %swap3A_497 = arith.index_cast %add3A_475 : i32 to index
            %swap3A_498 = tpu.vector_load %arg25[%swap3A_497] {strides = array<i32>} : memref<784xi32, #tpu.memory_space<vmem>>, vector<16xi32>,
            tpu.vector_store %arg25[%swap3A_497], %select_n3A_496 {strides = array<i32>} : memref<784xi32, #tpu.memory_space<vmem>>, vector<16xi32>,
          }
        }
        %while3A_457 = arith.constant 1 : i32
        scf.for %while3A_458 = %while3A_455 to %while3A_451 step %while3A_457  : i32 {
          %sub3A = arith.subi %while3A_458, %mul3A_0 : i32
          %mul3A_459 = arith.constant 112 : i32
          %mul3A_460 = arith.muli %sub3A, %mul3A_459 : i32
          %add3A_461 = arith.constant 1 : i32
          %add3A_462 = arith.addi %shift_right_logical3A_447, %add3A_461 : i32
          %while3A_463 = arith.constant 0 : i32
          %while3A_464 = arith.subi %add3A_462, %shift_right_logical3A_445 : i32
          %while3A_465 = arith.addi %shift_right_logical3A_445, %while3A_464 : i32
          %while3A_466 = arith.constant 1 : i32
          %while3A_467 = arith.divsi %while3A_464, %while3A_466 : i32
          %while3A_468 = arith.muli %while3A_467, %while3A_466 : i32
          %while3A_469 = arith.addi %shift_right_logical3A_445, %while3A_468 : i32
          %while3A_470 = arith.constant 1 : i32
          scf.for %while3A_472 = %shift_right_logical3A_445 to %while3A_469 step %while3A_470  : i32 {
            %mul3A_473 = arith.constant 16 : i32
            %mul3A_474 = arith.muli %while3A_472, %mul3A_473 : i32
            %add3A_475 = arith.addi %mul3A_460, %mul3A_474 : i32
            %mul3A_476 = arith.constant 16 : i32
            %mul3A_477 = arith.muli %while3A_472, %mul3A_476 : i32
            %iota3A_478 = tpu.iota {dimensions = array<i32: 0>} : vector<16xi32>
            %add3A_479 = vector.broadcast %mul3A_477 : i32 to vector<16xi32>
            %add3A_480 = arith.addi %add3A_479, %iota3A_478 : vector<16xi32>
            %ge3A = vector.broadcast %squeeze3A_160 : i32 to vector<16xi32>
            %ge3A_481 = arith.cmpi sge, %add3A_480, %ge3A : vector<16xi32>
            %le3A_482 = vector.broadcast %squeeze3A_162 : i32 to vector<16xi32>
            %le3A_483 = arith.cmpi sle, %add3A_480, %le3A_482 : vector<16xi32>
            %and3A_484 = arith.andi %ge3A_481, %le3A_483 : vector<16xi1>
            %get3A_485 = arith.index_cast %add3A_475 : i32 to index
            %get3A_486 = tpu.vector_load %arg24[%get3A_485] {strides = array<i32>} : memref<784xf32, #tpu.memory_space<vmem>>, vector<16xf32>,
            %gt3A = vector.broadcast %squeeze3A_172 : f32 to vector<16xf32>
            %gt3A_487 = arith.cmpf ogt, %gt3A, %get3A_486 : vector<16xf32>
            %and3A_488 = arith.andi %and3A_484, %gt3A_487 : vector<16xi1>
            %broadcast_in_dim3A_489 = vector.broadcast %squeeze3A_172 : f32 to vector<16xf32>
            %select_n3A_490 = arith.select %and3A_488, %broadcast_in_dim3A_489, %get3A_486 : vector<16xi1>, vector<16xf32>
            %swap3A_491 = arith.index_cast %add3A_475 : i32 to index
            %swap3A_492 = tpu.vector_load %arg24[%swap3A_491] {strides = array<i32>} : memref<784xf32, #tpu.memory_space<vmem>>, vector<16xf32>,
            tpu.vector_store %arg24[%swap3A_491], %select_n3A_490 {strides = array<i32>} : memref<784xf32, #tpu.memory_space<vmem>>, vector<16xf32>,
            %get3A_493 = arith.index_cast %add3A_475 : i32 to index
            %get3A_494 = tpu.vector_load %arg25[%get3A_493] {strides = array<i32>} : memref<784xi32, #tpu.memory_space<vmem>>, vector<16xi32>,
            %broadcast_in_dim3A_495 = vector.broadcast %add3A_174 : i32 to vector<16xi32>
            %select_n3A_496 = arith.select %and3A_488, %broadcast_in_dim3A_495, %get3A_494 : vector<16xi1>, vector<16xi32>
            %swap3A_497 = arith.index_cast %add3A_475 : i32 to index
            %swap3A_498 = tpu.vector_load %arg25[%swap3A_497] {strides = array<i32>} : memref<784xi32, #tpu.memory_space<vmem>>, vector<16xi32>,
            tpu.vector_store %arg25[%swap3A_497], %select_n3A_496 {strides = array<i32>} : memref<784xi32, #tpu.memory_space<vmem>>, vector<16xi32>,
          }
          %while3A_471 = arith.constant 1 : i32
          scf.for %while3A_472 = %while3A_469 to %while3A_465 step %while3A_471  : i32 {
            %mul3A_473 = arith.constant 16 : i32
            %mul3A_474 = arith.muli %while3A_472, %mul3A_473 : i32
            %add3A_475 = arith.addi %mul3A_460, %mul3A_474 : i32
            %mul3A_476 = arith.constant 16 : i32
            %mul3A_477 = arith.muli %while3A_472, %mul3A_476 : i32
            %iota3A_478 = tpu.iota {dimensions = array<i32: 0>} : vector<16xi32>
            %add3A_479 = vector.broadcast %mul3A_477 : i32 to vector<16xi32>
            %add3A_480 = arith.addi %add3A_479, %iota3A_478 : vector<16xi32>
            %ge3A = vector.broadcast %squeeze3A_160 : i32 to vector<16xi32>
            %ge3A_481 = arith.cmpi sge, %add3A_480, %ge3A : vector<16xi32>
            %le3A_482 = vector.broadcast %squeeze3A_162 : i32 to vector<16xi32>
            %le3A_483 = arith.cmpi sle, %add3A_480, %le3A_482 : vector<16xi32>
            %and3A_484 = arith.andi %ge3A_481, %le3A_483 : vector<16xi1>
            %get3A_485 = arith.index_cast %add3A_475 : i32 to index
            %get3A_486 = tpu.vector_load %arg24[%get3A_485] {strides = array<i32>} : memref<784xf32, #tpu.memory_space<vmem>>, vector<16xf32>,
            %gt3A = vector.broadcast %squeeze3A_172 : f32 to vector<16xf32>
            %gt3A_487 = arith.cmpf ogt, %gt3A, %get3A_486 : vector<16xf32>
            %and3A_488 = arith.andi %and3A_484, %gt3A_487 : vector<16xi1>
            %broadcast_in_dim3A_489 = vector.broadcast %squeeze3A_172 : f32 to vector<16xf32>
            %select_n3A_490 = arith.select %and3A_488, %broadcast_in_dim3A_489, %get3A_486 : vector<16xi1>, vector<16xf32>
            %swap3A_491 = arith.index_cast %add3A_475 : i32 to index
            %swap3A_492 = tpu.vector_load %arg24[%swap3A_491] {strides = array<i32>} : memref<784xf32, #tpu.memory_space<vmem>>, vector<16xf32>,
            tpu.vector_store %arg24[%swap3A_491], %select_n3A_490 {strides = array<i32>} : memref<784xf32, #tpu.memory_space<vmem>>, vector<16xf32>,
            %get3A_493 = arith.index_cast %add3A_475 : i32 to index
            %get3A_494 = tpu.vector_load %arg25[%get3A_493] {strides = array<i32>} : memref<784xi32, #tpu.memory_space<vmem>>, vector<16xi32>,
            %broadcast_in_dim3A_495 = vector.broadcast %add3A_174 : i32 to vector<16xi32>
            %select_n3A_496 = arith.select %and3A_488, %broadcast_in_dim3A_495, %get3A_494 : vector<16xi1>, vector<16xi32>
            %swap3A_497 = arith.index_cast %add3A_475 : i32 to index
            %swap3A_498 = tpu.vector_load %arg25[%swap3A_497] {strides = array<i32>} : memref<784xi32, #tpu.memory_space<vmem>>, vector<16xi32>,
            tpu.vector_store %arg25[%swap3A_497], %select_n3A_496 {strides = array<i32>} : memref<784xi32, #tpu.memory_space<vmem>>, vector<16xi32>,
          }
        }
      } else {
      }
      %slice3A_181 = vector.extract_strided_slice %get3A_92 {offsets = [4], sizes = [1], strides = [1]} : vector<16xi32> to vector<1xi32>
      %squeeze3A_182 = vector.extract %slice3A_181[0] : i32 from vector<1xi32>
      %slice3A_183 = vector.extract_strided_slice %get3A_94 {offsets = [4], sizes = [1], strides = [1]} : vector<16xi32> to vector<1xi32>
      %squeeze3A_184 = vector.extract %slice3A_183[0] : i32 from vector<1xi32>
      %slice3A_185 = vector.extract_strided_slice %get3A_96 {offsets = [4], sizes = [1], strides = [1]} : vector<16xi32> to vector<1xi32>
      %squeeze3A_186 = vector.extract %slice3A_185[0] : i32 from vector<1xi32>
      %max3A_187 = arith.maxsi %squeeze3A_186, %mul3A_0 : i32
      %slice3A_188 = vector.extract_strided_slice %get3A_98 {offsets = [4], sizes = [1], strides = [1]} : vector<16xi32> to vector<1xi32>
      %squeeze3A_189 = vector.extract %slice3A_188[0] : i32 from vector<1xi32>
      %add3A_190 = arith.constant 6 : i32
      %add3A_191 = arith.addi %mul3A_0, %add3A_190 : i32
      %min3A_192 = arith.minsi %squeeze3A_189, %add3A_191 : i32
      %slice3A_193 = vector.extract_strided_slice %get3A_100 {offsets = [4], sizes = [1], strides = [1]} : vector<16xf32> to vector<1xf32>
      %squeeze3A_194 = vector.extract %slice3A_193[0] : f32 from vector<1xf32>
      %add3A_195 = arith.constant 4 : i32
      %add3A_196 = arith.addi %mul3A_90, %add3A_195 : i32
      %le3A_197 = arith.cmpi sle, %squeeze3A_182, %squeeze3A_184 : i32
      %le3A_198 = arith.cmpi sle, %max3A_187, %min3A_192 : i32
      %and3A_199 = arith.andi %le3A_197, %le3A_198 : i1
      %convert_element_type3A_200 = arith.extui %and3A_199 : i1 to i32
      %cond3A_201 = arith.constant 0 : i32
      %cond3A_202 = arith.cmpi ne, %convert_element_type3A_200, %cond3A_201 : i32
      scf.if %cond3A_202 {
        %shift_right_logical3A = arith.constant 4 : i32
        %shift_right_logical3A_445 = arith.shrui %squeeze3A_182, %shift_right_logical3A : i32
        %shift_right_logical3A_446 = arith.constant 4 : i32
        %shift_right_logical3A_447 = arith.shrui %squeeze3A_184, %shift_right_logical3A_446 : i32
        %add3A_448 = arith.constant 1 : i32
        %add3A_449 = arith.addi %min3A_192, %add3A_448 : i32
        %while3A = arith.constant 0 : i32
        %while3A_450 = arith.subi %add3A_449, %max3A_187 : i32
        %while3A_451 = arith.addi %max3A_187, %while3A_450 : i32
        %while3A_452 = arith.constant 1 : i32
        %while3A_453 = arith.divsi %while3A_450, %while3A_452 : i32
        %while3A_454 = arith.muli %while3A_453, %while3A_452 : i32
        %while3A_455 = arith.addi %max3A_187, %while3A_454 : i32
        %while3A_456 = arith.constant 1 : i32
        scf.for %while3A_458 = %max3A_187 to %while3A_455 step %while3A_456  : i32 {
          %sub3A = arith.subi %while3A_458, %mul3A_0 : i32
          %mul3A_459 = arith.constant 112 : i32
          %mul3A_460 = arith.muli %sub3A, %mul3A_459 : i32
          %add3A_461 = arith.constant 1 : i32
          %add3A_462 = arith.addi %shift_right_logical3A_447, %add3A_461 : i32
          %while3A_463 = arith.constant 0 : i32
          %while3A_464 = arith.subi %add3A_462, %shift_right_logical3A_445 : i32
          %while3A_465 = arith.addi %shift_right_logical3A_445, %while3A_464 : i32
          %while3A_466 = arith.constant 1 : i32
          %while3A_467 = arith.divsi %while3A_464, %while3A_466 : i32
          %while3A_468 = arith.muli %while3A_467, %while3A_466 : i32
          %while3A_469 = arith.addi %shift_right_logical3A_445, %while3A_468 : i32
          %while3A_470 = arith.constant 1 : i32
          scf.for %while3A_472 = %shift_right_logical3A_445 to %while3A_469 step %while3A_470  : i32 {
            %mul3A_473 = arith.constant 16 : i32
            %mul3A_474 = arith.muli %while3A_472, %mul3A_473 : i32
            %add3A_475 = arith.addi %mul3A_460, %mul3A_474 : i32
            %mul3A_476 = arith.constant 16 : i32
            %mul3A_477 = arith.muli %while3A_472, %mul3A_476 : i32
            %iota3A_478 = tpu.iota {dimensions = array<i32: 0>} : vector<16xi32>
            %add3A_479 = vector.broadcast %mul3A_477 : i32 to vector<16xi32>
            %add3A_480 = arith.addi %add3A_479, %iota3A_478 : vector<16xi32>
            %ge3A = vector.broadcast %squeeze3A_182 : i32 to vector<16xi32>
            %ge3A_481 = arith.cmpi sge, %add3A_480, %ge3A : vector<16xi32>
            %le3A_482 = vector.broadcast %squeeze3A_184 : i32 to vector<16xi32>
            %le3A_483 = arith.cmpi sle, %add3A_480, %le3A_482 : vector<16xi32>
            %and3A_484 = arith.andi %ge3A_481, %le3A_483 : vector<16xi1>
            %get3A_485 = arith.index_cast %add3A_475 : i32 to index
            %get3A_486 = tpu.vector_load %arg24[%get3A_485] {strides = array<i32>} : memref<784xf32, #tpu.memory_space<vmem>>, vector<16xf32>,
            %gt3A = vector.broadcast %squeeze3A_194 : f32 to vector<16xf32>
            %gt3A_487 = arith.cmpf ogt, %gt3A, %get3A_486 : vector<16xf32>
            %and3A_488 = arith.andi %and3A_484, %gt3A_487 : vector<16xi1>
            %broadcast_in_dim3A_489 = vector.broadcast %squeeze3A_194 : f32 to vector<16xf32>
            %select_n3A_490 = arith.select %and3A_488, %broadcast_in_dim3A_489, %get3A_486 : vector<16xi1>, vector<16xf32>
            %swap3A_491 = arith.index_cast %add3A_475 : i32 to index
            %swap3A_492 = tpu.vector_load %arg24[%swap3A_491] {strides = array<i32>} : memref<784xf32, #tpu.memory_space<vmem>>, vector<16xf32>,
            tpu.vector_store %arg24[%swap3A_491], %select_n3A_490 {strides = array<i32>} : memref<784xf32, #tpu.memory_space<vmem>>, vector<16xf32>,
            %get3A_493 = arith.index_cast %add3A_475 : i32 to index
            %get3A_494 = tpu.vector_load %arg25[%get3A_493] {strides = array<i32>} : memref<784xi32, #tpu.memory_space<vmem>>, vector<16xi32>,
            %broadcast_in_dim3A_495 = vector.broadcast %add3A_196 : i32 to vector<16xi32>
            %select_n3A_496 = arith.select %and3A_488, %broadcast_in_dim3A_495, %get3A_494 : vector<16xi1>, vector<16xi32>
            %swap3A_497 = arith.index_cast %add3A_475 : i32 to index
            %swap3A_498 = tpu.vector_load %arg25[%swap3A_497] {strides = array<i32>} : memref<784xi32, #tpu.memory_space<vmem>>, vector<16xi32>,
            tpu.vector_store %arg25[%swap3A_497], %select_n3A_496 {strides = array<i32>} : memref<784xi32, #tpu.memory_space<vmem>>, vector<16xi32>,
          }
          %while3A_471 = arith.constant 1 : i32
          scf.for %while3A_472 = %while3A_469 to %while3A_465 step %while3A_471  : i32 {
            %mul3A_473 = arith.constant 16 : i32
            %mul3A_474 = arith.muli %while3A_472, %mul3A_473 : i32
            %add3A_475 = arith.addi %mul3A_460, %mul3A_474 : i32
            %mul3A_476 = arith.constant 16 : i32
            %mul3A_477 = arith.muli %while3A_472, %mul3A_476 : i32
            %iota3A_478 = tpu.iota {dimensions = array<i32: 0>} : vector<16xi32>
            %add3A_479 = vector.broadcast %mul3A_477 : i32 to vector<16xi32>
            %add3A_480 = arith.addi %add3A_479, %iota3A_478 : vector<16xi32>
            %ge3A = vector.broadcast %squeeze3A_182 : i32 to vector<16xi32>
            %ge3A_481 = arith.cmpi sge, %add3A_480, %ge3A : vector<16xi32>
            %le3A_482 = vector.broadcast %squeeze3A_184 : i32 to vector<16xi32>
            %le3A_483 = arith.cmpi sle, %add3A_480, %le3A_482 : vector<16xi32>
            %and3A_484 = arith.andi %ge3A_481, %le3A_483 : vector<16xi1>
            %get3A_485 = arith.index_cast %add3A_475 : i32 to index
            %get3A_486 = tpu.vector_load %arg24[%get3A_485] {strides = array<i32>} : memref<784xf32, #tpu.memory_space<vmem>>, vector<16xf32>,
            %gt3A = vector.broadcast %squeeze3A_194 : f32 to vector<16xf32>
            %gt3A_487 = arith.cmpf ogt, %gt3A, %get3A_486 : vector<16xf32>
            %and3A_488 = arith.andi %and3A_484, %gt3A_487 : vector<16xi1>
            %broadcast_in_dim3A_489 = vector.broadcast %squeeze3A_194 : f32 to vector<16xf32>
            %select_n3A_490 = arith.select %and3A_488, %broadcast_in_dim3A_489, %get3A_486 : vector<16xi1>, vector<16xf32>
            %swap3A_491 = arith.index_cast %add3A_475 : i32 to index
            %swap3A_492 = tpu.vector_load %arg24[%swap3A_491] {strides = array<i32>} : memref<784xf32, #tpu.memory_space<vmem>>, vector<16xf32>,
            tpu.vector_store %arg24[%swap3A_491], %select_n3A_490 {strides = array<i32>} : memref<784xf32, #tpu.memory_space<vmem>>, vector<16xf32>,
            %get3A_493 = arith.index_cast %add3A_475 : i32 to index
            %get3A_494 = tpu.vector_load %arg25[%get3A_493] {strides = array<i32>} : memref<784xi32, #tpu.memory_space<vmem>>, vector<16xi32>,
            %broadcast_in_dim3A_495 = vector.broadcast %add3A_196 : i32 to vector<16xi32>
            %select_n3A_496 = arith.select %and3A_488, %broadcast_in_dim3A_495, %get3A_494 : vector<16xi1>, vector<16xi32>
            %swap3A_497 = arith.index_cast %add3A_475 : i32 to index
            %swap3A_498 = tpu.vector_load %arg25[%swap3A_497] {strides = array<i32>} : memref<784xi32, #tpu.memory_space<vmem>>, vector<16xi32>,
            tpu.vector_store %arg25[%swap3A_497], %select_n3A_496 {strides = array<i32>} : memref<784xi32, #tpu.memory_space<vmem>>, vector<16xi32>,
          }
        }
        %while3A_457 = arith.constant 1 : i32
        scf.for %while3A_458 = %while3A_455 to %while3A_451 step %while3A_457  : i32 {
          %sub3A = arith.subi %while3A_458, %mul3A_0 : i32
          %mul3A_459 = arith.constant 112 : i32
          %mul3A_460 = arith.muli %sub3A, %mul3A_459 : i32
          %add3A_461 = arith.constant 1 : i32
          %add3A_462 = arith.addi %shift_right_logical3A_447, %add3A_461 : i32
          %while3A_463 = arith.constant 0 : i32
          %while3A_464 = arith.subi %add3A_462, %shift_right_logical3A_445 : i32
          %while3A_465 = arith.addi %shift_right_logical3A_445, %while3A_464 : i32
          %while3A_466 = arith.constant 1 : i32
          %while3A_467 = arith.divsi %while3A_464, %while3A_466 : i32
          %while3A_468 = arith.muli %while3A_467, %while3A_466 : i32
          %while3A_469 = arith.addi %shift_right_logical3A_445, %while3A_468 : i32
          %while3A_470 = arith.constant 1 : i32
          scf.for %while3A_472 = %shift_right_logical3A_445 to %while3A_469 step %while3A_470  : i32 {
            %mul3A_473 = arith.constant 16 : i32
            %mul3A_474 = arith.muli %while3A_472, %mul3A_473 : i32
            %add3A_475 = arith.addi %mul3A_460, %mul3A_474 : i32
            %mul3A_476 = arith.constant 16 : i32
            %mul3A_477 = arith.muli %while3A_472, %mul3A_476 : i32
            %iota3A_478 = tpu.iota {dimensions = array<i32: 0>} : vector<16xi32>
            %add3A_479 = vector.broadcast %mul3A_477 : i32 to vector<16xi32>
            %add3A_480 = arith.addi %add3A_479, %iota3A_478 : vector<16xi32>
            %ge3A = vector.broadcast %squeeze3A_182 : i32 to vector<16xi32>
            %ge3A_481 = arith.cmpi sge, %add3A_480, %ge3A : vector<16xi32>
            %le3A_482 = vector.broadcast %squeeze3A_184 : i32 to vector<16xi32>
            %le3A_483 = arith.cmpi sle, %add3A_480, %le3A_482 : vector<16xi32>
            %and3A_484 = arith.andi %ge3A_481, %le3A_483 : vector<16xi1>
            %get3A_485 = arith.index_cast %add3A_475 : i32 to index
            %get3A_486 = tpu.vector_load %arg24[%get3A_485] {strides = array<i32>} : memref<784xf32, #tpu.memory_space<vmem>>, vector<16xf32>,
            %gt3A = vector.broadcast %squeeze3A_194 : f32 to vector<16xf32>
            %gt3A_487 = arith.cmpf ogt, %gt3A, %get3A_486 : vector<16xf32>
            %and3A_488 = arith.andi %and3A_484, %gt3A_487 : vector<16xi1>
            %broadcast_in_dim3A_489 = vector.broadcast %squeeze3A_194 : f32 to vector<16xf32>
            %select_n3A_490 = arith.select %and3A_488, %broadcast_in_dim3A_489, %get3A_486 : vector<16xi1>, vector<16xf32>
            %swap3A_491 = arith.index_cast %add3A_475 : i32 to index
            %swap3A_492 = tpu.vector_load %arg24[%swap3A_491] {strides = array<i32>} : memref<784xf32, #tpu.memory_space<vmem>>, vector<16xf32>,
            tpu.vector_store %arg24[%swap3A_491], %select_n3A_490 {strides = array<i32>} : memref<784xf32, #tpu.memory_space<vmem>>, vector<16xf32>,
            %get3A_493 = arith.index_cast %add3A_475 : i32 to index
            %get3A_494 = tpu.vector_load %arg25[%get3A_493] {strides = array<i32>} : memref<784xi32, #tpu.memory_space<vmem>>, vector<16xi32>,
            %broadcast_in_dim3A_495 = vector.broadcast %add3A_196 : i32 to vector<16xi32>
            %select_n3A_496 = arith.select %and3A_488, %broadcast_in_dim3A_495, %get3A_494 : vector<16xi1>, vector<16xi32>
            %swap3A_497 = arith.index_cast %add3A_475 : i32 to index
            %swap3A_498 = tpu.vector_load %arg25[%swap3A_497] {strides = array<i32>} : memref<784xi32, #tpu.memory_space<vmem>>, vector<16xi32>,
            tpu.vector_store %arg25[%swap3A_497], %select_n3A_496 {strides = array<i32>} : memref<784xi32, #tpu.memory_space<vmem>>, vector<16xi32>,
          }
          %while3A_471 = arith.constant 1 : i32
          scf.for %while3A_472 = %while3A_469 to %while3A_465 step %while3A_471  : i32 {
            %mul3A_473 = arith.constant 16 : i32
            %mul3A_474 = arith.muli %while3A_472, %mul3A_473 : i32
            %add3A_475 = arith.addi %mul3A_460, %mul3A_474 : i32
            %mul3A_476 = arith.constant 16 : i32
            %mul3A_477 = arith.muli %while3A_472, %mul3A_476 : i32
            %iota3A_478 = tpu.iota {dimensions = array<i32: 0>} : vector<16xi32>
            %add3A_479 = vector.broadcast %mul3A_477 : i32 to vector<16xi32>
            %add3A_480 = arith.addi %add3A_479, %iota3A_478 : vector<16xi32>
            %ge3A = vector.broadcast %squeeze3A_182 : i32 to vector<16xi32>
            %ge3A_481 = arith.cmpi sge, %add3A_480, %ge3A : vector<16xi32>
            %le3A_482 = vector.broadcast %squeeze3A_184 : i32 to vector<16xi32>
            %le3A_483 = arith.cmpi sle, %add3A_480, %le3A_482 : vector<16xi32>
            %and3A_484 = arith.andi %ge3A_481, %le3A_483 : vector<16xi1>
            %get3A_485 = arith.index_cast %add3A_475 : i32 to index
            %get3A_486 = tpu.vector_load %arg24[%get3A_485] {strides = array<i32>} : memref<784xf32, #tpu.memory_space<vmem>>, vector<16xf32>,
            %gt3A = vector.broadcast %squeeze3A_194 : f32 to vector<16xf32>
            %gt3A_487 = arith.cmpf ogt, %gt3A, %get3A_486 : vector<16xf32>
            %and3A_488 = arith.andi %and3A_484, %gt3A_487 : vector<16xi1>
            %broadcast_in_dim3A_489 = vector.broadcast %squeeze3A_194 : f32 to vector<16xf32>
            %select_n3A_490 = arith.select %and3A_488, %broadcast_in_dim3A_489, %get3A_486 : vector<16xi1>, vector<16xf32>
            %swap3A_491 = arith.index_cast %add3A_475 : i32 to index
            %swap3A_492 = tpu.vector_load %arg24[%swap3A_491] {strides = array<i32>} : memref<784xf32, #tpu.memory_space<vmem>>, vector<16xf32>,
            tpu.vector_store %arg24[%swap3A_491], %select_n3A_490 {strides = array<i32>} : memref<784xf32, #tpu.memory_space<vmem>>, vector<16xf32>,
            %get3A_493 = arith.index_cast %add3A_475 : i32 to index
            %get3A_494 = tpu.vector_load %arg25[%get3A_493] {strides = array<i32>} : memref<784xi32, #tpu.memory_space<vmem>>, vector<16xi32>,
            %broadcast_in_dim3A_495 = vector.broadcast %add3A_196 : i32 to vector<16xi32>
            %select_n3A_496 = arith.select %and3A_488, %broadcast_in_dim3A_495, %get3A_494 : vector<16xi1>, vector<16xi32>
            %swap3A_497 = arith.index_cast %add3A_475 : i32 to index
            %swap3A_498 = tpu.vector_load %arg25[%swap3A_497] {strides = array<i32>} : memref<784xi32, #tpu.memory_space<vmem>>, vector<16xi32>,
            tpu.vector_store %arg25[%swap3A_497], %select_n3A_496 {strides = array<i32>} : memref<784xi32, #tpu.memory_space<vmem>>, vector<16xi32>,
          }
        }
      } else {
      }
      %slice3A_203 = vector.extract_strided_slice %get3A_92 {offsets = [5], sizes = [1], strides = [1]} : vector<16xi32> to vector<1xi32>
      %squeeze3A_204 = vector.extract %slice3A_203[0] : i32 from vector<1xi32>
      %slice3A_205 = vector.extract_strided_slice %get3A_94 {offsets = [5], sizes = [1], strides = [1]} : vector<16xi32> to vector<1xi32>
      %squeeze3A_206 = vector.extract %slice3A_205[0] : i32 from vector<1xi32>
      %slice3A_207 = vector.extract_strided_slice %get3A_96 {offsets = [5], sizes = [1], strides = [1]} : vector<16xi32> to vector<1xi32>
      %squeeze3A_208 = vector.extract %slice3A_207[0] : i32 from vector<1xi32>
      %max3A_209 = arith.maxsi %squeeze3A_208, %mul3A_0 : i32
      %slice3A_210 = vector.extract_strided_slice %get3A_98 {offsets = [5], sizes = [1], strides = [1]} : vector<16xi32> to vector<1xi32>
      %squeeze3A_211 = vector.extract %slice3A_210[0] : i32 from vector<1xi32>
      %add3A_212 = arith.constant 6 : i32
      %add3A_213 = arith.addi %mul3A_0, %add3A_212 : i32
      %min3A_214 = arith.minsi %squeeze3A_211, %add3A_213 : i32
      %slice3A_215 = vector.extract_strided_slice %get3A_100 {offsets = [5], sizes = [1], strides = [1]} : vector<16xf32> to vector<1xf32>
      %squeeze3A_216 = vector.extract %slice3A_215[0] : f32 from vector<1xf32>
      %add3A_217 = arith.constant 5 : i32
      %add3A_218 = arith.addi %mul3A_90, %add3A_217 : i32
      %le3A_219 = arith.cmpi sle, %squeeze3A_204, %squeeze3A_206 : i32
      %le3A_220 = arith.cmpi sle, %max3A_209, %min3A_214 : i32
      %and3A_221 = arith.andi %le3A_219, %le3A_220 : i1
      %convert_element_type3A_222 = arith.extui %and3A_221 : i1 to i32
      %cond3A_223 = arith.constant 0 : i32
      %cond3A_224 = arith.cmpi ne, %convert_element_type3A_222, %cond3A_223 : i32
      scf.if %cond3A_224 {
        %shift_right_logical3A = arith.constant 4 : i32
        %shift_right_logical3A_445 = arith.shrui %squeeze3A_204, %shift_right_logical3A : i32
        %shift_right_logical3A_446 = arith.constant 4 : i32
        %shift_right_logical3A_447 = arith.shrui %squeeze3A_206, %shift_right_logical3A_446 : i32
        %add3A_448 = arith.constant 1 : i32
        %add3A_449 = arith.addi %min3A_214, %add3A_448 : i32
        %while3A = arith.constant 0 : i32
        %while3A_450 = arith.subi %add3A_449, %max3A_209 : i32
        %while3A_451 = arith.addi %max3A_209, %while3A_450 : i32
        %while3A_452 = arith.constant 1 : i32
        %while3A_453 = arith.divsi %while3A_450, %while3A_452 : i32
        %while3A_454 = arith.muli %while3A_453, %while3A_452 : i32
        %while3A_455 = arith.addi %max3A_209, %while3A_454 : i32
        %while3A_456 = arith.constant 1 : i32
        scf.for %while3A_458 = %max3A_209 to %while3A_455 step %while3A_456  : i32 {
          %sub3A = arith.subi %while3A_458, %mul3A_0 : i32
          %mul3A_459 = arith.constant 112 : i32
          %mul3A_460 = arith.muli %sub3A, %mul3A_459 : i32
          %add3A_461 = arith.constant 1 : i32
          %add3A_462 = arith.addi %shift_right_logical3A_447, %add3A_461 : i32
          %while3A_463 = arith.constant 0 : i32
          %while3A_464 = arith.subi %add3A_462, %shift_right_logical3A_445 : i32
          %while3A_465 = arith.addi %shift_right_logical3A_445, %while3A_464 : i32
          %while3A_466 = arith.constant 1 : i32
          %while3A_467 = arith.divsi %while3A_464, %while3A_466 : i32
          %while3A_468 = arith.muli %while3A_467, %while3A_466 : i32
          %while3A_469 = arith.addi %shift_right_logical3A_445, %while3A_468 : i32
          %while3A_470 = arith.constant 1 : i32
          scf.for %while3A_472 = %shift_right_logical3A_445 to %while3A_469 step %while3A_470  : i32 {
            %mul3A_473 = arith.constant 16 : i32
            %mul3A_474 = arith.muli %while3A_472, %mul3A_473 : i32
            %add3A_475 = arith.addi %mul3A_460, %mul3A_474 : i32
            %mul3A_476 = arith.constant 16 : i32
            %mul3A_477 = arith.muli %while3A_472, %mul3A_476 : i32
            %iota3A_478 = tpu.iota {dimensions = array<i32: 0>} : vector<16xi32>
            %add3A_479 = vector.broadcast %mul3A_477 : i32 to vector<16xi32>
            %add3A_480 = arith.addi %add3A_479, %iota3A_478 : vector<16xi32>
            %ge3A = vector.broadcast %squeeze3A_204 : i32 to vector<16xi32>
            %ge3A_481 = arith.cmpi sge, %add3A_480, %ge3A : vector<16xi32>
            %le3A_482 = vector.broadcast %squeeze3A_206 : i32 to vector<16xi32>
            %le3A_483 = arith.cmpi sle, %add3A_480, %le3A_482 : vector<16xi32>
            %and3A_484 = arith.andi %ge3A_481, %le3A_483 : vector<16xi1>
            %get3A_485 = arith.index_cast %add3A_475 : i32 to index
            %get3A_486 = tpu.vector_load %arg24[%get3A_485] {strides = array<i32>} : memref<784xf32, #tpu.memory_space<vmem>>, vector<16xf32>,
            %gt3A = vector.broadcast %squeeze3A_216 : f32 to vector<16xf32>
            %gt3A_487 = arith.cmpf ogt, %gt3A, %get3A_486 : vector<16xf32>
            %and3A_488 = arith.andi %and3A_484, %gt3A_487 : vector<16xi1>
            %broadcast_in_dim3A_489 = vector.broadcast %squeeze3A_216 : f32 to vector<16xf32>
            %select_n3A_490 = arith.select %and3A_488, %broadcast_in_dim3A_489, %get3A_486 : vector<16xi1>, vector<16xf32>
            %swap3A_491 = arith.index_cast %add3A_475 : i32 to index
            %swap3A_492 = tpu.vector_load %arg24[%swap3A_491] {strides = array<i32>} : memref<784xf32, #tpu.memory_space<vmem>>, vector<16xf32>,
            tpu.vector_store %arg24[%swap3A_491], %select_n3A_490 {strides = array<i32>} : memref<784xf32, #tpu.memory_space<vmem>>, vector<16xf32>,
            %get3A_493 = arith.index_cast %add3A_475 : i32 to index
            %get3A_494 = tpu.vector_load %arg25[%get3A_493] {strides = array<i32>} : memref<784xi32, #tpu.memory_space<vmem>>, vector<16xi32>,
            %broadcast_in_dim3A_495 = vector.broadcast %add3A_218 : i32 to vector<16xi32>
            %select_n3A_496 = arith.select %and3A_488, %broadcast_in_dim3A_495, %get3A_494 : vector<16xi1>, vector<16xi32>
            %swap3A_497 = arith.index_cast %add3A_475 : i32 to index
            %swap3A_498 = tpu.vector_load %arg25[%swap3A_497] {strides = array<i32>} : memref<784xi32, #tpu.memory_space<vmem>>, vector<16xi32>,
            tpu.vector_store %arg25[%swap3A_497], %select_n3A_496 {strides = array<i32>} : memref<784xi32, #tpu.memory_space<vmem>>, vector<16xi32>,
          }
          %while3A_471 = arith.constant 1 : i32
          scf.for %while3A_472 = %while3A_469 to %while3A_465 step %while3A_471  : i32 {
            %mul3A_473 = arith.constant 16 : i32
            %mul3A_474 = arith.muli %while3A_472, %mul3A_473 : i32
            %add3A_475 = arith.addi %mul3A_460, %mul3A_474 : i32
            %mul3A_476 = arith.constant 16 : i32
            %mul3A_477 = arith.muli %while3A_472, %mul3A_476 : i32
            %iota3A_478 = tpu.iota {dimensions = array<i32: 0>} : vector<16xi32>
            %add3A_479 = vector.broadcast %mul3A_477 : i32 to vector<16xi32>
            %add3A_480 = arith.addi %add3A_479, %iota3A_478 : vector<16xi32>
            %ge3A = vector.broadcast %squeeze3A_204 : i32 to vector<16xi32>
            %ge3A_481 = arith.cmpi sge, %add3A_480, %ge3A : vector<16xi32>
            %le3A_482 = vector.broadcast %squeeze3A_206 : i32 to vector<16xi32>
            %le3A_483 = arith.cmpi sle, %add3A_480, %le3A_482 : vector<16xi32>
            %and3A_484 = arith.andi %ge3A_481, %le3A_483 : vector<16xi1>
            %get3A_485 = arith.index_cast %add3A_475 : i32 to index
            %get3A_486 = tpu.vector_load %arg24[%get3A_485] {strides = array<i32>} : memref<784xf32, #tpu.memory_space<vmem>>, vector<16xf32>,
            %gt3A = vector.broadcast %squeeze3A_216 : f32 to vector<16xf32>
            %gt3A_487 = arith.cmpf ogt, %gt3A, %get3A_486 : vector<16xf32>
            %and3A_488 = arith.andi %and3A_484, %gt3A_487 : vector<16xi1>
            %broadcast_in_dim3A_489 = vector.broadcast %squeeze3A_216 : f32 to vector<16xf32>
            %select_n3A_490 = arith.select %and3A_488, %broadcast_in_dim3A_489, %get3A_486 : vector<16xi1>, vector<16xf32>
            %swap3A_491 = arith.index_cast %add3A_475 : i32 to index
            %swap3A_492 = tpu.vector_load %arg24[%swap3A_491] {strides = array<i32>} : memref<784xf32, #tpu.memory_space<vmem>>, vector<16xf32>,
            tpu.vector_store %arg24[%swap3A_491], %select_n3A_490 {strides = array<i32>} : memref<784xf32, #tpu.memory_space<vmem>>, vector<16xf32>,
            %get3A_493 = arith.index_cast %add3A_475 : i32 to index
            %get3A_494 = tpu.vector_load %arg25[%get3A_493] {strides = array<i32>} : memref<784xi32, #tpu.memory_space<vmem>>, vector<16xi32>,
            %broadcast_in_dim3A_495 = vector.broadcast %add3A_218 : i32 to vector<16xi32>
            %select_n3A_496 = arith.select %and3A_488, %broadcast_in_dim3A_495, %get3A_494 : vector<16xi1>, vector<16xi32>
            %swap3A_497 = arith.index_cast %add3A_475 : i32 to index
            %swap3A_498 = tpu.vector_load %arg25[%swap3A_497] {strides = array<i32>} : memref<784xi32, #tpu.memory_space<vmem>>, vector<16xi32>,
            tpu.vector_store %arg25[%swap3A_497], %select_n3A_496 {strides = array<i32>} : memref<784xi32, #tpu.memory_space<vmem>>, vector<16xi32>,
          }
        }
        %while3A_457 = arith.constant 1 : i32
        scf.for %while3A_458 = %while3A_455 to %while3A_451 step %while3A_457  : i32 {
          %sub3A = arith.subi %while3A_458, %mul3A_0 : i32
          %mul3A_459 = arith.constant 112 : i32
          %mul3A_460 = arith.muli %sub3A, %mul3A_459 : i32
          %add3A_461 = arith.constant 1 : i32
          %add3A_462 = arith.addi %shift_right_logical3A_447, %add3A_461 : i32
          %while3A_463 = arith.constant 0 : i32
          %while3A_464 = arith.subi %add3A_462, %shift_right_logical3A_445 : i32
          %while3A_465 = arith.addi %shift_right_logical3A_445, %while3A_464 : i32
          %while3A_466 = arith.constant 1 : i32
          %while3A_467 = arith.divsi %while3A_464, %while3A_466 : i32
          %while3A_468 = arith.muli %while3A_467, %while3A_466 : i32
          %while3A_469 = arith.addi %shift_right_logical3A_445, %while3A_468 : i32
          %while3A_470 = arith.constant 1 : i32
          scf.for %while3A_472 = %shift_right_logical3A_445 to %while3A_469 step %while3A_470  : i32 {
            %mul3A_473 = arith.constant 16 : i32
            %mul3A_474 = arith.muli %while3A_472, %mul3A_473 : i32
            %add3A_475 = arith.addi %mul3A_460, %mul3A_474 : i32
            %mul3A_476 = arith.constant 16 : i32
            %mul3A_477 = arith.muli %while3A_472, %mul3A_476 : i32
            %iota3A_478 = tpu.iota {dimensions = array<i32: 0>} : vector<16xi32>
            %add3A_479 = vector.broadcast %mul3A_477 : i32 to vector<16xi32>
            %add3A_480 = arith.addi %add3A_479, %iota3A_478 : vector<16xi32>
            %ge3A = vector.broadcast %squeeze3A_204 : i32 to vector<16xi32>
            %ge3A_481 = arith.cmpi sge, %add3A_480, %ge3A : vector<16xi32>
            %le3A_482 = vector.broadcast %squeeze3A_206 : i32 to vector<16xi32>
            %le3A_483 = arith.cmpi sle, %add3A_480, %le3A_482 : vector<16xi32>
            %and3A_484 = arith.andi %ge3A_481, %le3A_483 : vector<16xi1>
            %get3A_485 = arith.index_cast %add3A_475 : i32 to index
            %get3A_486 = tpu.vector_load %arg24[%get3A_485] {strides = array<i32>} : memref<784xf32, #tpu.memory_space<vmem>>, vector<16xf32>,
            %gt3A = vector.broadcast %squeeze3A_216 : f32 to vector<16xf32>
            %gt3A_487 = arith.cmpf ogt, %gt3A, %get3A_486 : vector<16xf32>
            %and3A_488 = arith.andi %and3A_484, %gt3A_487 : vector<16xi1>
            %broadcast_in_dim3A_489 = vector.broadcast %squeeze3A_216 : f32 to vector<16xf32>
            %select_n3A_490 = arith.select %and3A_488, %broadcast_in_dim3A_489, %get3A_486 : vector<16xi1>, vector<16xf32>
            %swap3A_491 = arith.index_cast %add3A_475 : i32 to index
            %swap3A_492 = tpu.vector_load %arg24[%swap3A_491] {strides = array<i32>} : memref<784xf32, #tpu.memory_space<vmem>>, vector<16xf32>,
            tpu.vector_store %arg24[%swap3A_491], %select_n3A_490 {strides = array<i32>} : memref<784xf32, #tpu.memory_space<vmem>>, vector<16xf32>,
            %get3A_493 = arith.index_cast %add3A_475 : i32 to index
            %get3A_494 = tpu.vector_load %arg25[%get3A_493] {strides = array<i32>} : memref<784xi32, #tpu.memory_space<vmem>>, vector<16xi32>,
            %broadcast_in_dim3A_495 = vector.broadcast %add3A_218 : i32 to vector<16xi32>
            %select_n3A_496 = arith.select %and3A_488, %broadcast_in_dim3A_495, %get3A_494 : vector<16xi1>, vector<16xi32>
            %swap3A_497 = arith.index_cast %add3A_475 : i32 to index
            %swap3A_498 = tpu.vector_load %arg25[%swap3A_497] {strides = array<i32>} : memref<784xi32, #tpu.memory_space<vmem>>, vector<16xi32>,
            tpu.vector_store %arg25[%swap3A_497], %select_n3A_496 {strides = array<i32>} : memref<784xi32, #tpu.memory_space<vmem>>, vector<16xi32>,
          }
          %while3A_471 = arith.constant 1 : i32
          scf.for %while3A_472 = %while3A_469 to %while3A_465 step %while3A_471  : i32 {
            %mul3A_473 = arith.constant 16 : i32
            %mul3A_474 = arith.muli %while3A_472, %mul3A_473 : i32
            %add3A_475 = arith.addi %mul3A_460, %mul3A_474 : i32
            %mul3A_476 = arith.constant 16 : i32
            %mul3A_477 = arith.muli %while3A_472, %mul3A_476 : i32
            %iota3A_478 = tpu.iota {dimensions = array<i32: 0>} : vector<16xi32>
            %add3A_479 = vector.broadcast %mul3A_477 : i32 to vector<16xi32>
            %add3A_480 = arith.addi %add3A_479, %iota3A_478 : vector<16xi32>
            %ge3A = vector.broadcast %squeeze3A_204 : i32 to vector<16xi32>
            %ge3A_481 = arith.cmpi sge, %add3A_480, %ge3A : vector<16xi32>
            %le3A_482 = vector.broadcast %squeeze3A_206 : i32 to vector<16xi32>
            %le3A_483 = arith.cmpi sle, %add3A_480, %le3A_482 : vector<16xi32>
            %and3A_484 = arith.andi %ge3A_481, %le3A_483 : vector<16xi1>
            %get3A_485 = arith.index_cast %add3A_475 : i32 to index
            %get3A_486 = tpu.vector_load %arg24[%get3A_485] {strides = array<i32>} : memref<784xf32, #tpu.memory_space<vmem>>, vector<16xf32>,
            %gt3A = vector.broadcast %squeeze3A_216 : f32 to vector<16xf32>
            %gt3A_487 = arith.cmpf ogt, %gt3A, %get3A_486 : vector<16xf32>
            %and3A_488 = arith.andi %and3A_484, %gt3A_487 : vector<16xi1>
            %broadcast_in_dim3A_489 = vector.broadcast %squeeze3A_216 : f32 to vector<16xf32>
            %select_n3A_490 = arith.select %and3A_488, %broadcast_in_dim3A_489, %get3A_486 : vector<16xi1>, vector<16xf32>
            %swap3A_491 = arith.index_cast %add3A_475 : i32 to index
            %swap3A_492 = tpu.vector_load %arg24[%swap3A_491] {strides = array<i32>} : memref<784xf32, #tpu.memory_space<vmem>>, vector<16xf32>,
            tpu.vector_store %arg24[%swap3A_491], %select_n3A_490 {strides = array<i32>} : memref<784xf32, #tpu.memory_space<vmem>>, vector<16xf32>,
            %get3A_493 = arith.index_cast %add3A_475 : i32 to index
            %get3A_494 = tpu.vector_load %arg25[%get3A_493] {strides = array<i32>} : memref<784xi32, #tpu.memory_space<vmem>>, vector<16xi32>,
            %broadcast_in_dim3A_495 = vector.broadcast %add3A_218 : i32 to vector<16xi32>
            %select_n3A_496 = arith.select %and3A_488, %broadcast_in_dim3A_495, %get3A_494 : vector<16xi1>, vector<16xi32>
            %swap3A_497 = arith.index_cast %add3A_475 : i32 to index
            %swap3A_498 = tpu.vector_load %arg25[%swap3A_497] {strides = array<i32>} : memref<784xi32, #tpu.memory_space<vmem>>, vector<16xi32>,
            tpu.vector_store %arg25[%swap3A_497], %select_n3A_496 {strides = array<i32>} : memref<784xi32, #tpu.memory_space<vmem>>, vector<16xi32>,
          }
        }
      } else {
      }
      %slice3A_225 = vector.extract_strided_slice %get3A_92 {offsets = [6], sizes = [1], strides = [1]} : vector<16xi32> to vector<1xi32>
      %squeeze3A_226 = vector.extract %slice3A_225[0] : i32 from vector<1xi32>
      %slice3A_227 = vector.extract_strided_slice %get3A_94 {offsets = [6], sizes = [1], strides = [1]} : vector<16xi32> to vector<1xi32>
      %squeeze3A_228 = vector.extract %slice3A_227[0] : i32 from vector<1xi32>
      %slice3A_229 = vector.extract_strided_slice %get3A_96 {offsets = [6], sizes = [1], strides = [1]} : vector<16xi32> to vector<1xi32>
      %squeeze3A_230 = vector.extract %slice3A_229[0] : i32 from vector<1xi32>
      %max3A_231 = arith.maxsi %squeeze3A_230, %mul3A_0 : i32
      %slice3A_232 = vector.extract_strided_slice %get3A_98 {offsets = [6], sizes = [1], strides = [1]} : vector<16xi32> to vector<1xi32>
      %squeeze3A_233 = vector.extract %slice3A_232[0] : i32 from vector<1xi32>
      %add3A_234 = arith.constant 6 : i32
      %add3A_235 = arith.addi %mul3A_0, %add3A_234 : i32
      %min3A_236 = arith.minsi %squeeze3A_233, %add3A_235 : i32
      %slice3A_237 = vector.extract_strided_slice %get3A_100 {offsets = [6], sizes = [1], strides = [1]} : vector<16xf32> to vector<1xf32>
      %squeeze3A_238 = vector.extract %slice3A_237[0] : f32 from vector<1xf32>
      %add3A_239 = arith.constant 6 : i32
      %add3A_240 = arith.addi %mul3A_90, %add3A_239 : i32
      %le3A_241 = arith.cmpi sle, %squeeze3A_226, %squeeze3A_228 : i32
      %le3A_242 = arith.cmpi sle, %max3A_231, %min3A_236 : i32
      %and3A_243 = arith.andi %le3A_241, %le3A_242 : i1
      %convert_element_type3A_244 = arith.extui %and3A_243 : i1 to i32
      %cond3A_245 = arith.constant 0 : i32
      %cond3A_246 = arith.cmpi ne, %convert_element_type3A_244, %cond3A_245 : i32
      scf.if %cond3A_246 {
        %shift_right_logical3A = arith.constant 4 : i32
        %shift_right_logical3A_445 = arith.shrui %squeeze3A_226, %shift_right_logical3A : i32
        %shift_right_logical3A_446 = arith.constant 4 : i32
        %shift_right_logical3A_447 = arith.shrui %squeeze3A_228, %shift_right_logical3A_446 : i32
        %add3A_448 = arith.constant 1 : i32
        %add3A_449 = arith.addi %min3A_236, %add3A_448 : i32
        %while3A = arith.constant 0 : i32
        %while3A_450 = arith.subi %add3A_449, %max3A_231 : i32
        %while3A_451 = arith.addi %max3A_231, %while3A_450 : i32
        %while3A_452 = arith.constant 1 : i32
        %while3A_453 = arith.divsi %while3A_450, %while3A_452 : i32
        %while3A_454 = arith.muli %while3A_453, %while3A_452 : i32
        %while3A_455 = arith.addi %max3A_231, %while3A_454 : i32
        %while3A_456 = arith.constant 1 : i32
        scf.for %while3A_458 = %max3A_231 to %while3A_455 step %while3A_456  : i32 {
          %sub3A = arith.subi %while3A_458, %mul3A_0 : i32
          %mul3A_459 = arith.constant 112 : i32
          %mul3A_460 = arith.muli %sub3A, %mul3A_459 : i32
          %add3A_461 = arith.constant 1 : i32
          %add3A_462 = arith.addi %shift_right_logical3A_447, %add3A_461 : i32
          %while3A_463 = arith.constant 0 : i32
          %while3A_464 = arith.subi %add3A_462, %shift_right_logical3A_445 : i32
          %while3A_465 = arith.addi %shift_right_logical3A_445, %while3A_464 : i32
          %while3A_466 = arith.constant 1 : i32
          %while3A_467 = arith.divsi %while3A_464, %while3A_466 : i32
          %while3A_468 = arith.muli %while3A_467, %while3A_466 : i32
          %while3A_469 = arith.addi %shift_right_logical3A_445, %while3A_468 : i32
          %while3A_470 = arith.constant 1 : i32
          scf.for %while3A_472 = %shift_right_logical3A_445 to %while3A_469 step %while3A_470  : i32 {
            %mul3A_473 = arith.constant 16 : i32
            %mul3A_474 = arith.muli %while3A_472, %mul3A_473 : i32
            %add3A_475 = arith.addi %mul3A_460, %mul3A_474 : i32
            %mul3A_476 = arith.constant 16 : i32
            %mul3A_477 = arith.muli %while3A_472, %mul3A_476 : i32
            %iota3A_478 = tpu.iota {dimensions = array<i32: 0>} : vector<16xi32>
            %add3A_479 = vector.broadcast %mul3A_477 : i32 to vector<16xi32>
            %add3A_480 = arith.addi %add3A_479, %iota3A_478 : vector<16xi32>
            %ge3A = vector.broadcast %squeeze3A_226 : i32 to vector<16xi32>
            %ge3A_481 = arith.cmpi sge, %add3A_480, %ge3A : vector<16xi32>
            %le3A_482 = vector.broadcast %squeeze3A_228 : i32 to vector<16xi32>
            %le3A_483 = arith.cmpi sle, %add3A_480, %le3A_482 : vector<16xi32>
            %and3A_484 = arith.andi %ge3A_481, %le3A_483 : vector<16xi1>
            %get3A_485 = arith.index_cast %add3A_475 : i32 to index
            %get3A_486 = tpu.vector_load %arg24[%get3A_485] {strides = array<i32>} : memref<784xf32, #tpu.memory_space<vmem>>, vector<16xf32>,
            %gt3A = vector.broadcast %squeeze3A_238 : f32 to vector<16xf32>
            %gt3A_487 = arith.cmpf ogt, %gt3A, %get3A_486 : vector<16xf32>
            %and3A_488 = arith.andi %and3A_484, %gt3A_487 : vector<16xi1>
            %broadcast_in_dim3A_489 = vector.broadcast %squeeze3A_238 : f32 to vector<16xf32>
            %select_n3A_490 = arith.select %and3A_488, %broadcast_in_dim3A_489, %get3A_486 : vector<16xi1>, vector<16xf32>
            %swap3A_491 = arith.index_cast %add3A_475 : i32 to index
            %swap3A_492 = tpu.vector_load %arg24[%swap3A_491] {strides = array<i32>} : memref<784xf32, #tpu.memory_space<vmem>>, vector<16xf32>,
            tpu.vector_store %arg24[%swap3A_491], %select_n3A_490 {strides = array<i32>} : memref<784xf32, #tpu.memory_space<vmem>>, vector<16xf32>,
            %get3A_493 = arith.index_cast %add3A_475 : i32 to index
            %get3A_494 = tpu.vector_load %arg25[%get3A_493] {strides = array<i32>} : memref<784xi32, #tpu.memory_space<vmem>>, vector<16xi32>,
            %broadcast_in_dim3A_495 = vector.broadcast %add3A_240 : i32 to vector<16xi32>
            %select_n3A_496 = arith.select %and3A_488, %broadcast_in_dim3A_495, %get3A_494 : vector<16xi1>, vector<16xi32>
            %swap3A_497 = arith.index_cast %add3A_475 : i32 to index
            %swap3A_498 = tpu.vector_load %arg25[%swap3A_497] {strides = array<i32>} : memref<784xi32, #tpu.memory_space<vmem>>, vector<16xi32>,
            tpu.vector_store %arg25[%swap3A_497], %select_n3A_496 {strides = array<i32>} : memref<784xi32, #tpu.memory_space<vmem>>, vector<16xi32>,
          }
          %while3A_471 = arith.constant 1 : i32
          scf.for %while3A_472 = %while3A_469 to %while3A_465 step %while3A_471  : i32 {
            %mul3A_473 = arith.constant 16 : i32
            %mul3A_474 = arith.muli %while3A_472, %mul3A_473 : i32
            %add3A_475 = arith.addi %mul3A_460, %mul3A_474 : i32
            %mul3A_476 = arith.constant 16 : i32
            %mul3A_477 = arith.muli %while3A_472, %mul3A_476 : i32
            %iota3A_478 = tpu.iota {dimensions = array<i32: 0>} : vector<16xi32>
            %add3A_479 = vector.broadcast %mul3A_477 : i32 to vector<16xi32>
            %add3A_480 = arith.addi %add3A_479, %iota3A_478 : vector<16xi32>
            %ge3A = vector.broadcast %squeeze3A_226 : i32 to vector<16xi32>
            %ge3A_481 = arith.cmpi sge, %add3A_480, %ge3A : vector<16xi32>
            %le3A_482 = vector.broadcast %squeeze3A_228 : i32 to vector<16xi32>
            %le3A_483 = arith.cmpi sle, %add3A_480, %le3A_482 : vector<16xi32>
            %and3A_484 = arith.andi %ge3A_481, %le3A_483 : vector<16xi1>
            %get3A_485 = arith.index_cast %add3A_475 : i32 to index
            %get3A_486 = tpu.vector_load %arg24[%get3A_485] {strides = array<i32>} : memref<784xf32, #tpu.memory_space<vmem>>, vector<16xf32>,
            %gt3A = vector.broadcast %squeeze3A_238 : f32 to vector<16xf32>
            %gt3A_487 = arith.cmpf ogt, %gt3A, %get3A_486 : vector<16xf32>
            %and3A_488 = arith.andi %and3A_484, %gt3A_487 : vector<16xi1>
            %broadcast_in_dim3A_489 = vector.broadcast %squeeze3A_238 : f32 to vector<16xf32>
            %select_n3A_490 = arith.select %and3A_488, %broadcast_in_dim3A_489, %get3A_486 : vector<16xi1>, vector<16xf32>
            %swap3A_491 = arith.index_cast %add3A_475 : i32 to index
            %swap3A_492 = tpu.vector_load %arg24[%swap3A_491] {strides = array<i32>} : memref<784xf32, #tpu.memory_space<vmem>>, vector<16xf32>,
            tpu.vector_store %arg24[%swap3A_491], %select_n3A_490 {strides = array<i32>} : memref<784xf32, #tpu.memory_space<vmem>>, vector<16xf32>,
            %get3A_493 = arith.index_cast %add3A_475 : i32 to index
            %get3A_494 = tpu.vector_load %arg25[%get3A_493] {strides = array<i32>} : memref<784xi32, #tpu.memory_space<vmem>>, vector<16xi32>,
            %broadcast_in_dim3A_495 = vector.broadcast %add3A_240 : i32 to vector<16xi32>
            %select_n3A_496 = arith.select %and3A_488, %broadcast_in_dim3A_495, %get3A_494 : vector<16xi1>, vector<16xi32>
            %swap3A_497 = arith.index_cast %add3A_475 : i32 to index
            %swap3A_498 = tpu.vector_load %arg25[%swap3A_497] {strides = array<i32>} : memref<784xi32, #tpu.memory_space<vmem>>, vector<16xi32>,
            tpu.vector_store %arg25[%swap3A_497], %select_n3A_496 {strides = array<i32>} : memref<784xi32, #tpu.memory_space<vmem>>, vector<16xi32>,
          }
        }
        %while3A_457 = arith.constant 1 : i32
        scf.for %while3A_458 = %while3A_455 to %while3A_451 step %while3A_457  : i32 {
          %sub3A = arith.subi %while3A_458, %mul3A_0 : i32
          %mul3A_459 = arith.constant 112 : i32
          %mul3A_460 = arith.muli %sub3A, %mul3A_459 : i32
          %add3A_461 = arith.constant 1 : i32
          %add3A_462 = arith.addi %shift_right_logical3A_447, %add3A_461 : i32
          %while3A_463 = arith.constant 0 : i32
          %while3A_464 = arith.subi %add3A_462, %shift_right_logical3A_445 : i32
          %while3A_465 = arith.addi %shift_right_logical3A_445, %while3A_464 : i32
          %while3A_466 = arith.constant 1 : i32
          %while3A_467 = arith.divsi %while3A_464, %while3A_466 : i32
          %while3A_468 = arith.muli %while3A_467, %while3A_466 : i32
          %while3A_469 = arith.addi %shift_right_logical3A_445, %while3A_468 : i32
          %while3A_470 = arith.constant 1 : i32
          scf.for %while3A_472 = %shift_right_logical3A_445 to %while3A_469 step %while3A_470  : i32 {
            %mul3A_473 = arith.constant 16 : i32
            %mul3A_474 = arith.muli %while3A_472, %mul3A_473 : i32
            %add3A_475 = arith.addi %mul3A_460, %mul3A_474 : i32
            %mul3A_476 = arith.constant 16 : i32
            %mul3A_477 = arith.muli %while3A_472, %mul3A_476 : i32
            %iota3A_478 = tpu.iota {dimensions = array<i32: 0>} : vector<16xi32>
            %add3A_479 = vector.broadcast %mul3A_477 : i32 to vector<16xi32>
            %add3A_480 = arith.addi %add3A_479, %iota3A_478 : vector<16xi32>
            %ge3A = vector.broadcast %squeeze3A_226 : i32 to vector<16xi32>
            %ge3A_481 = arith.cmpi sge, %add3A_480, %ge3A : vector<16xi32>
            %le3A_482 = vector.broadcast %squeeze3A_228 : i32 to vector<16xi32>
            %le3A_483 = arith.cmpi sle, %add3A_480, %le3A_482 : vector<16xi32>
            %and3A_484 = arith.andi %ge3A_481, %le3A_483 : vector<16xi1>
            %get3A_485 = arith.index_cast %add3A_475 : i32 to index
            %get3A_486 = tpu.vector_load %arg24[%get3A_485] {strides = array<i32>} : memref<784xf32, #tpu.memory_space<vmem>>, vector<16xf32>,
            %gt3A = vector.broadcast %squeeze3A_238 : f32 to vector<16xf32>
            %gt3A_487 = arith.cmpf ogt, %gt3A, %get3A_486 : vector<16xf32>
            %and3A_488 = arith.andi %and3A_484, %gt3A_487 : vector<16xi1>
            %broadcast_in_dim3A_489 = vector.broadcast %squeeze3A_238 : f32 to vector<16xf32>
            %select_n3A_490 = arith.select %and3A_488, %broadcast_in_dim3A_489, %get3A_486 : vector<16xi1>, vector<16xf32>
            %swap3A_491 = arith.index_cast %add3A_475 : i32 to index
            %swap3A_492 = tpu.vector_load %arg24[%swap3A_491] {strides = array<i32>} : memref<784xf32, #tpu.memory_space<vmem>>, vector<16xf32>,
            tpu.vector_store %arg24[%swap3A_491], %select_n3A_490 {strides = array<i32>} : memref<784xf32, #tpu.memory_space<vmem>>, vector<16xf32>,
            %get3A_493 = arith.index_cast %add3A_475 : i32 to index
            %get3A_494 = tpu.vector_load %arg25[%get3A_493] {strides = array<i32>} : memref<784xi32, #tpu.memory_space<vmem>>, vector<16xi32>,
            %broadcast_in_dim3A_495 = vector.broadcast %add3A_240 : i32 to vector<16xi32>
            %select_n3A_496 = arith.select %and3A_488, %broadcast_in_dim3A_495, %get3A_494 : vector<16xi1>, vector<16xi32>
            %swap3A_497 = arith.index_cast %add3A_475 : i32 to index
            %swap3A_498 = tpu.vector_load %arg25[%swap3A_497] {strides = array<i32>} : memref<784xi32, #tpu.memory_space<vmem>>, vector<16xi32>,
            tpu.vector_store %arg25[%swap3A_497], %select_n3A_496 {strides = array<i32>} : memref<784xi32, #tpu.memory_space<vmem>>, vector<16xi32>,
          }
          %while3A_471 = arith.constant 1 : i32
          scf.for %while3A_472 = %while3A_469 to %while3A_465 step %while3A_471  : i32 {
            %mul3A_473 = arith.constant 16 : i32
            %mul3A_474 = arith.muli %while3A_472, %mul3A_473 : i32
            %add3A_475 = arith.addi %mul3A_460, %mul3A_474 : i32
            %mul3A_476 = arith.constant 16 : i32
            %mul3A_477 = arith.muli %while3A_472, %mul3A_476 : i32
            %iota3A_478 = tpu.iota {dimensions = array<i32: 0>} : vector<16xi32>
            %add3A_479 = vector.broadcast %mul3A_477 : i32 to vector<16xi32>
            %add3A_480 = arith.addi %add3A_479, %iota3A_478 : vector<16xi32>
            %ge3A = vector.broadcast %squeeze3A_226 : i32 to vector<16xi32>
            %ge3A_481 = arith.cmpi sge, %add3A_480, %ge3A : vector<16xi32>
            %le3A_482 = vector.broadcast %squeeze3A_228 : i32 to vector<16xi32>
            %le3A_483 = arith.cmpi sle, %add3A_480, %le3A_482 : vector<16xi32>
            %and3A_484 = arith.andi %ge3A_481, %le3A_483 : vector<16xi1>
            %get3A_485 = arith.index_cast %add3A_475 : i32 to index
            %get3A_486 = tpu.vector_load %arg24[%get3A_485] {strides = array<i32>} : memref<784xf32, #tpu.memory_space<vmem>>, vector<16xf32>,
            %gt3A = vector.broadcast %squeeze3A_238 : f32 to vector<16xf32>
            %gt3A_487 = arith.cmpf ogt, %gt3A, %get3A_486 : vector<16xf32>
            %and3A_488 = arith.andi %and3A_484, %gt3A_487 : vector<16xi1>
            %broadcast_in_dim3A_489 = vector.broadcast %squeeze3A_238 : f32 to vector<16xf32>
            %select_n3A_490 = arith.select %and3A_488, %broadcast_in_dim3A_489, %get3A_486 : vector<16xi1>, vector<16xf32>
            %swap3A_491 = arith.index_cast %add3A_475 : i32 to index
            %swap3A_492 = tpu.vector_load %arg24[%swap3A_491] {strides = array<i32>} : memref<784xf32, #tpu.memory_space<vmem>>, vector<16xf32>,
            tpu.vector_store %arg24[%swap3A_491], %select_n3A_490 {strides = array<i32>} : memref<784xf32, #tpu.memory_space<vmem>>, vector<16xf32>,
            %get3A_493 = arith.index_cast %add3A_475 : i32 to index
            %get3A_494 = tpu.vector_load %arg25[%get3A_493] {strides = array<i32>} : memref<784xi32, #tpu.memory_space<vmem>>, vector<16xi32>,
            %broadcast_in_dim3A_495 = vector.broadcast %add3A_240 : i32 to vector<16xi32>
            %select_n3A_496 = arith.select %and3A_488, %broadcast_in_dim3A_495, %get3A_494 : vector<16xi1>, vector<16xi32>
            %swap3A_497 = arith.index_cast %add3A_475 : i32 to index
            %swap3A_498 = tpu.vector_load %arg25[%swap3A_497] {strides = array<i32>} : memref<784xi32, #tpu.memory_space<vmem>>, vector<16xi32>,
            tpu.vector_store %arg25[%swap3A_497], %select_n3A_496 {strides = array<i32>} : memref<784xi32, #tpu.memory_space<vmem>>, vector<16xi32>,
          }
        }
      } else {
      }
      %slice3A_247 = vector.extract_strided_slice %get3A_92 {offsets = [7], sizes = [1], strides = [1]} : vector<16xi32> to vector<1xi32>
      %squeeze3A_248 = vector.extract %slice3A_247[0] : i32 from vector<1xi32>
      %slice3A_249 = vector.extract_strided_slice %get3A_94 {offsets = [7], sizes = [1], strides = [1]} : vector<16xi32> to vector<1xi32>
      %squeeze3A_250 = vector.extract %slice3A_249[0] : i32 from vector<1xi32>
      %slice3A_251 = vector.extract_strided_slice %get3A_96 {offsets = [7], sizes = [1], strides = [1]} : vector<16xi32> to vector<1xi32>
      %squeeze3A_252 = vector.extract %slice3A_251[0] : i32 from vector<1xi32>
      %max3A_253 = arith.maxsi %squeeze3A_252, %mul3A_0 : i32
      %slice3A_254 = vector.extract_strided_slice %get3A_98 {offsets = [7], sizes = [1], strides = [1]} : vector<16xi32> to vector<1xi32>
      %squeeze3A_255 = vector.extract %slice3A_254[0] : i32 from vector<1xi32>
      %add3A_256 = arith.constant 6 : i32
      %add3A_257 = arith.addi %mul3A_0, %add3A_256 : i32
      %min3A_258 = arith.minsi %squeeze3A_255, %add3A_257 : i32
      %slice3A_259 = vector.extract_strided_slice %get3A_100 {offsets = [7], sizes = [1], strides = [1]} : vector<16xf32> to vector<1xf32>
      %squeeze3A_260 = vector.extract %slice3A_259[0] : f32 from vector<1xf32>
      %add3A_261 = arith.constant 7 : i32
      %add3A_262 = arith.addi %mul3A_90, %add3A_261 : i32
      %le3A_263 = arith.cmpi sle, %squeeze3A_248, %squeeze3A_250 : i32
      %le3A_264 = arith.cmpi sle, %max3A_253, %min3A_258 : i32
      %and3A_265 = arith.andi %le3A_263, %le3A_264 : i1
      %convert_element_type3A_266 = arith.extui %and3A_265 : i1 to i32
      %cond3A_267 = arith.constant 0 : i32
      %cond3A_268 = arith.cmpi ne, %convert_element_type3A_266, %cond3A_267 : i32
      scf.if %cond3A_268 {
        %shift_right_logical3A = arith.constant 4 : i32
        %shift_right_logical3A_445 = arith.shrui %squeeze3A_248, %shift_right_logical3A : i32
        %shift_right_logical3A_446 = arith.constant 4 : i32
        %shift_right_logical3A_447 = arith.shrui %squeeze3A_250, %shift_right_logical3A_446 : i32
        %add3A_448 = arith.constant 1 : i32
        %add3A_449 = arith.addi %min3A_258, %add3A_448 : i32
        %while3A = arith.constant 0 : i32
        %while3A_450 = arith.subi %add3A_449, %max3A_253 : i32
        %while3A_451 = arith.addi %max3A_253, %while3A_450 : i32
        %while3A_452 = arith.constant 1 : i32
        %while3A_453 = arith.divsi %while3A_450, %while3A_452 : i32
        %while3A_454 = arith.muli %while3A_453, %while3A_452 : i32
        %while3A_455 = arith.addi %max3A_253, %while3A_454 : i32
        %while3A_456 = arith.constant 1 : i32
        scf.for %while3A_458 = %max3A_253 to %while3A_455 step %while3A_456  : i32 {
          %sub3A = arith.subi %while3A_458, %mul3A_0 : i32
          %mul3A_459 = arith.constant 112 : i32
          %mul3A_460 = arith.muli %sub3A, %mul3A_459 : i32
          %add3A_461 = arith.constant 1 : i32
          %add3A_462 = arith.addi %shift_right_logical3A_447, %add3A_461 : i32
          %while3A_463 = arith.constant 0 : i32
          %while3A_464 = arith.subi %add3A_462, %shift_right_logical3A_445 : i32
          %while3A_465 = arith.addi %shift_right_logical3A_445, %while3A_464 : i32
          %while3A_466 = arith.constant 1 : i32
          %while3A_467 = arith.divsi %while3A_464, %while3A_466 : i32
          %while3A_468 = arith.muli %while3A_467, %while3A_466 : i32
          %while3A_469 = arith.addi %shift_right_logical3A_445, %while3A_468 : i32
          %while3A_470 = arith.constant 1 : i32
          scf.for %while3A_472 = %shift_right_logical3A_445 to %while3A_469 step %while3A_470  : i32 {
            %mul3A_473 = arith.constant 16 : i32
            %mul3A_474 = arith.muli %while3A_472, %mul3A_473 : i32
            %add3A_475 = arith.addi %mul3A_460, %mul3A_474 : i32
            %mul3A_476 = arith.constant 16 : i32
            %mul3A_477 = arith.muli %while3A_472, %mul3A_476 : i32
            %iota3A_478 = tpu.iota {dimensions = array<i32: 0>} : vector<16xi32>
            %add3A_479 = vector.broadcast %mul3A_477 : i32 to vector<16xi32>
            %add3A_480 = arith.addi %add3A_479, %iota3A_478 : vector<16xi32>
            %ge3A = vector.broadcast %squeeze3A_248 : i32 to vector<16xi32>
            %ge3A_481 = arith.cmpi sge, %add3A_480, %ge3A : vector<16xi32>
            %le3A_482 = vector.broadcast %squeeze3A_250 : i32 to vector<16xi32>
            %le3A_483 = arith.cmpi sle, %add3A_480, %le3A_482 : vector<16xi32>
            %and3A_484 = arith.andi %ge3A_481, %le3A_483 : vector<16xi1>
            %get3A_485 = arith.index_cast %add3A_475 : i32 to index
            %get3A_486 = tpu.vector_load %arg24[%get3A_485] {strides = array<i32>} : memref<784xf32, #tpu.memory_space<vmem>>, vector<16xf32>,
            %gt3A = vector.broadcast %squeeze3A_260 : f32 to vector<16xf32>
            %gt3A_487 = arith.cmpf ogt, %gt3A, %get3A_486 : vector<16xf32>
            %and3A_488 = arith.andi %and3A_484, %gt3A_487 : vector<16xi1>
            %broadcast_in_dim3A_489 = vector.broadcast %squeeze3A_260 : f32 to vector<16xf32>
            %select_n3A_490 = arith.select %and3A_488, %broadcast_in_dim3A_489, %get3A_486 : vector<16xi1>, vector<16xf32>
            %swap3A_491 = arith.index_cast %add3A_475 : i32 to index
            %swap3A_492 = tpu.vector_load %arg24[%swap3A_491] {strides = array<i32>} : memref<784xf32, #tpu.memory_space<vmem>>, vector<16xf32>,
            tpu.vector_store %arg24[%swap3A_491], %select_n3A_490 {strides = array<i32>} : memref<784xf32, #tpu.memory_space<vmem>>, vector<16xf32>,
            %get3A_493 = arith.index_cast %add3A_475 : i32 to index
            %get3A_494 = tpu.vector_load %arg25[%get3A_493] {strides = array<i32>} : memref<784xi32, #tpu.memory_space<vmem>>, vector<16xi32>,
            %broadcast_in_dim3A_495 = vector.broadcast %add3A_262 : i32 to vector<16xi32>
            %select_n3A_496 = arith.select %and3A_488, %broadcast_in_dim3A_495, %get3A_494 : vector<16xi1>, vector<16xi32>
            %swap3A_497 = arith.index_cast %add3A_475 : i32 to index
            %swap3A_498 = tpu.vector_load %arg25[%swap3A_497] {strides = array<i32>} : memref<784xi32, #tpu.memory_space<vmem>>, vector<16xi32>,
            tpu.vector_store %arg25[%swap3A_497], %select_n3A_496 {strides = array<i32>} : memref<784xi32, #tpu.memory_space<vmem>>, vector<16xi32>,
          }
          %while3A_471 = arith.constant 1 : i32
          scf.for %while3A_472 = %while3A_469 to %while3A_465 step %while3A_471  : i32 {
            %mul3A_473 = arith.constant 16 : i32
            %mul3A_474 = arith.muli %while3A_472, %mul3A_473 : i32
            %add3A_475 = arith.addi %mul3A_460, %mul3A_474 : i32
            %mul3A_476 = arith.constant 16 : i32
            %mul3A_477 = arith.muli %while3A_472, %mul3A_476 : i32
            %iota3A_478 = tpu.iota {dimensions = array<i32: 0>} : vector<16xi32>
            %add3A_479 = vector.broadcast %mul3A_477 : i32 to vector<16xi32>
            %add3A_480 = arith.addi %add3A_479, %iota3A_478 : vector<16xi32>
            %ge3A = vector.broadcast %squeeze3A_248 : i32 to vector<16xi32>
            %ge3A_481 = arith.cmpi sge, %add3A_480, %ge3A : vector<16xi32>
            %le3A_482 = vector.broadcast %squeeze3A_250 : i32 to vector<16xi32>
            %le3A_483 = arith.cmpi sle, %add3A_480, %le3A_482 : vector<16xi32>
            %and3A_484 = arith.andi %ge3A_481, %le3A_483 : vector<16xi1>
            %get3A_485 = arith.index_cast %add3A_475 : i32 to index
            %get3A_486 = tpu.vector_load %arg24[%get3A_485] {strides = array<i32>} : memref<784xf32, #tpu.memory_space<vmem>>, vector<16xf32>,
            %gt3A = vector.broadcast %squeeze3A_260 : f32 to vector<16xf32>
            %gt3A_487 = arith.cmpf ogt, %gt3A, %get3A_486 : vector<16xf32>
            %and3A_488 = arith.andi %and3A_484, %gt3A_487 : vector<16xi1>
            %broadcast_in_dim3A_489 = vector.broadcast %squeeze3A_260 : f32 to vector<16xf32>
            %select_n3A_490 = arith.select %and3A_488, %broadcast_in_dim3A_489, %get3A_486 : vector<16xi1>, vector<16xf32>
            %swap3A_491 = arith.index_cast %add3A_475 : i32 to index
            %swap3A_492 = tpu.vector_load %arg24[%swap3A_491] {strides = array<i32>} : memref<784xf32, #tpu.memory_space<vmem>>, vector<16xf32>,
            tpu.vector_store %arg24[%swap3A_491], %select_n3A_490 {strides = array<i32>} : memref<784xf32, #tpu.memory_space<vmem>>, vector<16xf32>,
            %get3A_493 = arith.index_cast %add3A_475 : i32 to index
            %get3A_494 = tpu.vector_load %arg25[%get3A_493] {strides = array<i32>} : memref<784xi32, #tpu.memory_space<vmem>>, vector<16xi32>,
            %broadcast_in_dim3A_495 = vector.broadcast %add3A_262 : i32 to vector<16xi32>
            %select_n3A_496 = arith.select %and3A_488, %broadcast_in_dim3A_495, %get3A_494 : vector<16xi1>, vector<16xi32>
            %swap3A_497 = arith.index_cast %add3A_475 : i32 to index
            %swap3A_498 = tpu.vector_load %arg25[%swap3A_497] {strides = array<i32>} : memref<784xi32, #tpu.memory_space<vmem>>, vector<16xi32>,
            tpu.vector_store %arg25[%swap3A_497], %select_n3A_496 {strides = array<i32>} : memref<784xi32, #tpu.memory_space<vmem>>, vector<16xi32>,
          }
        }
        %while3A_457 = arith.constant 1 : i32
        scf.for %while3A_458 = %while3A_455 to %while3A_451 step %while3A_457  : i32 {
          %sub3A = arith.subi %while3A_458, %mul3A_0 : i32
          %mul3A_459 = arith.constant 112 : i32
          %mul3A_460 = arith.muli %sub3A, %mul3A_459 : i32
          %add3A_461 = arith.constant 1 : i32
          %add3A_462 = arith.addi %shift_right_logical3A_447, %add3A_461 : i32
          %while3A_463 = arith.constant 0 : i32
          %while3A_464 = arith.subi %add3A_462, %shift_right_logical3A_445 : i32
          %while3A_465 = arith.addi %shift_right_logical3A_445, %while3A_464 : i32
          %while3A_466 = arith.constant 1 : i32
          %while3A_467 = arith.divsi %while3A_464, %while3A_466 : i32
          %while3A_468 = arith.muli %while3A_467, %while3A_466 : i32
          %while3A_469 = arith.addi %shift_right_logical3A_445, %while3A_468 : i32
          %while3A_470 = arith.constant 1 : i32
          scf.for %while3A_472 = %shift_right_logical3A_445 to %while3A_469 step %while3A_470  : i32 {
            %mul3A_473 = arith.constant 16 : i32
            %mul3A_474 = arith.muli %while3A_472, %mul3A_473 : i32
            %add3A_475 = arith.addi %mul3A_460, %mul3A_474 : i32
            %mul3A_476 = arith.constant 16 : i32
            %mul3A_477 = arith.muli %while3A_472, %mul3A_476 : i32
            %iota3A_478 = tpu.iota {dimensions = array<i32: 0>} : vector<16xi32>
            %add3A_479 = vector.broadcast %mul3A_477 : i32 to vector<16xi32>
            %add3A_480 = arith.addi %add3A_479, %iota3A_478 : vector<16xi32>
            %ge3A = vector.broadcast %squeeze3A_248 : i32 to vector<16xi32>
            %ge3A_481 = arith.cmpi sge, %add3A_480, %ge3A : vector<16xi32>
            %le3A_482 = vector.broadcast %squeeze3A_250 : i32 to vector<16xi32>
            %le3A_483 = arith.cmpi sle, %add3A_480, %le3A_482 : vector<16xi32>
            %and3A_484 = arith.andi %ge3A_481, %le3A_483 : vector<16xi1>
            %get3A_485 = arith.index_cast %add3A_475 : i32 to index
            %get3A_486 = tpu.vector_load %arg24[%get3A_485] {strides = array<i32>} : memref<784xf32, #tpu.memory_space<vmem>>, vector<16xf32>,
            %gt3A = vector.broadcast %squeeze3A_260 : f32 to vector<16xf32>
            %gt3A_487 = arith.cmpf ogt, %gt3A, %get3A_486 : vector<16xf32>
            %and3A_488 = arith.andi %and3A_484, %gt3A_487 : vector<16xi1>
            %broadcast_in_dim3A_489 = vector.broadcast %squeeze3A_260 : f32 to vector<16xf32>
            %select_n3A_490 = arith.select %and3A_488, %broadcast_in_dim3A_489, %get3A_486 : vector<16xi1>, vector<16xf32>
            %swap3A_491 = arith.index_cast %add3A_475 : i32 to index
            %swap3A_492 = tpu.vector_load %arg24[%swap3A_491] {strides = array<i32>} : memref<784xf32, #tpu.memory_space<vmem>>, vector<16xf32>,
            tpu.vector_store %arg24[%swap3A_491], %select_n3A_490 {strides = array<i32>} : memref<784xf32, #tpu.memory_space<vmem>>, vector<16xf32>,
            %get3A_493 = arith.index_cast %add3A_475 : i32 to index
            %get3A_494 = tpu.vector_load %arg25[%get3A_493] {strides = array<i32>} : memref<784xi32, #tpu.memory_space<vmem>>, vector<16xi32>,
            %broadcast_in_dim3A_495 = vector.broadcast %add3A_262 : i32 to vector<16xi32>
            %select_n3A_496 = arith.select %and3A_488, %broadcast_in_dim3A_495, %get3A_494 : vector<16xi1>, vector<16xi32>
            %swap3A_497 = arith.index_cast %add3A_475 : i32 to index
            %swap3A_498 = tpu.vector_load %arg25[%swap3A_497] {strides = array<i32>} : memref<784xi32, #tpu.memory_space<vmem>>, vector<16xi32>,
            tpu.vector_store %arg25[%swap3A_497], %select_n3A_496 {strides = array<i32>} : memref<784xi32, #tpu.memory_space<vmem>>, vector<16xi32>,
          }
          %while3A_471 = arith.constant 1 : i32
          scf.for %while3A_472 = %while3A_469 to %while3A_465 step %while3A_471  : i32 {
            %mul3A_473 = arith.constant 16 : i32
            %mul3A_474 = arith.muli %while3A_472, %mul3A_473 : i32
            %add3A_475 = arith.addi %mul3A_460, %mul3A_474 : i32
            %mul3A_476 = arith.constant 16 : i32
            %mul3A_477 = arith.muli %while3A_472, %mul3A_476 : i32
            %iota3A_478 = tpu.iota {dimensions = array<i32: 0>} : vector<16xi32>
            %add3A_479 = vector.broadcast %mul3A_477 : i32 to vector<16xi32>
            %add3A_480 = arith.addi %add3A_479, %iota3A_478 : vector<16xi32>
            %ge3A = vector.broadcast %squeeze3A_248 : i32 to vector<16xi32>
            %ge3A_481 = arith.cmpi sge, %add3A_480, %ge3A : vector<16xi32>
            %le3A_482 = vector.broadcast %squeeze3A_250 : i32 to vector<16xi32>
            %le3A_483 = arith.cmpi sle, %add3A_480, %le3A_482 : vector<16xi32>
            %and3A_484 = arith.andi %ge3A_481, %le3A_483 : vector<16xi1>
            %get3A_485 = arith.index_cast %add3A_475 : i32 to index
            %get3A_486 = tpu.vector_load %arg24[%get3A_485] {strides = array<i32>} : memref<784xf32, #tpu.memory_space<vmem>>, vector<16xf32>,
            %gt3A = vector.broadcast %squeeze3A_260 : f32 to vector<16xf32>
            %gt3A_487 = arith.cmpf ogt, %gt3A, %get3A_486 : vector<16xf32>
            %and3A_488 = arith.andi %and3A_484, %gt3A_487 : vector<16xi1>
            %broadcast_in_dim3A_489 = vector.broadcast %squeeze3A_260 : f32 to vector<16xf32>
            %select_n3A_490 = arith.select %and3A_488, %broadcast_in_dim3A_489, %get3A_486 : vector<16xi1>, vector<16xf32>
            %swap3A_491 = arith.index_cast %add3A_475 : i32 to index
            %swap3A_492 = tpu.vector_load %arg24[%swap3A_491] {strides = array<i32>} : memref<784xf32, #tpu.memory_space<vmem>>, vector<16xf32>,
            tpu.vector_store %arg24[%swap3A_491], %select_n3A_490 {strides = array<i32>} : memref<784xf32, #tpu.memory_space<vmem>>, vector<16xf32>,
            %get3A_493 = arith.index_cast %add3A_475 : i32 to index
            %get3A_494 = tpu.vector_load %arg25[%get3A_493] {strides = array<i32>} : memref<784xi32, #tpu.memory_space<vmem>>, vector<16xi32>,
            %broadcast_in_dim3A_495 = vector.broadcast %add3A_262 : i32 to vector<16xi32>
            %select_n3A_496 = arith.select %and3A_488, %broadcast_in_dim3A_495, %get3A_494 : vector<16xi1>, vector<16xi32>
            %swap3A_497 = arith.index_cast %add3A_475 : i32 to index
            %swap3A_498 = tpu.vector_load %arg25[%swap3A_497] {strides = array<i32>} : memref<784xi32, #tpu.memory_space<vmem>>, vector<16xi32>,
            tpu.vector_store %arg25[%swap3A_497], %select_n3A_496 {strides = array<i32>} : memref<784xi32, #tpu.memory_space<vmem>>, vector<16xi32>,
          }
        }
      } else {
      }
      %slice3A_269 = vector.extract_strided_slice %get3A_92 {offsets = [8], sizes = [1], strides = [1]} : vector<16xi32> to vector<1xi32>
      %squeeze3A_270 = vector.extract %slice3A_269[0] : i32 from vector<1xi32>
      %slice3A_271 = vector.extract_strided_slice %get3A_94 {offsets = [8], sizes = [1], strides = [1]} : vector<16xi32> to vector<1xi32>
      %squeeze3A_272 = vector.extract %slice3A_271[0] : i32 from vector<1xi32>
      %slice3A_273 = vector.extract_strided_slice %get3A_96 {offsets = [8], sizes = [1], strides = [1]} : vector<16xi32> to vector<1xi32>
      %squeeze3A_274 = vector.extract %slice3A_273[0] : i32 from vector<1xi32>
      %max3A_275 = arith.maxsi %squeeze3A_274, %mul3A_0 : i32
      %slice3A_276 = vector.extract_strided_slice %get3A_98 {offsets = [8], sizes = [1], strides = [1]} : vector<16xi32> to vector<1xi32>
      %squeeze3A_277 = vector.extract %slice3A_276[0] : i32 from vector<1xi32>
      %add3A_278 = arith.constant 6 : i32
      %add3A_279 = arith.addi %mul3A_0, %add3A_278 : i32
      %min3A_280 = arith.minsi %squeeze3A_277, %add3A_279 : i32
      %slice3A_281 = vector.extract_strided_slice %get3A_100 {offsets = [8], sizes = [1], strides = [1]} : vector<16xf32> to vector<1xf32>
      %squeeze3A_282 = vector.extract %slice3A_281[0] : f32 from vector<1xf32>
      %add3A_283 = arith.constant 8 : i32
      %add3A_284 = arith.addi %mul3A_90, %add3A_283 : i32
      %le3A_285 = arith.cmpi sle, %squeeze3A_270, %squeeze3A_272 : i32
      %le3A_286 = arith.cmpi sle, %max3A_275, %min3A_280 : i32
      %and3A_287 = arith.andi %le3A_285, %le3A_286 : i1
      %convert_element_type3A_288 = arith.extui %and3A_287 : i1 to i32
      %cond3A_289 = arith.constant 0 : i32
      %cond3A_290 = arith.cmpi ne, %convert_element_type3A_288, %cond3A_289 : i32
      scf.if %cond3A_290 {
        %shift_right_logical3A = arith.constant 4 : i32
        %shift_right_logical3A_445 = arith.shrui %squeeze3A_270, %shift_right_logical3A : i32
        %shift_right_logical3A_446 = arith.constant 4 : i32
        %shift_right_logical3A_447 = arith.shrui %squeeze3A_272, %shift_right_logical3A_446 : i32
        %add3A_448 = arith.constant 1 : i32
        %add3A_449 = arith.addi %min3A_280, %add3A_448 : i32
        %while3A = arith.constant 0 : i32
        %while3A_450 = arith.subi %add3A_449, %max3A_275 : i32
        %while3A_451 = arith.addi %max3A_275, %while3A_450 : i32
        %while3A_452 = arith.constant 1 : i32
        %while3A_453 = arith.divsi %while3A_450, %while3A_452 : i32
        %while3A_454 = arith.muli %while3A_453, %while3A_452 : i32
        %while3A_455 = arith.addi %max3A_275, %while3A_454 : i32
        %while3A_456 = arith.constant 1 : i32
        scf.for %while3A_458 = %max3A_275 to %while3A_455 step %while3A_456  : i32 {
          %sub3A = arith.subi %while3A_458, %mul3A_0 : i32
          %mul3A_459 = arith.constant 112 : i32
          %mul3A_460 = arith.muli %sub3A, %mul3A_459 : i32
          %add3A_461 = arith.constant 1 : i32
          %add3A_462 = arith.addi %shift_right_logical3A_447, %add3A_461 : i32
          %while3A_463 = arith.constant 0 : i32
          %while3A_464 = arith.subi %add3A_462, %shift_right_logical3A_445 : i32
          %while3A_465 = arith.addi %shift_right_logical3A_445, %while3A_464 : i32
          %while3A_466 = arith.constant 1 : i32
          %while3A_467 = arith.divsi %while3A_464, %while3A_466 : i32
          %while3A_468 = arith.muli %while3A_467, %while3A_466 : i32
          %while3A_469 = arith.addi %shift_right_logical3A_445, %while3A_468 : i32
          %while3A_470 = arith.constant 1 : i32
          scf.for %while3A_472 = %shift_right_logical3A_445 to %while3A_469 step %while3A_470  : i32 {
            %mul3A_473 = arith.constant 16 : i32
            %mul3A_474 = arith.muli %while3A_472, %mul3A_473 : i32
            %add3A_475 = arith.addi %mul3A_460, %mul3A_474 : i32
            %mul3A_476 = arith.constant 16 : i32
            %mul3A_477 = arith.muli %while3A_472, %mul3A_476 : i32
            %iota3A_478 = tpu.iota {dimensions = array<i32: 0>} : vector<16xi32>
            %add3A_479 = vector.broadcast %mul3A_477 : i32 to vector<16xi32>
            %add3A_480 = arith.addi %add3A_479, %iota3A_478 : vector<16xi32>
            %ge3A = vector.broadcast %squeeze3A_270 : i32 to vector<16xi32>
            %ge3A_481 = arith.cmpi sge, %add3A_480, %ge3A : vector<16xi32>
            %le3A_482 = vector.broadcast %squeeze3A_272 : i32 to vector<16xi32>
            %le3A_483 = arith.cmpi sle, %add3A_480, %le3A_482 : vector<16xi32>
            %and3A_484 = arith.andi %ge3A_481, %le3A_483 : vector<16xi1>
            %get3A_485 = arith.index_cast %add3A_475 : i32 to index
            %get3A_486 = tpu.vector_load %arg24[%get3A_485] {strides = array<i32>} : memref<784xf32, #tpu.memory_space<vmem>>, vector<16xf32>,
            %gt3A = vector.broadcast %squeeze3A_282 : f32 to vector<16xf32>
            %gt3A_487 = arith.cmpf ogt, %gt3A, %get3A_486 : vector<16xf32>
            %and3A_488 = arith.andi %and3A_484, %gt3A_487 : vector<16xi1>
            %broadcast_in_dim3A_489 = vector.broadcast %squeeze3A_282 : f32 to vector<16xf32>
            %select_n3A_490 = arith.select %and3A_488, %broadcast_in_dim3A_489, %get3A_486 : vector<16xi1>, vector<16xf32>
            %swap3A_491 = arith.index_cast %add3A_475 : i32 to index
            %swap3A_492 = tpu.vector_load %arg24[%swap3A_491] {strides = array<i32>} : memref<784xf32, #tpu.memory_space<vmem>>, vector<16xf32>,
            tpu.vector_store %arg24[%swap3A_491], %select_n3A_490 {strides = array<i32>} : memref<784xf32, #tpu.memory_space<vmem>>, vector<16xf32>,
            %get3A_493 = arith.index_cast %add3A_475 : i32 to index
            %get3A_494 = tpu.vector_load %arg25[%get3A_493] {strides = array<i32>} : memref<784xi32, #tpu.memory_space<vmem>>, vector<16xi32>,
            %broadcast_in_dim3A_495 = vector.broadcast %add3A_284 : i32 to vector<16xi32>
            %select_n3A_496 = arith.select %and3A_488, %broadcast_in_dim3A_495, %get3A_494 : vector<16xi1>, vector<16xi32>
            %swap3A_497 = arith.index_cast %add3A_475 : i32 to index
            %swap3A_498 = tpu.vector_load %arg25[%swap3A_497] {strides = array<i32>} : memref<784xi32, #tpu.memory_space<vmem>>, vector<16xi32>,
            tpu.vector_store %arg25[%swap3A_497], %select_n3A_496 {strides = array<i32>} : memref<784xi32, #tpu.memory_space<vmem>>, vector<16xi32>,
          }
          %while3A_471 = arith.constant 1 : i32
          scf.for %while3A_472 = %while3A_469 to %while3A_465 step %while3A_471  : i32 {
            %mul3A_473 = arith.constant 16 : i32
            %mul3A_474 = arith.muli %while3A_472, %mul3A_473 : i32
            %add3A_475 = arith.addi %mul3A_460, %mul3A_474 : i32
            %mul3A_476 = arith.constant 16 : i32
            %mul3A_477 = arith.muli %while3A_472, %mul3A_476 : i32
            %iota3A_478 = tpu.iota {dimensions = array<i32: 0>} : vector<16xi32>
            %add3A_479 = vector.broadcast %mul3A_477 : i32 to vector<16xi32>
            %add3A_480 = arith.addi %add3A_479, %iota3A_478 : vector<16xi32>
            %ge3A = vector.broadcast %squeeze3A_270 : i32 to vector<16xi32>
            %ge3A_481 = arith.cmpi sge, %add3A_480, %ge3A : vector<16xi32>
            %le3A_482 = vector.broadcast %squeeze3A_272 : i32 to vector<16xi32>
            %le3A_483 = arith.cmpi sle, %add3A_480, %le3A_482 : vector<16xi32>
            %and3A_484 = arith.andi %ge3A_481, %le3A_483 : vector<16xi1>
            %get3A_485 = arith.index_cast %add3A_475 : i32 to index
            %get3A_486 = tpu.vector_load %arg24[%get3A_485] {strides = array<i32>} : memref<784xf32, #tpu.memory_space<vmem>>, vector<16xf32>,
            %gt3A = vector.broadcast %squeeze3A_282 : f32 to vector<16xf32>
            %gt3A_487 = arith.cmpf ogt, %gt3A, %get3A_486 : vector<16xf32>
            %and3A_488 = arith.andi %and3A_484, %gt3A_487 : vector<16xi1>
            %broadcast_in_dim3A_489 = vector.broadcast %squeeze3A_282 : f32 to vector<16xf32>
            %select_n3A_490 = arith.select %and3A_488, %broadcast_in_dim3A_489, %get3A_486 : vector<16xi1>, vector<16xf32>
            %swap3A_491 = arith.index_cast %add3A_475 : i32 to index
            %swap3A_492 = tpu.vector_load %arg24[%swap3A_491] {strides = array<i32>} : memref<784xf32, #tpu.memory_space<vmem>>, vector<16xf32>,
            tpu.vector_store %arg24[%swap3A_491], %select_n3A_490 {strides = array<i32>} : memref<784xf32, #tpu.memory_space<vmem>>, vector<16xf32>,
            %get3A_493 = arith.index_cast %add3A_475 : i32 to index
            %get3A_494 = tpu.vector_load %arg25[%get3A_493] {strides = array<i32>} : memref<784xi32, #tpu.memory_space<vmem>>, vector<16xi32>,
            %broadcast_in_dim3A_495 = vector.broadcast %add3A_284 : i32 to vector<16xi32>
            %select_n3A_496 = arith.select %and3A_488, %broadcast_in_dim3A_495, %get3A_494 : vector<16xi1>, vector<16xi32>
            %swap3A_497 = arith.index_cast %add3A_475 : i32 to index
            %swap3A_498 = tpu.vector_load %arg25[%swap3A_497] {strides = array<i32>} : memref<784xi32, #tpu.memory_space<vmem>>, vector<16xi32>,
            tpu.vector_store %arg25[%swap3A_497], %select_n3A_496 {strides = array<i32>} : memref<784xi32, #tpu.memory_space<vmem>>, vector<16xi32>,
          }
        }
        %while3A_457 = arith.constant 1 : i32
        scf.for %while3A_458 = %while3A_455 to %while3A_451 step %while3A_457  : i32 {
          %sub3A = arith.subi %while3A_458, %mul3A_0 : i32
          %mul3A_459 = arith.constant 112 : i32
          %mul3A_460 = arith.muli %sub3A, %mul3A_459 : i32
          %add3A_461 = arith.constant 1 : i32
          %add3A_462 = arith.addi %shift_right_logical3A_447, %add3A_461 : i32
          %while3A_463 = arith.constant 0 : i32
          %while3A_464 = arith.subi %add3A_462, %shift_right_logical3A_445 : i32
          %while3A_465 = arith.addi %shift_right_logical3A_445, %while3A_464 : i32
          %while3A_466 = arith.constant 1 : i32
          %while3A_467 = arith.divsi %while3A_464, %while3A_466 : i32
          %while3A_468 = arith.muli %while3A_467, %while3A_466 : i32
          %while3A_469 = arith.addi %shift_right_logical3A_445, %while3A_468 : i32
          %while3A_470 = arith.constant 1 : i32
          scf.for %while3A_472 = %shift_right_logical3A_445 to %while3A_469 step %while3A_470  : i32 {
            %mul3A_473 = arith.constant 16 : i32
            %mul3A_474 = arith.muli %while3A_472, %mul3A_473 : i32
            %add3A_475 = arith.addi %mul3A_460, %mul3A_474 : i32
            %mul3A_476 = arith.constant 16 : i32
            %mul3A_477 = arith.muli %while3A_472, %mul3A_476 : i32
            %iota3A_478 = tpu.iota {dimensions = array<i32: 0>} : vector<16xi32>
            %add3A_479 = vector.broadcast %mul3A_477 : i32 to vector<16xi32>
            %add3A_480 = arith.addi %add3A_479, %iota3A_478 : vector<16xi32>
            %ge3A = vector.broadcast %squeeze3A_270 : i32 to vector<16xi32>
            %ge3A_481 = arith.cmpi sge, %add3A_480, %ge3A : vector<16xi32>
            %le3A_482 = vector.broadcast %squeeze3A_272 : i32 to vector<16xi32>
            %le3A_483 = arith.cmpi sle, %add3A_480, %le3A_482 : vector<16xi32>
            %and3A_484 = arith.andi %ge3A_481, %le3A_483 : vector<16xi1>
            %get3A_485 = arith.index_cast %add3A_475 : i32 to index
            %get3A_486 = tpu.vector_load %arg24[%get3A_485] {strides = array<i32>} : memref<784xf32, #tpu.memory_space<vmem>>, vector<16xf32>,
            %gt3A = vector.broadcast %squeeze3A_282 : f32 to vector<16xf32>
            %gt3A_487 = arith.cmpf ogt, %gt3A, %get3A_486 : vector<16xf32>
            %and3A_488 = arith.andi %and3A_484, %gt3A_487 : vector<16xi1>
            %broadcast_in_dim3A_489 = vector.broadcast %squeeze3A_282 : f32 to vector<16xf32>
            %select_n3A_490 = arith.select %and3A_488, %broadcast_in_dim3A_489, %get3A_486 : vector<16xi1>, vector<16xf32>
            %swap3A_491 = arith.index_cast %add3A_475 : i32 to index
            %swap3A_492 = tpu.vector_load %arg24[%swap3A_491] {strides = array<i32>} : memref<784xf32, #tpu.memory_space<vmem>>, vector<16xf32>,
            tpu.vector_store %arg24[%swap3A_491], %select_n3A_490 {strides = array<i32>} : memref<784xf32, #tpu.memory_space<vmem>>, vector<16xf32>,
            %get3A_493 = arith.index_cast %add3A_475 : i32 to index
            %get3A_494 = tpu.vector_load %arg25[%get3A_493] {strides = array<i32>} : memref<784xi32, #tpu.memory_space<vmem>>, vector<16xi32>,
            %broadcast_in_dim3A_495 = vector.broadcast %add3A_284 : i32 to vector<16xi32>
            %select_n3A_496 = arith.select %and3A_488, %broadcast_in_dim3A_495, %get3A_494 : vector<16xi1>, vector<16xi32>
            %swap3A_497 = arith.index_cast %add3A_475 : i32 to index
            %swap3A_498 = tpu.vector_load %arg25[%swap3A_497] {strides = array<i32>} : memref<784xi32, #tpu.memory_space<vmem>>, vector<16xi32>,
            tpu.vector_store %arg25[%swap3A_497], %select_n3A_496 {strides = array<i32>} : memref<784xi32, #tpu.memory_space<vmem>>, vector<16xi32>,
          }
          %while3A_471 = arith.constant 1 : i32
          scf.for %while3A_472 = %while3A_469 to %while3A_465 step %while3A_471  : i32 {
            %mul3A_473 = arith.constant 16 : i32
            %mul3A_474 = arith.muli %while3A_472, %mul3A_473 : i32
            %add3A_475 = arith.addi %mul3A_460, %mul3A_474 : i32
            %mul3A_476 = arith.constant 16 : i32
            %mul3A_477 = arith.muli %while3A_472, %mul3A_476 : i32
            %iota3A_478 = tpu.iota {dimensions = array<i32: 0>} : vector<16xi32>
            %add3A_479 = vector.broadcast %mul3A_477 : i32 to vector<16xi32>
            %add3A_480 = arith.addi %add3A_479, %iota3A_478 : vector<16xi32>
            %ge3A = vector.broadcast %squeeze3A_270 : i32 to vector<16xi32>
            %ge3A_481 = arith.cmpi sge, %add3A_480, %ge3A : vector<16xi32>
            %le3A_482 = vector.broadcast %squeeze3A_272 : i32 to vector<16xi32>
            %le3A_483 = arith.cmpi sle, %add3A_480, %le3A_482 : vector<16xi32>
            %and3A_484 = arith.andi %ge3A_481, %le3A_483 : vector<16xi1>
            %get3A_485 = arith.index_cast %add3A_475 : i32 to index
            %get3A_486 = tpu.vector_load %arg24[%get3A_485] {strides = array<i32>} : memref<784xf32, #tpu.memory_space<vmem>>, vector<16xf32>,
            %gt3A = vector.broadcast %squeeze3A_282 : f32 to vector<16xf32>
            %gt3A_487 = arith.cmpf ogt, %gt3A, %get3A_486 : vector<16xf32>
            %and3A_488 = arith.andi %and3A_484, %gt3A_487 : vector<16xi1>
            %broadcast_in_dim3A_489 = vector.broadcast %squeeze3A_282 : f32 to vector<16xf32>
            %select_n3A_490 = arith.select %and3A_488, %broadcast_in_dim3A_489, %get3A_486 : vector<16xi1>, vector<16xf32>
            %swap3A_491 = arith.index_cast %add3A_475 : i32 to index
            %swap3A_492 = tpu.vector_load %arg24[%swap3A_491] {strides = array<i32>} : memref<784xf32, #tpu.memory_space<vmem>>, vector<16xf32>,
            tpu.vector_store %arg24[%swap3A_491], %select_n3A_490 {strides = array<i32>} : memref<784xf32, #tpu.memory_space<vmem>>, vector<16xf32>,
            %get3A_493 = arith.index_cast %add3A_475 : i32 to index
            %get3A_494 = tpu.vector_load %arg25[%get3A_493] {strides = array<i32>} : memref<784xi32, #tpu.memory_space<vmem>>, vector<16xi32>,
            %broadcast_in_dim3A_495 = vector.broadcast %add3A_284 : i32 to vector<16xi32>
            %select_n3A_496 = arith.select %and3A_488, %broadcast_in_dim3A_495, %get3A_494 : vector<16xi1>, vector<16xi32>
            %swap3A_497 = arith.index_cast %add3A_475 : i32 to index
            %swap3A_498 = tpu.vector_load %arg25[%swap3A_497] {strides = array<i32>} : memref<784xi32, #tpu.memory_space<vmem>>, vector<16xi32>,
            tpu.vector_store %arg25[%swap3A_497], %select_n3A_496 {strides = array<i32>} : memref<784xi32, #tpu.memory_space<vmem>>, vector<16xi32>,
          }
        }
      } else {
      }
      %slice3A_291 = vector.extract_strided_slice %get3A_92 {offsets = [9], sizes = [1], strides = [1]} : vector<16xi32> to vector<1xi32>
      %squeeze3A_292 = vector.extract %slice3A_291[0] : i32 from vector<1xi32>
      %slice3A_293 = vector.extract_strided_slice %get3A_94 {offsets = [9], sizes = [1], strides = [1]} : vector<16xi32> to vector<1xi32>
      %squeeze3A_294 = vector.extract %slice3A_293[0] : i32 from vector<1xi32>
      %slice3A_295 = vector.extract_strided_slice %get3A_96 {offsets = [9], sizes = [1], strides = [1]} : vector<16xi32> to vector<1xi32>
      %squeeze3A_296 = vector.extract %slice3A_295[0] : i32 from vector<1xi32>
      %max3A_297 = arith.maxsi %squeeze3A_296, %mul3A_0 : i32
      %slice3A_298 = vector.extract_strided_slice %get3A_98 {offsets = [9], sizes = [1], strides = [1]} : vector<16xi32> to vector<1xi32>
      %squeeze3A_299 = vector.extract %slice3A_298[0] : i32 from vector<1xi32>
      %add3A_300 = arith.constant 6 : i32
      %add3A_301 = arith.addi %mul3A_0, %add3A_300 : i32
      %min3A_302 = arith.minsi %squeeze3A_299, %add3A_301 : i32
      %slice3A_303 = vector.extract_strided_slice %get3A_100 {offsets = [9], sizes = [1], strides = [1]} : vector<16xf32> to vector<1xf32>
      %squeeze3A_304 = vector.extract %slice3A_303[0] : f32 from vector<1xf32>
      %add3A_305 = arith.constant 9 : i32
      %add3A_306 = arith.addi %mul3A_90, %add3A_305 : i32
      %le3A_307 = arith.cmpi sle, %squeeze3A_292, %squeeze3A_294 : i32
      %le3A_308 = arith.cmpi sle, %max3A_297, %min3A_302 : i32
      %and3A_309 = arith.andi %le3A_307, %le3A_308 : i1
      %convert_element_type3A_310 = arith.extui %and3A_309 : i1 to i32
      %cond3A_311 = arith.constant 0 : i32
      %cond3A_312 = arith.cmpi ne, %convert_element_type3A_310, %cond3A_311 : i32
      scf.if %cond3A_312 {
        %shift_right_logical3A = arith.constant 4 : i32
        %shift_right_logical3A_445 = arith.shrui %squeeze3A_292, %shift_right_logical3A : i32
        %shift_right_logical3A_446 = arith.constant 4 : i32
        %shift_right_logical3A_447 = arith.shrui %squeeze3A_294, %shift_right_logical3A_446 : i32
        %add3A_448 = arith.constant 1 : i32
        %add3A_449 = arith.addi %min3A_302, %add3A_448 : i32
        %while3A = arith.constant 0 : i32
        %while3A_450 = arith.subi %add3A_449, %max3A_297 : i32
        %while3A_451 = arith.addi %max3A_297, %while3A_450 : i32
        %while3A_452 = arith.constant 1 : i32
        %while3A_453 = arith.divsi %while3A_450, %while3A_452 : i32
        %while3A_454 = arith.muli %while3A_453, %while3A_452 : i32
        %while3A_455 = arith.addi %max3A_297, %while3A_454 : i32
        %while3A_456 = arith.constant 1 : i32
        scf.for %while3A_458 = %max3A_297 to %while3A_455 step %while3A_456  : i32 {
          %sub3A = arith.subi %while3A_458, %mul3A_0 : i32
          %mul3A_459 = arith.constant 112 : i32
          %mul3A_460 = arith.muli %sub3A, %mul3A_459 : i32
          %add3A_461 = arith.constant 1 : i32
          %add3A_462 = arith.addi %shift_right_logical3A_447, %add3A_461 : i32
          %while3A_463 = arith.constant 0 : i32
          %while3A_464 = arith.subi %add3A_462, %shift_right_logical3A_445 : i32
          %while3A_465 = arith.addi %shift_right_logical3A_445, %while3A_464 : i32
          %while3A_466 = arith.constant 1 : i32
          %while3A_467 = arith.divsi %while3A_464, %while3A_466 : i32
          %while3A_468 = arith.muli %while3A_467, %while3A_466 : i32
          %while3A_469 = arith.addi %shift_right_logical3A_445, %while3A_468 : i32
          %while3A_470 = arith.constant 1 : i32
          scf.for %while3A_472 = %shift_right_logical3A_445 to %while3A_469 step %while3A_470  : i32 {
            %mul3A_473 = arith.constant 16 : i32
            %mul3A_474 = arith.muli %while3A_472, %mul3A_473 : i32
            %add3A_475 = arith.addi %mul3A_460, %mul3A_474 : i32
            %mul3A_476 = arith.constant 16 : i32
            %mul3A_477 = arith.muli %while3A_472, %mul3A_476 : i32
            %iota3A_478 = tpu.iota {dimensions = array<i32: 0>} : vector<16xi32>
            %add3A_479 = vector.broadcast %mul3A_477 : i32 to vector<16xi32>
            %add3A_480 = arith.addi %add3A_479, %iota3A_478 : vector<16xi32>
            %ge3A = vector.broadcast %squeeze3A_292 : i32 to vector<16xi32>
            %ge3A_481 = arith.cmpi sge, %add3A_480, %ge3A : vector<16xi32>
            %le3A_482 = vector.broadcast %squeeze3A_294 : i32 to vector<16xi32>
            %le3A_483 = arith.cmpi sle, %add3A_480, %le3A_482 : vector<16xi32>
            %and3A_484 = arith.andi %ge3A_481, %le3A_483 : vector<16xi1>
            %get3A_485 = arith.index_cast %add3A_475 : i32 to index
            %get3A_486 = tpu.vector_load %arg24[%get3A_485] {strides = array<i32>} : memref<784xf32, #tpu.memory_space<vmem>>, vector<16xf32>,
            %gt3A = vector.broadcast %squeeze3A_304 : f32 to vector<16xf32>
            %gt3A_487 = arith.cmpf ogt, %gt3A, %get3A_486 : vector<16xf32>
            %and3A_488 = arith.andi %and3A_484, %gt3A_487 : vector<16xi1>
            %broadcast_in_dim3A_489 = vector.broadcast %squeeze3A_304 : f32 to vector<16xf32>
            %select_n3A_490 = arith.select %and3A_488, %broadcast_in_dim3A_489, %get3A_486 : vector<16xi1>, vector<16xf32>
            %swap3A_491 = arith.index_cast %add3A_475 : i32 to index
            %swap3A_492 = tpu.vector_load %arg24[%swap3A_491] {strides = array<i32>} : memref<784xf32, #tpu.memory_space<vmem>>, vector<16xf32>,
            tpu.vector_store %arg24[%swap3A_491], %select_n3A_490 {strides = array<i32>} : memref<784xf32, #tpu.memory_space<vmem>>, vector<16xf32>,
            %get3A_493 = arith.index_cast %add3A_475 : i32 to index
            %get3A_494 = tpu.vector_load %arg25[%get3A_493] {strides = array<i32>} : memref<784xi32, #tpu.memory_space<vmem>>, vector<16xi32>,
            %broadcast_in_dim3A_495 = vector.broadcast %add3A_306 : i32 to vector<16xi32>
            %select_n3A_496 = arith.select %and3A_488, %broadcast_in_dim3A_495, %get3A_494 : vector<16xi1>, vector<16xi32>
            %swap3A_497 = arith.index_cast %add3A_475 : i32 to index
            %swap3A_498 = tpu.vector_load %arg25[%swap3A_497] {strides = array<i32>} : memref<784xi32, #tpu.memory_space<vmem>>, vector<16xi32>,
            tpu.vector_store %arg25[%swap3A_497], %select_n3A_496 {strides = array<i32>} : memref<784xi32, #tpu.memory_space<vmem>>, vector<16xi32>,
          }
          %while3A_471 = arith.constant 1 : i32
          scf.for %while3A_472 = %while3A_469 to %while3A_465 step %while3A_471  : i32 {
            %mul3A_473 = arith.constant 16 : i32
            %mul3A_474 = arith.muli %while3A_472, %mul3A_473 : i32
            %add3A_475 = arith.addi %mul3A_460, %mul3A_474 : i32
            %mul3A_476 = arith.constant 16 : i32
            %mul3A_477 = arith.muli %while3A_472, %mul3A_476 : i32
            %iota3A_478 = tpu.iota {dimensions = array<i32: 0>} : vector<16xi32>
            %add3A_479 = vector.broadcast %mul3A_477 : i32 to vector<16xi32>
            %add3A_480 = arith.addi %add3A_479, %iota3A_478 : vector<16xi32>
            %ge3A = vector.broadcast %squeeze3A_292 : i32 to vector<16xi32>
            %ge3A_481 = arith.cmpi sge, %add3A_480, %ge3A : vector<16xi32>
            %le3A_482 = vector.broadcast %squeeze3A_294 : i32 to vector<16xi32>
            %le3A_483 = arith.cmpi sle, %add3A_480, %le3A_482 : vector<16xi32>
            %and3A_484 = arith.andi %ge3A_481, %le3A_483 : vector<16xi1>
            %get3A_485 = arith.index_cast %add3A_475 : i32 to index
            %get3A_486 = tpu.vector_load %arg24[%get3A_485] {strides = array<i32>} : memref<784xf32, #tpu.memory_space<vmem>>, vector<16xf32>,
            %gt3A = vector.broadcast %squeeze3A_304 : f32 to vector<16xf32>
            %gt3A_487 = arith.cmpf ogt, %gt3A, %get3A_486 : vector<16xf32>
            %and3A_488 = arith.andi %and3A_484, %gt3A_487 : vector<16xi1>
            %broadcast_in_dim3A_489 = vector.broadcast %squeeze3A_304 : f32 to vector<16xf32>
            %select_n3A_490 = arith.select %and3A_488, %broadcast_in_dim3A_489, %get3A_486 : vector<16xi1>, vector<16xf32>
            %swap3A_491 = arith.index_cast %add3A_475 : i32 to index
            %swap3A_492 = tpu.vector_load %arg24[%swap3A_491] {strides = array<i32>} : memref<784xf32, #tpu.memory_space<vmem>>, vector<16xf32>,
            tpu.vector_store %arg24[%swap3A_491], %select_n3A_490 {strides = array<i32>} : memref<784xf32, #tpu.memory_space<vmem>>, vector<16xf32>,
            %get3A_493 = arith.index_cast %add3A_475 : i32 to index
            %get3A_494 = tpu.vector_load %arg25[%get3A_493] {strides = array<i32>} : memref<784xi32, #tpu.memory_space<vmem>>, vector<16xi32>,
            %broadcast_in_dim3A_495 = vector.broadcast %add3A_306 : i32 to vector<16xi32>
            %select_n3A_496 = arith.select %and3A_488, %broadcast_in_dim3A_495, %get3A_494 : vector<16xi1>, vector<16xi32>
            %swap3A_497 = arith.index_cast %add3A_475 : i32 to index
            %swap3A_498 = tpu.vector_load %arg25[%swap3A_497] {strides = array<i32>} : memref<784xi32, #tpu.memory_space<vmem>>, vector<16xi32>,
            tpu.vector_store %arg25[%swap3A_497], %select_n3A_496 {strides = array<i32>} : memref<784xi32, #tpu.memory_space<vmem>>, vector<16xi32>,
          }
        }
        %while3A_457 = arith.constant 1 : i32
        scf.for %while3A_458 = %while3A_455 to %while3A_451 step %while3A_457  : i32 {
          %sub3A = arith.subi %while3A_458, %mul3A_0 : i32
          %mul3A_459 = arith.constant 112 : i32
          %mul3A_460 = arith.muli %sub3A, %mul3A_459 : i32
          %add3A_461 = arith.constant 1 : i32
          %add3A_462 = arith.addi %shift_right_logical3A_447, %add3A_461 : i32
          %while3A_463 = arith.constant 0 : i32
          %while3A_464 = arith.subi %add3A_462, %shift_right_logical3A_445 : i32
          %while3A_465 = arith.addi %shift_right_logical3A_445, %while3A_464 : i32
          %while3A_466 = arith.constant 1 : i32
          %while3A_467 = arith.divsi %while3A_464, %while3A_466 : i32
          %while3A_468 = arith.muli %while3A_467, %while3A_466 : i32
          %while3A_469 = arith.addi %shift_right_logical3A_445, %while3A_468 : i32
          %while3A_470 = arith.constant 1 : i32
          scf.for %while3A_472 = %shift_right_logical3A_445 to %while3A_469 step %while3A_470  : i32 {
            %mul3A_473 = arith.constant 16 : i32
            %mul3A_474 = arith.muli %while3A_472, %mul3A_473 : i32
            %add3A_475 = arith.addi %mul3A_460, %mul3A_474 : i32
            %mul3A_476 = arith.constant 16 : i32
            %mul3A_477 = arith.muli %while3A_472, %mul3A_476 : i32
            %iota3A_478 = tpu.iota {dimensions = array<i32: 0>} : vector<16xi32>
            %add3A_479 = vector.broadcast %mul3A_477 : i32 to vector<16xi32>
            %add3A_480 = arith.addi %add3A_479, %iota3A_478 : vector<16xi32>
            %ge3A = vector.broadcast %squeeze3A_292 : i32 to vector<16xi32>
            %ge3A_481 = arith.cmpi sge, %add3A_480, %ge3A : vector<16xi32>
            %le3A_482 = vector.broadcast %squeeze3A_294 : i32 to vector<16xi32>
            %le3A_483 = arith.cmpi sle, %add3A_480, %le3A_482 : vector<16xi32>
            %and3A_484 = arith.andi %ge3A_481, %le3A_483 : vector<16xi1>
            %get3A_485 = arith.index_cast %add3A_475 : i32 to index
            %get3A_486 = tpu.vector_load %arg24[%get3A_485] {strides = array<i32>} : memref<784xf32, #tpu.memory_space<vmem>>, vector<16xf32>,
            %gt3A = vector.broadcast %squeeze3A_304 : f32 to vector<16xf32>
            %gt3A_487 = arith.cmpf ogt, %gt3A, %get3A_486 : vector<16xf32>
            %and3A_488 = arith.andi %and3A_484, %gt3A_487 : vector<16xi1>
            %broadcast_in_dim3A_489 = vector.broadcast %squeeze3A_304 : f32 to vector<16xf32>
            %select_n3A_490 = arith.select %and3A_488, %broadcast_in_dim3A_489, %get3A_486 : vector<16xi1>, vector<16xf32>
            %swap3A_491 = arith.index_cast %add3A_475 : i32 to index
            %swap3A_492 = tpu.vector_load %arg24[%swap3A_491] {strides = array<i32>} : memref<784xf32, #tpu.memory_space<vmem>>, vector<16xf32>,
            tpu.vector_store %arg24[%swap3A_491], %select_n3A_490 {strides = array<i32>} : memref<784xf32, #tpu.memory_space<vmem>>, vector<16xf32>,
            %get3A_493 = arith.index_cast %add3A_475 : i32 to index
            %get3A_494 = tpu.vector_load %arg25[%get3A_493] {strides = array<i32>} : memref<784xi32, #tpu.memory_space<vmem>>, vector<16xi32>,
            %broadcast_in_dim3A_495 = vector.broadcast %add3A_306 : i32 to vector<16xi32>
            %select_n3A_496 = arith.select %and3A_488, %broadcast_in_dim3A_495, %get3A_494 : vector<16xi1>, vector<16xi32>
            %swap3A_497 = arith.index_cast %add3A_475 : i32 to index
            %swap3A_498 = tpu.vector_load %arg25[%swap3A_497] {strides = array<i32>} : memref<784xi32, #tpu.memory_space<vmem>>, vector<16xi32>,
            tpu.vector_store %arg25[%swap3A_497], %select_n3A_496 {strides = array<i32>} : memref<784xi32, #tpu.memory_space<vmem>>, vector<16xi32>,
          }
          %while3A_471 = arith.constant 1 : i32
          scf.for %while3A_472 = %while3A_469 to %while3A_465 step %while3A_471  : i32 {
            %mul3A_473 = arith.constant 16 : i32
            %mul3A_474 = arith.muli %while3A_472, %mul3A_473 : i32
            %add3A_475 = arith.addi %mul3A_460, %mul3A_474 : i32
            %mul3A_476 = arith.constant 16 : i32
            %mul3A_477 = arith.muli %while3A_472, %mul3A_476 : i32
            %iota3A_478 = tpu.iota {dimensions = array<i32: 0>} : vector<16xi32>
            %add3A_479 = vector.broadcast %mul3A_477 : i32 to vector<16xi32>
            %add3A_480 = arith.addi %add3A_479, %iota3A_478 : vector<16xi32>
            %ge3A = vector.broadcast %squeeze3A_292 : i32 to vector<16xi32>
            %ge3A_481 = arith.cmpi sge, %add3A_480, %ge3A : vector<16xi32>
            %le3A_482 = vector.broadcast %squeeze3A_294 : i32 to vector<16xi32>
            %le3A_483 = arith.cmpi sle, %add3A_480, %le3A_482 : vector<16xi32>
            %and3A_484 = arith.andi %ge3A_481, %le3A_483 : vector<16xi1>
            %get3A_485 = arith.index_cast %add3A_475 : i32 to index
            %get3A_486 = tpu.vector_load %arg24[%get3A_485] {strides = array<i32>} : memref<784xf32, #tpu.memory_space<vmem>>, vector<16xf32>,
            %gt3A = vector.broadcast %squeeze3A_304 : f32 to vector<16xf32>
            %gt3A_487 = arith.cmpf ogt, %gt3A, %get3A_486 : vector<16xf32>
            %and3A_488 = arith.andi %and3A_484, %gt3A_487 : vector<16xi1>
            %broadcast_in_dim3A_489 = vector.broadcast %squeeze3A_304 : f32 to vector<16xf32>
            %select_n3A_490 = arith.select %and3A_488, %broadcast_in_dim3A_489, %get3A_486 : vector<16xi1>, vector<16xf32>
            %swap3A_491 = arith.index_cast %add3A_475 : i32 to index
            %swap3A_492 = tpu.vector_load %arg24[%swap3A_491] {strides = array<i32>} : memref<784xf32, #tpu.memory_space<vmem>>, vector<16xf32>,
            tpu.vector_store %arg24[%swap3A_491], %select_n3A_490 {strides = array<i32>} : memref<784xf32, #tpu.memory_space<vmem>>, vector<16xf32>,
            %get3A_493 = arith.index_cast %add3A_475 : i32 to index
            %get3A_494 = tpu.vector_load %arg25[%get3A_493] {strides = array<i32>} : memref<784xi32, #tpu.memory_space<vmem>>, vector<16xi32>,
            %broadcast_in_dim3A_495 = vector.broadcast %add3A_306 : i32 to vector<16xi32>
            %select_n3A_496 = arith.select %and3A_488, %broadcast_in_dim3A_495, %get3A_494 : vector<16xi1>, vector<16xi32>
            %swap3A_497 = arith.index_cast %add3A_475 : i32 to index
            %swap3A_498 = tpu.vector_load %arg25[%swap3A_497] {strides = array<i32>} : memref<784xi32, #tpu.memory_space<vmem>>, vector<16xi32>,
            tpu.vector_store %arg25[%swap3A_497], %select_n3A_496 {strides = array<i32>} : memref<784xi32, #tpu.memory_space<vmem>>, vector<16xi32>,
          }
        }
      } else {
      }
      %slice3A_313 = vector.extract_strided_slice %get3A_92 {offsets = [10], sizes = [1], strides = [1]} : vector<16xi32> to vector<1xi32>
      %squeeze3A_314 = vector.extract %slice3A_313[0] : i32 from vector<1xi32>
      %slice3A_315 = vector.extract_strided_slice %get3A_94 {offsets = [10], sizes = [1], strides = [1]} : vector<16xi32> to vector<1xi32>
      %squeeze3A_316 = vector.extract %slice3A_315[0] : i32 from vector<1xi32>
      %slice3A_317 = vector.extract_strided_slice %get3A_96 {offsets = [10], sizes = [1], strides = [1]} : vector<16xi32> to vector<1xi32>
      %squeeze3A_318 = vector.extract %slice3A_317[0] : i32 from vector<1xi32>
      %max3A_319 = arith.maxsi %squeeze3A_318, %mul3A_0 : i32
      %slice3A_320 = vector.extract_strided_slice %get3A_98 {offsets = [10], sizes = [1], strides = [1]} : vector<16xi32> to vector<1xi32>
      %squeeze3A_321 = vector.extract %slice3A_320[0] : i32 from vector<1xi32>
      %add3A_322 = arith.constant 6 : i32
      %add3A_323 = arith.addi %mul3A_0, %add3A_322 : i32
      %min3A_324 = arith.minsi %squeeze3A_321, %add3A_323 : i32
      %slice3A_325 = vector.extract_strided_slice %get3A_100 {offsets = [10], sizes = [1], strides = [1]} : vector<16xf32> to vector<1xf32>
      %squeeze3A_326 = vector.extract %slice3A_325[0] : f32 from vector<1xf32>
      %add3A_327 = arith.constant 10 : i32
      %add3A_328 = arith.addi %mul3A_90, %add3A_327 : i32
      %le3A_329 = arith.cmpi sle, %squeeze3A_314, %squeeze3A_316 : i32
      %le3A_330 = arith.cmpi sle, %max3A_319, %min3A_324 : i32
      %and3A_331 = arith.andi %le3A_329, %le3A_330 : i1
      %convert_element_type3A_332 = arith.extui %and3A_331 : i1 to i32
      %cond3A_333 = arith.constant 0 : i32
      %cond3A_334 = arith.cmpi ne, %convert_element_type3A_332, %cond3A_333 : i32
      scf.if %cond3A_334 {
        %shift_right_logical3A = arith.constant 4 : i32
        %shift_right_logical3A_445 = arith.shrui %squeeze3A_314, %shift_right_logical3A : i32
        %shift_right_logical3A_446 = arith.constant 4 : i32
        %shift_right_logical3A_447 = arith.shrui %squeeze3A_316, %shift_right_logical3A_446 : i32
        %add3A_448 = arith.constant 1 : i32
        %add3A_449 = arith.addi %min3A_324, %add3A_448 : i32
        %while3A = arith.constant 0 : i32
        %while3A_450 = arith.subi %add3A_449, %max3A_319 : i32
        %while3A_451 = arith.addi %max3A_319, %while3A_450 : i32
        %while3A_452 = arith.constant 1 : i32
        %while3A_453 = arith.divsi %while3A_450, %while3A_452 : i32
        %while3A_454 = arith.muli %while3A_453, %while3A_452 : i32
        %while3A_455 = arith.addi %max3A_319, %while3A_454 : i32
        %while3A_456 = arith.constant 1 : i32
        scf.for %while3A_458 = %max3A_319 to %while3A_455 step %while3A_456  : i32 {
          %sub3A = arith.subi %while3A_458, %mul3A_0 : i32
          %mul3A_459 = arith.constant 112 : i32
          %mul3A_460 = arith.muli %sub3A, %mul3A_459 : i32
          %add3A_461 = arith.constant 1 : i32
          %add3A_462 = arith.addi %shift_right_logical3A_447, %add3A_461 : i32
          %while3A_463 = arith.constant 0 : i32
          %while3A_464 = arith.subi %add3A_462, %shift_right_logical3A_445 : i32
          %while3A_465 = arith.addi %shift_right_logical3A_445, %while3A_464 : i32
          %while3A_466 = arith.constant 1 : i32
          %while3A_467 = arith.divsi %while3A_464, %while3A_466 : i32
          %while3A_468 = arith.muli %while3A_467, %while3A_466 : i32
          %while3A_469 = arith.addi %shift_right_logical3A_445, %while3A_468 : i32
          %while3A_470 = arith.constant 1 : i32
          scf.for %while3A_472 = %shift_right_logical3A_445 to %while3A_469 step %while3A_470  : i32 {
            %mul3A_473 = arith.constant 16 : i32
            %mul3A_474 = arith.muli %while3A_472, %mul3A_473 : i32
            %add3A_475 = arith.addi %mul3A_460, %mul3A_474 : i32
            %mul3A_476 = arith.constant 16 : i32
            %mul3A_477 = arith.muli %while3A_472, %mul3A_476 : i32
            %iota3A_478 = tpu.iota {dimensions = array<i32: 0>} : vector<16xi32>
            %add3A_479 = vector.broadcast %mul3A_477 : i32 to vector<16xi32>
            %add3A_480 = arith.addi %add3A_479, %iota3A_478 : vector<16xi32>
            %ge3A = vector.broadcast %squeeze3A_314 : i32 to vector<16xi32>
            %ge3A_481 = arith.cmpi sge, %add3A_480, %ge3A : vector<16xi32>
            %le3A_482 = vector.broadcast %squeeze3A_316 : i32 to vector<16xi32>
            %le3A_483 = arith.cmpi sle, %add3A_480, %le3A_482 : vector<16xi32>
            %and3A_484 = arith.andi %ge3A_481, %le3A_483 : vector<16xi1>
            %get3A_485 = arith.index_cast %add3A_475 : i32 to index
            %get3A_486 = tpu.vector_load %arg24[%get3A_485] {strides = array<i32>} : memref<784xf32, #tpu.memory_space<vmem>>, vector<16xf32>,
            %gt3A = vector.broadcast %squeeze3A_326 : f32 to vector<16xf32>
            %gt3A_487 = arith.cmpf ogt, %gt3A, %get3A_486 : vector<16xf32>
            %and3A_488 = arith.andi %and3A_484, %gt3A_487 : vector<16xi1>
            %broadcast_in_dim3A_489 = vector.broadcast %squeeze3A_326 : f32 to vector<16xf32>
            %select_n3A_490 = arith.select %and3A_488, %broadcast_in_dim3A_489, %get3A_486 : vector<16xi1>, vector<16xf32>
            %swap3A_491 = arith.index_cast %add3A_475 : i32 to index
            %swap3A_492 = tpu.vector_load %arg24[%swap3A_491] {strides = array<i32>} : memref<784xf32, #tpu.memory_space<vmem>>, vector<16xf32>,
            tpu.vector_store %arg24[%swap3A_491], %select_n3A_490 {strides = array<i32>} : memref<784xf32, #tpu.memory_space<vmem>>, vector<16xf32>,
            %get3A_493 = arith.index_cast %add3A_475 : i32 to index
            %get3A_494 = tpu.vector_load %arg25[%get3A_493] {strides = array<i32>} : memref<784xi32, #tpu.memory_space<vmem>>, vector<16xi32>,
            %broadcast_in_dim3A_495 = vector.broadcast %add3A_328 : i32 to vector<16xi32>
            %select_n3A_496 = arith.select %and3A_488, %broadcast_in_dim3A_495, %get3A_494 : vector<16xi1>, vector<16xi32>
            %swap3A_497 = arith.index_cast %add3A_475 : i32 to index
            %swap3A_498 = tpu.vector_load %arg25[%swap3A_497] {strides = array<i32>} : memref<784xi32, #tpu.memory_space<vmem>>, vector<16xi32>,
            tpu.vector_store %arg25[%swap3A_497], %select_n3A_496 {strides = array<i32>} : memref<784xi32, #tpu.memory_space<vmem>>, vector<16xi32>,
          }
          %while3A_471 = arith.constant 1 : i32
          scf.for %while3A_472 = %while3A_469 to %while3A_465 step %while3A_471  : i32 {
            %mul3A_473 = arith.constant 16 : i32
            %mul3A_474 = arith.muli %while3A_472, %mul3A_473 : i32
            %add3A_475 = arith.addi %mul3A_460, %mul3A_474 : i32
            %mul3A_476 = arith.constant 16 : i32
            %mul3A_477 = arith.muli %while3A_472, %mul3A_476 : i32
            %iota3A_478 = tpu.iota {dimensions = array<i32: 0>} : vector<16xi32>
            %add3A_479 = vector.broadcast %mul3A_477 : i32 to vector<16xi32>
            %add3A_480 = arith.addi %add3A_479, %iota3A_478 : vector<16xi32>
            %ge3A = vector.broadcast %squeeze3A_314 : i32 to vector<16xi32>
            %ge3A_481 = arith.cmpi sge, %add3A_480, %ge3A : vector<16xi32>
            %le3A_482 = vector.broadcast %squeeze3A_316 : i32 to vector<16xi32>
            %le3A_483 = arith.cmpi sle, %add3A_480, %le3A_482 : vector<16xi32>
            %and3A_484 = arith.andi %ge3A_481, %le3A_483 : vector<16xi1>
            %get3A_485 = arith.index_cast %add3A_475 : i32 to index
            %get3A_486 = tpu.vector_load %arg24[%get3A_485] {strides = array<i32>} : memref<784xf32, #tpu.memory_space<vmem>>, vector<16xf32>,
            %gt3A = vector.broadcast %squeeze3A_326 : f32 to vector<16xf32>
            %gt3A_487 = arith.cmpf ogt, %gt3A, %get3A_486 : vector<16xf32>
            %and3A_488 = arith.andi %and3A_484, %gt3A_487 : vector<16xi1>
            %broadcast_in_dim3A_489 = vector.broadcast %squeeze3A_326 : f32 to vector<16xf32>
            %select_n3A_490 = arith.select %and3A_488, %broadcast_in_dim3A_489, %get3A_486 : vector<16xi1>, vector<16xf32>
            %swap3A_491 = arith.index_cast %add3A_475 : i32 to index
            %swap3A_492 = tpu.vector_load %arg24[%swap3A_491] {strides = array<i32>} : memref<784xf32, #tpu.memory_space<vmem>>, vector<16xf32>,
            tpu.vector_store %arg24[%swap3A_491], %select_n3A_490 {strides = array<i32>} : memref<784xf32, #tpu.memory_space<vmem>>, vector<16xf32>,
            %get3A_493 = arith.index_cast %add3A_475 : i32 to index
            %get3A_494 = tpu.vector_load %arg25[%get3A_493] {strides = array<i32>} : memref<784xi32, #tpu.memory_space<vmem>>, vector<16xi32>,
            %broadcast_in_dim3A_495 = vector.broadcast %add3A_328 : i32 to vector<16xi32>
            %select_n3A_496 = arith.select %and3A_488, %broadcast_in_dim3A_495, %get3A_494 : vector<16xi1>, vector<16xi32>
            %swap3A_497 = arith.index_cast %add3A_475 : i32 to index
            %swap3A_498 = tpu.vector_load %arg25[%swap3A_497] {strides = array<i32>} : memref<784xi32, #tpu.memory_space<vmem>>, vector<16xi32>,
            tpu.vector_store %arg25[%swap3A_497], %select_n3A_496 {strides = array<i32>} : memref<784xi32, #tpu.memory_space<vmem>>, vector<16xi32>,
          }
        }
        %while3A_457 = arith.constant 1 : i32
        scf.for %while3A_458 = %while3A_455 to %while3A_451 step %while3A_457  : i32 {
          %sub3A = arith.subi %while3A_458, %mul3A_0 : i32
          %mul3A_459 = arith.constant 112 : i32
          %mul3A_460 = arith.muli %sub3A, %mul3A_459 : i32
          %add3A_461 = arith.constant 1 : i32
          %add3A_462 = arith.addi %shift_right_logical3A_447, %add3A_461 : i32
          %while3A_463 = arith.constant 0 : i32
          %while3A_464 = arith.subi %add3A_462, %shift_right_logical3A_445 : i32
          %while3A_465 = arith.addi %shift_right_logical3A_445, %while3A_464 : i32
          %while3A_466 = arith.constant 1 : i32
          %while3A_467 = arith.divsi %while3A_464, %while3A_466 : i32
          %while3A_468 = arith.muli %while3A_467, %while3A_466 : i32
          %while3A_469 = arith.addi %shift_right_logical3A_445, %while3A_468 : i32
          %while3A_470 = arith.constant 1 : i32
          scf.for %while3A_472 = %shift_right_logical3A_445 to %while3A_469 step %while3A_470  : i32 {
            %mul3A_473 = arith.constant 16 : i32
            %mul3A_474 = arith.muli %while3A_472, %mul3A_473 : i32
            %add3A_475 = arith.addi %mul3A_460, %mul3A_474 : i32
            %mul3A_476 = arith.constant 16 : i32
            %mul3A_477 = arith.muli %while3A_472, %mul3A_476 : i32
            %iota3A_478 = tpu.iota {dimensions = array<i32: 0>} : vector<16xi32>
            %add3A_479 = vector.broadcast %mul3A_477 : i32 to vector<16xi32>
            %add3A_480 = arith.addi %add3A_479, %iota3A_478 : vector<16xi32>
            %ge3A = vector.broadcast %squeeze3A_314 : i32 to vector<16xi32>
            %ge3A_481 = arith.cmpi sge, %add3A_480, %ge3A : vector<16xi32>
            %le3A_482 = vector.broadcast %squeeze3A_316 : i32 to vector<16xi32>
            %le3A_483 = arith.cmpi sle, %add3A_480, %le3A_482 : vector<16xi32>
            %and3A_484 = arith.andi %ge3A_481, %le3A_483 : vector<16xi1>
            %get3A_485 = arith.index_cast %add3A_475 : i32 to index
            %get3A_486 = tpu.vector_load %arg24[%get3A_485] {strides = array<i32>} : memref<784xf32, #tpu.memory_space<vmem>>, vector<16xf32>,
            %gt3A = vector.broadcast %squeeze3A_326 : f32 to vector<16xf32>
            %gt3A_487 = arith.cmpf ogt, %gt3A, %get3A_486 : vector<16xf32>
            %and3A_488 = arith.andi %and3A_484, %gt3A_487 : vector<16xi1>
            %broadcast_in_dim3A_489 = vector.broadcast %squeeze3A_326 : f32 to vector<16xf32>
            %select_n3A_490 = arith.select %and3A_488, %broadcast_in_dim3A_489, %get3A_486 : vector<16xi1>, vector<16xf32>
            %swap3A_491 = arith.index_cast %add3A_475 : i32 to index
            %swap3A_492 = tpu.vector_load %arg24[%swap3A_491] {strides = array<i32>} : memref<784xf32, #tpu.memory_space<vmem>>, vector<16xf32>,
            tpu.vector_store %arg24[%swap3A_491], %select_n3A_490 {strides = array<i32>} : memref<784xf32, #tpu.memory_space<vmem>>, vector<16xf32>,
            %get3A_493 = arith.index_cast %add3A_475 : i32 to index
            %get3A_494 = tpu.vector_load %arg25[%get3A_493] {strides = array<i32>} : memref<784xi32, #tpu.memory_space<vmem>>, vector<16xi32>,
            %broadcast_in_dim3A_495 = vector.broadcast %add3A_328 : i32 to vector<16xi32>
            %select_n3A_496 = arith.select %and3A_488, %broadcast_in_dim3A_495, %get3A_494 : vector<16xi1>, vector<16xi32>
            %swap3A_497 = arith.index_cast %add3A_475 : i32 to index
            %swap3A_498 = tpu.vector_load %arg25[%swap3A_497] {strides = array<i32>} : memref<784xi32, #tpu.memory_space<vmem>>, vector<16xi32>,
            tpu.vector_store %arg25[%swap3A_497], %select_n3A_496 {strides = array<i32>} : memref<784xi32, #tpu.memory_space<vmem>>, vector<16xi32>,
          }
          %while3A_471 = arith.constant 1 : i32
          scf.for %while3A_472 = %while3A_469 to %while3A_465 step %while3A_471  : i32 {
            %mul3A_473 = arith.constant 16 : i32
            %mul3A_474 = arith.muli %while3A_472, %mul3A_473 : i32
            %add3A_475 = arith.addi %mul3A_460, %mul3A_474 : i32
            %mul3A_476 = arith.constant 16 : i32
            %mul3A_477 = arith.muli %while3A_472, %mul3A_476 : i32
            %iota3A_478 = tpu.iota {dimensions = array<i32: 0>} : vector<16xi32>
            %add3A_479 = vector.broadcast %mul3A_477 : i32 to vector<16xi32>
            %add3A_480 = arith.addi %add3A_479, %iota3A_478 : vector<16xi32>
            %ge3A = vector.broadcast %squeeze3A_314 : i32 to vector<16xi32>
            %ge3A_481 = arith.cmpi sge, %add3A_480, %ge3A : vector<16xi32>
            %le3A_482 = vector.broadcast %squeeze3A_316 : i32 to vector<16xi32>
            %le3A_483 = arith.cmpi sle, %add3A_480, %le3A_482 : vector<16xi32>
            %and3A_484 = arith.andi %ge3A_481, %le3A_483 : vector<16xi1>
            %get3A_485 = arith.index_cast %add3A_475 : i32 to index
            %get3A_486 = tpu.vector_load %arg24[%get3A_485] {strides = array<i32>} : memref<784xf32, #tpu.memory_space<vmem>>, vector<16xf32>,
            %gt3A = vector.broadcast %squeeze3A_326 : f32 to vector<16xf32>
            %gt3A_487 = arith.cmpf ogt, %gt3A, %get3A_486 : vector<16xf32>
            %and3A_488 = arith.andi %and3A_484, %gt3A_487 : vector<16xi1>
            %broadcast_in_dim3A_489 = vector.broadcast %squeeze3A_326 : f32 to vector<16xf32>
            %select_n3A_490 = arith.select %and3A_488, %broadcast_in_dim3A_489, %get3A_486 : vector<16xi1>, vector<16xf32>
            %swap3A_491 = arith.index_cast %add3A_475 : i32 to index
            %swap3A_492 = tpu.vector_load %arg24[%swap3A_491] {strides = array<i32>} : memref<784xf32, #tpu.memory_space<vmem>>, vector<16xf32>,
            tpu.vector_store %arg24[%swap3A_491], %select_n3A_490 {strides = array<i32>} : memref<784xf32, #tpu.memory_space<vmem>>, vector<16xf32>,
            %get3A_493 = arith.index_cast %add3A_475 : i32 to index
            %get3A_494 = tpu.vector_load %arg25[%get3A_493] {strides = array<i32>} : memref<784xi32, #tpu.memory_space<vmem>>, vector<16xi32>,
            %broadcast_in_dim3A_495 = vector.broadcast %add3A_328 : i32 to vector<16xi32>
            %select_n3A_496 = arith.select %and3A_488, %broadcast_in_dim3A_495, %get3A_494 : vector<16xi1>, vector<16xi32>
            %swap3A_497 = arith.index_cast %add3A_475 : i32 to index
            %swap3A_498 = tpu.vector_load %arg25[%swap3A_497] {strides = array<i32>} : memref<784xi32, #tpu.memory_space<vmem>>, vector<16xi32>,
            tpu.vector_store %arg25[%swap3A_497], %select_n3A_496 {strides = array<i32>} : memref<784xi32, #tpu.memory_space<vmem>>, vector<16xi32>,
          }
        }
      } else {
      }
      %slice3A_335 = vector.extract_strided_slice %get3A_92 {offsets = [11], sizes = [1], strides = [1]} : vector<16xi32> to vector<1xi32>
      %squeeze3A_336 = vector.extract %slice3A_335[0] : i32 from vector<1xi32>
      %slice3A_337 = vector.extract_strided_slice %get3A_94 {offsets = [11], sizes = [1], strides = [1]} : vector<16xi32> to vector<1xi32>
      %squeeze3A_338 = vector.extract %slice3A_337[0] : i32 from vector<1xi32>
      %slice3A_339 = vector.extract_strided_slice %get3A_96 {offsets = [11], sizes = [1], strides = [1]} : vector<16xi32> to vector<1xi32>
      %squeeze3A_340 = vector.extract %slice3A_339[0] : i32 from vector<1xi32>
      %max3A_341 = arith.maxsi %squeeze3A_340, %mul3A_0 : i32
      %slice3A_342 = vector.extract_strided_slice %get3A_98 {offsets = [11], sizes = [1], strides = [1]} : vector<16xi32> to vector<1xi32>
      %squeeze3A_343 = vector.extract %slice3A_342[0] : i32 from vector<1xi32>
      %add3A_344 = arith.constant 6 : i32
      %add3A_345 = arith.addi %mul3A_0, %add3A_344 : i32
      %min3A_346 = arith.minsi %squeeze3A_343, %add3A_345 : i32
      %slice3A_347 = vector.extract_strided_slice %get3A_100 {offsets = [11], sizes = [1], strides = [1]} : vector<16xf32> to vector<1xf32>
      %squeeze3A_348 = vector.extract %slice3A_347[0] : f32 from vector<1xf32>
      %add3A_349 = arith.constant 11 : i32
      %add3A_350 = arith.addi %mul3A_90, %add3A_349 : i32
      %le3A_351 = arith.cmpi sle, %squeeze3A_336, %squeeze3A_338 : i32
      %le3A_352 = arith.cmpi sle, %max3A_341, %min3A_346 : i32
      %and3A_353 = arith.andi %le3A_351, %le3A_352 : i1
      %convert_element_type3A_354 = arith.extui %and3A_353 : i1 to i32
      %cond3A_355 = arith.constant 0 : i32
      %cond3A_356 = arith.cmpi ne, %convert_element_type3A_354, %cond3A_355 : i32
      scf.if %cond3A_356 {
        %shift_right_logical3A = arith.constant 4 : i32
        %shift_right_logical3A_445 = arith.shrui %squeeze3A_336, %shift_right_logical3A : i32
        %shift_right_logical3A_446 = arith.constant 4 : i32
        %shift_right_logical3A_447 = arith.shrui %squeeze3A_338, %shift_right_logical3A_446 : i32
        %add3A_448 = arith.constant 1 : i32
        %add3A_449 = arith.addi %min3A_346, %add3A_448 : i32
        %while3A = arith.constant 0 : i32
        %while3A_450 = arith.subi %add3A_449, %max3A_341 : i32
        %while3A_451 = arith.addi %max3A_341, %while3A_450 : i32
        %while3A_452 = arith.constant 1 : i32
        %while3A_453 = arith.divsi %while3A_450, %while3A_452 : i32
        %while3A_454 = arith.muli %while3A_453, %while3A_452 : i32
        %while3A_455 = arith.addi %max3A_341, %while3A_454 : i32
        %while3A_456 = arith.constant 1 : i32
        scf.for %while3A_458 = %max3A_341 to %while3A_455 step %while3A_456  : i32 {
          %sub3A = arith.subi %while3A_458, %mul3A_0 : i32
          %mul3A_459 = arith.constant 112 : i32
          %mul3A_460 = arith.muli %sub3A, %mul3A_459 : i32
          %add3A_461 = arith.constant 1 : i32
          %add3A_462 = arith.addi %shift_right_logical3A_447, %add3A_461 : i32
          %while3A_463 = arith.constant 0 : i32
          %while3A_464 = arith.subi %add3A_462, %shift_right_logical3A_445 : i32
          %while3A_465 = arith.addi %shift_right_logical3A_445, %while3A_464 : i32
          %while3A_466 = arith.constant 1 : i32
          %while3A_467 = arith.divsi %while3A_464, %while3A_466 : i32
          %while3A_468 = arith.muli %while3A_467, %while3A_466 : i32
          %while3A_469 = arith.addi %shift_right_logical3A_445, %while3A_468 : i32
          %while3A_470 = arith.constant 1 : i32
          scf.for %while3A_472 = %shift_right_logical3A_445 to %while3A_469 step %while3A_470  : i32 {
            %mul3A_473 = arith.constant 16 : i32
            %mul3A_474 = arith.muli %while3A_472, %mul3A_473 : i32
            %add3A_475 = arith.addi %mul3A_460, %mul3A_474 : i32
            %mul3A_476 = arith.constant 16 : i32
            %mul3A_477 = arith.muli %while3A_472, %mul3A_476 : i32
            %iota3A_478 = tpu.iota {dimensions = array<i32: 0>} : vector<16xi32>
            %add3A_479 = vector.broadcast %mul3A_477 : i32 to vector<16xi32>
            %add3A_480 = arith.addi %add3A_479, %iota3A_478 : vector<16xi32>
            %ge3A = vector.broadcast %squeeze3A_336 : i32 to vector<16xi32>
            %ge3A_481 = arith.cmpi sge, %add3A_480, %ge3A : vector<16xi32>
            %le3A_482 = vector.broadcast %squeeze3A_338 : i32 to vector<16xi32>
            %le3A_483 = arith.cmpi sle, %add3A_480, %le3A_482 : vector<16xi32>
            %and3A_484 = arith.andi %ge3A_481, %le3A_483 : vector<16xi1>
            %get3A_485 = arith.index_cast %add3A_475 : i32 to index
            %get3A_486 = tpu.vector_load %arg24[%get3A_485] {strides = array<i32>} : memref<784xf32, #tpu.memory_space<vmem>>, vector<16xf32>,
            %gt3A = vector.broadcast %squeeze3A_348 : f32 to vector<16xf32>
            %gt3A_487 = arith.cmpf ogt, %gt3A, %get3A_486 : vector<16xf32>
            %and3A_488 = arith.andi %and3A_484, %gt3A_487 : vector<16xi1>
            %broadcast_in_dim3A_489 = vector.broadcast %squeeze3A_348 : f32 to vector<16xf32>
            %select_n3A_490 = arith.select %and3A_488, %broadcast_in_dim3A_489, %get3A_486 : vector<16xi1>, vector<16xf32>
            %swap3A_491 = arith.index_cast %add3A_475 : i32 to index
            %swap3A_492 = tpu.vector_load %arg24[%swap3A_491] {strides = array<i32>} : memref<784xf32, #tpu.memory_space<vmem>>, vector<16xf32>,
            tpu.vector_store %arg24[%swap3A_491], %select_n3A_490 {strides = array<i32>} : memref<784xf32, #tpu.memory_space<vmem>>, vector<16xf32>,
            %get3A_493 = arith.index_cast %add3A_475 : i32 to index
            %get3A_494 = tpu.vector_load %arg25[%get3A_493] {strides = array<i32>} : memref<784xi32, #tpu.memory_space<vmem>>, vector<16xi32>,
            %broadcast_in_dim3A_495 = vector.broadcast %add3A_350 : i32 to vector<16xi32>
            %select_n3A_496 = arith.select %and3A_488, %broadcast_in_dim3A_495, %get3A_494 : vector<16xi1>, vector<16xi32>
            %swap3A_497 = arith.index_cast %add3A_475 : i32 to index
            %swap3A_498 = tpu.vector_load %arg25[%swap3A_497] {strides = array<i32>} : memref<784xi32, #tpu.memory_space<vmem>>, vector<16xi32>,
            tpu.vector_store %arg25[%swap3A_497], %select_n3A_496 {strides = array<i32>} : memref<784xi32, #tpu.memory_space<vmem>>, vector<16xi32>,
          }
          %while3A_471 = arith.constant 1 : i32
          scf.for %while3A_472 = %while3A_469 to %while3A_465 step %while3A_471  : i32 {
            %mul3A_473 = arith.constant 16 : i32
            %mul3A_474 = arith.muli %while3A_472, %mul3A_473 : i32
            %add3A_475 = arith.addi %mul3A_460, %mul3A_474 : i32
            %mul3A_476 = arith.constant 16 : i32
            %mul3A_477 = arith.muli %while3A_472, %mul3A_476 : i32
            %iota3A_478 = tpu.iota {dimensions = array<i32: 0>} : vector<16xi32>
            %add3A_479 = vector.broadcast %mul3A_477 : i32 to vector<16xi32>
            %add3A_480 = arith.addi %add3A_479, %iota3A_478 : vector<16xi32>
            %ge3A = vector.broadcast %squeeze3A_336 : i32 to vector<16xi32>
            %ge3A_481 = arith.cmpi sge, %add3A_480, %ge3A : vector<16xi32>
            %le3A_482 = vector.broadcast %squeeze3A_338 : i32 to vector<16xi32>
            %le3A_483 = arith.cmpi sle, %add3A_480, %le3A_482 : vector<16xi32>
            %and3A_484 = arith.andi %ge3A_481, %le3A_483 : vector<16xi1>
            %get3A_485 = arith.index_cast %add3A_475 : i32 to index
            %get3A_486 = tpu.vector_load %arg24[%get3A_485] {strides = array<i32>} : memref<784xf32, #tpu.memory_space<vmem>>, vector<16xf32>,
            %gt3A = vector.broadcast %squeeze3A_348 : f32 to vector<16xf32>
            %gt3A_487 = arith.cmpf ogt, %gt3A, %get3A_486 : vector<16xf32>
            %and3A_488 = arith.andi %and3A_484, %gt3A_487 : vector<16xi1>
            %broadcast_in_dim3A_489 = vector.broadcast %squeeze3A_348 : f32 to vector<16xf32>
            %select_n3A_490 = arith.select %and3A_488, %broadcast_in_dim3A_489, %get3A_486 : vector<16xi1>, vector<16xf32>
            %swap3A_491 = arith.index_cast %add3A_475 : i32 to index
            %swap3A_492 = tpu.vector_load %arg24[%swap3A_491] {strides = array<i32>} : memref<784xf32, #tpu.memory_space<vmem>>, vector<16xf32>,
            tpu.vector_store %arg24[%swap3A_491], %select_n3A_490 {strides = array<i32>} : memref<784xf32, #tpu.memory_space<vmem>>, vector<16xf32>,
            %get3A_493 = arith.index_cast %add3A_475 : i32 to index
            %get3A_494 = tpu.vector_load %arg25[%get3A_493] {strides = array<i32>} : memref<784xi32, #tpu.memory_space<vmem>>, vector<16xi32>,
            %broadcast_in_dim3A_495 = vector.broadcast %add3A_350 : i32 to vector<16xi32>
            %select_n3A_496 = arith.select %and3A_488, %broadcast_in_dim3A_495, %get3A_494 : vector<16xi1>, vector<16xi32>
            %swap3A_497 = arith.index_cast %add3A_475 : i32 to index
            %swap3A_498 = tpu.vector_load %arg25[%swap3A_497] {strides = array<i32>} : memref<784xi32, #tpu.memory_space<vmem>>, vector<16xi32>,
            tpu.vector_store %arg25[%swap3A_497], %select_n3A_496 {strides = array<i32>} : memref<784xi32, #tpu.memory_space<vmem>>, vector<16xi32>,
          }
        }
        %while3A_457 = arith.constant 1 : i32
        scf.for %while3A_458 = %while3A_455 to %while3A_451 step %while3A_457  : i32 {
          %sub3A = arith.subi %while3A_458, %mul3A_0 : i32
          %mul3A_459 = arith.constant 112 : i32
          %mul3A_460 = arith.muli %sub3A, %mul3A_459 : i32
          %add3A_461 = arith.constant 1 : i32
          %add3A_462 = arith.addi %shift_right_logical3A_447, %add3A_461 : i32
          %while3A_463 = arith.constant 0 : i32
          %while3A_464 = arith.subi %add3A_462, %shift_right_logical3A_445 : i32
          %while3A_465 = arith.addi %shift_right_logical3A_445, %while3A_464 : i32
          %while3A_466 = arith.constant 1 : i32
          %while3A_467 = arith.divsi %while3A_464, %while3A_466 : i32
          %while3A_468 = arith.muli %while3A_467, %while3A_466 : i32
          %while3A_469 = arith.addi %shift_right_logical3A_445, %while3A_468 : i32
          %while3A_470 = arith.constant 1 : i32
          scf.for %while3A_472 = %shift_right_logical3A_445 to %while3A_469 step %while3A_470  : i32 {
            %mul3A_473 = arith.constant 16 : i32
            %mul3A_474 = arith.muli %while3A_472, %mul3A_473 : i32
            %add3A_475 = arith.addi %mul3A_460, %mul3A_474 : i32
            %mul3A_476 = arith.constant 16 : i32
            %mul3A_477 = arith.muli %while3A_472, %mul3A_476 : i32
            %iota3A_478 = tpu.iota {dimensions = array<i32: 0>} : vector<16xi32>
            %add3A_479 = vector.broadcast %mul3A_477 : i32 to vector<16xi32>
            %add3A_480 = arith.addi %add3A_479, %iota3A_478 : vector<16xi32>
            %ge3A = vector.broadcast %squeeze3A_336 : i32 to vector<16xi32>
            %ge3A_481 = arith.cmpi sge, %add3A_480, %ge3A : vector<16xi32>
            %le3A_482 = vector.broadcast %squeeze3A_338 : i32 to vector<16xi32>
            %le3A_483 = arith.cmpi sle, %add3A_480, %le3A_482 : vector<16xi32>
            %and3A_484 = arith.andi %ge3A_481, %le3A_483 : vector<16xi1>
            %get3A_485 = arith.index_cast %add3A_475 : i32 to index
            %get3A_486 = tpu.vector_load %arg24[%get3A_485] {strides = array<i32>} : memref<784xf32, #tpu.memory_space<vmem>>, vector<16xf32>,
            %gt3A = vector.broadcast %squeeze3A_348 : f32 to vector<16xf32>
            %gt3A_487 = arith.cmpf ogt, %gt3A, %get3A_486 : vector<16xf32>
            %and3A_488 = arith.andi %and3A_484, %gt3A_487 : vector<16xi1>
            %broadcast_in_dim3A_489 = vector.broadcast %squeeze3A_348 : f32 to vector<16xf32>
            %select_n3A_490 = arith.select %and3A_488, %broadcast_in_dim3A_489, %get3A_486 : vector<16xi1>, vector<16xf32>
            %swap3A_491 = arith.index_cast %add3A_475 : i32 to index
            %swap3A_492 = tpu.vector_load %arg24[%swap3A_491] {strides = array<i32>} : memref<784xf32, #tpu.memory_space<vmem>>, vector<16xf32>,
            tpu.vector_store %arg24[%swap3A_491], %select_n3A_490 {strides = array<i32>} : memref<784xf32, #tpu.memory_space<vmem>>, vector<16xf32>,
            %get3A_493 = arith.index_cast %add3A_475 : i32 to index
            %get3A_494 = tpu.vector_load %arg25[%get3A_493] {strides = array<i32>} : memref<784xi32, #tpu.memory_space<vmem>>, vector<16xi32>,
            %broadcast_in_dim3A_495 = vector.broadcast %add3A_350 : i32 to vector<16xi32>
            %select_n3A_496 = arith.select %and3A_488, %broadcast_in_dim3A_495, %get3A_494 : vector<16xi1>, vector<16xi32>
            %swap3A_497 = arith.index_cast %add3A_475 : i32 to index
            %swap3A_498 = tpu.vector_load %arg25[%swap3A_497] {strides = array<i32>} : memref<784xi32, #tpu.memory_space<vmem>>, vector<16xi32>,
            tpu.vector_store %arg25[%swap3A_497], %select_n3A_496 {strides = array<i32>} : memref<784xi32, #tpu.memory_space<vmem>>, vector<16xi32>,
          }
          %while3A_471 = arith.constant 1 : i32
          scf.for %while3A_472 = %while3A_469 to %while3A_465 step %while3A_471  : i32 {
            %mul3A_473 = arith.constant 16 : i32
            %mul3A_474 = arith.muli %while3A_472, %mul3A_473 : i32
            %add3A_475 = arith.addi %mul3A_460, %mul3A_474 : i32
            %mul3A_476 = arith.constant 16 : i32
            %mul3A_477 = arith.muli %while3A_472, %mul3A_476 : i32
            %iota3A_478 = tpu.iota {dimensions = array<i32: 0>} : vector<16xi32>
            %add3A_479 = vector.broadcast %mul3A_477 : i32 to vector<16xi32>
            %add3A_480 = arith.addi %add3A_479, %iota3A_478 : vector<16xi32>
            %ge3A = vector.broadcast %squeeze3A_336 : i32 to vector<16xi32>
            %ge3A_481 = arith.cmpi sge, %add3A_480, %ge3A : vector<16xi32>
            %le3A_482 = vector.broadcast %squeeze3A_338 : i32 to vector<16xi32>
            %le3A_483 = arith.cmpi sle, %add3A_480, %le3A_482 : vector<16xi32>
            %and3A_484 = arith.andi %ge3A_481, %le3A_483 : vector<16xi1>
            %get3A_485 = arith.index_cast %add3A_475 : i32 to index
            %get3A_486 = tpu.vector_load %arg24[%get3A_485] {strides = array<i32>} : memref<784xf32, #tpu.memory_space<vmem>>, vector<16xf32>,
            %gt3A = vector.broadcast %squeeze3A_348 : f32 to vector<16xf32>
            %gt3A_487 = arith.cmpf ogt, %gt3A, %get3A_486 : vector<16xf32>
            %and3A_488 = arith.andi %and3A_484, %gt3A_487 : vector<16xi1>
            %broadcast_in_dim3A_489 = vector.broadcast %squeeze3A_348 : f32 to vector<16xf32>
            %select_n3A_490 = arith.select %and3A_488, %broadcast_in_dim3A_489, %get3A_486 : vector<16xi1>, vector<16xf32>
            %swap3A_491 = arith.index_cast %add3A_475 : i32 to index
            %swap3A_492 = tpu.vector_load %arg24[%swap3A_491] {strides = array<i32>} : memref<784xf32, #tpu.memory_space<vmem>>, vector<16xf32>,
            tpu.vector_store %arg24[%swap3A_491], %select_n3A_490 {strides = array<i32>} : memref<784xf32, #tpu.memory_space<vmem>>, vector<16xf32>,
            %get3A_493 = arith.index_cast %add3A_475 : i32 to index
            %get3A_494 = tpu.vector_load %arg25[%get3A_493] {strides = array<i32>} : memref<784xi32, #tpu.memory_space<vmem>>, vector<16xi32>,
            %broadcast_in_dim3A_495 = vector.broadcast %add3A_350 : i32 to vector<16xi32>
            %select_n3A_496 = arith.select %and3A_488, %broadcast_in_dim3A_495, %get3A_494 : vector<16xi1>, vector<16xi32>
            %swap3A_497 = arith.index_cast %add3A_475 : i32 to index
            %swap3A_498 = tpu.vector_load %arg25[%swap3A_497] {strides = array<i32>} : memref<784xi32, #tpu.memory_space<vmem>>, vector<16xi32>,
            tpu.vector_store %arg25[%swap3A_497], %select_n3A_496 {strides = array<i32>} : memref<784xi32, #tpu.memory_space<vmem>>, vector<16xi32>,
          }
        }
      } else {
      }
      %slice3A_357 = vector.extract_strided_slice %get3A_92 {offsets = [12], sizes = [1], strides = [1]} : vector<16xi32> to vector<1xi32>
      %squeeze3A_358 = vector.extract %slice3A_357[0] : i32 from vector<1xi32>
      %slice3A_359 = vector.extract_strided_slice %get3A_94 {offsets = [12], sizes = [1], strides = [1]} : vector<16xi32> to vector<1xi32>
      %squeeze3A_360 = vector.extract %slice3A_359[0] : i32 from vector<1xi32>
      %slice3A_361 = vector.extract_strided_slice %get3A_96 {offsets = [12], sizes = [1], strides = [1]} : vector<16xi32> to vector<1xi32>
      %squeeze3A_362 = vector.extract %slice3A_361[0] : i32 from vector<1xi32>
      %max3A_363 = arith.maxsi %squeeze3A_362, %mul3A_0 : i32
      %slice3A_364 = vector.extract_strided_slice %get3A_98 {offsets = [12], sizes = [1], strides = [1]} : vector<16xi32> to vector<1xi32>
      %squeeze3A_365 = vector.extract %slice3A_364[0] : i32 from vector<1xi32>
      %add3A_366 = arith.constant 6 : i32
      %add3A_367 = arith.addi %mul3A_0, %add3A_366 : i32
      %min3A_368 = arith.minsi %squeeze3A_365, %add3A_367 : i32
      %slice3A_369 = vector.extract_strided_slice %get3A_100 {offsets = [12], sizes = [1], strides = [1]} : vector<16xf32> to vector<1xf32>
      %squeeze3A_370 = vector.extract %slice3A_369[0] : f32 from vector<1xf32>
      %add3A_371 = arith.constant 12 : i32
      %add3A_372 = arith.addi %mul3A_90, %add3A_371 : i32
      %le3A_373 = arith.cmpi sle, %squeeze3A_358, %squeeze3A_360 : i32
      %le3A_374 = arith.cmpi sle, %max3A_363, %min3A_368 : i32
      %and3A_375 = arith.andi %le3A_373, %le3A_374 : i1
      %convert_element_type3A_376 = arith.extui %and3A_375 : i1 to i32
      %cond3A_377 = arith.constant 0 : i32
      %cond3A_378 = arith.cmpi ne, %convert_element_type3A_376, %cond3A_377 : i32
      scf.if %cond3A_378 {
        %shift_right_logical3A = arith.constant 4 : i32
        %shift_right_logical3A_445 = arith.shrui %squeeze3A_358, %shift_right_logical3A : i32
        %shift_right_logical3A_446 = arith.constant 4 : i32
        %shift_right_logical3A_447 = arith.shrui %squeeze3A_360, %shift_right_logical3A_446 : i32
        %add3A_448 = arith.constant 1 : i32
        %add3A_449 = arith.addi %min3A_368, %add3A_448 : i32
        %while3A = arith.constant 0 : i32
        %while3A_450 = arith.subi %add3A_449, %max3A_363 : i32
        %while3A_451 = arith.addi %max3A_363, %while3A_450 : i32
        %while3A_452 = arith.constant 1 : i32
        %while3A_453 = arith.divsi %while3A_450, %while3A_452 : i32
        %while3A_454 = arith.muli %while3A_453, %while3A_452 : i32
        %while3A_455 = arith.addi %max3A_363, %while3A_454 : i32
        %while3A_456 = arith.constant 1 : i32
        scf.for %while3A_458 = %max3A_363 to %while3A_455 step %while3A_456  : i32 {
          %sub3A = arith.subi %while3A_458, %mul3A_0 : i32
          %mul3A_459 = arith.constant 112 : i32
          %mul3A_460 = arith.muli %sub3A, %mul3A_459 : i32
          %add3A_461 = arith.constant 1 : i32
          %add3A_462 = arith.addi %shift_right_logical3A_447, %add3A_461 : i32
          %while3A_463 = arith.constant 0 : i32
          %while3A_464 = arith.subi %add3A_462, %shift_right_logical3A_445 : i32
          %while3A_465 = arith.addi %shift_right_logical3A_445, %while3A_464 : i32
          %while3A_466 = arith.constant 1 : i32
          %while3A_467 = arith.divsi %while3A_464, %while3A_466 : i32
          %while3A_468 = arith.muli %while3A_467, %while3A_466 : i32
          %while3A_469 = arith.addi %shift_right_logical3A_445, %while3A_468 : i32
          %while3A_470 = arith.constant 1 : i32
          scf.for %while3A_472 = %shift_right_logical3A_445 to %while3A_469 step %while3A_470  : i32 {
            %mul3A_473 = arith.constant 16 : i32
            %mul3A_474 = arith.muli %while3A_472, %mul3A_473 : i32
            %add3A_475 = arith.addi %mul3A_460, %mul3A_474 : i32
            %mul3A_476 = arith.constant 16 : i32
            %mul3A_477 = arith.muli %while3A_472, %mul3A_476 : i32
            %iota3A_478 = tpu.iota {dimensions = array<i32: 0>} : vector<16xi32>
            %add3A_479 = vector.broadcast %mul3A_477 : i32 to vector<16xi32>
            %add3A_480 = arith.addi %add3A_479, %iota3A_478 : vector<16xi32>
            %ge3A = vector.broadcast %squeeze3A_358 : i32 to vector<16xi32>
            %ge3A_481 = arith.cmpi sge, %add3A_480, %ge3A : vector<16xi32>
            %le3A_482 = vector.broadcast %squeeze3A_360 : i32 to vector<16xi32>
            %le3A_483 = arith.cmpi sle, %add3A_480, %le3A_482 : vector<16xi32>
            %and3A_484 = arith.andi %ge3A_481, %le3A_483 : vector<16xi1>
            %get3A_485 = arith.index_cast %add3A_475 : i32 to index
            %get3A_486 = tpu.vector_load %arg24[%get3A_485] {strides = array<i32>} : memref<784xf32, #tpu.memory_space<vmem>>, vector<16xf32>,
            %gt3A = vector.broadcast %squeeze3A_370 : f32 to vector<16xf32>
            %gt3A_487 = arith.cmpf ogt, %gt3A, %get3A_486 : vector<16xf32>
            %and3A_488 = arith.andi %and3A_484, %gt3A_487 : vector<16xi1>
            %broadcast_in_dim3A_489 = vector.broadcast %squeeze3A_370 : f32 to vector<16xf32>
            %select_n3A_490 = arith.select %and3A_488, %broadcast_in_dim3A_489, %get3A_486 : vector<16xi1>, vector<16xf32>
            %swap3A_491 = arith.index_cast %add3A_475 : i32 to index
            %swap3A_492 = tpu.vector_load %arg24[%swap3A_491] {strides = array<i32>} : memref<784xf32, #tpu.memory_space<vmem>>, vector<16xf32>,
            tpu.vector_store %arg24[%swap3A_491], %select_n3A_490 {strides = array<i32>} : memref<784xf32, #tpu.memory_space<vmem>>, vector<16xf32>,
            %get3A_493 = arith.index_cast %add3A_475 : i32 to index
            %get3A_494 = tpu.vector_load %arg25[%get3A_493] {strides = array<i32>} : memref<784xi32, #tpu.memory_space<vmem>>, vector<16xi32>,
            %broadcast_in_dim3A_495 = vector.broadcast %add3A_372 : i32 to vector<16xi32>
            %select_n3A_496 = arith.select %and3A_488, %broadcast_in_dim3A_495, %get3A_494 : vector<16xi1>, vector<16xi32>
            %swap3A_497 = arith.index_cast %add3A_475 : i32 to index
            %swap3A_498 = tpu.vector_load %arg25[%swap3A_497] {strides = array<i32>} : memref<784xi32, #tpu.memory_space<vmem>>, vector<16xi32>,
            tpu.vector_store %arg25[%swap3A_497], %select_n3A_496 {strides = array<i32>} : memref<784xi32, #tpu.memory_space<vmem>>, vector<16xi32>,
          }
          %while3A_471 = arith.constant 1 : i32
          scf.for %while3A_472 = %while3A_469 to %while3A_465 step %while3A_471  : i32 {
            %mul3A_473 = arith.constant 16 : i32
            %mul3A_474 = arith.muli %while3A_472, %mul3A_473 : i32
            %add3A_475 = arith.addi %mul3A_460, %mul3A_474 : i32
            %mul3A_476 = arith.constant 16 : i32
            %mul3A_477 = arith.muli %while3A_472, %mul3A_476 : i32
            %iota3A_478 = tpu.iota {dimensions = array<i32: 0>} : vector<16xi32>
            %add3A_479 = vector.broadcast %mul3A_477 : i32 to vector<16xi32>
            %add3A_480 = arith.addi %add3A_479, %iota3A_478 : vector<16xi32>
            %ge3A = vector.broadcast %squeeze3A_358 : i32 to vector<16xi32>
            %ge3A_481 = arith.cmpi sge, %add3A_480, %ge3A : vector<16xi32>
            %le3A_482 = vector.broadcast %squeeze3A_360 : i32 to vector<16xi32>
            %le3A_483 = arith.cmpi sle, %add3A_480, %le3A_482 : vector<16xi32>
            %and3A_484 = arith.andi %ge3A_481, %le3A_483 : vector<16xi1>
            %get3A_485 = arith.index_cast %add3A_475 : i32 to index
            %get3A_486 = tpu.vector_load %arg24[%get3A_485] {strides = array<i32>} : memref<784xf32, #tpu.memory_space<vmem>>, vector<16xf32>,
            %gt3A = vector.broadcast %squeeze3A_370 : f32 to vector<16xf32>
            %gt3A_487 = arith.cmpf ogt, %gt3A, %get3A_486 : vector<16xf32>
            %and3A_488 = arith.andi %and3A_484, %gt3A_487 : vector<16xi1>
            %broadcast_in_dim3A_489 = vector.broadcast %squeeze3A_370 : f32 to vector<16xf32>
            %select_n3A_490 = arith.select %and3A_488, %broadcast_in_dim3A_489, %get3A_486 : vector<16xi1>, vector<16xf32>
            %swap3A_491 = arith.index_cast %add3A_475 : i32 to index
            %swap3A_492 = tpu.vector_load %arg24[%swap3A_491] {strides = array<i32>} : memref<784xf32, #tpu.memory_space<vmem>>, vector<16xf32>,
            tpu.vector_store %arg24[%swap3A_491], %select_n3A_490 {strides = array<i32>} : memref<784xf32, #tpu.memory_space<vmem>>, vector<16xf32>,
            %get3A_493 = arith.index_cast %add3A_475 : i32 to index
            %get3A_494 = tpu.vector_load %arg25[%get3A_493] {strides = array<i32>} : memref<784xi32, #tpu.memory_space<vmem>>, vector<16xi32>,
            %broadcast_in_dim3A_495 = vector.broadcast %add3A_372 : i32 to vector<16xi32>
            %select_n3A_496 = arith.select %and3A_488, %broadcast_in_dim3A_495, %get3A_494 : vector<16xi1>, vector<16xi32>
            %swap3A_497 = arith.index_cast %add3A_475 : i32 to index
            %swap3A_498 = tpu.vector_load %arg25[%swap3A_497] {strides = array<i32>} : memref<784xi32, #tpu.memory_space<vmem>>, vector<16xi32>,
            tpu.vector_store %arg25[%swap3A_497], %select_n3A_496 {strides = array<i32>} : memref<784xi32, #tpu.memory_space<vmem>>, vector<16xi32>,
          }
        }
        %while3A_457 = arith.constant 1 : i32
        scf.for %while3A_458 = %while3A_455 to %while3A_451 step %while3A_457  : i32 {
          %sub3A = arith.subi %while3A_458, %mul3A_0 : i32
          %mul3A_459 = arith.constant 112 : i32
          %mul3A_460 = arith.muli %sub3A, %mul3A_459 : i32
          %add3A_461 = arith.constant 1 : i32
          %add3A_462 = arith.addi %shift_right_logical3A_447, %add3A_461 : i32
          %while3A_463 = arith.constant 0 : i32
          %while3A_464 = arith.subi %add3A_462, %shift_right_logical3A_445 : i32
          %while3A_465 = arith.addi %shift_right_logical3A_445, %while3A_464 : i32
          %while3A_466 = arith.constant 1 : i32
          %while3A_467 = arith.divsi %while3A_464, %while3A_466 : i32
          %while3A_468 = arith.muli %while3A_467, %while3A_466 : i32
          %while3A_469 = arith.addi %shift_right_logical3A_445, %while3A_468 : i32
          %while3A_470 = arith.constant 1 : i32
          scf.for %while3A_472 = %shift_right_logical3A_445 to %while3A_469 step %while3A_470  : i32 {
            %mul3A_473 = arith.constant 16 : i32
            %mul3A_474 = arith.muli %while3A_472, %mul3A_473 : i32
            %add3A_475 = arith.addi %mul3A_460, %mul3A_474 : i32
            %mul3A_476 = arith.constant 16 : i32
            %mul3A_477 = arith.muli %while3A_472, %mul3A_476 : i32
            %iota3A_478 = tpu.iota {dimensions = array<i32: 0>} : vector<16xi32>
            %add3A_479 = vector.broadcast %mul3A_477 : i32 to vector<16xi32>
            %add3A_480 = arith.addi %add3A_479, %iota3A_478 : vector<16xi32>
            %ge3A = vector.broadcast %squeeze3A_358 : i32 to vector<16xi32>
            %ge3A_481 = arith.cmpi sge, %add3A_480, %ge3A : vector<16xi32>
            %le3A_482 = vector.broadcast %squeeze3A_360 : i32 to vector<16xi32>
            %le3A_483 = arith.cmpi sle, %add3A_480, %le3A_482 : vector<16xi32>
            %and3A_484 = arith.andi %ge3A_481, %le3A_483 : vector<16xi1>
            %get3A_485 = arith.index_cast %add3A_475 : i32 to index
            %get3A_486 = tpu.vector_load %arg24[%get3A_485] {strides = array<i32>} : memref<784xf32, #tpu.memory_space<vmem>>, vector<16xf32>,
            %gt3A = vector.broadcast %squeeze3A_370 : f32 to vector<16xf32>
            %gt3A_487 = arith.cmpf ogt, %gt3A, %get3A_486 : vector<16xf32>
            %and3A_488 = arith.andi %and3A_484, %gt3A_487 : vector<16xi1>
            %broadcast_in_dim3A_489 = vector.broadcast %squeeze3A_370 : f32 to vector<16xf32>
            %select_n3A_490 = arith.select %and3A_488, %broadcast_in_dim3A_489, %get3A_486 : vector<16xi1>, vector<16xf32>
            %swap3A_491 = arith.index_cast %add3A_475 : i32 to index
            %swap3A_492 = tpu.vector_load %arg24[%swap3A_491] {strides = array<i32>} : memref<784xf32, #tpu.memory_space<vmem>>, vector<16xf32>,
            tpu.vector_store %arg24[%swap3A_491], %select_n3A_490 {strides = array<i32>} : memref<784xf32, #tpu.memory_space<vmem>>, vector<16xf32>,
            %get3A_493 = arith.index_cast %add3A_475 : i32 to index
            %get3A_494 = tpu.vector_load %arg25[%get3A_493] {strides = array<i32>} : memref<784xi32, #tpu.memory_space<vmem>>, vector<16xi32>,
            %broadcast_in_dim3A_495 = vector.broadcast %add3A_372 : i32 to vector<16xi32>
            %select_n3A_496 = arith.select %and3A_488, %broadcast_in_dim3A_495, %get3A_494 : vector<16xi1>, vector<16xi32>
            %swap3A_497 = arith.index_cast %add3A_475 : i32 to index
            %swap3A_498 = tpu.vector_load %arg25[%swap3A_497] {strides = array<i32>} : memref<784xi32, #tpu.memory_space<vmem>>, vector<16xi32>,
            tpu.vector_store %arg25[%swap3A_497], %select_n3A_496 {strides = array<i32>} : memref<784xi32, #tpu.memory_space<vmem>>, vector<16xi32>,
          }
          %while3A_471 = arith.constant 1 : i32
          scf.for %while3A_472 = %while3A_469 to %while3A_465 step %while3A_471  : i32 {
            %mul3A_473 = arith.constant 16 : i32
            %mul3A_474 = arith.muli %while3A_472, %mul3A_473 : i32
            %add3A_475 = arith.addi %mul3A_460, %mul3A_474 : i32
            %mul3A_476 = arith.constant 16 : i32
            %mul3A_477 = arith.muli %while3A_472, %mul3A_476 : i32
            %iota3A_478 = tpu.iota {dimensions = array<i32: 0>} : vector<16xi32>
            %add3A_479 = vector.broadcast %mul3A_477 : i32 to vector<16xi32>
            %add3A_480 = arith.addi %add3A_479, %iota3A_478 : vector<16xi32>
            %ge3A = vector.broadcast %squeeze3A_358 : i32 to vector<16xi32>
            %ge3A_481 = arith.cmpi sge, %add3A_480, %ge3A : vector<16xi32>
            %le3A_482 = vector.broadcast %squeeze3A_360 : i32 to vector<16xi32>
            %le3A_483 = arith.cmpi sle, %add3A_480, %le3A_482 : vector<16xi32>
            %and3A_484 = arith.andi %ge3A_481, %le3A_483 : vector<16xi1>
            %get3A_485 = arith.index_cast %add3A_475 : i32 to index
            %get3A_486 = tpu.vector_load %arg24[%get3A_485] {strides = array<i32>} : memref<784xf32, #tpu.memory_space<vmem>>, vector<16xf32>,
            %gt3A = vector.broadcast %squeeze3A_370 : f32 to vector<16xf32>
            %gt3A_487 = arith.cmpf ogt, %gt3A, %get3A_486 : vector<16xf32>
            %and3A_488 = arith.andi %and3A_484, %gt3A_487 : vector<16xi1>
            %broadcast_in_dim3A_489 = vector.broadcast %squeeze3A_370 : f32 to vector<16xf32>
            %select_n3A_490 = arith.select %and3A_488, %broadcast_in_dim3A_489, %get3A_486 : vector<16xi1>, vector<16xf32>
            %swap3A_491 = arith.index_cast %add3A_475 : i32 to index
            %swap3A_492 = tpu.vector_load %arg24[%swap3A_491] {strides = array<i32>} : memref<784xf32, #tpu.memory_space<vmem>>, vector<16xf32>,
            tpu.vector_store %arg24[%swap3A_491], %select_n3A_490 {strides = array<i32>} : memref<784xf32, #tpu.memory_space<vmem>>, vector<16xf32>,
            %get3A_493 = arith.index_cast %add3A_475 : i32 to index
            %get3A_494 = tpu.vector_load %arg25[%get3A_493] {strides = array<i32>} : memref<784xi32, #tpu.memory_space<vmem>>, vector<16xi32>,
            %broadcast_in_dim3A_495 = vector.broadcast %add3A_372 : i32 to vector<16xi32>
            %select_n3A_496 = arith.select %and3A_488, %broadcast_in_dim3A_495, %get3A_494 : vector<16xi1>, vector<16xi32>
            %swap3A_497 = arith.index_cast %add3A_475 : i32 to index
            %swap3A_498 = tpu.vector_load %arg25[%swap3A_497] {strides = array<i32>} : memref<784xi32, #tpu.memory_space<vmem>>, vector<16xi32>,
            tpu.vector_store %arg25[%swap3A_497], %select_n3A_496 {strides = array<i32>} : memref<784xi32, #tpu.memory_space<vmem>>, vector<16xi32>,
          }
        }
      } else {
      }
      %slice3A_379 = vector.extract_strided_slice %get3A_92 {offsets = [13], sizes = [1], strides = [1]} : vector<16xi32> to vector<1xi32>
      %squeeze3A_380 = vector.extract %slice3A_379[0] : i32 from vector<1xi32>
      %slice3A_381 = vector.extract_strided_slice %get3A_94 {offsets = [13], sizes = [1], strides = [1]} : vector<16xi32> to vector<1xi32>
      %squeeze3A_382 = vector.extract %slice3A_381[0] : i32 from vector<1xi32>
      %slice3A_383 = vector.extract_strided_slice %get3A_96 {offsets = [13], sizes = [1], strides = [1]} : vector<16xi32> to vector<1xi32>
      %squeeze3A_384 = vector.extract %slice3A_383[0] : i32 from vector<1xi32>
      %max3A_385 = arith.maxsi %squeeze3A_384, %mul3A_0 : i32
      %slice3A_386 = vector.extract_strided_slice %get3A_98 {offsets = [13], sizes = [1], strides = [1]} : vector<16xi32> to vector<1xi32>
      %squeeze3A_387 = vector.extract %slice3A_386[0] : i32 from vector<1xi32>
      %add3A_388 = arith.constant 6 : i32
      %add3A_389 = arith.addi %mul3A_0, %add3A_388 : i32
      %min3A_390 = arith.minsi %squeeze3A_387, %add3A_389 : i32
      %slice3A_391 = vector.extract_strided_slice %get3A_100 {offsets = [13], sizes = [1], strides = [1]} : vector<16xf32> to vector<1xf32>
      %squeeze3A_392 = vector.extract %slice3A_391[0] : f32 from vector<1xf32>
      %add3A_393 = arith.constant 13 : i32
      %add3A_394 = arith.addi %mul3A_90, %add3A_393 : i32
      %le3A_395 = arith.cmpi sle, %squeeze3A_380, %squeeze3A_382 : i32
      %le3A_396 = arith.cmpi sle, %max3A_385, %min3A_390 : i32
      %and3A_397 = arith.andi %le3A_395, %le3A_396 : i1
      %convert_element_type3A_398 = arith.extui %and3A_397 : i1 to i32
      %cond3A_399 = arith.constant 0 : i32
      %cond3A_400 = arith.cmpi ne, %convert_element_type3A_398, %cond3A_399 : i32
      scf.if %cond3A_400 {
        %shift_right_logical3A = arith.constant 4 : i32
        %shift_right_logical3A_445 = arith.shrui %squeeze3A_380, %shift_right_logical3A : i32
        %shift_right_logical3A_446 = arith.constant 4 : i32
        %shift_right_logical3A_447 = arith.shrui %squeeze3A_382, %shift_right_logical3A_446 : i32
        %add3A_448 = arith.constant 1 : i32
        %add3A_449 = arith.addi %min3A_390, %add3A_448 : i32
        %while3A = arith.constant 0 : i32
        %while3A_450 = arith.subi %add3A_449, %max3A_385 : i32
        %while3A_451 = arith.addi %max3A_385, %while3A_450 : i32
        %while3A_452 = arith.constant 1 : i32
        %while3A_453 = arith.divsi %while3A_450, %while3A_452 : i32
        %while3A_454 = arith.muli %while3A_453, %while3A_452 : i32
        %while3A_455 = arith.addi %max3A_385, %while3A_454 : i32
        %while3A_456 = arith.constant 1 : i32
        scf.for %while3A_458 = %max3A_385 to %while3A_455 step %while3A_456  : i32 {
          %sub3A = arith.subi %while3A_458, %mul3A_0 : i32
          %mul3A_459 = arith.constant 112 : i32
          %mul3A_460 = arith.muli %sub3A, %mul3A_459 : i32
          %add3A_461 = arith.constant 1 : i32
          %add3A_462 = arith.addi %shift_right_logical3A_447, %add3A_461 : i32
          %while3A_463 = arith.constant 0 : i32
          %while3A_464 = arith.subi %add3A_462, %shift_right_logical3A_445 : i32
          %while3A_465 = arith.addi %shift_right_logical3A_445, %while3A_464 : i32
          %while3A_466 = arith.constant 1 : i32
          %while3A_467 = arith.divsi %while3A_464, %while3A_466 : i32
          %while3A_468 = arith.muli %while3A_467, %while3A_466 : i32
          %while3A_469 = arith.addi %shift_right_logical3A_445, %while3A_468 : i32
          %while3A_470 = arith.constant 1 : i32
          scf.for %while3A_472 = %shift_right_logical3A_445 to %while3A_469 step %while3A_470  : i32 {
            %mul3A_473 = arith.constant 16 : i32
            %mul3A_474 = arith.muli %while3A_472, %mul3A_473 : i32
            %add3A_475 = arith.addi %mul3A_460, %mul3A_474 : i32
            %mul3A_476 = arith.constant 16 : i32
            %mul3A_477 = arith.muli %while3A_472, %mul3A_476 : i32
            %iota3A_478 = tpu.iota {dimensions = array<i32: 0>} : vector<16xi32>
            %add3A_479 = vector.broadcast %mul3A_477 : i32 to vector<16xi32>
            %add3A_480 = arith.addi %add3A_479, %iota3A_478 : vector<16xi32>
            %ge3A = vector.broadcast %squeeze3A_380 : i32 to vector<16xi32>
            %ge3A_481 = arith.cmpi sge, %add3A_480, %ge3A : vector<16xi32>
            %le3A_482 = vector.broadcast %squeeze3A_382 : i32 to vector<16xi32>
            %le3A_483 = arith.cmpi sle, %add3A_480, %le3A_482 : vector<16xi32>
            %and3A_484 = arith.andi %ge3A_481, %le3A_483 : vector<16xi1>
            %get3A_485 = arith.index_cast %add3A_475 : i32 to index
            %get3A_486 = tpu.vector_load %arg24[%get3A_485] {strides = array<i32>} : memref<784xf32, #tpu.memory_space<vmem>>, vector<16xf32>,
            %gt3A = vector.broadcast %squeeze3A_392 : f32 to vector<16xf32>
            %gt3A_487 = arith.cmpf ogt, %gt3A, %get3A_486 : vector<16xf32>
            %and3A_488 = arith.andi %and3A_484, %gt3A_487 : vector<16xi1>
            %broadcast_in_dim3A_489 = vector.broadcast %squeeze3A_392 : f32 to vector<16xf32>
            %select_n3A_490 = arith.select %and3A_488, %broadcast_in_dim3A_489, %get3A_486 : vector<16xi1>, vector<16xf32>
            %swap3A_491 = arith.index_cast %add3A_475 : i32 to index
            %swap3A_492 = tpu.vector_load %arg24[%swap3A_491] {strides = array<i32>} : memref<784xf32, #tpu.memory_space<vmem>>, vector<16xf32>,
            tpu.vector_store %arg24[%swap3A_491], %select_n3A_490 {strides = array<i32>} : memref<784xf32, #tpu.memory_space<vmem>>, vector<16xf32>,
            %get3A_493 = arith.index_cast %add3A_475 : i32 to index
            %get3A_494 = tpu.vector_load %arg25[%get3A_493] {strides = array<i32>} : memref<784xi32, #tpu.memory_space<vmem>>, vector<16xi32>,
            %broadcast_in_dim3A_495 = vector.broadcast %add3A_394 : i32 to vector<16xi32>
            %select_n3A_496 = arith.select %and3A_488, %broadcast_in_dim3A_495, %get3A_494 : vector<16xi1>, vector<16xi32>
            %swap3A_497 = arith.index_cast %add3A_475 : i32 to index
            %swap3A_498 = tpu.vector_load %arg25[%swap3A_497] {strides = array<i32>} : memref<784xi32, #tpu.memory_space<vmem>>, vector<16xi32>,
            tpu.vector_store %arg25[%swap3A_497], %select_n3A_496 {strides = array<i32>} : memref<784xi32, #tpu.memory_space<vmem>>, vector<16xi32>,
          }
          %while3A_471 = arith.constant 1 : i32
          scf.for %while3A_472 = %while3A_469 to %while3A_465 step %while3A_471  : i32 {
            %mul3A_473 = arith.constant 16 : i32
            %mul3A_474 = arith.muli %while3A_472, %mul3A_473 : i32
            %add3A_475 = arith.addi %mul3A_460, %mul3A_474 : i32
            %mul3A_476 = arith.constant 16 : i32
            %mul3A_477 = arith.muli %while3A_472, %mul3A_476 : i32
            %iota3A_478 = tpu.iota {dimensions = array<i32: 0>} : vector<16xi32>
            %add3A_479 = vector.broadcast %mul3A_477 : i32 to vector<16xi32>
            %add3A_480 = arith.addi %add3A_479, %iota3A_478 : vector<16xi32>
            %ge3A = vector.broadcast %squeeze3A_380 : i32 to vector<16xi32>
            %ge3A_481 = arith.cmpi sge, %add3A_480, %ge3A : vector<16xi32>
            %le3A_482 = vector.broadcast %squeeze3A_382 : i32 to vector<16xi32>
            %le3A_483 = arith.cmpi sle, %add3A_480, %le3A_482 : vector<16xi32>
            %and3A_484 = arith.andi %ge3A_481, %le3A_483 : vector<16xi1>
            %get3A_485 = arith.index_cast %add3A_475 : i32 to index
            %get3A_486 = tpu.vector_load %arg24[%get3A_485] {strides = array<i32>} : memref<784xf32, #tpu.memory_space<vmem>>, vector<16xf32>,
            %gt3A = vector.broadcast %squeeze3A_392 : f32 to vector<16xf32>
            %gt3A_487 = arith.cmpf ogt, %gt3A, %get3A_486 : vector<16xf32>
            %and3A_488 = arith.andi %and3A_484, %gt3A_487 : vector<16xi1>
            %broadcast_in_dim3A_489 = vector.broadcast %squeeze3A_392 : f32 to vector<16xf32>
            %select_n3A_490 = arith.select %and3A_488, %broadcast_in_dim3A_489, %get3A_486 : vector<16xi1>, vector<16xf32>
            %swap3A_491 = arith.index_cast %add3A_475 : i32 to index
            %swap3A_492 = tpu.vector_load %arg24[%swap3A_491] {strides = array<i32>} : memref<784xf32, #tpu.memory_space<vmem>>, vector<16xf32>,
            tpu.vector_store %arg24[%swap3A_491], %select_n3A_490 {strides = array<i32>} : memref<784xf32, #tpu.memory_space<vmem>>, vector<16xf32>,
            %get3A_493 = arith.index_cast %add3A_475 : i32 to index
            %get3A_494 = tpu.vector_load %arg25[%get3A_493] {strides = array<i32>} : memref<784xi32, #tpu.memory_space<vmem>>, vector<16xi32>,
            %broadcast_in_dim3A_495 = vector.broadcast %add3A_394 : i32 to vector<16xi32>
            %select_n3A_496 = arith.select %and3A_488, %broadcast_in_dim3A_495, %get3A_494 : vector<16xi1>, vector<16xi32>
            %swap3A_497 = arith.index_cast %add3A_475 : i32 to index
            %swap3A_498 = tpu.vector_load %arg25[%swap3A_497] {strides = array<i32>} : memref<784xi32, #tpu.memory_space<vmem>>, vector<16xi32>,
            tpu.vector_store %arg25[%swap3A_497], %select_n3A_496 {strides = array<i32>} : memref<784xi32, #tpu.memory_space<vmem>>, vector<16xi32>,
          }
        }
        %while3A_457 = arith.constant 1 : i32
        scf.for %while3A_458 = %while3A_455 to %while3A_451 step %while3A_457  : i32 {
          %sub3A = arith.subi %while3A_458, %mul3A_0 : i32
          %mul3A_459 = arith.constant 112 : i32
          %mul3A_460 = arith.muli %sub3A, %mul3A_459 : i32
          %add3A_461 = arith.constant 1 : i32
          %add3A_462 = arith.addi %shift_right_logical3A_447, %add3A_461 : i32
          %while3A_463 = arith.constant 0 : i32
          %while3A_464 = arith.subi %add3A_462, %shift_right_logical3A_445 : i32
          %while3A_465 = arith.addi %shift_right_logical3A_445, %while3A_464 : i32
          %while3A_466 = arith.constant 1 : i32
          %while3A_467 = arith.divsi %while3A_464, %while3A_466 : i32
          %while3A_468 = arith.muli %while3A_467, %while3A_466 : i32
          %while3A_469 = arith.addi %shift_right_logical3A_445, %while3A_468 : i32
          %while3A_470 = arith.constant 1 : i32
          scf.for %while3A_472 = %shift_right_logical3A_445 to %while3A_469 step %while3A_470  : i32 {
            %mul3A_473 = arith.constant 16 : i32
            %mul3A_474 = arith.muli %while3A_472, %mul3A_473 : i32
            %add3A_475 = arith.addi %mul3A_460, %mul3A_474 : i32
            %mul3A_476 = arith.constant 16 : i32
            %mul3A_477 = arith.muli %while3A_472, %mul3A_476 : i32
            %iota3A_478 = tpu.iota {dimensions = array<i32: 0>} : vector<16xi32>
            %add3A_479 = vector.broadcast %mul3A_477 : i32 to vector<16xi32>
            %add3A_480 = arith.addi %add3A_479, %iota3A_478 : vector<16xi32>
            %ge3A = vector.broadcast %squeeze3A_380 : i32 to vector<16xi32>
            %ge3A_481 = arith.cmpi sge, %add3A_480, %ge3A : vector<16xi32>
            %le3A_482 = vector.broadcast %squeeze3A_382 : i32 to vector<16xi32>
            %le3A_483 = arith.cmpi sle, %add3A_480, %le3A_482 : vector<16xi32>
            %and3A_484 = arith.andi %ge3A_481, %le3A_483 : vector<16xi1>
            %get3A_485 = arith.index_cast %add3A_475 : i32 to index
            %get3A_486 = tpu.vector_load %arg24[%get3A_485] {strides = array<i32>} : memref<784xf32, #tpu.memory_space<vmem>>, vector<16xf32>,
            %gt3A = vector.broadcast %squeeze3A_392 : f32 to vector<16xf32>
            %gt3A_487 = arith.cmpf ogt, %gt3A, %get3A_486 : vector<16xf32>
            %and3A_488 = arith.andi %and3A_484, %gt3A_487 : vector<16xi1>
            %broadcast_in_dim3A_489 = vector.broadcast %squeeze3A_392 : f32 to vector<16xf32>
            %select_n3A_490 = arith.select %and3A_488, %broadcast_in_dim3A_489, %get3A_486 : vector<16xi1>, vector<16xf32>
            %swap3A_491 = arith.index_cast %add3A_475 : i32 to index
            %swap3A_492 = tpu.vector_load %arg24[%swap3A_491] {strides = array<i32>} : memref<784xf32, #tpu.memory_space<vmem>>, vector<16xf32>,
            tpu.vector_store %arg24[%swap3A_491], %select_n3A_490 {strides = array<i32>} : memref<784xf32, #tpu.memory_space<vmem>>, vector<16xf32>,
            %get3A_493 = arith.index_cast %add3A_475 : i32 to index
            %get3A_494 = tpu.vector_load %arg25[%get3A_493] {strides = array<i32>} : memref<784xi32, #tpu.memory_space<vmem>>, vector<16xi32>,
            %broadcast_in_dim3A_495 = vector.broadcast %add3A_394 : i32 to vector<16xi32>
            %select_n3A_496 = arith.select %and3A_488, %broadcast_in_dim3A_495, %get3A_494 : vector<16xi1>, vector<16xi32>
            %swap3A_497 = arith.index_cast %add3A_475 : i32 to index
            %swap3A_498 = tpu.vector_load %arg25[%swap3A_497] {strides = array<i32>} : memref<784xi32, #tpu.memory_space<vmem>>, vector<16xi32>,
            tpu.vector_store %arg25[%swap3A_497], %select_n3A_496 {strides = array<i32>} : memref<784xi32, #tpu.memory_space<vmem>>, vector<16xi32>,
          }
          %while3A_471 = arith.constant 1 : i32
          scf.for %while3A_472 = %while3A_469 to %while3A_465 step %while3A_471  : i32 {
            %mul3A_473 = arith.constant 16 : i32
            %mul3A_474 = arith.muli %while3A_472, %mul3A_473 : i32
            %add3A_475 = arith.addi %mul3A_460, %mul3A_474 : i32
            %mul3A_476 = arith.constant 16 : i32
            %mul3A_477 = arith.muli %while3A_472, %mul3A_476 : i32
            %iota3A_478 = tpu.iota {dimensions = array<i32: 0>} : vector<16xi32>
            %add3A_479 = vector.broadcast %mul3A_477 : i32 to vector<16xi32>
            %add3A_480 = arith.addi %add3A_479, %iota3A_478 : vector<16xi32>
            %ge3A = vector.broadcast %squeeze3A_380 : i32 to vector<16xi32>
            %ge3A_481 = arith.cmpi sge, %add3A_480, %ge3A : vector<16xi32>
            %le3A_482 = vector.broadcast %squeeze3A_382 : i32 to vector<16xi32>
            %le3A_483 = arith.cmpi sle, %add3A_480, %le3A_482 : vector<16xi32>
            %and3A_484 = arith.andi %ge3A_481, %le3A_483 : vector<16xi1>
            %get3A_485 = arith.index_cast %add3A_475 : i32 to index
            %get3A_486 = tpu.vector_load %arg24[%get3A_485] {strides = array<i32>} : memref<784xf32, #tpu.memory_space<vmem>>, vector<16xf32>,
            %gt3A = vector.broadcast %squeeze3A_392 : f32 to vector<16xf32>
            %gt3A_487 = arith.cmpf ogt, %gt3A, %get3A_486 : vector<16xf32>
            %and3A_488 = arith.andi %and3A_484, %gt3A_487 : vector<16xi1>
            %broadcast_in_dim3A_489 = vector.broadcast %squeeze3A_392 : f32 to vector<16xf32>
            %select_n3A_490 = arith.select %and3A_488, %broadcast_in_dim3A_489, %get3A_486 : vector<16xi1>, vector<16xf32>
            %swap3A_491 = arith.index_cast %add3A_475 : i32 to index
            %swap3A_492 = tpu.vector_load %arg24[%swap3A_491] {strides = array<i32>} : memref<784xf32, #tpu.memory_space<vmem>>, vector<16xf32>,
            tpu.vector_store %arg24[%swap3A_491], %select_n3A_490 {strides = array<i32>} : memref<784xf32, #tpu.memory_space<vmem>>, vector<16xf32>,
            %get3A_493 = arith.index_cast %add3A_475 : i32 to index
            %get3A_494 = tpu.vector_load %arg25[%get3A_493] {strides = array<i32>} : memref<784xi32, #tpu.memory_space<vmem>>, vector<16xi32>,
            %broadcast_in_dim3A_495 = vector.broadcast %add3A_394 : i32 to vector<16xi32>
            %select_n3A_496 = arith.select %and3A_488, %broadcast_in_dim3A_495, %get3A_494 : vector<16xi1>, vector<16xi32>
            %swap3A_497 = arith.index_cast %add3A_475 : i32 to index
            %swap3A_498 = tpu.vector_load %arg25[%swap3A_497] {strides = array<i32>} : memref<784xi32, #tpu.memory_space<vmem>>, vector<16xi32>,
            tpu.vector_store %arg25[%swap3A_497], %select_n3A_496 {strides = array<i32>} : memref<784xi32, #tpu.memory_space<vmem>>, vector<16xi32>,
          }
        }
      } else {
      }
      %slice3A_401 = vector.extract_strided_slice %get3A_92 {offsets = [14], sizes = [1], strides = [1]} : vector<16xi32> to vector<1xi32>
      %squeeze3A_402 = vector.extract %slice3A_401[0] : i32 from vector<1xi32>
      %slice3A_403 = vector.extract_strided_slice %get3A_94 {offsets = [14], sizes = [1], strides = [1]} : vector<16xi32> to vector<1xi32>
      %squeeze3A_404 = vector.extract %slice3A_403[0] : i32 from vector<1xi32>
      %slice3A_405 = vector.extract_strided_slice %get3A_96 {offsets = [14], sizes = [1], strides = [1]} : vector<16xi32> to vector<1xi32>
      %squeeze3A_406 = vector.extract %slice3A_405[0] : i32 from vector<1xi32>
      %max3A_407 = arith.maxsi %squeeze3A_406, %mul3A_0 : i32
      %slice3A_408 = vector.extract_strided_slice %get3A_98 {offsets = [14], sizes = [1], strides = [1]} : vector<16xi32> to vector<1xi32>
      %squeeze3A_409 = vector.extract %slice3A_408[0] : i32 from vector<1xi32>
      %add3A_410 = arith.constant 6 : i32
      %add3A_411 = arith.addi %mul3A_0, %add3A_410 : i32
      %min3A_412 = arith.minsi %squeeze3A_409, %add3A_411 : i32
      %slice3A_413 = vector.extract_strided_slice %get3A_100 {offsets = [14], sizes = [1], strides = [1]} : vector<16xf32> to vector<1xf32>
      %squeeze3A_414 = vector.extract %slice3A_413[0] : f32 from vector<1xf32>
      %add3A_415 = arith.constant 14 : i32
      %add3A_416 = arith.addi %mul3A_90, %add3A_415 : i32
      %le3A_417 = arith.cmpi sle, %squeeze3A_402, %squeeze3A_404 : i32
      %le3A_418 = arith.cmpi sle, %max3A_407, %min3A_412 : i32
      %and3A_419 = arith.andi %le3A_417, %le3A_418 : i1
      %convert_element_type3A_420 = arith.extui %and3A_419 : i1 to i32
      %cond3A_421 = arith.constant 0 : i32
      %cond3A_422 = arith.cmpi ne, %convert_element_type3A_420, %cond3A_421 : i32
      scf.if %cond3A_422 {
        %shift_right_logical3A = arith.constant 4 : i32
        %shift_right_logical3A_445 = arith.shrui %squeeze3A_402, %shift_right_logical3A : i32
        %shift_right_logical3A_446 = arith.constant 4 : i32
        %shift_right_logical3A_447 = arith.shrui %squeeze3A_404, %shift_right_logical3A_446 : i32
        %add3A_448 = arith.constant 1 : i32
        %add3A_449 = arith.addi %min3A_412, %add3A_448 : i32
        %while3A = arith.constant 0 : i32
        %while3A_450 = arith.subi %add3A_449, %max3A_407 : i32
        %while3A_451 = arith.addi %max3A_407, %while3A_450 : i32
        %while3A_452 = arith.constant 1 : i32
        %while3A_453 = arith.divsi %while3A_450, %while3A_452 : i32
        %while3A_454 = arith.muli %while3A_453, %while3A_452 : i32
        %while3A_455 = arith.addi %max3A_407, %while3A_454 : i32
        %while3A_456 = arith.constant 1 : i32
        scf.for %while3A_458 = %max3A_407 to %while3A_455 step %while3A_456  : i32 {
          %sub3A = arith.subi %while3A_458, %mul3A_0 : i32
          %mul3A_459 = arith.constant 112 : i32
          %mul3A_460 = arith.muli %sub3A, %mul3A_459 : i32
          %add3A_461 = arith.constant 1 : i32
          %add3A_462 = arith.addi %shift_right_logical3A_447, %add3A_461 : i32
          %while3A_463 = arith.constant 0 : i32
          %while3A_464 = arith.subi %add3A_462, %shift_right_logical3A_445 : i32
          %while3A_465 = arith.addi %shift_right_logical3A_445, %while3A_464 : i32
          %while3A_466 = arith.constant 1 : i32
          %while3A_467 = arith.divsi %while3A_464, %while3A_466 : i32
          %while3A_468 = arith.muli %while3A_467, %while3A_466 : i32
          %while3A_469 = arith.addi %shift_right_logical3A_445, %while3A_468 : i32
          %while3A_470 = arith.constant 1 : i32
          scf.for %while3A_472 = %shift_right_logical3A_445 to %while3A_469 step %while3A_470  : i32 {
            %mul3A_473 = arith.constant 16 : i32
            %mul3A_474 = arith.muli %while3A_472, %mul3A_473 : i32
            %add3A_475 = arith.addi %mul3A_460, %mul3A_474 : i32
            %mul3A_476 = arith.constant 16 : i32
            %mul3A_477 = arith.muli %while3A_472, %mul3A_476 : i32
            %iota3A_478 = tpu.iota {dimensions = array<i32: 0>} : vector<16xi32>
            %add3A_479 = vector.broadcast %mul3A_477 : i32 to vector<16xi32>
            %add3A_480 = arith.addi %add3A_479, %iota3A_478 : vector<16xi32>
            %ge3A = vector.broadcast %squeeze3A_402 : i32 to vector<16xi32>
            %ge3A_481 = arith.cmpi sge, %add3A_480, %ge3A : vector<16xi32>
            %le3A_482 = vector.broadcast %squeeze3A_404 : i32 to vector<16xi32>
            %le3A_483 = arith.cmpi sle, %add3A_480, %le3A_482 : vector<16xi32>
            %and3A_484 = arith.andi %ge3A_481, %le3A_483 : vector<16xi1>
            %get3A_485 = arith.index_cast %add3A_475 : i32 to index
            %get3A_486 = tpu.vector_load %arg24[%get3A_485] {strides = array<i32>} : memref<784xf32, #tpu.memory_space<vmem>>, vector<16xf32>,
            %gt3A = vector.broadcast %squeeze3A_414 : f32 to vector<16xf32>
            %gt3A_487 = arith.cmpf ogt, %gt3A, %get3A_486 : vector<16xf32>
            %and3A_488 = arith.andi %and3A_484, %gt3A_487 : vector<16xi1>
            %broadcast_in_dim3A_489 = vector.broadcast %squeeze3A_414 : f32 to vector<16xf32>
            %select_n3A_490 = arith.select %and3A_488, %broadcast_in_dim3A_489, %get3A_486 : vector<16xi1>, vector<16xf32>
            %swap3A_491 = arith.index_cast %add3A_475 : i32 to index
            %swap3A_492 = tpu.vector_load %arg24[%swap3A_491] {strides = array<i32>} : memref<784xf32, #tpu.memory_space<vmem>>, vector<16xf32>,
            tpu.vector_store %arg24[%swap3A_491], %select_n3A_490 {strides = array<i32>} : memref<784xf32, #tpu.memory_space<vmem>>, vector<16xf32>,
            %get3A_493 = arith.index_cast %add3A_475 : i32 to index
            %get3A_494 = tpu.vector_load %arg25[%get3A_493] {strides = array<i32>} : memref<784xi32, #tpu.memory_space<vmem>>, vector<16xi32>,
            %broadcast_in_dim3A_495 = vector.broadcast %add3A_416 : i32 to vector<16xi32>
            %select_n3A_496 = arith.select %and3A_488, %broadcast_in_dim3A_495, %get3A_494 : vector<16xi1>, vector<16xi32>
            %swap3A_497 = arith.index_cast %add3A_475 : i32 to index
            %swap3A_498 = tpu.vector_load %arg25[%swap3A_497] {strides = array<i32>} : memref<784xi32, #tpu.memory_space<vmem>>, vector<16xi32>,
            tpu.vector_store %arg25[%swap3A_497], %select_n3A_496 {strides = array<i32>} : memref<784xi32, #tpu.memory_space<vmem>>, vector<16xi32>,
          }
          %while3A_471 = arith.constant 1 : i32
          scf.for %while3A_472 = %while3A_469 to %while3A_465 step %while3A_471  : i32 {
            %mul3A_473 = arith.constant 16 : i32
            %mul3A_474 = arith.muli %while3A_472, %mul3A_473 : i32
            %add3A_475 = arith.addi %mul3A_460, %mul3A_474 : i32
            %mul3A_476 = arith.constant 16 : i32
            %mul3A_477 = arith.muli %while3A_472, %mul3A_476 : i32
            %iota3A_478 = tpu.iota {dimensions = array<i32: 0>} : vector<16xi32>
            %add3A_479 = vector.broadcast %mul3A_477 : i32 to vector<16xi32>
            %add3A_480 = arith.addi %add3A_479, %iota3A_478 : vector<16xi32>
            %ge3A = vector.broadcast %squeeze3A_402 : i32 to vector<16xi32>
            %ge3A_481 = arith.cmpi sge, %add3A_480, %ge3A : vector<16xi32>
            %le3A_482 = vector.broadcast %squeeze3A_404 : i32 to vector<16xi32>
            %le3A_483 = arith.cmpi sle, %add3A_480, %le3A_482 : vector<16xi32>
            %and3A_484 = arith.andi %ge3A_481, %le3A_483 : vector<16xi1>
            %get3A_485 = arith.index_cast %add3A_475 : i32 to index
            %get3A_486 = tpu.vector_load %arg24[%get3A_485] {strides = array<i32>} : memref<784xf32, #tpu.memory_space<vmem>>, vector<16xf32>,
            %gt3A = vector.broadcast %squeeze3A_414 : f32 to vector<16xf32>
            %gt3A_487 = arith.cmpf ogt, %gt3A, %get3A_486 : vector<16xf32>
            %and3A_488 = arith.andi %and3A_484, %gt3A_487 : vector<16xi1>
            %broadcast_in_dim3A_489 = vector.broadcast %squeeze3A_414 : f32 to vector<16xf32>
            %select_n3A_490 = arith.select %and3A_488, %broadcast_in_dim3A_489, %get3A_486 : vector<16xi1>, vector<16xf32>
            %swap3A_491 = arith.index_cast %add3A_475 : i32 to index
            %swap3A_492 = tpu.vector_load %arg24[%swap3A_491] {strides = array<i32>} : memref<784xf32, #tpu.memory_space<vmem>>, vector<16xf32>,
            tpu.vector_store %arg24[%swap3A_491], %select_n3A_490 {strides = array<i32>} : memref<784xf32, #tpu.memory_space<vmem>>, vector<16xf32>,
            %get3A_493 = arith.index_cast %add3A_475 : i32 to index
            %get3A_494 = tpu.vector_load %arg25[%get3A_493] {strides = array<i32>} : memref<784xi32, #tpu.memory_space<vmem>>, vector<16xi32>,
            %broadcast_in_dim3A_495 = vector.broadcast %add3A_416 : i32 to vector<16xi32>
            %select_n3A_496 = arith.select %and3A_488, %broadcast_in_dim3A_495, %get3A_494 : vector<16xi1>, vector<16xi32>
            %swap3A_497 = arith.index_cast %add3A_475 : i32 to index
            %swap3A_498 = tpu.vector_load %arg25[%swap3A_497] {strides = array<i32>} : memref<784xi32, #tpu.memory_space<vmem>>, vector<16xi32>,
            tpu.vector_store %arg25[%swap3A_497], %select_n3A_496 {strides = array<i32>} : memref<784xi32, #tpu.memory_space<vmem>>, vector<16xi32>,
          }
        }
        %while3A_457 = arith.constant 1 : i32
        scf.for %while3A_458 = %while3A_455 to %while3A_451 step %while3A_457  : i32 {
          %sub3A = arith.subi %while3A_458, %mul3A_0 : i32
          %mul3A_459 = arith.constant 112 : i32
          %mul3A_460 = arith.muli %sub3A, %mul3A_459 : i32
          %add3A_461 = arith.constant 1 : i32
          %add3A_462 = arith.addi %shift_right_logical3A_447, %add3A_461 : i32
          %while3A_463 = arith.constant 0 : i32
          %while3A_464 = arith.subi %add3A_462, %shift_right_logical3A_445 : i32
          %while3A_465 = arith.addi %shift_right_logical3A_445, %while3A_464 : i32
          %while3A_466 = arith.constant 1 : i32
          %while3A_467 = arith.divsi %while3A_464, %while3A_466 : i32
          %while3A_468 = arith.muli %while3A_467, %while3A_466 : i32
          %while3A_469 = arith.addi %shift_right_logical3A_445, %while3A_468 : i32
          %while3A_470 = arith.constant 1 : i32
          scf.for %while3A_472 = %shift_right_logical3A_445 to %while3A_469 step %while3A_470  : i32 {
            %mul3A_473 = arith.constant 16 : i32
            %mul3A_474 = arith.muli %while3A_472, %mul3A_473 : i32
            %add3A_475 = arith.addi %mul3A_460, %mul3A_474 : i32
            %mul3A_476 = arith.constant 16 : i32
            %mul3A_477 = arith.muli %while3A_472, %mul3A_476 : i32
            %iota3A_478 = tpu.iota {dimensions = array<i32: 0>} : vector<16xi32>
            %add3A_479 = vector.broadcast %mul3A_477 : i32 to vector<16xi32>
            %add3A_480 = arith.addi %add3A_479, %iota3A_478 : vector<16xi32>
            %ge3A = vector.broadcast %squeeze3A_402 : i32 to vector<16xi32>
            %ge3A_481 = arith.cmpi sge, %add3A_480, %ge3A : vector<16xi32>
            %le3A_482 = vector.broadcast %squeeze3A_404 : i32 to vector<16xi32>
            %le3A_483 = arith.cmpi sle, %add3A_480, %le3A_482 : vector<16xi32>
            %and3A_484 = arith.andi %ge3A_481, %le3A_483 : vector<16xi1>
            %get3A_485 = arith.index_cast %add3A_475 : i32 to index
            %get3A_486 = tpu.vector_load %arg24[%get3A_485] {strides = array<i32>} : memref<784xf32, #tpu.memory_space<vmem>>, vector<16xf32>,
            %gt3A = vector.broadcast %squeeze3A_414 : f32 to vector<16xf32>
            %gt3A_487 = arith.cmpf ogt, %gt3A, %get3A_486 : vector<16xf32>
            %and3A_488 = arith.andi %and3A_484, %gt3A_487 : vector<16xi1>
            %broadcast_in_dim3A_489 = vector.broadcast %squeeze3A_414 : f32 to vector<16xf32>
            %select_n3A_490 = arith.select %and3A_488, %broadcast_in_dim3A_489, %get3A_486 : vector<16xi1>, vector<16xf32>
            %swap3A_491 = arith.index_cast %add3A_475 : i32 to index
            %swap3A_492 = tpu.vector_load %arg24[%swap3A_491] {strides = array<i32>} : memref<784xf32, #tpu.memory_space<vmem>>, vector<16xf32>,
            tpu.vector_store %arg24[%swap3A_491], %select_n3A_490 {strides = array<i32>} : memref<784xf32, #tpu.memory_space<vmem>>, vector<16xf32>,
            %get3A_493 = arith.index_cast %add3A_475 : i32 to index
            %get3A_494 = tpu.vector_load %arg25[%get3A_493] {strides = array<i32>} : memref<784xi32, #tpu.memory_space<vmem>>, vector<16xi32>,
            %broadcast_in_dim3A_495 = vector.broadcast %add3A_416 : i32 to vector<16xi32>
            %select_n3A_496 = arith.select %and3A_488, %broadcast_in_dim3A_495, %get3A_494 : vector<16xi1>, vector<16xi32>
            %swap3A_497 = arith.index_cast %add3A_475 : i32 to index
            %swap3A_498 = tpu.vector_load %arg25[%swap3A_497] {strides = array<i32>} : memref<784xi32, #tpu.memory_space<vmem>>, vector<16xi32>,
            tpu.vector_store %arg25[%swap3A_497], %select_n3A_496 {strides = array<i32>} : memref<784xi32, #tpu.memory_space<vmem>>, vector<16xi32>,
          }
          %while3A_471 = arith.constant 1 : i32
          scf.for %while3A_472 = %while3A_469 to %while3A_465 step %while3A_471  : i32 {
            %mul3A_473 = arith.constant 16 : i32
            %mul3A_474 = arith.muli %while3A_472, %mul3A_473 : i32
            %add3A_475 = arith.addi %mul3A_460, %mul3A_474 : i32
            %mul3A_476 = arith.constant 16 : i32
            %mul3A_477 = arith.muli %while3A_472, %mul3A_476 : i32
            %iota3A_478 = tpu.iota {dimensions = array<i32: 0>} : vector<16xi32>
            %add3A_479 = vector.broadcast %mul3A_477 : i32 to vector<16xi32>
            %add3A_480 = arith.addi %add3A_479, %iota3A_478 : vector<16xi32>
            %ge3A = vector.broadcast %squeeze3A_402 : i32 to vector<16xi32>
            %ge3A_481 = arith.cmpi sge, %add3A_480, %ge3A : vector<16xi32>
            %le3A_482 = vector.broadcast %squeeze3A_404 : i32 to vector<16xi32>
            %le3A_483 = arith.cmpi sle, %add3A_480, %le3A_482 : vector<16xi32>
            %and3A_484 = arith.andi %ge3A_481, %le3A_483 : vector<16xi1>
            %get3A_485 = arith.index_cast %add3A_475 : i32 to index
            %get3A_486 = tpu.vector_load %arg24[%get3A_485] {strides = array<i32>} : memref<784xf32, #tpu.memory_space<vmem>>, vector<16xf32>,
            %gt3A = vector.broadcast %squeeze3A_414 : f32 to vector<16xf32>
            %gt3A_487 = arith.cmpf ogt, %gt3A, %get3A_486 : vector<16xf32>
            %and3A_488 = arith.andi %and3A_484, %gt3A_487 : vector<16xi1>
            %broadcast_in_dim3A_489 = vector.broadcast %squeeze3A_414 : f32 to vector<16xf32>
            %select_n3A_490 = arith.select %and3A_488, %broadcast_in_dim3A_489, %get3A_486 : vector<16xi1>, vector<16xf32>
            %swap3A_491 = arith.index_cast %add3A_475 : i32 to index
            %swap3A_492 = tpu.vector_load %arg24[%swap3A_491] {strides = array<i32>} : memref<784xf32, #tpu.memory_space<vmem>>, vector<16xf32>,
            tpu.vector_store %arg24[%swap3A_491], %select_n3A_490 {strides = array<i32>} : memref<784xf32, #tpu.memory_space<vmem>>, vector<16xf32>,
            %get3A_493 = arith.index_cast %add3A_475 : i32 to index
            %get3A_494 = tpu.vector_load %arg25[%get3A_493] {strides = array<i32>} : memref<784xi32, #tpu.memory_space<vmem>>, vector<16xi32>,
            %broadcast_in_dim3A_495 = vector.broadcast %add3A_416 : i32 to vector<16xi32>
            %select_n3A_496 = arith.select %and3A_488, %broadcast_in_dim3A_495, %get3A_494 : vector<16xi1>, vector<16xi32>
            %swap3A_497 = arith.index_cast %add3A_475 : i32 to index
            %swap3A_498 = tpu.vector_load %arg25[%swap3A_497] {strides = array<i32>} : memref<784xi32, #tpu.memory_space<vmem>>, vector<16xi32>,
            tpu.vector_store %arg25[%swap3A_497], %select_n3A_496 {strides = array<i32>} : memref<784xi32, #tpu.memory_space<vmem>>, vector<16xi32>,
          }
        }
      } else {
      }
      %slice3A_423 = vector.extract_strided_slice %get3A_92 {offsets = [15], sizes = [1], strides = [1]} : vector<16xi32> to vector<1xi32>
      %squeeze3A_424 = vector.extract %slice3A_423[0] : i32 from vector<1xi32>
      %slice3A_425 = vector.extract_strided_slice %get3A_94 {offsets = [15], sizes = [1], strides = [1]} : vector<16xi32> to vector<1xi32>
      %squeeze3A_426 = vector.extract %slice3A_425[0] : i32 from vector<1xi32>
      %slice3A_427 = vector.extract_strided_slice %get3A_96 {offsets = [15], sizes = [1], strides = [1]} : vector<16xi32> to vector<1xi32>
      %squeeze3A_428 = vector.extract %slice3A_427[0] : i32 from vector<1xi32>
      %max3A_429 = arith.maxsi %squeeze3A_428, %mul3A_0 : i32
      %slice3A_430 = vector.extract_strided_slice %get3A_98 {offsets = [15], sizes = [1], strides = [1]} : vector<16xi32> to vector<1xi32>
      %squeeze3A_431 = vector.extract %slice3A_430[0] : i32 from vector<1xi32>
      %add3A_432 = arith.constant 6 : i32
      %add3A_433 = arith.addi %mul3A_0, %add3A_432 : i32
      %min3A_434 = arith.minsi %squeeze3A_431, %add3A_433 : i32
      %slice3A_435 = vector.extract_strided_slice %get3A_100 {offsets = [15], sizes = [1], strides = [1]} : vector<16xf32> to vector<1xf32>
      %squeeze3A_436 = vector.extract %slice3A_435[0] : f32 from vector<1xf32>
      %add3A_437 = arith.constant 15 : i32
      %add3A_438 = arith.addi %mul3A_90, %add3A_437 : i32
      %le3A_439 = arith.cmpi sle, %squeeze3A_424, %squeeze3A_426 : i32
      %le3A_440 = arith.cmpi sle, %max3A_429, %min3A_434 : i32
      %and3A_441 = arith.andi %le3A_439, %le3A_440 : i1
      %convert_element_type3A_442 = arith.extui %and3A_441 : i1 to i32
      %cond3A_443 = arith.constant 0 : i32
      %cond3A_444 = arith.cmpi ne, %convert_element_type3A_442, %cond3A_443 : i32
      scf.if %cond3A_444 {
        %shift_right_logical3A = arith.constant 4 : i32
        %shift_right_logical3A_445 = arith.shrui %squeeze3A_424, %shift_right_logical3A : i32
        %shift_right_logical3A_446 = arith.constant 4 : i32
        %shift_right_logical3A_447 = arith.shrui %squeeze3A_426, %shift_right_logical3A_446 : i32
        %add3A_448 = arith.constant 1 : i32
        %add3A_449 = arith.addi %min3A_434, %add3A_448 : i32
        %while3A = arith.constant 0 : i32
        %while3A_450 = arith.subi %add3A_449, %max3A_429 : i32
        %while3A_451 = arith.addi %max3A_429, %while3A_450 : i32
        %while3A_452 = arith.constant 1 : i32
        %while3A_453 = arith.divsi %while3A_450, %while3A_452 : i32
        %while3A_454 = arith.muli %while3A_453, %while3A_452 : i32
        %while3A_455 = arith.addi %max3A_429, %while3A_454 : i32
        %while3A_456 = arith.constant 1 : i32
        scf.for %while3A_458 = %max3A_429 to %while3A_455 step %while3A_456  : i32 {
          %sub3A = arith.subi %while3A_458, %mul3A_0 : i32
          %mul3A_459 = arith.constant 112 : i32
          %mul3A_460 = arith.muli %sub3A, %mul3A_459 : i32
          %add3A_461 = arith.constant 1 : i32
          %add3A_462 = arith.addi %shift_right_logical3A_447, %add3A_461 : i32
          %while3A_463 = arith.constant 0 : i32
          %while3A_464 = arith.subi %add3A_462, %shift_right_logical3A_445 : i32
          %while3A_465 = arith.addi %shift_right_logical3A_445, %while3A_464 : i32
          %while3A_466 = arith.constant 1 : i32
          %while3A_467 = arith.divsi %while3A_464, %while3A_466 : i32
          %while3A_468 = arith.muli %while3A_467, %while3A_466 : i32
          %while3A_469 = arith.addi %shift_right_logical3A_445, %while3A_468 : i32
          %while3A_470 = arith.constant 1 : i32
          scf.for %while3A_472 = %shift_right_logical3A_445 to %while3A_469 step %while3A_470  : i32 {
            %mul3A_473 = arith.constant 16 : i32
            %mul3A_474 = arith.muli %while3A_472, %mul3A_473 : i32
            %add3A_475 = arith.addi %mul3A_460, %mul3A_474 : i32
            %mul3A_476 = arith.constant 16 : i32
            %mul3A_477 = arith.muli %while3A_472, %mul3A_476 : i32
            %iota3A_478 = tpu.iota {dimensions = array<i32: 0>} : vector<16xi32>
            %add3A_479 = vector.broadcast %mul3A_477 : i32 to vector<16xi32>
            %add3A_480 = arith.addi %add3A_479, %iota3A_478 : vector<16xi32>
            %ge3A = vector.broadcast %squeeze3A_424 : i32 to vector<16xi32>
            %ge3A_481 = arith.cmpi sge, %add3A_480, %ge3A : vector<16xi32>
            %le3A_482 = vector.broadcast %squeeze3A_426 : i32 to vector<16xi32>
            %le3A_483 = arith.cmpi sle, %add3A_480, %le3A_482 : vector<16xi32>
            %and3A_484 = arith.andi %ge3A_481, %le3A_483 : vector<16xi1>
            %get3A_485 = arith.index_cast %add3A_475 : i32 to index
            %get3A_486 = tpu.vector_load %arg24[%get3A_485] {strides = array<i32>} : memref<784xf32, #tpu.memory_space<vmem>>, vector<16xf32>,
            %gt3A = vector.broadcast %squeeze3A_436 : f32 to vector<16xf32>
            %gt3A_487 = arith.cmpf ogt, %gt3A, %get3A_486 : vector<16xf32>
            %and3A_488 = arith.andi %and3A_484, %gt3A_487 : vector<16xi1>
            %broadcast_in_dim3A_489 = vector.broadcast %squeeze3A_436 : f32 to vector<16xf32>
            %select_n3A_490 = arith.select %and3A_488, %broadcast_in_dim3A_489, %get3A_486 : vector<16xi1>, vector<16xf32>
            %swap3A_491 = arith.index_cast %add3A_475 : i32 to index
            %swap3A_492 = tpu.vector_load %arg24[%swap3A_491] {strides = array<i32>} : memref<784xf32, #tpu.memory_space<vmem>>, vector<16xf32>,
            tpu.vector_store %arg24[%swap3A_491], %select_n3A_490 {strides = array<i32>} : memref<784xf32, #tpu.memory_space<vmem>>, vector<16xf32>,
            %get3A_493 = arith.index_cast %add3A_475 : i32 to index
            %get3A_494 = tpu.vector_load %arg25[%get3A_493] {strides = array<i32>} : memref<784xi32, #tpu.memory_space<vmem>>, vector<16xi32>,
            %broadcast_in_dim3A_495 = vector.broadcast %add3A_438 : i32 to vector<16xi32>
            %select_n3A_496 = arith.select %and3A_488, %broadcast_in_dim3A_495, %get3A_494 : vector<16xi1>, vector<16xi32>
            %swap3A_497 = arith.index_cast %add3A_475 : i32 to index
            %swap3A_498 = tpu.vector_load %arg25[%swap3A_497] {strides = array<i32>} : memref<784xi32, #tpu.memory_space<vmem>>, vector<16xi32>,
            tpu.vector_store %arg25[%swap3A_497], %select_n3A_496 {strides = array<i32>} : memref<784xi32, #tpu.memory_space<vmem>>, vector<16xi32>,
          }
          %while3A_471 = arith.constant 1 : i32
          scf.for %while3A_472 = %while3A_469 to %while3A_465 step %while3A_471  : i32 {
            %mul3A_473 = arith.constant 16 : i32
            %mul3A_474 = arith.muli %while3A_472, %mul3A_473 : i32
            %add3A_475 = arith.addi %mul3A_460, %mul3A_474 : i32
            %mul3A_476 = arith.constant 16 : i32
            %mul3A_477 = arith.muli %while3A_472, %mul3A_476 : i32
            %iota3A_478 = tpu.iota {dimensions = array<i32: 0>} : vector<16xi32>
            %add3A_479 = vector.broadcast %mul3A_477 : i32 to vector<16xi32>
            %add3A_480 = arith.addi %add3A_479, %iota3A_478 : vector<16xi32>
            %ge3A = vector.broadcast %squeeze3A_424 : i32 to vector<16xi32>
            %ge3A_481 = arith.cmpi sge, %add3A_480, %ge3A : vector<16xi32>
            %le3A_482 = vector.broadcast %squeeze3A_426 : i32 to vector<16xi32>
            %le3A_483 = arith.cmpi sle, %add3A_480, %le3A_482 : vector<16xi32>
            %and3A_484 = arith.andi %ge3A_481, %le3A_483 : vector<16xi1>
            %get3A_485 = arith.index_cast %add3A_475 : i32 to index
            %get3A_486 = tpu.vector_load %arg24[%get3A_485] {strides = array<i32>} : memref<784xf32, #tpu.memory_space<vmem>>, vector<16xf32>,
            %gt3A = vector.broadcast %squeeze3A_436 : f32 to vector<16xf32>
            %gt3A_487 = arith.cmpf ogt, %gt3A, %get3A_486 : vector<16xf32>
            %and3A_488 = arith.andi %and3A_484, %gt3A_487 : vector<16xi1>
            %broadcast_in_dim3A_489 = vector.broadcast %squeeze3A_436 : f32 to vector<16xf32>
            %select_n3A_490 = arith.select %and3A_488, %broadcast_in_dim3A_489, %get3A_486 : vector<16xi1>, vector<16xf32>
            %swap3A_491 = arith.index_cast %add3A_475 : i32 to index
            %swap3A_492 = tpu.vector_load %arg24[%swap3A_491] {strides = array<i32>} : memref<784xf32, #tpu.memory_space<vmem>>, vector<16xf32>,
            tpu.vector_store %arg24[%swap3A_491], %select_n3A_490 {strides = array<i32>} : memref<784xf32, #tpu.memory_space<vmem>>, vector<16xf32>,
            %get3A_493 = arith.index_cast %add3A_475 : i32 to index
            %get3A_494 = tpu.vector_load %arg25[%get3A_493] {strides = array<i32>} : memref<784xi32, #tpu.memory_space<vmem>>, vector<16xi32>,
            %broadcast_in_dim3A_495 = vector.broadcast %add3A_438 : i32 to vector<16xi32>
            %select_n3A_496 = arith.select %and3A_488, %broadcast_in_dim3A_495, %get3A_494 : vector<16xi1>, vector<16xi32>
            %swap3A_497 = arith.index_cast %add3A_475 : i32 to index
            %swap3A_498 = tpu.vector_load %arg25[%swap3A_497] {strides = array<i32>} : memref<784xi32, #tpu.memory_space<vmem>>, vector<16xi32>,
            tpu.vector_store %arg25[%swap3A_497], %select_n3A_496 {strides = array<i32>} : memref<784xi32, #tpu.memory_space<vmem>>, vector<16xi32>,
          }
        }
        %while3A_457 = arith.constant 1 : i32
        scf.for %while3A_458 = %while3A_455 to %while3A_451 step %while3A_457  : i32 {
          %sub3A = arith.subi %while3A_458, %mul3A_0 : i32
          %mul3A_459 = arith.constant 112 : i32
          %mul3A_460 = arith.muli %sub3A, %mul3A_459 : i32
          %add3A_461 = arith.constant 1 : i32
          %add3A_462 = arith.addi %shift_right_logical3A_447, %add3A_461 : i32
          %while3A_463 = arith.constant 0 : i32
          %while3A_464 = arith.subi %add3A_462, %shift_right_logical3A_445 : i32
          %while3A_465 = arith.addi %shift_right_logical3A_445, %while3A_464 : i32
          %while3A_466 = arith.constant 1 : i32
          %while3A_467 = arith.divsi %while3A_464, %while3A_466 : i32
          %while3A_468 = arith.muli %while3A_467, %while3A_466 : i32
          %while3A_469 = arith.addi %shift_right_logical3A_445, %while3A_468 : i32
          %while3A_470 = arith.constant 1 : i32
          scf.for %while3A_472 = %shift_right_logical3A_445 to %while3A_469 step %while3A_470  : i32 {
            %mul3A_473 = arith.constant 16 : i32
            %mul3A_474 = arith.muli %while3A_472, %mul3A_473 : i32
            %add3A_475 = arith.addi %mul3A_460, %mul3A_474 : i32
            %mul3A_476 = arith.constant 16 : i32
            %mul3A_477 = arith.muli %while3A_472, %mul3A_476 : i32
            %iota3A_478 = tpu.iota {dimensions = array<i32: 0>} : vector<16xi32>
            %add3A_479 = vector.broadcast %mul3A_477 : i32 to vector<16xi32>
            %add3A_480 = arith.addi %add3A_479, %iota3A_478 : vector<16xi32>
            %ge3A = vector.broadcast %squeeze3A_424 : i32 to vector<16xi32>
            %ge3A_481 = arith.cmpi sge, %add3A_480, %ge3A : vector<16xi32>
            %le3A_482 = vector.broadcast %squeeze3A_426 : i32 to vector<16xi32>
            %le3A_483 = arith.cmpi sle, %add3A_480, %le3A_482 : vector<16xi32>
            %and3A_484 = arith.andi %ge3A_481, %le3A_483 : vector<16xi1>
            %get3A_485 = arith.index_cast %add3A_475 : i32 to index
            %get3A_486 = tpu.vector_load %arg24[%get3A_485] {strides = array<i32>} : memref<784xf32, #tpu.memory_space<vmem>>, vector<16xf32>,
            %gt3A = vector.broadcast %squeeze3A_436 : f32 to vector<16xf32>
            %gt3A_487 = arith.cmpf ogt, %gt3A, %get3A_486 : vector<16xf32>
            %and3A_488 = arith.andi %and3A_484, %gt3A_487 : vector<16xi1>
            %broadcast_in_dim3A_489 = vector.broadcast %squeeze3A_436 : f32 to vector<16xf32>
            %select_n3A_490 = arith.select %and3A_488, %broadcast_in_dim3A_489, %get3A_486 : vector<16xi1>, vector<16xf32>
            %swap3A_491 = arith.index_cast %add3A_475 : i32 to index
            %swap3A_492 = tpu.vector_load %arg24[%swap3A_491] {strides = array<i32>} : memref<784xf32, #tpu.memory_space<vmem>>, vector<16xf32>,
            tpu.vector_store %arg24[%swap3A_491], %select_n3A_490 {strides = array<i32>} : memref<784xf32, #tpu.memory_space<vmem>>, vector<16xf32>,
            %get3A_493 = arith.index_cast %add3A_475 : i32 to index
            %get3A_494 = tpu.vector_load %arg25[%get3A_493] {strides = array<i32>} : memref<784xi32, #tpu.memory_space<vmem>>, vector<16xi32>,
            %broadcast_in_dim3A_495 = vector.broadcast %add3A_438 : i32 to vector<16xi32>
            %select_n3A_496 = arith.select %and3A_488, %broadcast_in_dim3A_495, %get3A_494 : vector<16xi1>, vector<16xi32>
            %swap3A_497 = arith.index_cast %add3A_475 : i32 to index
            %swap3A_498 = tpu.vector_load %arg25[%swap3A_497] {strides = array<i32>} : memref<784xi32, #tpu.memory_space<vmem>>, vector<16xi32>,
            tpu.vector_store %arg25[%swap3A_497], %select_n3A_496 {strides = array<i32>} : memref<784xi32, #tpu.memory_space<vmem>>, vector<16xi32>,
          }
          %while3A_471 = arith.constant 1 : i32
          scf.for %while3A_472 = %while3A_469 to %while3A_465 step %while3A_471  : i32 {
            %mul3A_473 = arith.constant 16 : i32
            %mul3A_474 = arith.muli %while3A_472, %mul3A_473 : i32
            %add3A_475 = arith.addi %mul3A_460, %mul3A_474 : i32
            %mul3A_476 = arith.constant 16 : i32
            %mul3A_477 = arith.muli %while3A_472, %mul3A_476 : i32
            %iota3A_478 = tpu.iota {dimensions = array<i32: 0>} : vector<16xi32>
            %add3A_479 = vector.broadcast %mul3A_477 : i32 to vector<16xi32>
            %add3A_480 = arith.addi %add3A_479, %iota3A_478 : vector<16xi32>
            %ge3A = vector.broadcast %squeeze3A_424 : i32 to vector<16xi32>
            %ge3A_481 = arith.cmpi sge, %add3A_480, %ge3A : vector<16xi32>
            %le3A_482 = vector.broadcast %squeeze3A_426 : i32 to vector<16xi32>
            %le3A_483 = arith.cmpi sle, %add3A_480, %le3A_482 : vector<16xi32>
            %and3A_484 = arith.andi %ge3A_481, %le3A_483 : vector<16xi1>
            %get3A_485 = arith.index_cast %add3A_475 : i32 to index
            %get3A_486 = tpu.vector_load %arg24[%get3A_485] {strides = array<i32>} : memref<784xf32, #tpu.memory_space<vmem>>, vector<16xf32>,
            %gt3A = vector.broadcast %squeeze3A_436 : f32 to vector<16xf32>
            %gt3A_487 = arith.cmpf ogt, %gt3A, %get3A_486 : vector<16xf32>
            %and3A_488 = arith.andi %and3A_484, %gt3A_487 : vector<16xi1>
            %broadcast_in_dim3A_489 = vector.broadcast %squeeze3A_436 : f32 to vector<16xf32>
            %select_n3A_490 = arith.select %and3A_488, %broadcast_in_dim3A_489, %get3A_486 : vector<16xi1>, vector<16xf32>
            %swap3A_491 = arith.index_cast %add3A_475 : i32 to index
            %swap3A_492 = tpu.vector_load %arg24[%swap3A_491] {strides = array<i32>} : memref<784xf32, #tpu.memory_space<vmem>>, vector<16xf32>,
            tpu.vector_store %arg24[%swap3A_491], %select_n3A_490 {strides = array<i32>} : memref<784xf32, #tpu.memory_space<vmem>>, vector<16xf32>,
            %get3A_493 = arith.index_cast %add3A_475 : i32 to index
            %get3A_494 = tpu.vector_load %arg25[%get3A_493] {strides = array<i32>} : memref<784xi32, #tpu.memory_space<vmem>>, vector<16xi32>,
            %broadcast_in_dim3A_495 = vector.broadcast %add3A_438 : i32 to vector<16xi32>
            %select_n3A_496 = arith.select %and3A_488, %broadcast_in_dim3A_495, %get3A_494 : vector<16xi1>, vector<16xi32>
            %swap3A_497 = arith.index_cast %add3A_475 : i32 to index
            %swap3A_498 = tpu.vector_load %arg25[%swap3A_497] {strides = array<i32>} : memref<784xi32, #tpu.memory_space<vmem>>, vector<16xi32>,
            tpu.vector_store %arg25[%swap3A_497], %select_n3A_496 {strides = array<i32>} : memref<784xi32, #tpu.memory_space<vmem>>, vector<16xi32>,
          }
        }
      } else {
      }
    }
    %scan3A_49 = arith.constant 63 : i32
    %scan3A_50 = arith.constant 0 : i32
    %scan3A_51 = arith.constant 0 : i32
    %scan3A_52 = arith.constant 49 : i32
    %scan3A_53 = arith.addi %scan3A_51, %scan3A_52 : i32
    %scan3A_54 = arith.constant 1 : i32
    scf.for %scan3A_88 = %scan3A_51 to %scan3A_53 step %scan3A_54  : i32 {
      %mul3A_89 = arith.constant 16 : i32
      %mul3A_90 = arith.muli %scan3A_88, %mul3A_89 : i32
      %get3A_91 = arith.index_cast %mul3A_90 : i32 to index
      %get3A_92 = tpu.vector_load %arg25[%get3A_91] {strides = array<i32>} : memref<784xi32, #tpu.memory_space<vmem>>, vector<16xi32>,
      %ge3A = arith.constant 0 : i32
      %ge3A_93 = vector.broadcast %ge3A : i32 to vector<16xi32>
      %ge3A_94 = arith.cmpi sge, %get3A_92, %ge3A_93 : vector<16xi32>
      %max3A = arith.constant 0 : i32
      %max3A_95 = vector.broadcast %max3A : i32 to vector<16xi32>
      %max3A_96 = arith.maxsi %get3A_92, %max3A_95 : vector<16xi32>
      %jit3A_97 = arith.constant 1.000000e+00 : f32
      %jit3A_98 = arith.constant 0.000000e+00 : f32
      %broadcast_in_dim3A_99 = vector.broadcast %jit3A_97 : f32 to vector<16xf32>
      %broadcast_in_dim3A_100 = vector.broadcast %jit3A_98 : f32 to vector<16xf32>
      %select_n3A_101 = arith.select %ge3A_94, %broadcast_in_dim3A_99, %broadcast_in_dim3A_100 : vector<16xi1>, vector<16xf32>
      %swap3A_102 = arith.index_cast %mul3A_90 : i32 to index
      %swap3A_103 = tpu.vector_load %arg26[%swap3A_102] {strides = array<i32>} : memref<784xf32, #tpu.memory_space<vmem>>, vector<16xf32>,
      tpu.vector_store %arg26[%swap3A_102], %select_n3A_101 {strides = array<i32>} : memref<784xf32, #tpu.memory_space<vmem>>, vector<16xf32>,
      %gather3A = tpu.vector_load_idx %arg21[%max3A_96] : memref<1008xf32, #tpu.memory_space<vmem>>[vector<16xi32>], vector<16xf32>,
      %jit3A_104 = arith.constant 0.000000e+00 : f32
      %broadcast_in_dim3A_105 = vector.broadcast %jit3A_104 : f32 to vector<16xf32>
      %select_n3A_106 = arith.select %ge3A_94, %gather3A, %broadcast_in_dim3A_105 : vector<16xi1>, vector<16xf32>
      %swap3A_107 = arith.index_cast %mul3A_90 : i32 to index
      %swap3A_108 = tpu.vector_load %arg27[%swap3A_107] {strides = array<i32>} : memref<784xf32, #tpu.memory_space<vmem>>, vector<16xf32>,
      tpu.vector_store %arg27[%swap3A_107], %select_n3A_106 {strides = array<i32>} : memref<784xf32, #tpu.memory_space<vmem>>, vector<16xf32>,
      %gather3A_109 = tpu.vector_load_idx %arg22[%max3A_96] : memref<1008xf32, #tpu.memory_space<vmem>>[vector<16xi32>], vector<16xf32>,
      %jit3A_110 = arith.constant 0.000000e+00 : f32
      %broadcast_in_dim3A_111 = vector.broadcast %jit3A_110 : f32 to vector<16xf32>
      %select_n3A_112 = arith.select %ge3A_94, %gather3A_109, %broadcast_in_dim3A_111 : vector<16xi1>, vector<16xf32>
      %swap3A_113 = arith.index_cast %mul3A_90 : i32 to index
      %swap3A_114 = tpu.vector_load %arg28[%swap3A_113] {strides = array<i32>} : memref<784xf32, #tpu.memory_space<vmem>>, vector<16xf32>,
      tpu.vector_store %arg28[%swap3A_113], %select_n3A_112 {strides = array<i32>} : memref<784xf32, #tpu.memory_space<vmem>>, vector<16xf32>,
      %gather3A_115 = tpu.vector_load_idx %arg23[%max3A_96] : memref<1008xf32, #tpu.memory_space<vmem>>[vector<16xi32>], vector<16xf32>,
      %jit3A_116 = arith.constant 0.000000e+00 : f32
      %broadcast_in_dim3A_117 = vector.broadcast %jit3A_116 : f32 to vector<16xf32>
      %select_n3A_118 = arith.select %ge3A_94, %gather3A_115, %broadcast_in_dim3A_117 : vector<16xi1>, vector<16xf32>
      %swap3A_119 = arith.index_cast %mul3A_90 : i32 to index
      %swap3A_120 = tpu.vector_load %arg29[%swap3A_119] {strides = array<i32>} : memref<784xf32, #tpu.memory_space<vmem>>, vector<16xf32>,
      tpu.vector_store %arg29[%swap3A_119], %select_n3A_118 {strides = array<i32>} : memref<784xf32, #tpu.memory_space<vmem>>, vector<16xf32>,
    }
    %scan3A_55 = arith.constant 49 : i32
    %mul3A_56 = arith.constant 16 : i32
    %mul3A_57 = arith.muli %arg0, %mul3A_56 : i32
    %add3A_58 = arith.addi %mul3A_57, %arg1 : i32
    %mul3A_59 = arith.constant 784 : i32
    %mul3A_60 = arith.muli %add3A_58, %mul3A_59 : i32
    "tpu.region"() ({
      %run_scoped3A = tpu.sem_alloc : memref<!tpu.dma_semaphore, #tpu.memory_space<semaphore_mem>>
      %dma_start3A = tpu.memref_slice %arg5[%mul3A_60] : memref<25088xf32, #tpu.memory_space<hbm>> -> memref<784xf32, #tpu.memory_space<hbm>>
      %dma_start3A_88 = tpu.memref_slice %arg5[%mul3A_60] : memref<25088xf32, #tpu.memory_space<hbm>> -> memref<784xf32, #tpu.memory_space<hbm>>
      tpu.enqueue_dma source(%arg26 : memref<784xf32, #tpu.memory_space<vmem>>) target(%dma_start3A_88 : memref<784xf32, #tpu.memory_space<hbm>>) target_semaphore(%run_scoped3A : memref<!tpu.dma_semaphore, #tpu.memory_space<semaphore_mem>>)
      %dma_wait3A = tpu.memref_slice %arg5[%mul3A_60] : memref<25088xf32, #tpu.memory_space<hbm>> -> memref<784xf32, #tpu.memory_space<hbm>>
      %dma_wait3A_89 = tpu.memref_slice %arg5[%mul3A_60] : memref<25088xf32, #tpu.memory_space<hbm>> -> memref<784xf32, #tpu.memory_space<hbm>>
      tpu.wait_dma2 semaphore(%run_scoped3A : memref<!tpu.dma_semaphore, #tpu.memory_space<semaphore_mem>>) src(%arg26 : memref<784xf32, #tpu.memory_space<vmem>>) dst(%dma_wait3A_89 : memref<784xf32, #tpu.memory_space<hbm>>)
      tpu.yield
    }) : () -> ()
    %mul3A_61 = arith.constant 3 : i32
    %mul3A_62 = arith.muli %arg0, %mul3A_61 : i32
    %add3A_63 = arith.constant 0 : i32
    %add3A_64 = arith.addi %mul3A_62, %add3A_63 : i32
    %mul3A_65 = arith.constant 16 : i32
    %mul3A_66 = arith.muli %add3A_64, %mul3A_65 : i32
    %add3A_67 = arith.addi %mul3A_66, %arg1 : i32
    %mul3A_68 = arith.constant 784 : i32
    %mul3A_69 = arith.muli %add3A_67, %mul3A_68 : i32
    "tpu.region"() ({
      %run_scoped3A = tpu.sem_alloc : memref<!tpu.dma_semaphore, #tpu.memory_space<semaphore_mem>>
      %dma_start3A = tpu.memref_slice %arg6[%mul3A_69] : memref<75264xf32, #tpu.memory_space<hbm>> -> memref<784xf32, #tpu.memory_space<hbm>>
      %dma_start3A_88 = tpu.memref_slice %arg6[%mul3A_69] : memref<75264xf32, #tpu.memory_space<hbm>> -> memref<784xf32, #tpu.memory_space<hbm>>
      tpu.enqueue_dma source(%arg27 : memref<784xf32, #tpu.memory_space<vmem>>) target(%dma_start3A_88 : memref<784xf32, #tpu.memory_space<hbm>>) target_semaphore(%run_scoped3A : memref<!tpu.dma_semaphore, #tpu.memory_space<semaphore_mem>>)
      %dma_wait3A = tpu.memref_slice %arg6[%mul3A_69] : memref<75264xf32, #tpu.memory_space<hbm>> -> memref<784xf32, #tpu.memory_space<hbm>>
      %dma_wait3A_89 = tpu.memref_slice %arg6[%mul3A_69] : memref<75264xf32, #tpu.memory_space<hbm>> -> memref<784xf32, #tpu.memory_space<hbm>>
      tpu.wait_dma2 semaphore(%run_scoped3A : memref<!tpu.dma_semaphore, #tpu.memory_space<semaphore_mem>>) src(%arg27 : memref<784xf32, #tpu.memory_space<vmem>>) dst(%dma_wait3A_89 : memref<784xf32, #tpu.memory_space<hbm>>)
      tpu.yield
    }) : () -> ()
    %mul3A_70 = arith.constant 3 : i32
    %mul3A_71 = arith.muli %arg0, %mul3A_70 : i32
    %add3A_72 = arith.constant 1 : i32
    %add3A_73 = arith.addi %mul3A_71, %add3A_72 : i32
    %mul3A_74 = arith.constant 16 : i32
    %mul3A_75 = arith.muli %add3A_73, %mul3A_74 : i32
    %add3A_76 = arith.addi %mul3A_75, %arg1 : i32
    %mul3A_77 = arith.constant 784 : i32
    %mul3A_78 = arith.muli %add3A_76, %mul3A_77 : i32
    "tpu.region"() ({
      %run_scoped3A = tpu.sem_alloc : memref<!tpu.dma_semaphore, #tpu.memory_space<semaphore_mem>>
      %dma_start3A = tpu.memref_slice %arg6[%mul3A_78] : memref<75264xf32, #tpu.memory_space<hbm>> -> memref<784xf32, #tpu.memory_space<hbm>>
      %dma_start3A_88 = tpu.memref_slice %arg6[%mul3A_78] : memref<75264xf32, #tpu.memory_space<hbm>> -> memref<784xf32, #tpu.memory_space<hbm>>
      tpu.enqueue_dma source(%arg28 : memref<784xf32, #tpu.memory_space<vmem>>) target(%dma_start3A_88 : memref<784xf32, #tpu.memory_space<hbm>>) target_semaphore(%run_scoped3A : memref<!tpu.dma_semaphore, #tpu.memory_space<semaphore_mem>>)
      %dma_wait3A = tpu.memref_slice %arg6[%mul3A_78] : memref<75264xf32, #tpu.memory_space<hbm>> -> memref<784xf32, #tpu.memory_space<hbm>>
      %dma_wait3A_89 = tpu.memref_slice %arg6[%mul3A_78] : memref<75264xf32, #tpu.memory_space<hbm>> -> memref<784xf32, #tpu.memory_space<hbm>>
      tpu.wait_dma2 semaphore(%run_scoped3A : memref<!tpu.dma_semaphore, #tpu.memory_space<semaphore_mem>>) src(%arg28 : memref<784xf32, #tpu.memory_space<vmem>>) dst(%dma_wait3A_89 : memref<784xf32, #tpu.memory_space<hbm>>)
      tpu.yield
    }) : () -> ()
    %mul3A_79 = arith.constant 3 : i32
    %mul3A_80 = arith.muli %arg0, %mul3A_79 : i32
    %add3A_81 = arith.constant 2 : i32
    %add3A_82 = arith.addi %mul3A_80, %add3A_81 : i32
    %mul3A_83 = arith.constant 16 : i32
    %mul3A_84 = arith.muli %add3A_82, %mul3A_83 : i32
    %add3A_85 = arith.addi %mul3A_84, %arg1 : i32
    %mul3A_86 = arith.constant 784 : i32
    %mul3A_87 = arith.muli %add3A_85, %mul3A_86 : i32
    "tpu.region"() ({
      %run_scoped3A = tpu.sem_alloc : memref<!tpu.dma_semaphore, #tpu.memory_space<semaphore_mem>>
      %dma_start3A = tpu.memref_slice %arg6[%mul3A_87] : memref<75264xf32, #tpu.memory_space<hbm>> -> memref<784xf32, #tpu.memory_space<hbm>>
      %dma_start3A_88 = tpu.memref_slice %arg6[%mul3A_87] : memref<75264xf32, #tpu.memory_space<hbm>> -> memref<784xf32, #tpu.memory_space<hbm>>
      tpu.enqueue_dma source(%arg29 : memref<784xf32, #tpu.memory_space<vmem>>) target(%dma_start3A_88 : memref<784xf32, #tpu.memory_space<hbm>>) target_semaphore(%run_scoped3A : memref<!tpu.dma_semaphore, #tpu.memory_space<semaphore_mem>>)
      %dma_wait3A = tpu.memref_slice %arg6[%mul3A_87] : memref<75264xf32, #tpu.memory_space<hbm>> -> memref<784xf32, #tpu.memory_space<hbm>>
      %dma_wait3A_89 = tpu.memref_slice %arg6[%mul3A_87] : memref<75264xf32, #tpu.memory_space<hbm>> -> memref<784xf32, #tpu.memory_space<hbm>>
      tpu.wait_dma2 semaphore(%run_scoped3A : memref<!tpu.dma_semaphore, #tpu.memory_space<semaphore_mem>>) src(%arg29 : memref<784xf32, #tpu.memory_space<vmem>>) dst(%dma_wait3A_89 : memref<784xf32, #tpu.memory_space<hbm>>)
      tpu.yield
    }) : () -> ()
    return
  }
}

</mosaic_0001>

<sc_bundles>
// kernel: kernel.3.cloned.1.call-start
scs
__scs_entry_jumppad:
0x0: {  	(pc) =	sbr.rel $0x88, $3  }
0x1: {  	(tag) =	ssettag $0x0;
	lr =	simm.s32 $0x1  }
0x2: {  	[smem:$0x3F9E] =	sst lr;
	_ =	strace $0xD0000000  }
0x3: {  	_ = 	snop  }
0x4: {  	_ = 	snop  }
0x5: {  	_ = 	snop  }
0x6: {  	_ = 	snop  }
0x7: {  	_ = 	snop  }
__scs_overlays_trampoline_lowered:
0x8: {  	[smem:$0x3FAD] =	sst s0  }
0x9: {  	[smem:$0x3FAE] =	sst s1  }
0xa: {  	[smem:$0x3FAF] =	sst s2  }
0xb: {  	[smem:$0x3FB0] =	sst s3  }
0xc: {  	[smem:$0x3FB1] =	sst s4  }
0xd: {  	[smem:$0x3FB2] =	sst s5  }
0xe: {  	[smem:$0x3FB3] =	sst s6  }
0xf: {  	[smem:$0x3FB4] =	sst s7  }
0x10: {  	[smem:$0x3FB5] =	sst s8  }
0x11: {  	[smem:$0x3FB6] =	sst s9;
	s0 =	simm.s32 @!p0 $0x0  }
0x12: {  	s1 =	sld [smem:$0x3F9C];
	s0 =	simm.s32 @p0 $0x1  }
0x13: {  	[smem:$0x3FB7] =	sst s0;
	s0 =	simm.s32 @!p1 $0x0  }
0x14: {  	s2 =	sld [smem:$0x3F9B];
	s0 =	simm.s32 @p1 $0x1  }
0x15: {  	[smem:$0x3FB8] =	sst s0;
	s0 =	simm.s32 @!p2 $0x0  }
0x16: {  	s3 =	sld [smem:$0x3FDB];
	s0 =	simm.s32 @p2 $0x1  }
0x17: {  	s4 =	simm.s32 $0x1BF5;
	[smem:$0x3FBA] =	sst s0  }
0x18: {  	s0 =	sld [smem:$0x3F9D];
	_ =	swait.ge [sflag:s4], $0x0  }
0x19: {  	s7 =	sld [smem:$0x3F9E]  }
0x1a: {  	s8 =	sadd.s32 $0xFFFFE003, lr  }
0x1b: {  	s9 =	sadd.s32 $0xFFFFFEF7, lr;
	s5 =	simm.s32 $0xFFFFFFFF;
	p2 =	slt.u32 s8, $0xFFFFF086  }
0x1c: {  	p1 =	slt.u32 s9, $0xF7A;
	s5 =	simm.s32 @!p2 $0x0  }
0x1d: {  	s5 =	simm.s32 @p1 $0x1;
	p0 =	seq.s32 s7, s2  }
0x1e: {  	s7 =	smul.u32 @!p0 $0xF7A, s2;
	p2 =	seq.s32 @!p0 s5, $0x0  }
0x1f: {  	s9 =	smul.u32 $0xF7A, s1;
	s8 =	simm.s32 @!p0 $0x1BF5;
	p2 =	por !p2, p0  }
0x20: {  	[sflag:s8] =	ssyncset.s32 @!p0 $0xFFFFF086;
	s6 =	sadd.s32 @!p0 s3, s7;
	s7 =	simm.s32 @!p0 $0x108  }
0x21: {  	s3 =	sadd.s32 s3, s9;
	s6 =	sadd.s32 @!p0 $0x88, s6;
	s7 =	simm.s32 @p2 $0x1082  }
0x22: {  	[simem:s7], [sflag:s8] =	dma.local @!p0 [hbm:s6], $0xF7A  }
0x23: {  	s9 =	sor.u32 $0xD0000000, s2;
	s6 =	simm.s32 $0x108;
	_ =	swait.ge @!p0 [sflag:s8], $0x0  }
0x24: {  	s3 =	sadd.s32 $0x88, s3;
	s6 =	simm.s32 @!p1 $0x1082;
	[sflag:s4] =	ssyncset.s32 $0xFFFFF086  }
0x25: {  	[simem:s6], [sflag:s4] =	dma.local [hbm:s3], $0xF7A  }
0x26: {  	[smem:$0x3F9E] =	sst s1;
	(tag) =	ssettag s2;
	_ =	strace s9  }
0x27: {  	s1 =	sld [smem:$0x3FAE]  }
0x28: {  	s2 =	sld [smem:$0x3FAF]  }
0x29: {  	s4 =	sld [smem:$0x3FB1]  }
0x2a: {  	p0 =	seq.s32 s5, $0x0;
	s5 =	sld [smem:$0x3FB2]  }
0x2b: {  	s6 =	sld [smem:$0x3FB3]  }
0x2c: {  	s7 =	sld [smem:$0x3FB4]  }
0x2d: {  	s3 =	simm.s32 $0x108;
	s8 =	sld [smem:$0x3FB5]  }
0x2e: {  	s3 =	simm.s32 @!p0 $0x1082;
	s9 =	sld [smem:$0x3FB6]  }
0x2f: {  	lr =	sadd.s32 s0, s3;
	s0 =	sld [smem:$0x3FAD]  }
0x30: {  	s3 =	sld [smem:$0x3FB0]  }
0x31: {  	[smem:$0x3FB9] =	sst s10  }
0x32: {  	s10 =	sld [smem:$0x3FB7];
	_ =	sdelay $0x3  }
0x33: {  	p0 =	seq.s32 s10, $0x1;
	s10 =	sld [smem:$0x3FB9];
	_ =	sdelay $0x3  }
0x34: {  	[smem:$0x3FB9] =	sst s10  }
0x35: {  	s10 =	sld [smem:$0x3FB8];
	_ =	sdelay $0x3  }
0x36: {  	p1 =	seq.s32 s10, $0x1;
	s10 =	sld [smem:$0x3FB9];
	_ =	sdelay $0x3  }
0x37: {  	[smem:$0x3FB9] =	sst s10  }
0x38: {  	s10 =	sld [smem:$0x3FBA]  }
0x39: {  	_ = 	snop;
	(pc) =	sbr.ind lr, $3  }
0x3a: {  	_ = 	snop  }
0x3b: {  	_ = 	snop  }
0x3c: {  	p2 =	seq.s32 s10, $0x1;
	s10 =	sld [smem:$0x3FB9]  }
0x3d: {  	_ =	shalt  }
0x3e: {  	_ =	shalt  }
0x3f: {  	_ =	shalt  }
0x40: {  	_ =	shalt  }
0x41: {  	_ =	shalt  }
0x42: {  	_ =	shalt  }
0x43: {  	_ =	shalt  }
0x44: {  	_ =	shalt  }
0x45: {  	_ =	shalt  }
0x46: {  	_ =	shalt  }
0x47: {  	_ =	shalt  }
0x48: {  	_ =	shalt  }
0x49: {  	_ =	shalt  }
0x4a: {  	_ =	shalt  }
0x4b: {  	_ =	shalt  }
0x4c: {  	_ =	shalt  }
0x4d: {  	_ =	shalt  }
0x4e: {  	_ =	shalt  }
0x4f: {  	_ =	shalt  }
0x50: {  	_ =	shalt  }
0x51: {  	_ =	shalt  }
0x52: {  	_ =	shalt  }
0x53: {  	_ =	shalt  }
0x54: {  	_ =	shalt  }
0x55: {  	_ =	shalt  }
0x56: {  	_ =	shalt  }
0x57: {  	_ =	shalt  }
0x58: {  	_ =	shalt  }
0x59: {  	_ =	shalt  }
0x5a: {  	_ =	shalt  }
0x5b: {  	_ =	shalt  }
0x5c: {  	_ =	shalt  }
0x5d: {  	_ =	shalt  }
0x5e: {  	_ =	shalt  }
0x5f: {  	_ =	shalt  }
0x60: {  	_ =	shalt  }
0x61: {  	_ =	shalt  }
0x62: {  	_ =	shalt  }
0x63: {  	_ =	shalt  }
0x64: {  	_ =	shalt  }
0x65: {  	_ =	shalt  }
0x66: {  	_ =	shalt  }
0x67: {  	_ =	shalt  }
0x68: {  	_ =	shalt  }
0x69: {  	_ =	shalt  }
0x6a: {  	_ =	shalt  }
0x6b: {  	_ =	shalt  }
0x6c: {  	_ =	shalt  }
0x6d: {  	_ =	shalt  }
0x6e: {  	_ =	shalt  }
0x6f: {  	_ =	shalt  }
0x70: {  	_ =	shalt  }
0x71: {  	_ =	shalt  }
0x72: {  	_ =	shalt  }
0x73: {  	_ =	shalt  }
0x74: {  	_ =	shalt  }
0x75: {  	_ =	shalt  }
0x76: {  	_ =	shalt  }
0x77: {  	_ =	shalt  }
0x78: {  	_ =	shalt  }
0x79: {  	_ =	shalt  }
0x7a: {  	_ =	shalt  }
0x7b: {  	_ =	shalt  }
0x7c: {  	_ =	shalt  }
0x7d: {  	_ =	shalt  }
0x7e: {  	_ =	shalt  }
0x7f: {  	_ =	shalt  }
0x80: {  	_ =	shalt  }
0x81: {  	_ =	shalt  }
0x82: {  	_ =	shalt  }
0x83: {  	_ =	shalt  }
0x84: {  	_ =	shalt  }
0x85: {  	_ =	shalt  }
0x86: {  	_ =	shalt  }
0x87: {  	_ =	shalt  }
.Lfunc_end0:
.L_simem_size_0:
called_computation_lowered:
.L_overlay_start_0:
0x88: {  	s2 =	sld [smem:$0x3FD9]  }
0x89: {  	s3 =	sld [smem:$0x3FFE];
	_ =	sdelay $0x1  }
0x8a: {  	s1 =	srdreg.scid  }
0x8b: {  	s0 =	sand.u32 $0x1, s1  }
0x8c: {  	s14 =	sshll.u32 s0, $0xA;
	s2 =	sadd.s32 s3, s2  }
0x8d: {  	s2 =	sadd.s32 s2, s14  }
0x8e: {  	[smem:$0x3FC5] =	sst s2  }
0x8f: {  	_ = 	snop  }
0x90: {  	s2 =	sld [smem:$0x3FD0];
	_ =	sdelay $0x2  }
0x91: {  	s15 =	simm.s32 $0xA;
	s4 =	simm.s32 $0x10  }
0x92: {  	[smem:s4], [sflag:s15] =	dma.local [hbm:s2], $0x1  }
0x93: {  	_ =	swait.eq [sflag:s15], $0x1  }
0x94: {  	[sflag:s15] =	ssyncset.done $0x0  }
0x95: {  	s16 =	sld [smem:$0x10];
	[sflag:s15] =	ssyncadd.s32 $0xFFFFFFFF  }
0x96: {  	s17 =	sld [smem:$0x11];
	(tm) =	ssettm $0x1  }
0x97: {  	s18 =	sld [smem:$0x3FFB];
	_ =	sdelay $0x3  }
0x98: {  	_ =	strace s18  }
0x99: {  	s4 =	sld [smem:$0x3FFC];
	_ =	sdelay $0x3  }
0x9a: {  	_ =	strace s4  }
0x9b: {  	s4 =	sld [smem:$0x3FFD];
	_ =	sdelay $0x3  }
0x9c: {  	_ =	strace s4  }
0x9d: {  	_ =	strace $0x8FFFFFFF  }
0x9e: {  	s19 =	sld [smem:$0x3FDB];
	_ =	sdelay $0x1  }
0x9f: {  	s5 =	simm.s32 $_scs_section_size  }
0xa0: {  	s6 =	simm.s32 $_size__tile_overlayer_lowered;
	s7 =	simm.s32 $_tile_overlayer_lowered  }
0xa1: {  	s22 =	simm.s32 $0x1BFF;
	s21 =	sshll.u32 s7, $0x1;
	s4 =	sadd.s32 s5, s19  }
0xa2: {  	s8 =	simm.s32 $0x0;
	s20 =	sshll.u32 s6, $0x1;
	s6 =	sadd.s32 s21, s4  }
0xa3: {  	[timem:s8], [sflag:s22] =	dma.local [hbm:s6], s20  }
0xa4: {  	_ =	swait.ge [sflag:s22], s20  }
0xa5: {  	s5 =	ssub.s32 $0x0, s20;
	[sflag:s22] =	ssyncset.done $0x0  }
0xa6: {  	[sflag:s22] =	ssyncadd.s32 s5;
	_ =	sdelay $0x1  }
0xa7: {  	s23 =	simm.s32 $0x1B8B  }
0xa8: {  	_ =	swait.ge [sflag:s23], $0x1  }
0xa9: {  	[sflag:s23] =	ssyncset.done $0x0  }
0xaa: {  	s25 =	simm.s32 $0x1B8E;
	s24 =	sld [smem:$0x3FFE];
	[sflag:s23] =	ssyncadd.s32 $0xFFFFFFFF  }
0xab: {  	s26 =	simm.s32 $execute0_lowered;
	[smem:$0x3FD2] =	sst s25  }
0xac: {  	s6 =	sshll.u32 s26, $0x1;
	_ =	strace $0x80000046;
	[dreg:$0x1] =	wrdreg $0xFFFFFFFF  }
0xad: {  	s28 =	simm.s32 $_size_execute0_lowered;
	s4 =	sadd.s32 s4, s6;
	[dreg:$0x0] =	wrdreg $0x0  }
0xae: {  	s6 =	sshll.u32 s28, $0x1;
	[dreg:$0x2] =	wrdreg s4  }
0xaf: {  	[dreg:$0x3] =	wrdreg s6  }
0xb0: {  	[dreg:$0x4] =	wrdreg $0xC0  }
0xb1: {  	_ =	task [dreg:s8], $0x5FFFF  }
0xb2: {  	[dreg:$0x1] =	wrdreg $0xFFFFFFFF  }
0xb3: {  	[dreg:$0x0] =	wrdreg $0x60  }
0xb4: {  	[dreg:$0x2] =	wrdreg s17  }
0xb5: {  	[dreg:$0x3] =	wrdreg s24  }
0xb6: {  	[dreg:$0x4] =	wrdreg s16  }
0xb7: {  	[dreg:$0x5] =	wrdreg $0x9  }
0xb8: {  	_ =	task.clear_ibuf [dreg:s8], $0x6FFFF;
	_ =	strace $0x90000046  }
0xb9: {  	s29 =	simm.s32 $0x9;
	_ =	strace $0x80000048  }
0xba: {  	_ =	swait.ge [sflag:s29], $0x1  }
0xbb: {  	[sflag:s29] =	ssyncadd.s32 $0xFFFFFFFF  }
0xbc: {  	_ =	strace $0x90000048  }
0xbd: {  	_ =	sfence  }
0xbe: {  	s30 =	sld [smem:$0x0];
	_ =	sdelay $0x2  }
0xbf: {  	s31 =	sshll.u32 s1, $0xD;
	s1 =	sshrl.u32 s1, $0x2  }
0xc0: {  	s3 =	sand.u32 $0x4000, s31;
	s1 =	sadd.s32 s1, s30  }
0xc1: {  	s0 =	sor.u32 s3, s0;
	s1 =	sshll.u32 s1, $0x11  }
0xc2: {  	s0 =	sor.u32 s1, s0  }
0xc3: {  	s0 =	sadd.s32 $0x8F2B, s0  }
0xc4: {  	[sflag:s0] =	ssyncadd.remote.s32 $0x1  }
0xc5: {  	_ =	sfence.sel $0xFFFF  }
0xc6: {  	[dreg:$0x0] =	wrdreg $0xFFFFFFFF;
	(pc) =	sbr.abs _section_cstart, $3  }
0xc7: {  	[dreg:$0x1] =	wrdreg $0xFFFFFFFF  }
0xc8: {  	_ =	task.clear_ibuf [dreg:s8], $0x2FFFF;
	_ =	strace $0x9FFFFFFF  }
0xc9: {  	(tm) =	ssettm $0x7FFFFFFF  }
tec
execute0_lowered:
.L_overlay_start_1:
0x0: {  	(tag) =	ssettag $0x1  }
0x1: {  	s0 =	rddreg [dreg:$0x0]  }
0x2: {  	s1 =	rddreg [dreg:$0x1];
	s2 =	srdreg.scid  }
0x3: {  	s11 =	rddreg [dreg:$0x2];
	s10 =	stileid.u32  }
0x4: {  	s20 =	simm.s32 $0x1;
	s30 =	simm.s32 $0xE000;
	s31 =	simm.s32 $0xE400  }
0x5: {  	s2 =	sand.u32 $0x1, s2;
	s7 =	sadd.s32 $0xA00, s1;
	s19 =	smul.u32 $0xFFFFFCF0, s10  }
0x6: {  	s28 =	sadd.s32 $0x7D, s11;
	s29 =	sadd.s32 $0xFA, s11;
	s4 =	smul.u32 $0x30, s2  }
0x7: {  	s3 =	sshll.u32 s2, $0x4;
	s6 =	smul.u32 $0x6000, s2;
	s2 =	ssub.s32 $0x2, s2  }
0x8: {  	s5 =	sor.u32 s10, s3;
	s3 =	simm.s32 $0x0;
	s21 =	sshrl.u32 s2, $0x1  }
0x9: {  	s5 =	smul.u32 $0x62, s5;
	s4 =	sor.u32 s10, s4;
	[smem:$0x7FF] =	sst s3  }
0xa: {  	s6 =	sshrl.u32 s6, $0x3;
	s2 =	ssub.s32 s2, s21;
	s21 =	simm.s32 $0x2000  }
0xb: {  	v0 =	vimm.f32 $3.000000000e+00;
	s4 =	smul.u32 $0x62, s4;
	_ =	strace $0x80000047;
	[dreg:$0xa] =	wrdreg s28  }
0xc: {  	s8 =	sadd.s32 $0x400, s6;
	s9 =	sadd.s32 s0, s6;
	[dreg:$0xb] =	wrdreg s29;
	(erf) = vrcp.f32 v0  }
0xd: {  	s23 =	sadd.s32 $0x800, s6;
	s24 =	sadd.s32 s7, s6;
	[dreg:$0x4] =	wrdreg s9  }
0xe: {  	s18 =	smax.u32 s2, $0x1;
	s22 =	sadd.s32 s0, s8;
	[dreg:$0x7] =	wrdreg s24  }
0xf: {  	s5 =	sadd.s32 s5, s1;
	s0 =	sadd.s32 s0, s23;
	[dreg:$0x5] =	wrdreg s22  }
0x10: {  	s25 =	sadd.s32 s7, s8;
	s26 =	sadd.s32 s7, s23;
	[dreg:$0x6] =	wrdreg s0  }
0x11: {  	s23 =	simm.s32 $0x6000;
	s24 =	simm.s32 $0x8000;
	[dreg:$0x8] =	wrdreg s25  }
0x12: {  	v0 =	vlaneseq.u32;
	s1 =	sadd.s32 s4, s1;
	s4 =	smul.u32 $0x7, s10;
	[dreg:$0x9] =	wrdreg s26  }
0x13: {  	s14 =	sadd.s32 $0x2200, s5;
	s22 =	simm.s32 $0x4000;
	s25 =	simm.s32 $0xA000;
	v2 =	vmul.u32 $0xFFFFFFFF, v0  }
0x14: {  	vm0 =	vmmov $0xff;
	v1 =	vimm.s32 $0x0;
	v4 =	vimm.f32 $-9.999990000e+05;
	s0 =	simm.s32 $0x0;
	s15 =	sadd.s32 $0x3000, s1;
	s16 =	sadd.s32 $0x3620, s1  }
0x15: {  	v5 =	vimm.s32 $0xFFFFFFFF;
	v6 =	vimm.f32 $0.0e+00;
	s17 =	sadd.s32 $0x3C40, s1;
	s1 =	simm.s32 $0xE800;
	s13 =	sadd.s32 $0x6, s4;
	v2 =	vadd.s32 $0x3E7, v2;
	v3 =	vpop (erf)  }
.LBB2_1:
0x16: {  	s2 =	rddreg [dreg:$0x4]  }
0x17: {  	[tilespmem:s3], [sflag:$0x1] =	stream.linear.gather [hbm4b:s2+s3], $0x2000, $0x38;
	[tilespmem:$0x10100] =	vst v63  }
0x18: {  	_ =	swait.ge [sflag:s20], $0x2000  }
0x19: {  	[sflag:s20] =	ssyncset.done $0x0  }
0x1a: {  	s26 =	rddreg [dreg:$0x5];
	[sflag:s20] =	ssyncadd.s32 $0xFFFFE000  }
0x1b: {  	[tilespmem:s21], [sflag:$0x1] =	stream.linear.gather [hbm4b:s26+s3], $0x2000, $0x38;
	[tilespmem:$0x10100] =	vst v63  }
0x1c: {  	_ =	swait.ge [sflag:s20], $0x2000  }
0x1d: {  	[sflag:s20] =	ssyncset.done $0x0  }
0x1e: {  	s5 =	rddreg [dreg:$0x6];
	[sflag:s20] =	ssyncadd.s32 $0xFFFFE000  }
0x1f: {  	[tilespmem:s22], [sflag:$0x1] =	stream.linear.gather [hbm4b:s5+s3], $0x2000, $0x38;
	[tilespmem:$0x10100] =	vst v63  }
0x20: {  	_ =	swait.ge [sflag:s20], $0x2000  }
0x21: {  	[sflag:s20] =	ssyncset.done $0x0  }
0x22: {  	s6 =	rddreg [dreg:$0x7];
	[sflag:s20] =	ssyncadd.s32 $0xFFFFE000  }
0x23: {  	[tilespmem:s23], [sflag:$0x1] =	stream.linear.gather [hbm4b:s6+s3], $0x2000, $0x38;
	[tilespmem:$0x10100] =	vst v63  }
0x24: {  	_ =	swait.ge [sflag:s20], $0x2000  }
0x25: {  	[sflag:s20] =	ssyncset.done $0x0  }
0x26: {  	s7 =	rddreg [dreg:$0x8];
	[sflag:s20] =	ssyncadd.s32 $0xFFFFE000  }
0x27: {  	[tilespmem:s24], [sflag:$0x1] =	stream.linear.gather [hbm4b:s7+s3], $0x2000, $0x38;
	[tilespmem:$0x10100] =	vst v63  }
0x28: {  	_ =	swait.ge [sflag:s20], $0x2000  }
0x29: {  	[sflag:s20] =	ssyncset.done $0x0  }
0x2a: {  	s8 =	rddreg [dreg:$0x9];
	[sflag:s20] =	ssyncadd.s32 $0xFFFFE000  }
0x2b: {  	[tilespmem:s25], [sflag:$0x1] =	stream.linear.gather [hbm4b:s8+s3], $0x2000, $0x38;
	[tilespmem:$0x10100] =	vst v63  }
0x2c: {  	_ =	swait.ge [sflag:s20], $0x2000  }
0x2d: {  	[sflag:s20] =	ssyncset.done $0x0  }
0x2e: {  	[sflag:s20] =	ssyncadd.s32 $0xFFFFE000  }
0x2f: {  	s5 =	simm.s32 $0xC000;
	s9 =	rddreg [dreg:$0x2]  }
0x30: {  	[tilespmem:s5], [sflag:$0x1] =	stream.linear.gather [hbm4b:s9+s3], $0x3E8, $0x38;
	[tilespmem:$0x10100] =	vst v63  }
0x31: {  	_ =	swait.ge [sflag:s20], $0x3E8  }
0x32: {  	[sflag:s20] =	ssyncset.done $0x0  }
0x33: {  	s11 =	simm.s32 $0xC400;
	s10 =	rddreg [dreg:$0xa];
	[sflag:s20] =	ssyncadd.s32 $0xFFFFFC18  }
0x34: {  	[tilespmem:s11], [sflag:$0x1] =	stream.linear.gather [hbm4b:s10+s3], $0x3E8, $0x38;
	[tilespmem:$0x10100] =	vst v63  }
0x35: {  	_ =	swait.ge [sflag:s20], $0x3E8  }
0x36: {  	[sflag:s20] =	ssyncset.done $0x0  }
0x37: {  	s26 =	simm.s32 $0xC800;
	s12 =	rddreg [dreg:$0xb];
	[sflag:s20] =	ssyncadd.s32 $0xFFFFFC18  }
0x38: {  	[tilespmem:s26], [sflag:$0x1] =	stream.linear.gather [hbm4b:s12+s3], $0x3E8, $0x38;
	[tilespmem:$0x10100] =	vst v63  }
0x39: {  	_ =	swait.ge [sflag:s20], $0x3E8  }
0x3a: {  	[sflag:s20] =	ssyncset.done $0x0  }
0x3b: {  	[sflag:s20] =	ssyncadd.s32 $0xFFFFFC18  }
0x3c: {  	v7 =	vld [tilespmem:$0xC3E0]  }
0x3d: {  	v8 =	vld [tilespmem:$0xC7E0]  }
0x3e: {  	v9 =	vld [tilespmem:$0xCBE0];
	_ =	sdelay $0x2  }
0x3f: {  	v7 =	vnsel vm0, $0x0, v7  }
0x40: {  	[tilespmem:$0xC3E0] =	vst v7;
	v7 =	vnsel vm0, $0x0, v8  }
0x41: {  	[tilespmem:$0xC7E0] =	vst v7;
	v7 =	vnsel vm0, $0x0, v9  }
0x42: {  	s28 =	simm.s32 $0x0;
	[tilespmem:$0xCBE0] =	vst v7  }
0x43: {  	v7 =	vld [tilespmem:s28+$0xC400]  }
0x44: {  	v9 =	vld [tilespmem:s28+$0xC000];
	_ =	sdelay $0x1  }
0x45: {  	v8 =	vld [tilespmem:s28+$0xC800];
	_ =	sdelay $0x4  }
0x46: {  	v10 =	vld.idx.msk [tilespmem:v7+s22+$0x0], $0xffff  }
0x47: {  	v11 =	vld.idx.msk [tilespmem:v9+s22+$0x0], $0xffff;
	_ =	sdelay $0x1  }
0x48: {  	v12 =	vld.idx.msk [tilespmem:v8+s22+$0x0], $0xffff;
	_ =	sdelay $0x2  }
0x49: {  	v10 =	vadd.f32 v10, v11;
	_ =	sdelay $0x1  }
0x4a: {  	v10 =	vadd.f32 v12, v10;
	_ =	sdelay $0x1  }
0x4b: {  	v10 =	vmul.f32 v10, v3;
	_ =	sdelay $0x1  }
0x4c: {  	[tilespmem:s28+$0xDC00] =	vst v10  }
0x4d: {  	v11 =	vld.idx.msk [tilespmem:v8+s21+$0x0], $0xffff  }
0x4e: {  	v13 =	vld.idx.msk [tilespmem:v9+s21+$0x0], $0xffff  }
0x4f: {  	v14 =	vld.idx.msk [tilespmem:v7+s21+$0x0], $0xffff  }
0x50: {  	v12 =	vmov s3;
	v10 =	vld.idx.msk [tilespmem:v7+s3+$0x0], $0xffff  }
0x51: {  	s29 =	simm.s32 $0x40;
	s2 =	simm.s32 $0x0;
	s26 =	simm.s32 $0x0;
	vm1 =	vgt.u32 v12, v2;
	v12 =	vld.idx.msk [tilespmem:v9+s3+$0x0], $0xffff  }
.LBB2_2:
0x52: {  	p0 =	sne.s32 s29, $0xF80  }
0x53: {  	v15 =	vld.idx.msk [tilespmem:v8+s26+$0x0], $0xffff;
	s2 =	sadd.s32 $0x10, s2;
	s5 =	smov.u32 s29;
	s29 =	sadd.s32 $0x40, s29  }
0x54: {  	_ = 	snop  }
0x55: {  	s5 =	sshra.s32 s5, $0x2  }
0x56: {  	v16 =	vmin.f32 v13, v14;
	v13 =	vmax.f32 v13, v14  }
0x57: {  	v14 =	vmin.f32 v16, v11;
	v11 =	vmax.f32 v13, v11  }
0x58: {  	v13 =	vmin.f32 v12, v10;
	v16 =	vtrunc.f32 v14;
	v11 =	vtrunc.f32 v11  }
0x59: {  	v10 =	vmax.f32 v12, v10;
	v13 =	vmin.f32 v13, v15;
	vm2 =	vgt.f32 v14, v16  }
0x5a: {  	v14 =	vcvt.f32.s32 v16;
	v12 =	vtrunc.f32 v13;
	v16 =	vsel vm2, $0x1, v1  }
0x5b: {  	v10 =	vmax.f32 v10, v15;
	v15 =	vcvt.f32.s32 v12;
	vm2 =	vgt.f32 v13, v12  }
0x5c: {  	v10 =	vtrunc.f32 v10;
	v13 =	vadd.s32 v14, v16;
	v12 =	vsel vm2, $0x1, v1  }
0x5d: {  	v10 =	vcvt.f32.s32 v10;
	vm2 =	vgt.s32 v13, $0x0;
	v12 =	vadd.s32 v15, v12  }
0x5e: {  	v11 =	vcvt.f32.s32 v11;
	v13 =	vnsel vm2, $0x0, v13;
	vm3 =	vgt.s32 v12, $0x0  }
0x5f: {  	vm2 =	vlt.s32 v10, $0x6F;
	v13 =	vsel vm1, $0x1, v13;
	v12 =	vnsel vm3, $0x0, v12  }
0x60: {  	v10 =	vnsel vm2, $0x6F, v10;
	vm2 =	vlt.s32 v11, $0x6F;
	v12 =	vsel vm1, $0x1, v12;
	[tilespmem:s28+$0xD400] =	vst v13  }
0x61: {  	v11 =	vnsel vm2, $0x6F, v11;
	v10 =	vsel vm1, $0x0, v10;
	[tilespmem:s28+$0xCC00] =	vst v12  }
0x62: {  	[tilespmem:s28+$0xD000] =	vst v10;
	v10 =	vsel vm1, $0x0, v11  }
0x63: {  	[tilespmem:s28+$0xD800] =	vst v10  }
0x64: {  	v10 =	vld.idx.msk [tilespmem:v9+s23+$0x0], $0xffff  }
0x65: {  	v11 =	vld.idx.msk [tilespmem:v7+s23+$0x0], $0xffff  }
0x66: {  	v12 =	vld.idx.msk [tilespmem:v8+s23+$0x0], $0xffff;
	_ =	sdelay $0x4  }
0x67: {  	v10 =	vadd.f32 v11, v10;
	_ =	sdelay $0x1  }
0x68: {  	v10 =	vadd.f32 v12, v10;
	_ =	sdelay $0x1  }
0x69: {  	v10 =	vmul.f32 v10, v3;
	_ =	sdelay $0x1  }
0x6a: {  	[tilespmem:s28+$0xE000] =	vst v10  }
0x6b: {  	v10 =	vld.idx.msk [tilespmem:v9+s24+$0x0], $0xffff  }
0x6c: {  	v11 =	vld.idx.msk [tilespmem:v7+s24+$0x0], $0xffff  }
0x6d: {  	v12 =	vld.idx.msk [tilespmem:v8+s24+$0x0], $0xffff;
	_ =	sdelay $0x4  }
0x6e: {  	s26 =	simm.s32 $0x0;
	v10 =	vadd.f32 v11, v10;
	_ =	sdelay $0x1  }
0x6f: {  	v10 =	vadd.f32 v12, v10;
	_ =	sdelay $0x1  }
0x70: {  	v10 =	vmul.f32 v10, v3;
	_ =	sdelay $0x1  }
0x71: {  	[tilespmem:s28+$0xE400] =	vst v10  }
0x72: {  	v10 =	vld.idx.msk [tilespmem:v9+s25+$0x0], $0xffff  }
0x73: {  	v11 =	vld.idx.msk [tilespmem:v7+s25+$0x0], $0xffff  }
0x74: {  	v12 =	vld.idx.msk [tilespmem:v8+s25+$0x0], $0xffff  }
0x75: {  	v8 =	vmov s2;
	_ =	sdelay $0x2  }
0x76: {  	vm1 =	vgt.u32 v8, v2;
	v7 =	vld [tilespmem:s5+$0xC400]  }
0x77: {  	v10 =	vadd.f32 v11, v10;
	v9 =	vld [tilespmem:s5+$0xC000];
	_ =	sdelay $0x1  }
0x78: {  	v10 =	vadd.f32 v12, v10;
	v8 =	vld [tilespmem:s5+$0xC800];
	_ =	sdelay $0x1  }
0x79: {  	v10 =	vmul.f32 v10, v3;
	_ =	sdelay $0x1  }
0x7a: {  	[tilespmem:s28+$0xE800] =	vst v10;
	s28 =	smov.u32 s5  }
0x7b: {  	v10 =	vld.idx.msk [tilespmem:v7+s22+$0x0], $0xffff  }
0x7c: {  	v11 =	vld.idx.msk [tilespmem:v9+s22+$0x0], $0xffff;
	_ =	sdelay $0x1  }
0x7d: {  	v12 =	vld.idx.msk [tilespmem:v8+s22+$0x0], $0xffff;
	_ =	sdelay $0x3  }
0x7e: {  	v10 =	vadd.f32 v10, v11;
	_ =	sdelay $0x1  }
0x7f: {  	v10 =	vadd.f32 v12, v10;
	_ =	sdelay $0x1  }
0x80: {  	v10 =	vmul.f32 v10, v3;
	_ =	sdelay $0x1  }
0x81: {  	[tilespmem:s28+$0xDC00] =	vst v10  }
.Ltmp0:
0x82: {  	v11 =	vld.idx.msk [tilespmem:v8+s21+$0x0], $0xffff;
	(pc) =	sbr.rel @p0 .LBB2_2-.Ltmp0, $4  }
0x83: {  	v13 =	vld.idx.msk [tilespmem:v9+s21+$0x0], $0xffff  }
0x84: {  	v14 =	vld.idx.msk [tilespmem:v7+s21+$0x0], $0xffff  }
0x85: {  	v10 =	vld.idx.msk [tilespmem:v7+s26+$0x0], $0xffff  }
0x86: {  	v12 =	vld.idx.msk [tilespmem:v9+s26+$0x0], $0xffff  }
0x87: {  	_ =	sdelay $0x3  }
0x88: {  	v15 =	vld.idx.msk [tilespmem:v8+s26+$0x0], $0xffff;
	_ =	sdelay $0x1  }
0x89: {  	v16 =	vmin.f32 v13, v14;
	v49 =	vmax.f32 v13, v14  }
0x8a: {  	v50 =	vmin.f32 v16, v11;
	v51 =	vmax.f32 v49, v11  }
0x8b: {  	v52 =	vmin.f32 v12, v10;
	v16 =	vtrunc.f32 v50;
	v11 =	vtrunc.f32 v51  }
0x8c: {  	v53 =	vmax.f32 v12, v10;
	v13 =	vmin.f32 v52, v15;
	vm2 =	vgt.f32 v50, v16  }
0x8d: {  	v55 =	vcvt.f32.s32 v16;
	v10 =	vmax.f32 v53, v15;
	v54 =	vtrunc.f32 v13  }
0x8e: {  	v56 =	vsel vm2, $0x1, v1;
	v10 =	vtrunc.f32 v10;
	v57 =	vcvt.f32.s32 v54  }
0x8f: {  	vm2 =	vgt.f32 v13, v54;
	v58 =	vadd.s32 v55, v56;
	v10 =	vcvt.f32.s32 v10  }
0x90: {  	v11 =	vcvt.f32.s32 v11;
	v12 =	vsel vm2, $0x1, v1;
	vm2 =	vgt.s32 v58, $0x0  }
0x91: {  	v12 =	vadd.s32 v57, v12;
	v13 =	vnsel vm2, $0x0, v58;
	vm2 =	vlt.s32 v10, $0x6F  }
0x92: {  	vm3 =	vgt.s32 v12, $0x0;
	v13 =	vsel vm1, $0x1, v13;
	v10 =	vnsel vm2, $0x6F, v10  }
0x93: {  	vm2 =	vlt.s32 v11, $0x6F;
	v12 =	vnsel vm3, $0x0, v12;
	[tilespmem:s28+$0xD400] =	vst v13;
	v10 =	vsel vm1, $0x0, v10  }
0x94: {  	v11 =	vnsel vm2, $0x6F, v11;
	v12 =	vsel vm1, $0x1, v12;
	[tilespmem:s28+$0xD000] =	vst v10  }
0x95: {  	v59 =	vsel vm1, $0x0, v11;
	[tilespmem:s28+$0xCC00] =	vst v12  }
0x96: {  	[tilespmem:s28+$0xD800] =	vst v59  }
0x97: {  	v10 =	vld.idx.msk [tilespmem:v9+s23+$0x0], $0xffff  }
0x98: {  	v60 =	vld.idx.msk [tilespmem:v7+s23+$0x0], $0xffff;
	_ =	sdelay $0x1  }
0x99: {  	v12 =	vld.idx.msk [tilespmem:v8+s23+$0x0], $0xffff;
	_ =	sdelay $0x2  }
0x9a: {  	v10 =	vadd.f32 v60, v10;
	_ =	sdelay $0x1  }
0x9b: {  	v10 =	vadd.f32 v12, v10;
	_ =	sdelay $0x1  }
0x9c: {  	v10 =	vmul.f32 v10, v3;
	_ =	sdelay $0x1  }
0x9d: {  	[tilespmem:s28+$0xE000] =	vst v10  }
0x9e: {  	v10 =	vld.idx.msk [tilespmem:v9+s24+$0x0], $0xffff  }
0x9f: {  	v61 =	vld.idx.msk [tilespmem:v7+s24+$0x0], $0xffff;
	_ =	sdelay $0x1  }
0xa0: {  	v62 =	vld.idx.msk [tilespmem:v8+s24+$0x0], $0xffff;
	_ =	sdelay $0x2  }
0xa1: {  	v10 =	vadd.f32 v61, v10;
	_ =	sdelay $0x1  }
0xa2: {  	v10 =	vadd.f32 v62, v10;
	_ =	sdelay $0x1  }
0xa3: {  	v10 =	vmul.f32 v10, v3;
	_ =	sdelay $0x1  }
0xa4: {  	[tilespmem:s28+$0xE400] =	vst v10  }
0xa5: {  	v63 =	vld.idx.msk [tilespmem:v9+s25+$0x0], $0xffff  }
0xa6: {  	v7 =	vld.idx.msk [tilespmem:v7+s25+$0x0], $0xffff;
	_ =	sdelay $0x1  }
0xa7: {  	v8 =	vld.idx.msk [tilespmem:v8+s25+$0x0], $0xffff;
	_ =	sdelay $0x2  }
0xa8: {  	v7 =	vadd.f32 v7, v63;
	_ =	sdelay $0x1  }
0xa9: {  	v7 =	vadd.f32 v8, v7;
	_ =	sdelay $0x1  }
0xaa: {  	v7 =	vmul.f32 v7, v3;
	_ =	sdelay $0x1  }
0xab: {  	s2 =	simm.s32 $0x40;
	s5 =	simm.s32 $0x0;
	[tilespmem:s28+$0xE800] =	vst v7  }
.LBB2_4:
0xac: {  	p0 =	sne.s32 s2, $0xC00;
	[tilespmem:s5+$0xEC00] =	vst v4;
	s6 =	smov.u32 s2;
	s2 =	sadd.s32 $0x40, s2  }
.Ltmp1:
0xad: {  	[tilespmem:s5+$0xEF80] =	vst v5;
	(pc) =	sbr.rel @p0 .LBB2_4-.Ltmp1, $2  }
0xae: {  	_ =	sdelay $0x2  }
0xaf: {  	s5 =	sshra.s32 s6, $0x2  }
.Ltmp2:
0xb0: {  	(pc) =	sbr.rel .LBB2_6-.Ltmp2, $3  }
0xb1: {  	_ =	sdelay $0x1  }
0xb2: {  	[tilespmem:s5+$0xEC00] =	vst v4  }
0xb3: {  	[tilespmem:s5+$0xEF80] =	vst v5  }
.LBB2_86:
0xb4: {  	s26 =	sadd.s32 $0x1, s26  }
0xb5: {  	p0 =	sne.s32 s26, $0x3F  }
.Ltmp3:
0xb6: {  	_ = 	snop;
	(pc) =	sbr.rel @!p0 .LBB2_87-.Ltmp3, $1  }
0xb7: {  	_ =	sdelay $0x3  }
.LBB2_6:
0xb8: {  	s28 =	sshll.u32 s26, $0x4  }
0xb9: {  	v8 =	vld [tilespmem:s28+$0xCC00]  }
0xba: {  	v7 =	vld [tilespmem:s28+$0xD000]  }
0xbb: {  	v10 =	vld [tilespmem:s28+$0xD400]  }
0xbc: {  	v11 =	vld [tilespmem:s28+$0xD800];
	_ =	sdelay $0x1  }
0xbd: {  	(v2sf) =	vpush v8, $0x0  }
0xbe: {  	(v2sf) =	vpush v7, $0x0  }
0xbf: {  	(v2sf) =	vpush v10, $0x0  }
0xc0: {  	(v2sf) =	vpush v11, $0x0;
	_ =	sdelay $0xb  }
0xc1: {  	s6 =	spop (v2sf)  }
0xc2: {  	s7 =	spop (v2sf)  }
0xc3: {  	s8 =	spop (v2sf)  }
0xc4: {  	s5 =	smov.u32 s4;
	s9 =	spop (v2sf)  }
0xc5: {  	s2 =	smov.u32 s13;
	p0 =	sgt.s32 s8, s4;
	p1 =	slt.s32 s9, s13  }
0xc6: {  	s5 =	smov.u32 @p0 s8;
	p0 =	sgt.s32 s6, s7;
	s2 =	smov.u32 @p1 s9  }
0xc7: {  	p1 =	sgt.s32 @!p0 s5, s2  }
0xc8: {  	p0 =	por p0, p1  }
0xc9: {  	s6 =	sshrl.u32 @!p0 s6, $0x4;
	s7 =	sshrl.u32 @!p0 s7, $0x4  }
0xca: {  	p1 =	sgt.u32 @!p0 s6, s7  }
0xcb: {  	p1 =	por p0, p1  }
.Ltmp4:
0xcc: {  	_ = 	snop;
	(pc) =	sbr.rel @p1 .LBB2_11-.Ltmp4, $2  }
0xcd: {  	_ =	sdelay $0x2  }
0xce: {  	v9 =	vld [tilespmem:s28+$0xDC00]  }
0xcf: {  	s8 =	smul.u32 $0x70, s5;
	_ =	sdelay $0x1  }
0xd0: {  	s12 =	sshll.u32 s6, $0x4;
	s8 =	sadd.s32 s8, s19  }
0xd1: {  	s8 =	sadd.s32 s12, s8  }
0xd2: {  	s8 =	sshll.u32 s8, $0x2  }
0xd3: {  	v12 =	vbroadcast @!p0 v8, $0x0;
	s11 =	ssub.s32 s7, s6;
	s29 =	sshra.s32 s8, $0x2  }
0xd4: {  	v13 =	vbroadcast @!p0 v7, $0x0;
	v15 =	vmov @!p0 s28;
	s6 =	sadd.s32 $0x1, s11;
	v14 =	vbroadcast @!p0 v9, $0x0;
	s11 =	sadd.s32 $0xEC00, s29;
	s9 =	sadd.s32 $0xEF80, s29  }
.LBB2_8:
0xd5: {  	v16 =	vld [tilespmem:s11+$0x0];
	_ =	sdelay $0x2  }
0xd6: {  	v17 =	vor.u32 s12, v0  }
0xd7: {  	vm1 =	vge.s32 v17, v12;
	vm2 =	vle.s32 v17, v13  }
0xd8: {  	vm1 =	vmand vm1, vm2;
	vm2 =	vgt.f32 v14, v16  }
0xd9: {  	vm1 =	vmand vm1, vm2  }
0xda: {  	v16 =	vsel vm1, v14, v16  }
0xdb: {  	[tilespmem:s11+$0x0] =	vst v16  }
0xdc: {  	p0 =	sne.s32 s6, $0x1;
	v16 =	vld [tilespmem:s9+$0x0]  }
.Ltmp5:
0xdd: {  	_ = 	snop;
	(pc) =	sbr.rel @!p0 .LBB2_10-.Ltmp5, $3  }
0xde: {  	_ =	sdelay $0x1  }
0xdf: {  	s10 =	sadd.s32 $0xFFFFFFFF, s6  }
0xe0: {  	s8 =	smov.u32 s9;
	s7 =	smov.u32 s11;
	s29 =	smov.u32 s12;
	v16 =	vsel vm1, v15, v16  }
.LBB2_9:
0xe1: {  	[tilespmem:s8+$0x0] =	vst v16;
	s7 =	sadd.s32 $0x10, s7;
	s8 =	sadd.s32 $0x10, s8;
	s29 =	sadd.s32 $0x10, s29  }
0xe2: {  	p0 =	sne.s32 s10, $0x1;
	s10 =	sadd.s32 $0xFFFFFFFF, s10;
	v16 =	vld [tilespmem:s7+$0x0];
	_ =	sdelay $0x2  }
0xe3: {  	v17 =	vor.u32 s29, v0  }
0xe4: {  	vm1 =	vge.s32 v17, v12;
	vm2 =	vle.s32 v17, v13  }
0xe5: {  	vm1 =	vmand vm1, vm2;
	vm2 =	vgt.f32 v14, v16  }
0xe6: {  	vm1 =	vmand vm1, vm2  }
0xe7: {  	v16 =	vsel vm1, v14, v16  }
0xe8: {  	[tilespmem:s7+$0x0] =	vst v16  }
0xe9: {  	v16 =	vld [tilespmem:s8+$0x0]  }
.Ltmp6:
0xea: {  	(pc) =	sbr.rel @p0 .LBB2_9-.Ltmp6, $2  }
0xeb: {  	_ =	sdelay $0x2  }
0xec: {  	v16 =	vsel vm1, v15, v16  }
.LBB2_10:
0xed: {  	p0 =	slt.s32 s5, s2  }
.Ltmp7:
0xee: {  	_ = 	snop;
	(pc) =	sbr.rel @p0 .LBB2_8-.Ltmp7, $3  }
0xef: {  	_ =	sdelay $0x1  }
0xf0: {  	s7 =	sadd.s32 $0x1, s5  }
0xf1: {  	[tilespmem:s8+$0x0] =	vst v16;
	s11 =	sadd.s32 $0x70, s11;
	s9 =	sadd.s32 $0x70, s9;
	s5 =	smov.u32 s7  }
.LBB2_11:
0xf2: {  	(v2sf) =	vpush v8, $0x1  }
0xf3: {  	(v2sf) =	vpush v7, $0x1  }
0xf4: {  	(v2sf) =	vpush v10, $0x1  }
0xf5: {  	(v2sf) =	vpush v11, $0x1;
	_ =	sdelay $0xb  }
0xf6: {  	s6 =	spop (v2sf)  }
0xf7: {  	s7 =	spop (v2sf)  }
0xf8: {  	s8 =	spop (v2sf)  }
0xf9: {  	s5 =	smov.u32 s4;
	s9 =	spop (v2sf)  }
0xfa: {  	s2 =	smov.u32 s13;
	p0 =	sgt.s32 s8, s4;
	p1 =	slt.s32 s9, s13  }
0xfb: {  	s5 =	smov.u32 @p0 s8;
	p0 =	sgt.s32 s6, s7;
	s2 =	smov.u32 @p1 s9  }
0xfc: {  	p1 =	sgt.s32 @!p0 s5, s2  }
0xfd: {  	p0 =	por p0, p1  }
0xfe: {  	s6 =	sshrl.u32 @!p0 s6, $0x4;
	s7 =	sshrl.u32 @!p0 s7, $0x4  }
0xff: {  	p1 =	sgt.u32 @!p0 s6, s7  }
0x100: {  	p1 =	por p0, p1  }
.Ltmp8:
0x101: {  	_ = 	snop;
	(pc) =	sbr.rel @p1 .LBB2_16-.Ltmp8, $1  }
0x102: {  	_ =	sdelay $0x3  }
0x103: {  	s8 =	smul.u32 $0x70, s5;
	_ =	sdelay $0x1  }
0x104: {  	s29 =	sshll.u32 s6, $0x4;
	s8 =	sadd.s32 s8, s19  }
0x105: {  	s8 =	sadd.s32 s29, s8  }
0x106: {  	s8 =	sshll.u32 s8, $0x2  }
0x107: {  	s9 =	sor.u32 @!p0 $0x1, s28;
	v12 =	vbroadcast @!p0 v8, $0x1;
	s12 =	ssub.s32 s7, s6;
	s8 =	sshra.s32 s8, $0x2  }
0x108: {  	v13 =	vbroadcast @!p0 v7, $0x1;
	v14 =	vbroadcast @!p0 v9, $0x1;
	v15 =	vmov @!p0 s9;
	s6 =	sadd.s32 $0x1, s12;
	s7 =	sadd.s32 $0xEC00, s8;
	s8 =	sadd.s32 $0xEF80, s8  }
.LBB2_13:
0x109: {  	v16 =	vld [tilespmem:s7+$0x0];
	_ =	sdelay $0x2  }
0x10a: {  	v17 =	vor.u32 s29, v0  }
0x10b: {  	vm1 =	vge.s32 v17, v12;
	vm2 =	vle.s32 v17, v13  }
0x10c: {  	vm1 =	vmand vm1, vm2;
	vm2 =	vgt.f32 v14, v16  }
0x10d: {  	vm1 =	vmand vm1, vm2  }
0x10e: {  	v16 =	vsel vm1, v14, v16  }
0x10f: {  	[tilespmem:s7+$0x0] =	vst v16  }
0x110: {  	p0 =	sne.s32 s6, $0x1;
	v16 =	vld [tilespmem:s8+$0x0]  }
.Ltmp9:
0x111: {  	_ = 	snop;
	(pc) =	sbr.rel @!p0 .LBB2_15-.Ltmp9, $3  }
0x112: {  	_ =	sdelay $0x1  }
0x113: {  	s10 =	sadd.s32 $0xFFFFFFFF, s6  }
0x114: {  	s9 =	smov.u32 s8;
	s11 =	smov.u32 s7;
	s12 =	smov.u32 s29;
	v16 =	vsel vm1, v15, v16  }
.LBB2_14:
0x115: {  	[tilespmem:s9+$0x0] =	vst v16;
	s11 =	sadd.s32 $0x10, s11;
	s9 =	sadd.s32 $0x10, s9;
	s12 =	sadd.s32 $0x10, s12  }
0x116: {  	p0 =	sne.s32 s10, $0x1;
	s10 =	sadd.s32 $0xFFFFFFFF, s10;
	v16 =	vld [tilespmem:s11+$0x0];
	_ =	sdelay $0x2  }
0x117: {  	v17 =	vor.u32 s12, v0  }
0x118: {  	vm1 =	vge.s32 v17, v12;
	vm2 =	vle.s32 v17, v13  }
0x119: {  	vm1 =	vmand vm1, vm2;
	vm2 =	vgt.f32 v14, v16  }
0x11a: {  	vm1 =	vmand vm1, vm2  }
0x11b: {  	v16 =	vsel vm1, v14, v16  }
0x11c: {  	[tilespmem:s11+$0x0] =	vst v16  }
0x11d: {  	v16 =	vld [tilespmem:s9+$0x0]  }
.Ltmp10:
0x11e: {  	(pc) =	sbr.rel @p0 .LBB2_14-.Ltmp10, $2  }
0x11f: {  	_ =	sdelay $0x2  }
0x120: {  	v16 =	vsel vm1, v15, v16  }
.LBB2_15:
0x121: {  	p0 =	slt.s32 s5, s2  }
.Ltmp11:
0x122: {  	_ = 	snop;
	(pc) =	sbr.rel @p0 .LBB2_13-.Ltmp11, $3  }
0x123: {  	_ =	sdelay $0x1  }
0x124: {  	s10 =	sadd.s32 $0x1, s5  }
0x125: {  	[tilespmem:s9+$0x0] =	vst v16;
	s7 =	sadd.s32 $0x70, s7;
	s8 =	sadd.s32 $0x70, s8;
	s5 =	smov.u32 s10  }
.LBB2_16:
0x126: {  	(v2sf) =	vpush v8, $0x2  }
0x127: {  	(v2sf) =	vpush v7, $0x2  }
0x128: {  	(v2sf) =	vpush v10, $0x2  }
0x129: {  	(v2sf) =	vpush v11, $0x2;
	_ =	sdelay $0xb  }
0x12a: {  	s6 =	spop (v2sf)  }
0x12b: {  	s7 =	spop (v2sf)  }
0x12c: {  	s8 =	spop (v2sf)  }
0x12d: {  	s5 =	smov.u32 s4;
	s9 =	spop (v2sf)  }
0x12e: {  	s2 =	smov.u32 s13;
	p0 =	sgt.s32 s8, s4;
	p1 =	slt.s32 s9, s13  }
0x12f: {  	s5 =	smov.u32 @p0 s8;
	p0 =	sgt.s32 s6, s7;
	s2 =	smov.u32 @p1 s9  }
0x130: {  	p1 =	sgt.s32 @!p0 s5, s2  }
0x131: {  	p0 =	por p0, p1  }
0x132: {  	s6 =	sshrl.u32 @!p0 s6, $0x4;
	s7 =	sshrl.u32 @!p0 s7, $0x4  }
0x133: {  	p1 =	sgt.u32 @!p0 s6, s7  }
0x134: {  	p1 =	por p0, p1  }
.Ltmp12:
0x135: {  	_ = 	snop;
	(pc) =	sbr.rel @p1 .LBB2_21-.Ltmp12, $1  }
0x136: {  	_ =	sdelay $0x3  }
0x137: {  	s8 =	smul.u32 $0x70, s5;
	_ =	sdelay $0x1  }
0x138: {  	s29 =	sshll.u32 s6, $0x4;
	s8 =	sadd.s32 s8, s19  }
0x139: {  	s8 =	sadd.s32 s29, s8  }
0x13a: {  	s8 =	sshll.u32 s8, $0x2  }
0x13b: {  	s9 =	sor.u32 @!p0 $0x2, s28;
	v12 =	vbroadcast @!p0 v8, $0x2;
	s12 =	ssub.s32 s7, s6;
	s8 =	sshra.s32 s8, $0x2  }
0x13c: {  	v13 =	vbroadcast @!p0 v7, $0x2;
	v14 =	vbroadcast @!p0 v9, $0x2;
	v15 =	vmov @!p0 s9;
	s6 =	sadd.s32 $0x1, s12;
	s7 =	sadd.s32 $0xEC00, s8;
	s8 =	sadd.s32 $0xEF80, s8  }
.LBB2_18:
0x13d: {  	v16 =	vld [tilespmem:s7+$0x0];
	_ =	sdelay $0x2  }
0x13e: {  	v17 =	vor.u32 s29, v0  }
0x13f: {  	vm1 =	vge.s32 v17, v12;
	vm2 =	vle.s32 v17, v13  }
0x140: {  	vm1 =	vmand vm1, vm2;
	vm2 =	vgt.f32 v14, v16  }
0x141: {  	vm1 =	vmand vm1, vm2  }
0x142: {  	v16 =	vsel vm1, v14, v16  }
0x143: {  	[tilespmem:s7+$0x0] =	vst v16  }
0x144: {  	p0 =	sne.s32 s6, $0x1;
	v16 =	vld [tilespmem:s8+$0x0]  }
.Ltmp13:
0x145: {  	_ = 	snop;
	(pc) =	sbr.rel @!p0 .LBB2_20-.Ltmp13, $3  }
0x146: {  	_ =	sdelay $0x1  }
0x147: {  	s10 =	sadd.s32 $0xFFFFFFFF, s6  }
0x148: {  	s9 =	smov.u32 s8;
	s11 =	smov.u32 s7;
	s12 =	smov.u32 s29;
	v16 =	vsel vm1, v15, v16  }
.LBB2_19:
0x149: {  	[tilespmem:s9+$0x0] =	vst v16;
	s11 =	sadd.s32 $0x10, s11;
	s9 =	sadd.s32 $0x10, s9;
	s12 =	sadd.s32 $0x10, s12  }
0x14a: {  	p0 =	sne.s32 s10, $0x1;
	s10 =	sadd.s32 $0xFFFFFFFF, s10;
	v16 =	vld [tilespmem:s11+$0x0];
	_ =	sdelay $0x2  }
0x14b: {  	v17 =	vor.u32 s12, v0  }
0x14c: {  	vm1 =	vge.s32 v17, v12;
	vm2 =	vle.s32 v17, v13  }
0x14d: {  	vm1 =	vmand vm1, vm2;
	vm2 =	vgt.f32 v14, v16  }
0x14e: {  	vm1 =	vmand vm1, vm2  }
0x14f: {  	v16 =	vsel vm1, v14, v16  }
0x150: {  	[tilespmem:s11+$0x0] =	vst v16  }
0x151: {  	v16 =	vld [tilespmem:s9+$0x0]  }
.Ltmp14:
0x152: {  	(pc) =	sbr.rel @p0 .LBB2_19-.Ltmp14, $2  }
0x153: {  	_ =	sdelay $0x2  }
0x154: {  	v16 =	vsel vm1, v15, v16  }
.LBB2_20:
0x155: {  	p0 =	slt.s32 s5, s2  }
.Ltmp15:
0x156: {  	_ = 	snop;
	(pc) =	sbr.rel @p0 .LBB2_18-.Ltmp15, $3  }
0x157: {  	_ =	sdelay $0x1  }
0x158: {  	s10 =	sadd.s32 $0x1, s5  }
0x159: {  	[tilespmem:s9+$0x0] =	vst v16;
	s7 =	sadd.s32 $0x70, s7;
	s8 =	sadd.s32 $0x70, s8;
	s5 =	smov.u32 s10  }
.LBB2_21:
0x15a: {  	(v2sf) =	vpush v8, $0x3  }
0x15b: {  	(v2sf) =	vpush v7, $0x3  }
0x15c: {  	(v2sf) =	vpush v10, $0x3  }
0x15d: {  	(v2sf) =	vpush v11, $0x3;
	_ =	sdelay $0xb  }
0x15e: {  	s6 =	spop (v2sf)  }
0x15f: {  	s7 =	spop (v2sf)  }
0x160: {  	s8 =	spop (v2sf)  }
0x161: {  	s5 =	smov.u32 s4;
	s9 =	spop (v2sf)  }
0x162: {  	s2 =	smov.u32 s13;
	p0 =	sgt.s32 s8, s4;
	p1 =	slt.s32 s9, s13  }
0x163: {  	s5 =	smov.u32 @p0 s8;
	p0 =	sgt.s32 s6, s7;
	s2 =	smov.u32 @p1 s9  }
0x164: {  	p1 =	sgt.s32 @!p0 s5, s2  }
0x165: {  	p0 =	por p0, p1  }
0x166: {  	s6 =	sshrl.u32 @!p0 s6, $0x4;
	s7 =	sshrl.u32 @!p0 s7, $0x4  }
0x167: {  	p1 =	sgt.u32 @!p0 s6, s7  }
0x168: {  	p1 =	por p0, p1  }
.Ltmp16:
0x169: {  	_ = 	snop;
	(pc) =	sbr.rel @p1 .LBB2_26-.Ltmp16, $1  }
0x16a: {  	_ =	sdelay $0x3  }
0x16b: {  	s8 =	smul.u32 $0x70, s5;
	_ =	sdelay $0x1  }
0x16c: {  	s29 =	sshll.u32 s6, $0x4;
	s8 =	sadd.s32 s8, s19  }
0x16d: {  	s8 =	sadd.s32 s29, s8  }
0x16e: {  	s8 =	sshll.u32 s8, $0x2  }
0x16f: {  	s9 =	sor.u32 @!p0 $0x3, s28;
	v12 =	vbroadcast @!p0 v8, $0x3;
	s12 =	ssub.s32 s7, s6;
	s8 =	sshra.s32 s8, $0x2  }
0x170: {  	v13 =	vbroadcast @!p0 v7, $0x3;
	v14 =	vbroadcast @!p0 v9, $0x3;
	v15 =	vmov @!p0 s9;
	s6 =	sadd.s32 $0x1, s12;
	s7 =	sadd.s32 $0xEC00, s8;
	s8 =	sadd.s32 $0xEF80, s8  }
.LBB2_23:
0x171: {  	v16 =	vld [tilespmem:s7+$0x0];
	_ =	sdelay $0x2  }
0x172: {  	v17 =	vor.u32 s29, v0  }
0x173: {  	vm1 =	vge.s32 v17, v12;
	vm2 =	vle.s32 v17, v13  }
0x174: {  	vm1 =	vmand vm1, vm2;
	vm2 =	vgt.f32 v14, v16  }
0x175: {  	vm1 =	vmand vm1, vm2  }
0x176: {  	v16 =	vsel vm1, v14, v16  }
0x177: {  	[tilespmem:s7+$0x0] =	vst v16  }
0x178: {  	p0 =	sne.s32 s6, $0x1;
	v16 =	vld [tilespmem:s8+$0x0]  }
.Ltmp17:
0x179: {  	_ = 	snop;
	(pc) =	sbr.rel @!p0 .LBB2_25-.Ltmp17, $3  }
0x17a: {  	_ =	sdelay $0x1  }
0x17b: {  	s10 =	sadd.s32 $0xFFFFFFFF, s6  }
0x17c: {  	s9 =	smov.u32 s8;
	s11 =	smov.u32 s7;
	s12 =	smov.u32 s29;
	v16 =	vsel vm1, v15, v16  }
.LBB2_24:
0x17d: {  	[tilespmem:s9+$0x0] =	vst v16;
	s11 =	sadd.s32 $0x10, s11;
	s9 =	sadd.s32 $0x10, s9;
	s12 =	sadd.s32 $0x10, s12  }
0x17e: {  	p0 =	sne.s32 s10, $0x1;
	s10 =	sadd.s32 $0xFFFFFFFF, s10;
	v16 =	vld [tilespmem:s11+$0x0];
	_ =	sdelay $0x2  }
0x17f: {  	v17 =	vor.u32 s12, v0  }
0x180: {  	vm1 =	vge.s32 v17, v12;
	vm2 =	vle.s32 v17, v13  }
0x181: {  	vm1 =	vmand vm1, vm2;
	vm2 =	vgt.f32 v14, v16  }
0x182: {  	vm1 =	vmand vm1, vm2  }
0x183: {  	v16 =	vsel vm1, v14, v16  }
0x184: {  	[tilespmem:s11+$0x0] =	vst v16  }
0x185: {  	v16 =	vld [tilespmem:s9+$0x0]  }
.Ltmp18:
0x186: {  	(pc) =	sbr.rel @p0 .LBB2_24-.Ltmp18, $2  }
0x187: {  	_ =	sdelay $0x2  }
0x188: {  	v16 =	vsel vm1, v15, v16  }
.LBB2_25:
0x189: {  	p0 =	slt.s32 s5, s2  }
.Ltmp19:
0x18a: {  	_ = 	snop;
	(pc) =	sbr.rel @p0 .LBB2_23-.Ltmp19, $3  }
0x18b: {  	_ =	sdelay $0x1  }
0x18c: {  	s10 =	sadd.s32 $0x1, s5  }
0x18d: {  	[tilespmem:s9+$0x0] =	vst v16;
	s7 =	sadd.s32 $0x70, s7;
	s8 =	sadd.s32 $0x70, s8;
	s5 =	smov.u32 s10  }
.LBB2_26:
0x18e: {  	(v2sf) =	vpush v8, $0x4  }
0x18f: {  	(v2sf) =	vpush v7, $0x4  }
0x190: {  	(v2sf) =	vpush v10, $0x4  }
0x191: {  	(v2sf) =	vpush v11, $0x4;
	_ =	sdelay $0xb  }
0x192: {  	s6 =	spop (v2sf)  }
0x193: {  	s7 =	spop (v2sf)  }
0x194: {  	s8 =	spop (v2sf)  }
0x195: {  	s5 =	smov.u32 s4;
	s9 =	spop (v2sf)  }
0x196: {  	s2 =	smov.u32 s13;
	p0 =	sgt.s32 s8, s4;
	p1 =	slt.s32 s9, s13  }
0x197: {  	s5 =	smov.u32 @p0 s8;
	p0 =	sgt.s32 s6, s7;
	s2 =	smov.u32 @p1 s9  }
0x198: {  	p1 =	sgt.s32 @!p0 s5, s2  }
0x199: {  	p0 =	por p0, p1  }
0x19a: {  	s6 =	sshrl.u32 @!p0 s6, $0x4;
	s7 =	sshrl.u32 @!p0 s7, $0x4  }
0x19b: {  	p1 =	sgt.u32 @!p0 s6, s7  }
0x19c: {  	p1 =	por p0, p1  }
.Ltmp20:
0x19d: {  	_ = 	snop;
	(pc) =	sbr.rel @p1 .LBB2_31-.Ltmp20, $1  }
0x19e: {  	_ =	sdelay $0x3  }
0x19f: {  	s8 =	smul.u32 $0x70, s5;
	_ =	sdelay $0x1  }
0x1a0: {  	s29 =	sshll.u32 s6, $0x4;
	s8 =	sadd.s32 s8, s19  }
0x1a1: {  	s8 =	sadd.s32 s29, s8  }
0x1a2: {  	s8 =	sshll.u32 s8, $0x2  }
0x1a3: {  	s9 =	sor.u32 @!p0 $0x4, s28;
	v12 =	vbroadcast @!p0 v8, $0x4;
	s12 =	ssub.s32 s7, s6;
	s8 =	sshra.s32 s8, $0x2  }
0x1a4: {  	v13 =	vbroadcast @!p0 v7, $0x4;
	v14 =	vbroadcast @!p0 v9, $0x4;
	v15 =	vmov @!p0 s9;
	s6 =	sadd.s32 $0x1, s12;
	s7 =	sadd.s32 $0xEC00, s8;
	s8 =	sadd.s32 $0xEF80, s8  }
.LBB2_28:
0x1a5: {  	v16 =	vld [tilespmem:s7+$0x0];
	_ =	sdelay $0x2  }
0x1a6: {  	v17 =	vor.u32 s29, v0  }
0x1a7: {  	vm1 =	vge.s32 v17, v12;
	vm2 =	vle.s32 v17, v13  }
0x1a8: {  	vm1 =	vmand vm1, vm2;
	vm2 =	vgt.f32 v14, v16  }
0x1a9: {  	vm1 =	vmand vm1, vm2  }
0x1aa: {  	v16 =	vsel vm1, v14, v16  }
0x1ab: {  	[tilespmem:s7+$0x0] =	vst v16  }
0x1ac: {  	p0 =	sne.s32 s6, $0x1;
	v16 =	vld [tilespmem:s8+$0x0]  }
.Ltmp21:
0x1ad: {  	_ = 	snop;
	(pc) =	sbr.rel @!p0 .LBB2_30-.Ltmp21, $3  }
0x1ae: {  	_ =	sdelay $0x1  }
0x1af: {  	s10 =	sadd.s32 $0xFFFFFFFF, s6  }
0x1b0: {  	s9 =	smov.u32 s8;
	s11 =	smov.u32 s7;
	s12 =	smov.u32 s29;
	v16 =	vsel vm1, v15, v16  }
.LBB2_29:
0x1b1: {  	[tilespmem:s9+$0x0] =	vst v16;
	s11 =	sadd.s32 $0x10, s11;
	s9 =	sadd.s32 $0x10, s9;
	s12 =	sadd.s32 $0x10, s12  }
0x1b2: {  	p0 =	sne.s32 s10, $0x1;
	s10 =	sadd.s32 $0xFFFFFFFF, s10;
	v16 =	vld [tilespmem:s11+$0x0];
	_ =	sdelay $0x2  }
0x1b3: {  	v17 =	vor.u32 s12, v0  }
0x1b4: {  	vm1 =	vge.s32 v17, v12;
	vm2 =	vle.s32 v17, v13  }
0x1b5: {  	vm1 =	vmand vm1, vm2;
	vm2 =	vgt.f32 v14, v16  }
0x1b6: {  	vm1 =	vmand vm1, vm2  }
0x1b7: {  	v16 =	vsel vm1, v14, v16  }
0x1b8: {  	[tilespmem:s11+$0x0] =	vst v16  }
0x1b9: {  	v16 =	vld [tilespmem:s9+$0x0]  }
.Ltmp22:
0x1ba: {  	(pc) =	sbr.rel @p0 .LBB2_29-.Ltmp22, $2  }
0x1bb: {  	_ =	sdelay $0x2  }
0x1bc: {  	v16 =	vsel vm1, v15, v16  }
.LBB2_30:
0x1bd: {  	p0 =	slt.s32 s5, s2  }
.Ltmp23:
0x1be: {  	_ = 	snop;
	(pc) =	sbr.rel @p0 .LBB2_28-.Ltmp23, $3  }
0x1bf: {  	_ =	sdelay $0x1  }
0x1c0: {  	s10 =	sadd.s32 $0x1, s5  }
0x1c1: {  	[tilespmem:s9+$0x0] =	vst v16;
	s7 =	sadd.s32 $0x70, s7;
	s8 =	sadd.s32 $0x70, s8;
	s5 =	smov.u32 s10  }
.LBB2_31:
0x1c2: {  	(v2sf) =	vpush v8, $0x5  }
0x1c3: {  	(v2sf) =	vpush v7, $0x5  }
0x1c4: {  	(v2sf) =	vpush v10, $0x5  }
0x1c5: {  	(v2sf) =	vpush v11, $0x5;
	_ =	sdelay $0xb  }
0x1c6: {  	s6 =	spop (v2sf)  }
0x1c7: {  	s7 =	spop (v2sf)  }
0x1c8: {  	s8 =	spop (v2sf)  }
0x1c9: {  	s5 =	smov.u32 s4;
	s9 =	spop (v2sf)  }
0x1ca: {  	s2 =	smov.u32 s13;
	p0 =	sgt.s32 s8, s4;
	p1 =	slt.s32 s9, s13  }
0x1cb: {  	s5 =	smov.u32 @p0 s8;
	p0 =	sgt.s32 s6, s7;
	s2 =	smov.u32 @p1 s9  }
0x1cc: {  	p1 =	sgt.s32 @!p0 s5, s2  }
0x1cd: {  	p0 =	por p0, p1  }
0x1ce: {  	s6 =	sshrl.u32 @!p0 s6, $0x4;
	s7 =	sshrl.u32 @!p0 s7, $0x4  }
0x1cf: {  	p1 =	sgt.u32 @!p0 s6, s7  }
0x1d0: {  	p1 =	por p0, p1  }
.Ltmp24:
0x1d1: {  	_ = 	snop;
	(pc) =	sbr.rel @p1 .LBB2_36-.Ltmp24, $1  }
0x1d2: {  	_ =	sdelay $0x3  }
0x1d3: {  	s8 =	smul.u32 $0x70, s5;
	_ =	sdelay $0x1  }
0x1d4: {  	s29 =	sshll.u32 s6, $0x4;
	s8 =	sadd.s32 s8, s19  }
0x1d5: {  	s8 =	sadd.s32 s29, s8  }
0x1d6: {  	s8 =	sshll.u32 s8, $0x2  }
0x1d7: {  	s9 =	sor.u32 @!p0 $0x5, s28;
	v12 =	vbroadcast @!p0 v8, $0x5;
	s12 =	ssub.s32 s7, s6;
	s8 =	sshra.s32 s8, $0x2  }
0x1d8: {  	v13 =	vbroadcast @!p0 v7, $0x5;
	v14 =	vbroadcast @!p0 v9, $0x5;
	v15 =	vmov @!p0 s9;
	s6 =	sadd.s32 $0x1, s12;
	s7 =	sadd.s32 $0xEC00, s8;
	s8 =	sadd.s32 $0xEF80, s8  }
.LBB2_33:
0x1d9: {  	v16 =	vld [tilespmem:s7+$0x0];
	_ =	sdelay $0x2  }
0x1da: {  	v17 =	vor.u32 s29, v0  }
0x1db: {  	vm1 =	vge.s32 v17, v12;
	vm2 =	vle.s32 v17, v13  }
0x1dc: {  	vm1 =	vmand vm1, vm2;
	vm2 =	vgt.f32 v14, v16  }
0x1dd: {  	vm1 =	vmand vm1, vm2  }
0x1de: {  	v16 =	vsel vm1, v14, v16  }
0x1df: {  	[tilespmem:s7+$0x0] =	vst v16  }
0x1e0: {  	p0 =	sne.s32 s6, $0x1;
	v16 =	vld [tilespmem:s8+$0x0]  }
.Ltmp25:
0x1e1: {  	_ = 	snop;
	(pc) =	sbr.rel @!p0 .LBB2_35-.Ltmp25, $3  }
0x1e2: {  	_ =	sdelay $0x1  }
0x1e3: {  	s10 =	sadd.s32 $0xFFFFFFFF, s6  }
0x1e4: {  	s9 =	smov.u32 s8;
	s11 =	smov.u32 s7;
	s12 =	smov.u32 s29;
	v16 =	vsel vm1, v15, v16  }
.LBB2_34:
0x1e5: {  	[tilespmem:s9+$0x0] =	vst v16;
	s11 =	sadd.s32 $0x10, s11;
	s9 =	sadd.s32 $0x10, s9;
	s12 =	sadd.s32 $0x10, s12  }
0x1e6: {  	p0 =	sne.s32 s10, $0x1;
	s10 =	sadd.s32 $0xFFFFFFFF, s10;
	v16 =	vld [tilespmem:s11+$0x0];
	_ =	sdelay $0x2  }
0x1e7: {  	v17 =	vor.u32 s12, v0  }
0x1e8: {  	vm1 =	vge.s32 v17, v12;
	vm2 =	vle.s32 v17, v13  }
0x1e9: {  	vm1 =	vmand vm1, vm2;
	vm2 =	vgt.f32 v14, v16  }
0x1ea: {  	vm1 =	vmand vm1, vm2  }
0x1eb: {  	v16 =	vsel vm1, v14, v16  }
0x1ec: {  	[tilespmem:s11+$0x0] =	vst v16  }
0x1ed: {  	v16 =	vld [tilespmem:s9+$0x0]  }
.Ltmp26:
0x1ee: {  	(pc) =	sbr.rel @p0 .LBB2_34-.Ltmp26, $2  }
0x1ef: {  	_ =	sdelay $0x2  }
0x1f0: {  	v16 =	vsel vm1, v15, v16  }
.LBB2_35:
0x1f1: {  	p0 =	slt.s32 s5, s2  }
.Ltmp27:
0x1f2: {  	_ = 	snop;
	(pc) =	sbr.rel @p0 .LBB2_33-.Ltmp27, $3  }
0x1f3: {  	_ =	sdelay $0x1  }
0x1f4: {  	s10 =	sadd.s32 $0x1, s5  }
0x1f5: {  	[tilespmem:s9+$0x0] =	vst v16;
	s7 =	sadd.s32 $0x70, s7;
	s8 =	sadd.s32 $0x70, s8;
	s5 =	smov.u32 s10  }
.LBB2_36:
0x1f6: {  	(v2sf) =	vpush v8, $0x6  }
0x1f7: {  	(v2sf) =	vpush v7, $0x6  }
0x1f8: {  	(v2sf) =	vpush v10, $0x6  }
0x1f9: {  	(v2sf) =	vpush v11, $0x6;
	_ =	sdelay $0xb  }
0x1fa: {  	s6 =	spop (v2sf)  }
0x1fb: {  	s7 =	spop (v2sf)  }
0x1fc: {  	s8 =	spop (v2sf)  }
0x1fd: {  	s5 =	smov.u32 s4;
	s9 =	spop (v2sf)  }
0x1fe: {  	s2 =	smov.u32 s13;
	p0 =	sgt.s32 s8, s4;
	p1 =	slt.s32 s9, s13  }
0x1ff: {  	s5 =	smov.u32 @p0 s8;
	p0 =	sgt.s32 s6, s7;
	s2 =	smov.u32 @p1 s9  }
0x200: {  	p1 =	sgt.s32 @!p0 s5, s2  }
0x201: {  	p0 =	por p0, p1  }
0x202: {  	s6 =	sshrl.u32 @!p0 s6, $0x4;
	s7 =	sshrl.u32 @!p0 s7, $0x4  }
0x203: {  	p1 =	sgt.u32 @!p0 s6, s7  }
0x204: {  	p1 =	por p0, p1  }
.Ltmp28:
0x205: {  	_ = 	snop;
	(pc) =	sbr.rel @p1 .LBB2_41-.Ltmp28, $1  }
0x206: {  	_ =	sdelay $0x3  }
0x207: {  	s8 =	smul.u32 $0x70, s5;
	_ =	sdelay $0x1  }
0x208: {  	s29 =	sshll.u32 s6, $0x4;
	s8 =	sadd.s32 s8, s19  }
0x209: {  	s8 =	sadd.s32 s29, s8  }
0x20a: {  	s8 =	sshll.u32 s8, $0x2  }
0x20b: {  	s9 =	sor.u32 @!p0 $0x6, s28;
	v12 =	vbroadcast @!p0 v8, $0x6;
	s12 =	ssub.s32 s7, s6;
	s8 =	sshra.s32 s8, $0x2  }
0x20c: {  	v13 =	vbroadcast @!p0 v7, $0x6;
	v14 =	vbroadcast @!p0 v9, $0x6;
	v15 =	vmov @!p0 s9;
	s6 =	sadd.s32 $0x1, s12;
	s7 =	sadd.s32 $0xEC00, s8;
	s8 =	sadd.s32 $0xEF80, s8  }
.LBB2_38:
0x20d: {  	v16 =	vld [tilespmem:s7+$0x0];
	_ =	sdelay $0x2  }
0x20e: {  	v17 =	vor.u32 s29, v0  }
0x20f: {  	vm1 =	vge.s32 v17, v12;
	vm2 =	vle.s32 v17, v13  }
0x210: {  	vm1 =	vmand vm1, vm2;
	vm2 =	vgt.f32 v14, v16  }
0x211: {  	vm1 =	vmand vm1, vm2  }
0x212: {  	v16 =	vsel vm1, v14, v16  }
0x213: {  	[tilespmem:s7+$0x0] =	vst v16  }
0x214: {  	p0 =	sne.s32 s6, $0x1;
	v16 =	vld [tilespmem:s8+$0x0]  }
.Ltmp29:
0x215: {  	_ = 	snop;
	(pc) =	sbr.rel @!p0 .LBB2_40-.Ltmp29, $3  }
0x216: {  	_ =	sdelay $0x1  }
0x217: {  	s10 =	sadd.s32 $0xFFFFFFFF, s6  }
0x218: {  	s9 =	smov.u32 s8;
	s11 =	smov.u32 s7;
	s12 =	smov.u32 s29;
	v16 =	vsel vm1, v15, v16  }
.LBB2_39:
0x219: {  	[tilespmem:s9+$0x0] =	vst v16;
	s11 =	sadd.s32 $0x10, s11;
	s9 =	sadd.s32 $0x10, s9;
	s12 =	sadd.s32 $0x10, s12  }
0x21a: {  	p0 =	sne.s32 s10, $0x1;
	s10 =	sadd.s32 $0xFFFFFFFF, s10;
	v16 =	vld [tilespmem:s11+$0x0];
	_ =	sdelay $0x2  }
0x21b: {  	v17 =	vor.u32 s12, v0  }
0x21c: {  	vm1 =	vge.s32 v17, v12;
	vm2 =	vle.s32 v17, v13  }
0x21d: {  	vm1 =	vmand vm1, vm2;
	vm2 =	vgt.f32 v14, v16  }
0x21e: {  	vm1 =	vmand vm1, vm2  }
0x21f: {  	v16 =	vsel vm1, v14, v16  }
0x220: {  	[tilespmem:s11+$0x0] =	vst v16  }
0x221: {  	v16 =	vld [tilespmem:s9+$0x0]  }
.Ltmp30:
0x222: {  	(pc) =	sbr.rel @p0 .LBB2_39-.Ltmp30, $2  }
0x223: {  	_ =	sdelay $0x2  }
0x224: {  	v16 =	vsel vm1, v15, v16  }
.LBB2_40:
0x225: {  	p0 =	slt.s32 s5, s2  }
.Ltmp31:
0x226: {  	_ = 	snop;
	(pc) =	sbr.rel @p0 .LBB2_38-.Ltmp31, $3  }
0x227: {  	_ =	sdelay $0x1  }
0x228: {  	s10 =	sadd.s32 $0x1, s5  }
0x229: {  	[tilespmem:s9+$0x0] =	vst v16;
	s7 =	sadd.s32 $0x70, s7;
	s8 =	sadd.s32 $0x70, s8;
	s5 =	smov.u32 s10  }
.LBB2_41:
0x22a: {  	(v2sf) =	vpush v8, $0x7  }
0x22b: {  	(v2sf) =	vpush v7, $0x7  }
0x22c: {  	(v2sf) =	vpush v10, $0x7  }
0x22d: {  	(v2sf) =	vpush v11, $0x7;
	_ =	sdelay $0xb  }
0x22e: {  	s6 =	spop (v2sf)  }
0x22f: {  	s7 =	spop (v2sf)  }
0x230: {  	s8 =	spop (v2sf)  }
0x231: {  	s5 =	smov.u32 s4;
	s9 =	spop (v2sf)  }
0x232: {  	s2 =	smov.u32 s13;
	p0 =	sgt.s32 s8, s4;
	p1 =	slt.s32 s9, s13  }
0x233: {  	s5 =	smov.u32 @p0 s8;
	p0 =	sgt.s32 s6, s7;
	s2 =	smov.u32 @p1 s9  }
0x234: {  	p1 =	sgt.s32 @!p0 s5, s2  }
0x235: {  	p0 =	por p0, p1  }
0x236: {  	s6 =	sshrl.u32 @!p0 s6, $0x4;
	s7 =	sshrl.u32 @!p0 s7, $0x4  }
0x237: {  	p1 =	sgt.u32 @!p0 s6, s7  }
0x238: {  	p1 =	por p0, p1  }
.Ltmp32:
0x239: {  	_ = 	snop;
	(pc) =	sbr.rel @p1 .LBB2_46-.Ltmp32, $1  }
0x23a: {  	_ =	sdelay $0x3  }
0x23b: {  	s8 =	smul.u32 $0x70, s5;
	_ =	sdelay $0x1  }
0x23c: {  	s29 =	sshll.u32 s6, $0x4;
	s8 =	sadd.s32 s8, s19  }
0x23d: {  	s8 =	sadd.s32 s29, s8  }
0x23e: {  	s8 =	sshll.u32 s8, $0x2  }
0x23f: {  	s9 =	sor.u32 @!p0 $0x7, s28;
	v12 =	vbroadcast @!p0 v8, $0x7;
	s12 =	ssub.s32 s7, s6;
	s8 =	sshra.s32 s8, $0x2  }
0x240: {  	v13 =	vbroadcast @!p0 v7, $0x7;
	v14 =	vbroadcast @!p0 v9, $0x7;
	v15 =	vmov @!p0 s9;
	s6 =	sadd.s32 $0x1, s12;
	s7 =	sadd.s32 $0xEC00, s8;
	s8 =	sadd.s32 $0xEF80, s8  }
.LBB2_43:
0x241: {  	v16 =	vld [tilespmem:s7+$0x0];
	_ =	sdelay $0x2  }
0x242: {  	v17 =	vor.u32 s29, v0  }
0x243: {  	vm1 =	vge.s32 v17, v12;
	vm2 =	vle.s32 v17, v13  }
0x244: {  	vm1 =	vmand vm1, vm2;
	vm2 =	vgt.f32 v14, v16  }
0x245: {  	vm1 =	vmand vm1, vm2  }
0x246: {  	v16 =	vsel vm1, v14, v16  }
0x247: {  	[tilespmem:s7+$0x0] =	vst v16  }
0x248: {  	p0 =	sne.s32 s6, $0x1;
	v16 =	vld [tilespmem:s8+$0x0]  }
.Ltmp33:
0x249: {  	_ = 	snop;
	(pc) =	sbr.rel @!p0 .LBB2_45-.Ltmp33, $3  }
0x24a: {  	_ =	sdelay $0x1  }
0x24b: {  	s10 =	sadd.s32 $0xFFFFFFFF, s6  }
0x24c: {  	s9 =	smov.u32 s8;
	s11 =	smov.u32 s7;
	s12 =	smov.u32 s29;
	v16 =	vsel vm1, v15, v16  }
.LBB2_44:
0x24d: {  	[tilespmem:s9+$0x0] =	vst v16;
	s11 =	sadd.s32 $0x10, s11;
	s9 =	sadd.s32 $0x10, s9;
	s12 =	sadd.s32 $0x10, s12  }
0x24e: {  	p0 =	sne.s32 s10, $0x1;
	s10 =	sadd.s32 $0xFFFFFFFF, s10;
	v16 =	vld [tilespmem:s11+$0x0];
	_ =	sdelay $0x2  }
0x24f: {  	v17 =	vor.u32 s12, v0  }
0x250: {  	vm1 =	vge.s32 v17, v12;
	vm2 =	vle.s32 v17, v13  }
0x251: {  	vm1 =	vmand vm1, vm2;
	vm2 =	vgt.f32 v14, v16  }
0x252: {  	vm1 =	vmand vm1, vm2  }
0x253: {  	v16 =	vsel vm1, v14, v16  }
0x254: {  	[tilespmem:s11+$0x0] =	vst v16  }
0x255: {  	v16 =	vld [tilespmem:s9+$0x0]  }
.Ltmp34:
0x256: {  	(pc) =	sbr.rel @p0 .LBB2_44-.Ltmp34, $2  }
0x257: {  	_ =	sdelay $0x2  }
0x258: {  	v16 =	vsel vm1, v15, v16  }
.LBB2_45:
0x259: {  	p0 =	slt.s32 s5, s2  }
.Ltmp35:
0x25a: {  	_ = 	snop;
	(pc) =	sbr.rel @p0 .LBB2_43-.Ltmp35, $3  }
0x25b: {  	_ =	sdelay $0x1  }
0x25c: {  	s10 =	sadd.s32 $0x1, s5  }
0x25d: {  	[tilespmem:s9+$0x0] =	vst v16;
	s7 =	sadd.s32 $0x70, s7;
	s8 =	sadd.s32 $0x70, s8;
	s5 =	smov.u32 s10  }
.LBB2_46:
0x25e: {  	(v2sf) =	vpush v8, $0x8  }
0x25f: {  	(v2sf) =	vpush v7, $0x8  }
0x260: {  	(v2sf) =	vpush v10, $0x8  }
0x261: {  	(v2sf) =	vpush v11, $0x8;
	_ =	sdelay $0xb  }
0x262: {  	s6 =	spop (v2sf)  }
0x263: {  	s7 =	spop (v2sf)  }
0x264: {  	s8 =	spop (v2sf)  }
0x265: {  	s5 =	smov.u32 s4;
	s9 =	spop (v2sf)  }
0x266: {  	s2 =	smov.u32 s13;
	p0 =	sgt.s32 s8, s4;
	p1 =	slt.s32 s9, s13  }
0x267: {  	s5 =	smov.u32 @p0 s8;
	p0 =	sgt.s32 s6, s7;
	s2 =	smov.u32 @p1 s9  }
0x268: {  	p1 =	sgt.s32 @!p0 s5, s2  }
0x269: {  	p0 =	por p0, p1  }
0x26a: {  	s6 =	sshrl.u32 @!p0 s6, $0x4;
	s7 =	sshrl.u32 @!p0 s7, $0x4  }
0x26b: {  	p1 =	sgt.u32 @!p0 s6, s7  }
0x26c: {  	p1 =	por p0, p1  }
.Ltmp36:
0x26d: {  	_ = 	snop;
	(pc) =	sbr.rel @p1 .LBB2_51-.Ltmp36, $1  }
0x26e: {  	_ =	sdelay $0x3  }
0x26f: {  	s8 =	smul.u32 $0x70, s5;
	_ =	sdelay $0x1  }
0x270: {  	s29 =	sshll.u32 s6, $0x4;
	s8 =	sadd.s32 s8, s19  }
0x271: {  	s8 =	sadd.s32 s29, s8  }
0x272: {  	s8 =	sshll.u32 s8, $0x2  }
0x273: {  	s9 =	sor.u32 @!p0 $0x8, s28;
	v12 =	vbroadcast @!p0 v8, $0x8;
	s12 =	ssub.s32 s7, s6;
	s8 =	sshra.s32 s8, $0x2  }
0x274: {  	v13 =	vbroadcast @!p0 v7, $0x8;
	v14 =	vbroadcast @!p0 v9, $0x8;
	v15 =	vmov @!p0 s9;
	s6 =	sadd.s32 $0x1, s12;
	s7 =	sadd.s32 $0xEC00, s8;
	s8 =	sadd.s32 $0xEF80, s8  }
.LBB2_48:
0x275: {  	v16 =	vld [tilespmem:s7+$0x0];
	_ =	sdelay $0x2  }
0x276: {  	v17 =	vor.u32 s29, v0  }
0x277: {  	vm1 =	vge.s32 v17, v12;
	vm2 =	vle.s32 v17, v13  }
0x278: {  	vm1 =	vmand vm1, vm2;
	vm2 =	vgt.f32 v14, v16  }
0x279: {  	vm1 =	vmand vm1, vm2  }
0x27a: {  	v16 =	vsel vm1, v14, v16  }
0x27b: {  	[tilespmem:s7+$0x0] =	vst v16  }
0x27c: {  	p0 =	sne.s32 s6, $0x1;
	v16 =	vld [tilespmem:s8+$0x0]  }
.Ltmp37:
0x27d: {  	_ = 	snop;
	(pc) =	sbr.rel @!p0 .LBB2_50-.Ltmp37, $3  }
0x27e: {  	_ =	sdelay $0x1  }
0x27f: {  	s10 =	sadd.s32 $0xFFFFFFFF, s6  }
0x280: {  	s9 =	smov.u32 s8;
	s11 =	smov.u32 s7;
	s12 =	smov.u32 s29;
	v16 =	vsel vm1, v15, v16  }
.LBB2_49:
0x281: {  	[tilespmem:s9+$0x0] =	vst v16;
	s11 =	sadd.s32 $0x10, s11;
	s9 =	sadd.s32 $0x10, s9;
	s12 =	sadd.s32 $0x10, s12  }
0x282: {  	p0 =	sne.s32 s10, $0x1;
	s10 =	sadd.s32 $0xFFFFFFFF, s10;
	v16 =	vld [tilespmem:s11+$0x0];
	_ =	sdelay $0x2  }
0x283: {  	v17 =	vor.u32 s12, v0  }
0x284: {  	vm1 =	vge.s32 v17, v12;
	vm2 =	vle.s32 v17, v13  }
0x285: {  	vm1 =	vmand vm1, vm2;
	vm2 =	vgt.f32 v14, v16  }
0x286: {  	vm1 =	vmand vm1, vm2  }
0x287: {  	v16 =	vsel vm1, v14, v16  }
0x288: {  	[tilespmem:s11+$0x0] =	vst v16  }
0x289: {  	v16 =	vld [tilespmem:s9+$0x0]  }
.Ltmp38:
0x28a: {  	(pc) =	sbr.rel @p0 .LBB2_49-.Ltmp38, $2  }
0x28b: {  	_ =	sdelay $0x2  }
0x28c: {  	v16 =	vsel vm1, v15, v16  }
.LBB2_50:
0x28d: {  	p0 =	slt.s32 s5, s2  }
.Ltmp39:
0x28e: {  	_ = 	snop;
	(pc) =	sbr.rel @p0 .LBB2_48-.Ltmp39, $3  }
0x28f: {  	_ =	sdelay $0x1  }
0x290: {  	s10 =	sadd.s32 $0x1, s5  }
0x291: {  	[tilespmem:s9+$0x0] =	vst v16;
	s7 =	sadd.s32 $0x70, s7;
	s8 =	sadd.s32 $0x70, s8;
	s5 =	smov.u32 s10  }
.LBB2_51:
0x292: {  	(v2sf) =	vpush v8, $0x9  }
0x293: {  	(v2sf) =	vpush v7, $0x9  }
0x294: {  	(v2sf) =	vpush v10, $0x9  }
0x295: {  	(v2sf) =	vpush v11, $0x9;
	_ =	sdelay $0xb  }
0x296: {  	s6 =	spop (v2sf)  }
0x297: {  	s7 =	spop (v2sf)  }
0x298: {  	s8 =	spop (v2sf)  }
0x299: {  	s5 =	smov.u32 s4;
	s9 =	spop (v2sf)  }
0x29a: {  	s2 =	smov.u32 s13;
	p0 =	sgt.s32 s8, s4;
	p1 =	slt.s32 s9, s13  }
0x29b: {  	s5 =	smov.u32 @p0 s8;
	p0 =	sgt.s32 s6, s7;
	s2 =	smov.u32 @p1 s9  }
0x29c: {  	p1 =	sgt.s32 @!p0 s5, s2  }
0x29d: {  	p0 =	por p0, p1  }
0x29e: {  	s6 =	sshrl.u32 @!p0 s6, $0x4;
	s7 =	sshrl.u32 @!p0 s7, $0x4  }
0x29f: {  	p1 =	sgt.u32 @!p0 s6, s7  }
0x2a0: {  	p1 =	por p0, p1  }
.Ltmp40:
0x2a1: {  	_ = 	snop;
	(pc) =	sbr.rel @p1 .LBB2_56-.Ltmp40, $1  }
0x2a2: {  	_ =	sdelay $0x3  }
0x2a3: {  	s8 =	smul.u32 $0x70, s5;
	_ =	sdelay $0x1  }
0x2a4: {  	s29 =	sshll.u32 s6, $0x4;
	s8 =	sadd.s32 s8, s19  }
0x2a5: {  	s8 =	sadd.s32 s29, s8  }
0x2a6: {  	s8 =	sshll.u32 s8, $0x2  }
0x2a7: {  	s9 =	sor.u32 @!p0 $0x9, s28;
	v12 =	vbroadcast @!p0 v8, $0x9;
	s12 =	ssub.s32 s7, s6;
	s8 =	sshra.s32 s8, $0x2  }
0x2a8: {  	v13 =	vbroadcast @!p0 v7, $0x9;
	v14 =	vbroadcast @!p0 v9, $0x9;
	v15 =	vmov @!p0 s9;
	s6 =	sadd.s32 $0x1, s12;
	s7 =	sadd.s32 $0xEC00, s8;
	s8 =	sadd.s32 $0xEF80, s8  }
.LBB2_53:
0x2a9: {  	v16 =	vld [tilespmem:s7+$0x0];
	_ =	sdelay $0x2  }
0x2aa: {  	v17 =	vor.u32 s29, v0  }
0x2ab: {  	vm1 =	vge.s32 v17, v12;
	vm2 =	vle.s32 v17, v13  }
0x2ac: {  	vm1 =	vmand vm1, vm2;
	vm2 =	vgt.f32 v14, v16  }
0x2ad: {  	vm1 =	vmand vm1, vm2  }
0x2ae: {  	v16 =	vsel vm1, v14, v16  }
0x2af: {  	[tilespmem:s7+$0x0] =	vst v16  }
0x2b0: {  	p0 =	sne.s32 s6, $0x1;
	v16 =	vld [tilespmem:s8+$0x0]  }
.Ltmp41:
0x2b1: {  	_ = 	snop;
	(pc) =	sbr.rel @!p0 .LBB2_55-.Ltmp41, $3  }
0x2b2: {  	_ =	sdelay $0x1  }
0x2b3: {  	s10 =	sadd.s32 $0xFFFFFFFF, s6  }
0x2b4: {  	s9 =	smov.u32 s8;
	s11 =	smov.u32 s7;
	s12 =	smov.u32 s29;
	v16 =	vsel vm1, v15, v16  }
.LBB2_54:
0x2b5: {  	[tilespmem:s9+$0x0] =	vst v16;
	s11 =	sadd.s32 $0x10, s11;
	s9 =	sadd.s32 $0x10, s9;
	s12 =	sadd.s32 $0x10, s12  }
0x2b6: {  	p0 =	sne.s32 s10, $0x1;
	s10 =	sadd.s32 $0xFFFFFFFF, s10;
	v16 =	vld [tilespmem:s11+$0x0];
	_ =	sdelay $0x2  }
0x2b7: {  	v17 =	vor.u32 s12, v0  }
0x2b8: {  	vm1 =	vge.s32 v17, v12;
	vm2 =	vle.s32 v17, v13  }
0x2b9: {  	vm1 =	vmand vm1, vm2;
	vm2 =	vgt.f32 v14, v16  }
0x2ba: {  	vm1 =	vmand vm1, vm2  }
0x2bb: {  	v16 =	vsel vm1, v14, v16  }
0x2bc: {  	[tilespmem:s11+$0x0] =	vst v16  }
0x2bd: {  	v16 =	vld [tilespmem:s9+$0x0]  }
.Ltmp42:
0x2be: {  	(pc) =	sbr.rel @p0 .LBB2_54-.Ltmp42, $2  }
0x2bf: {  	_ =	sdelay $0x2  }
0x2c0: {  	v16 =	vsel vm1, v15, v16  }
.LBB2_55:
0x2c1: {  	p0 =	slt.s32 s5, s2  }
.Ltmp43:
0x2c2: {  	_ = 	snop;
	(pc) =	sbr.rel @p0 .LBB2_53-.Ltmp43, $3  }
0x2c3: {  	_ =	sdelay $0x1  }
0x2c4: {  	s10 =	sadd.s32 $0x1, s5  }
0x2c5: {  	[tilespmem:s9+$0x0] =	vst v16;
	s7 =	sadd.s32 $0x70, s7;
	s8 =	sadd.s32 $0x70, s8;
	s5 =	smov.u32 s10  }
.LBB2_56:
0x2c6: {  	(v2sf) =	vpush v8, $0xA  }
0x2c7: {  	(v2sf) =	vpush v7, $0xA  }
0x2c8: {  	(v2sf) =	vpush v10, $0xA  }
0x2c9: {  	(v2sf) =	vpush v11, $0xA;
	_ =	sdelay $0xb  }
0x2ca: {  	s6 =	spop (v2sf)  }
0x2cb: {  	s7 =	spop (v2sf)  }
0x2cc: {  	s8 =	spop (v2sf)  }
0x2cd: {  	s5 =	smov.u32 s4;
	s9 =	spop (v2sf)  }
0x2ce: {  	s2 =	smov.u32 s13;
	p0 =	sgt.s32 s8, s4;
	p1 =	slt.s32 s9, s13  }
0x2cf: {  	s5 =	smov.u32 @p0 s8;
	p0 =	sgt.s32 s6, s7;
	s2 =	smov.u32 @p1 s9  }
0x2d0: {  	p1 =	sgt.s32 @!p0 s5, s2  }
0x2d1: {  	p0 =	por p0, p1  }
0x2d2: {  	s6 =	sshrl.u32 @!p0 s6, $0x4;
	s7 =	sshrl.u32 @!p0 s7, $0x4  }
0x2d3: {  	p1 =	sgt.u32 @!p0 s6, s7  }
0x2d4: {  	p1 =	por p0, p1  }
.Ltmp44:
0x2d5: {  	_ = 	snop;
	(pc) =	sbr.rel @p1 .LBB2_61-.Ltmp44, $1  }
0x2d6: {  	_ =	sdelay $0x3  }
0x2d7: {  	s8 =	smul.u32 $0x70, s5;
	_ =	sdelay $0x1  }
0x2d8: {  	s29 =	sshll.u32 s6, $0x4;
	s8 =	sadd.s32 s8, s19  }
0x2d9: {  	s8 =	sadd.s32 s29, s8  }
0x2da: {  	s8 =	sshll.u32 s8, $0x2  }
0x2db: {  	s9 =	sor.u32 @!p0 $0xA, s28;
	v12 =	vbroadcast @!p0 v8, $0xA;
	s12 =	ssub.s32 s7, s6;
	s8 =	sshra.s32 s8, $0x2  }
0x2dc: {  	v13 =	vbroadcast @!p0 v7, $0xA;
	v14 =	vbroadcast @!p0 v9, $0xA;
	v15 =	vmov @!p0 s9;
	s6 =	sadd.s32 $0x1, s12;
	s7 =	sadd.s32 $0xEC00, s8;
	s8 =	sadd.s32 $0xEF80, s8  }
.LBB2_58:
0x2dd: {  	v16 =	vld [tilespmem:s7+$0x0];
	_ =	sdelay $0x2  }
0x2de: {  	v17 =	vor.u32 s29, v0  }
0x2df: {  	vm1 =	vge.s32 v17, v12;
	vm2 =	vle.s32 v17, v13  }
0x2e0: {  	vm1 =	vmand vm1, vm2;
	vm2 =	vgt.f32 v14, v16  }
0x2e1: {  	vm1 =	vmand vm1, vm2  }
0x2e2: {  	v16 =	vsel vm1, v14, v16  }
0x2e3: {  	[tilespmem:s7+$0x0] =	vst v16  }
0x2e4: {  	p0 =	sne.s32 s6, $0x1;
	v16 =	vld [tilespmem:s8+$0x0]  }
.Ltmp45:
0x2e5: {  	_ = 	snop;
	(pc) =	sbr.rel @!p0 .LBB2_60-.Ltmp45, $3  }
0x2e6: {  	_ =	sdelay $0x1  }
0x2e7: {  	s10 =	sadd.s32 $0xFFFFFFFF, s6  }
0x2e8: {  	s9 =	smov.u32 s8;
	s11 =	smov.u32 s7;
	s12 =	smov.u32 s29;
	v16 =	vsel vm1, v15, v16  }
.LBB2_59:
0x2e9: {  	[tilespmem:s9+$0x0] =	vst v16;
	s11 =	sadd.s32 $0x10, s11;
	s9 =	sadd.s32 $0x10, s9;
	s12 =	sadd.s32 $0x10, s12  }
0x2ea: {  	p0 =	sne.s32 s10, $0x1;
	s10 =	sadd.s32 $0xFFFFFFFF, s10;
	v16 =	vld [tilespmem:s11+$0x0];
	_ =	sdelay $0x2  }
0x2eb: {  	v17 =	vor.u32 s12, v0  }
0x2ec: {  	vm1 =	vge.s32 v17, v12;
	vm2 =	vle.s32 v17, v13  }
0x2ed: {  	vm1 =	vmand vm1, vm2;
	vm2 =	vgt.f32 v14, v16  }
0x2ee: {  	vm1 =	vmand vm1, vm2  }
0x2ef: {  	v16 =	vsel vm1, v14, v16  }
0x2f0: {  	[tilespmem:s11+$0x0] =	vst v16  }
0x2f1: {  	v16 =	vld [tilespmem:s9+$0x0]  }
.Ltmp46:
0x2f2: {  	(pc) =	sbr.rel @p0 .LBB2_59-.Ltmp46, $2  }
0x2f3: {  	_ =	sdelay $0x2  }
0x2f4: {  	v16 =	vsel vm1, v15, v16  }
.LBB2_60:
0x2f5: {  	p0 =	slt.s32 s5, s2  }
.Ltmp47:
0x2f6: {  	_ = 	snop;
	(pc) =	sbr.rel @p0 .LBB2_58-.Ltmp47, $3  }
0x2f7: {  	_ =	sdelay $0x1  }
0x2f8: {  	s10 =	sadd.s32 $0x1, s5  }
0x2f9: {  	[tilespmem:s9+$0x0] =	vst v16;
	s7 =	sadd.s32 $0x70, s7;
	s8 =	sadd.s32 $0x70, s8;
	s5 =	smov.u32 s10  }
.LBB2_61:
0x2fa: {  	(v2sf) =	vpush v8, $0xB  }
0x2fb: {  	(v2sf) =	vpush v7, $0xB  }
0x2fc: {  	(v2sf) =	vpush v10, $0xB  }
0x2fd: {  	(v2sf) =	vpush v11, $0xB;
	_ =	sdelay $0xb  }
0x2fe: {  	s6 =	spop (v2sf)  }
0x2ff: {  	s7 =	spop (v2sf)  }
0x300: {  	s8 =	spop (v2sf)  }
0x301: {  	s5 =	smov.u32 s4;
	s9 =	spop (v2sf)  }
0x302: {  	s2 =	smov.u32 s13;
	p0 =	sgt.s32 s8, s4;
	p1 =	slt.s32 s9, s13  }
0x303: {  	s5 =	smov.u32 @p0 s8;
	p0 =	sgt.s32 s6, s7;
	s2 =	smov.u32 @p1 s9  }
0x304: {  	p1 =	sgt.s32 @!p0 s5, s2  }
0x305: {  	p0 =	por p0, p1  }
0x306: {  	s6 =	sshrl.u32 @!p0 s6, $0x4;
	s7 =	sshrl.u32 @!p0 s7, $0x4  }
0x307: {  	p1 =	sgt.u32 @!p0 s6, s7  }
0x308: {  	p1 =	por p0, p1  }
.Ltmp48:
0x309: {  	_ = 	snop;
	(pc) =	sbr.rel @p1 .LBB2_66-.Ltmp48, $1  }
0x30a: {  	_ =	sdelay $0x3  }
0x30b: {  	s8 =	smul.u32 $0x70, s5;
	_ =	sdelay $0x1  }
0x30c: {  	s29 =	sshll.u32 s6, $0x4;
	s8 =	sadd.s32 s8, s19  }
0x30d: {  	s8 =	sadd.s32 s29, s8  }
0x30e: {  	s8 =	sshll.u32 s8, $0x2  }
0x30f: {  	s9 =	sor.u32 @!p0 $0xB, s28;
	v12 =	vbroadcast @!p0 v8, $0xB;
	s12 =	ssub.s32 s7, s6;
	s8 =	sshra.s32 s8, $0x2  }
0x310: {  	v13 =	vbroadcast @!p0 v7, $0xB;
	v14 =	vbroadcast @!p0 v9, $0xB;
	v15 =	vmov @!p0 s9;
	s6 =	sadd.s32 $0x1, s12;
	s7 =	sadd.s32 $0xEC00, s8;
	s8 =	sadd.s32 $0xEF80, s8  }
.LBB2_63:
0x311: {  	v16 =	vld [tilespmem:s7+$0x0];
	_ =	sdelay $0x2  }
0x312: {  	v17 =	vor.u32 s29, v0  }
0x313: {  	vm1 =	vge.s32 v17, v12;
	vm2 =	vle.s32 v17, v13  }
0x314: {  	vm1 =	vmand vm1, vm2;
	vm2 =	vgt.f32 v14, v16  }
0x315: {  	vm1 =	vmand vm1, vm2  }
0x316: {  	v16 =	vsel vm1, v14, v16  }
0x317: {  	[tilespmem:s7+$0x0] =	vst v16  }
0x318: {  	p0 =	sne.s32 s6, $0x1;
	v16 =	vld [tilespmem:s8+$0x0]  }
.Ltmp49:
0x319: {  	_ = 	snop;
	(pc) =	sbr.rel @!p0 .LBB2_65-.Ltmp49, $3  }
0x31a: {  	_ =	sdelay $0x1  }
0x31b: {  	s10 =	sadd.s32 $0xFFFFFFFF, s6  }
0x31c: {  	s9 =	smov.u32 s8;
	s11 =	smov.u32 s7;
	s12 =	smov.u32 s29;
	v16 =	vsel vm1, v15, v16  }
.LBB2_64:
0x31d: {  	[tilespmem:s9+$0x0] =	vst v16;
	s11 =	sadd.s32 $0x10, s11;
	s9 =	sadd.s32 $0x10, s9;
	s12 =	sadd.s32 $0x10, s12  }
0x31e: {  	p0 =	sne.s32 s10, $0x1;
	s10 =	sadd.s32 $0xFFFFFFFF, s10;
	v16 =	vld [tilespmem:s11+$0x0];
	_ =	sdelay $0x2  }
0x31f: {  	v17 =	vor.u32 s12, v0  }
0x320: {  	vm1 =	vge.s32 v17, v12;
	vm2 =	vle.s32 v17, v13  }
0x321: {  	vm1 =	vmand vm1, vm2;
	vm2 =	vgt.f32 v14, v16  }
0x322: {  	vm1 =	vmand vm1, vm2  }
0x323: {  	v16 =	vsel vm1, v14, v16  }
0x324: {  	[tilespmem:s11+$0x0] =	vst v16  }
0x325: {  	v16 =	vld [tilespmem:s9+$0x0]  }
.Ltmp50:
0x326: {  	(pc) =	sbr.rel @p0 .LBB2_64-.Ltmp50, $2  }
0x327: {  	_ =	sdelay $0x2  }
0x328: {  	v16 =	vsel vm1, v15, v16  }
.LBB2_65:
0x329: {  	p0 =	slt.s32 s5, s2  }
.Ltmp51:
0x32a: {  	_ = 	snop;
	(pc) =	sbr.rel @p0 .LBB2_63-.Ltmp51, $3  }
0x32b: {  	_ =	sdelay $0x1  }
0x32c: {  	s10 =	sadd.s32 $0x1, s5  }
0x32d: {  	[tilespmem:s9+$0x0] =	vst v16;
	s7 =	sadd.s32 $0x70, s7;
	s8 =	sadd.s32 $0x70, s8;
	s5 =	smov.u32 s10  }
.LBB2_66:
0x32e: {  	(v2sf) =	vpush v8, $0xC  }
0x32f: {  	(v2sf) =	vpush v7, $0xC  }
0x330: {  	(v2sf) =	vpush v10, $0xC  }
0x331: {  	(v2sf) =	vpush v11, $0xC;
	_ =	sdelay $0xb  }
0x332: {  	s6 =	spop (v2sf)  }
0x333: {  	s7 =	spop (v2sf)  }
0x334: {  	s8 =	spop (v2sf)  }
0x335: {  	s5 =	smov.u32 s4;
	s9 =	spop (v2sf)  }
0x336: {  	s2 =	smov.u32 s13;
	p0 =	sgt.s32 s8, s4;
	p1 =	slt.s32 s9, s13  }
0x337: {  	s5 =	smov.u32 @p0 s8;
	p0 =	sgt.s32 s6, s7;
	s2 =	smov.u32 @p1 s9  }
0x338: {  	p1 =	sgt.s32 @!p0 s5, s2  }
0x339: {  	p0 =	por p0, p1  }
0x33a: {  	s6 =	sshrl.u32 @!p0 s6, $0x4;
	s7 =	sshrl.u32 @!p0 s7, $0x4  }
0x33b: {  	p1 =	sgt.u32 @!p0 s6, s7  }
0x33c: {  	p1 =	por p0, p1  }
.Ltmp52:
0x33d: {  	_ = 	snop;
	(pc) =	sbr.rel @p1 .LBB2_71-.Ltmp52, $1  }
0x33e: {  	_ =	sdelay $0x3  }
0x33f: {  	s8 =	smul.u32 $0x70, s5;
	_ =	sdelay $0x1  }
0x340: {  	s29 =	sshll.u32 s6, $0x4;
	s8 =	sadd.s32 s8, s19  }
0x341: {  	s8 =	sadd.s32 s29, s8  }
0x342: {  	s8 =	sshll.u32 s8, $0x2  }
0x343: {  	s9 =	sor.u32 @!p0 $0xC, s28;
	v12 =	vbroadcast @!p0 v8, $0xC;
	s12 =	ssub.s32 s7, s6;
	s8 =	sshra.s32 s8, $0x2  }
0x344: {  	v13 =	vbroadcast @!p0 v7, $0xC;
	v14 =	vbroadcast @!p0 v9, $0xC;
	v15 =	vmov @!p0 s9;
	s6 =	sadd.s32 $0x1, s12;
	s7 =	sadd.s32 $0xEC00, s8;
	s8 =	sadd.s32 $0xEF80, s8  }
.LBB2_68:
0x345: {  	v16 =	vld [tilespmem:s7+$0x0];
	_ =	sdelay $0x2  }
0x346: {  	v17 =	vor.u32 s29, v0  }
0x347: {  	vm1 =	vge.s32 v17, v12;
	vm2 =	vle.s32 v17, v13  }
0x348: {  	vm1 =	vmand vm1, vm2;
	vm2 =	vgt.f32 v14, v16  }
0x349: {  	vm1 =	vmand vm1, vm2  }
0x34a: {  	v16 =	vsel vm1, v14, v16  }
0x34b: {  	[tilespmem:s7+$0x0] =	vst v16  }
0x34c: {  	p0 =	sne.s32 s6, $0x1;
	v16 =	vld [tilespmem:s8+$0x0]  }
.Ltmp53:
0x34d: {  	_ = 	snop;
	(pc) =	sbr.rel @!p0 .LBB2_70-.Ltmp53, $3  }
0x34e: {  	_ =	sdelay $0x1  }
0x34f: {  	s10 =	sadd.s32 $0xFFFFFFFF, s6  }
0x350: {  	s9 =	smov.u32 s8;
	s11 =	smov.u32 s7;
	s12 =	smov.u32 s29;
	v16 =	vsel vm1, v15, v16  }
.LBB2_69:
0x351: {  	[tilespmem:s9+$0x0] =	vst v16;
	s11 =	sadd.s32 $0x10, s11;
	s9 =	sadd.s32 $0x10, s9;
	s12 =	sadd.s32 $0x10, s12  }
0x352: {  	p0 =	sne.s32 s10, $0x1;
	s10 =	sadd.s32 $0xFFFFFFFF, s10;
	v16 =	vld [tilespmem:s11+$0x0];
	_ =	sdelay $0x2  }
0x353: {  	v17 =	vor.u32 s12, v0  }
0x354: {  	vm1 =	vge.s32 v17, v12;
	vm2 =	vle.s32 v17, v13  }
0x355: {  	vm1 =	vmand vm1, vm2;
	vm2 =	vgt.f32 v14, v16  }
0x356: {  	vm1 =	vmand vm1, vm2  }
0x357: {  	v16 =	vsel vm1, v14, v16  }
0x358: {  	[tilespmem:s11+$0x0] =	vst v16  }
0x359: {  	v16 =	vld [tilespmem:s9+$0x0]  }
.Ltmp54:
0x35a: {  	(pc) =	sbr.rel @p0 .LBB2_69-.Ltmp54, $2  }
0x35b: {  	_ =	sdelay $0x2  }
0x35c: {  	v16 =	vsel vm1, v15, v16  }
.LBB2_70:
0x35d: {  	p0 =	slt.s32 s5, s2  }
.Ltmp55:
0x35e: {  	_ = 	snop;
	(pc) =	sbr.rel @p0 .LBB2_68-.Ltmp55, $3  }
0x35f: {  	_ =	sdelay $0x1  }
0x360: {  	s10 =	sadd.s32 $0x1, s5  }
0x361: {  	[tilespmem:s9+$0x0] =	vst v16;
	s7 =	sadd.s32 $0x70, s7;
	s8 =	sadd.s32 $0x70, s8;
	s5 =	smov.u32 s10  }
.LBB2_71:
0x362: {  	(v2sf) =	vpush v8, $0xD  }
0x363: {  	(v2sf) =	vpush v7, $0xD  }
0x364: {  	(v2sf) =	vpush v10, $0xD  }
0x365: {  	(v2sf) =	vpush v11, $0xD;
	_ =	sdelay $0xb  }
0x366: {  	s6 =	spop (v2sf)  }
0x367: {  	s7 =	spop (v2sf)  }
0x368: {  	s8 =	spop (v2sf)  }
0x369: {  	s5 =	smov.u32 s4;
	s9 =	spop (v2sf)  }
0x36a: {  	s2 =	smov.u32 s13;
	p0 =	sgt.s32 s8, s4;
	p1 =	slt.s32 s9, s13  }
0x36b: {  	s5 =	smov.u32 @p0 s8;
	p0 =	sgt.s32 s6, s7;
	s2 =	smov.u32 @p1 s9  }
0x36c: {  	p1 =	sgt.s32 @!p0 s5, s2  }
0x36d: {  	p0 =	por p0, p1  }
0x36e: {  	s6 =	sshrl.u32 @!p0 s6, $0x4;
	s7 =	sshrl.u32 @!p0 s7, $0x4  }
0x36f: {  	p1 =	sgt.u32 @!p0 s6, s7  }
0x370: {  	p1 =	por p0, p1  }
.Ltmp56:
0x371: {  	_ = 	snop;
	(pc) =	sbr.rel @p1 .LBB2_76-.Ltmp56, $1  }
0x372: {  	_ =	sdelay $0x3  }
0x373: {  	s8 =	smul.u32 $0x70, s5;
	_ =	sdelay $0x1  }
0x374: {  	s29 =	sshll.u32 s6, $0x4;
	s8 =	sadd.s32 s8, s19  }
0x375: {  	s8 =	sadd.s32 s29, s8  }
0x376: {  	s8 =	sshll.u32 s8, $0x2  }
0x377: {  	s9 =	sor.u32 @!p0 $0xD, s28;
	v12 =	vbroadcast @!p0 v8, $0xD;
	s12 =	ssub.s32 s7, s6;
	s8 =	sshra.s32 s8, $0x2  }
0x378: {  	v13 =	vbroadcast @!p0 v7, $0xD;
	v14 =	vbroadcast @!p0 v9, $0xD;
	v15 =	vmov @!p0 s9;
	s6 =	sadd.s32 $0x1, s12;
	s7 =	sadd.s32 $0xEC00, s8;
	s8 =	sadd.s32 $0xEF80, s8  }
.LBB2_73:
0x379: {  	v16 =	vld [tilespmem:s7+$0x0];
	_ =	sdelay $0x2  }
0x37a: {  	v17 =	vor.u32 s29, v0  }
0x37b: {  	vm1 =	vge.s32 v17, v12;
	vm2 =	vle.s32 v17, v13  }
0x37c: {  	vm1 =	vmand vm1, vm2;
	vm2 =	vgt.f32 v14, v16  }
0x37d: {  	vm1 =	vmand vm1, vm2  }
0x37e: {  	v16 =	vsel vm1, v14, v16  }
0x37f: {  	[tilespmem:s7+$0x0] =	vst v16  }
0x380: {  	p0 =	sne.s32 s6, $0x1;
	v16 =	vld [tilespmem:s8+$0x0]  }
.Ltmp57:
0x381: {  	_ = 	snop;
	(pc) =	sbr.rel @!p0 .LBB2_75-.Ltmp57, $3  }
0x382: {  	_ =	sdelay $0x1  }
0x383: {  	s10 =	sadd.s32 $0xFFFFFFFF, s6  }
0x384: {  	s9 =	smov.u32 s8;
	s11 =	smov.u32 s7;
	s12 =	smov.u32 s29;
	v16 =	vsel vm1, v15, v16  }
.LBB2_74:
0x385: {  	[tilespmem:s9+$0x0] =	vst v16;
	s11 =	sadd.s32 $0x10, s11;
	s9 =	sadd.s32 $0x10, s9;
	s12 =	sadd.s32 $0x10, s12  }
0x386: {  	p0 =	sne.s32 s10, $0x1;
	s10 =	sadd.s32 $0xFFFFFFFF, s10;
	v16 =	vld [tilespmem:s11+$0x0];
	_ =	sdelay $0x2  }
0x387: {  	v17 =	vor.u32 s12, v0  }
0x388: {  	vm1 =	vge.s32 v17, v12;
	vm2 =	vle.s32 v17, v13  }
0x389: {  	vm1 =	vmand vm1, vm2;
	vm2 =	vgt.f32 v14, v16  }
0x38a: {  	vm1 =	vmand vm1, vm2  }
0x38b: {  	v16 =	vsel vm1, v14, v16  }
0x38c: {  	[tilespmem:s11+$0x0] =	vst v16  }
0x38d: {  	v16 =	vld [tilespmem:s9+$0x0]  }
.Ltmp58:
0x38e: {  	(pc) =	sbr.rel @p0 .LBB2_74-.Ltmp58, $2  }
0x38f: {  	_ =	sdelay $0x2  }
0x390: {  	v16 =	vsel vm1, v15, v16  }
.LBB2_75:
0x391: {  	p0 =	slt.s32 s5, s2  }
.Ltmp59:
0x392: {  	_ = 	snop;
	(pc) =	sbr.rel @p0 .LBB2_73-.Ltmp59, $3  }
0x393: {  	_ =	sdelay $0x1  }
0x394: {  	s10 =	sadd.s32 $0x1, s5  }
0x395: {  	[tilespmem:s9+$0x0] =	vst v16;
	s7 =	sadd.s32 $0x70, s7;
	s8 =	sadd.s32 $0x70, s8;
	s5 =	smov.u32 s10  }
.LBB2_76:
0x396: {  	(v2sf) =	vpush v8, $0xE  }
0x397: {  	(v2sf) =	vpush v7, $0xE  }
0x398: {  	(v2sf) =	vpush v10, $0xE  }
0x399: {  	(v2sf) =	vpush v11, $0xE;
	_ =	sdelay $0xb  }
0x39a: {  	s6 =	spop (v2sf)  }
0x39b: {  	s7 =	spop (v2sf)  }
0x39c: {  	s8 =	spop (v2sf)  }
0x39d: {  	s5 =	smov.u32 s4;
	s9 =	spop (v2sf)  }
0x39e: {  	s2 =	smov.u32 s13;
	p0 =	sgt.s32 s8, s4;
	p1 =	slt.s32 s9, s13  }
0x39f: {  	s5 =	smov.u32 @p0 s8;
	p0 =	sgt.s32 s6, s7;
	s2 =	smov.u32 @p1 s9  }
0x3a0: {  	p1 =	sgt.s32 @!p0 s5, s2  }
0x3a1: {  	p0 =	por p0, p1  }
0x3a2: {  	s6 =	sshrl.u32 @!p0 s6, $0x4;
	s7 =	sshrl.u32 @!p0 s7, $0x4  }
0x3a3: {  	p1 =	sgt.u32 @!p0 s6, s7  }
0x3a4: {  	p1 =	por p0, p1  }
.Ltmp60:
0x3a5: {  	_ = 	snop;
	(pc) =	sbr.rel @p1 .LBB2_81-.Ltmp60, $1  }
0x3a6: {  	_ =	sdelay $0x3  }
0x3a7: {  	s8 =	smul.u32 $0x70, s5;
	_ =	sdelay $0x1  }
0x3a8: {  	s29 =	sshll.u32 s6, $0x4;
	s8 =	sadd.s32 s8, s19  }
0x3a9: {  	s8 =	sadd.s32 s29, s8  }
0x3aa: {  	s8 =	sshll.u32 s8, $0x2  }
0x3ab: {  	s9 =	sor.u32 @!p0 $0xE, s28;
	v12 =	vbroadcast @!p0 v8, $0xE;
	s12 =	ssub.s32 s7, s6;
	s8 =	sshra.s32 s8, $0x2  }
0x3ac: {  	v13 =	vbroadcast @!p0 v7, $0xE;
	v14 =	vbroadcast @!p0 v9, $0xE;
	v15 =	vmov @!p0 s9;
	s6 =	sadd.s32 $0x1, s12;
	s7 =	sadd.s32 $0xEC00, s8;
	s8 =	sadd.s32 $0xEF80, s8  }
.LBB2_78:
0x3ad: {  	v16 =	vld [tilespmem:s7+$0x0];
	_ =	sdelay $0x2  }
0x3ae: {  	v17 =	vor.u32 s29, v0  }
0x3af: {  	vm1 =	vge.s32 v17, v12;
	vm2 =	vle.s32 v17, v13  }
0x3b0: {  	vm1 =	vmand vm1, vm2;
	vm2 =	vgt.f32 v14, v16  }
0x3b1: {  	vm1 =	vmand vm1, vm2  }
0x3b2: {  	v16 =	vsel vm1, v14, v16  }
0x3b3: {  	[tilespmem:s7+$0x0] =	vst v16  }
0x3b4: {  	p0 =	sne.s32 s6, $0x1;
	v16 =	vld [tilespmem:s8+$0x0]  }
.Ltmp61:
0x3b5: {  	_ = 	snop;
	(pc) =	sbr.rel @!p0 .LBB2_80-.Ltmp61, $3  }
0x3b6: {  	_ =	sdelay $0x1  }
0x3b7: {  	s10 =	sadd.s32 $0xFFFFFFFF, s6  }
0x3b8: {  	s9 =	smov.u32 s8;
	s11 =	smov.u32 s7;
	s12 =	smov.u32 s29;
	v16 =	vsel vm1, v15, v16  }
.LBB2_79:
0x3b9: {  	[tilespmem:s9+$0x0] =	vst v16;
	s11 =	sadd.s32 $0x10, s11;
	s9 =	sadd.s32 $0x10, s9;
	s12 =	sadd.s32 $0x10, s12  }
0x3ba: {  	p0 =	sne.s32 s10, $0x1;
	s10 =	sadd.s32 $0xFFFFFFFF, s10;
	v16 =	vld [tilespmem:s11+$0x0];
	_ =	sdelay $0x2  }
0x3bb: {  	v17 =	vor.u32 s12, v0  }
0x3bc: {  	vm1 =	vge.s32 v17, v12;
	vm2 =	vle.s32 v17, v13  }
0x3bd: {  	vm1 =	vmand vm1, vm2;
	vm2 =	vgt.f32 v14, v16  }
0x3be: {  	vm1 =	vmand vm1, vm2  }
0x3bf: {  	v16 =	vsel vm1, v14, v16  }
0x3c0: {  	[tilespmem:s11+$0x0] =	vst v16  }
0x3c1: {  	v16 =	vld [tilespmem:s9+$0x0]  }
.Ltmp62:
0x3c2: {  	(pc) =	sbr.rel @p0 .LBB2_79-.Ltmp62, $2  }
0x3c3: {  	_ =	sdelay $0x2  }
0x3c4: {  	v16 =	vsel vm1, v15, v16  }
.LBB2_80:
0x3c5: {  	p0 =	slt.s32 s5, s2  }
.Ltmp63:
0x3c6: {  	_ = 	snop;
	(pc) =	sbr.rel @p0 .LBB2_78-.Ltmp63, $3  }
0x3c7: {  	_ =	sdelay $0x1  }
0x3c8: {  	s10 =	sadd.s32 $0x1, s5  }
0x3c9: {  	[tilespmem:s9+$0x0] =	vst v16;
	s7 =	sadd.s32 $0x70, s7;
	s8 =	sadd.s32 $0x70, s8;
	s5 =	smov.u32 s10  }
.LBB2_81:
0x3ca: {  	(v2sf) =	vpush v8, $0xF  }
0x3cb: {  	(v2sf) =	vpush v7, $0xF  }
0x3cc: {  	(v2sf) =	vpush v10, $0xF  }
0x3cd: {  	(v2sf) =	vpush v11, $0xF;
	_ =	sdelay $0xb  }
0x3ce: {  	s6 =	spop (v2sf)  }
0x3cf: {  	s7 =	spop (v2sf)  }
0x3d0: {  	s8 =	spop (v2sf)  }
0x3d1: {  	s5 =	smov.u32 s4;
	s9 =	spop (v2sf)  }
0x3d2: {  	s2 =	smov.u32 s13;
	p0 =	sgt.s32 s8, s4;
	p1 =	slt.s32 s9, s13  }
0x3d3: {  	s5 =	smov.u32 @p0 s8;
	p0 =	sgt.s32 s6, s7;
	s2 =	smov.u32 @p1 s9  }
0x3d4: {  	p1 =	sgt.s32 @!p0 s5, s2  }
0x3d5: {  	p0 =	por p0, p1  }
0x3d6: {  	s6 =	sshrl.u32 @!p0 s6, $0x4;
	s7 =	sshrl.u32 @!p0 s7, $0x4  }
0x3d7: {  	p1 =	sgt.u32 @!p0 s6, s7  }
0x3d8: {  	p1 =	por p0, p1  }
.Ltmp64:
0x3d9: {  	_ = 	snop;
	(pc) =	sbr.rel @p1 .LBB2_86-.Ltmp64, $1  }
0x3da: {  	_ =	sdelay $0x3  }
0x3db: {  	s8 =	smul.u32 $0x70, s5;
	_ =	sdelay $0x1  }
0x3dc: {  	s29 =	sshll.u32 s6, $0x4;
	s8 =	sadd.s32 s8, s19  }
0x3dd: {  	s8 =	sadd.s32 s29, s8  }
0x3de: {  	s8 =	sshll.u32 s8, $0x2  }
0x3df: {  	s9 =	sor.u32 @!p0 $0xF, s28;
	v8 =	vbroadcast @!p0 v8, $0xF;
	s28 =	ssub.s32 s7, s6;
	s8 =	sshra.s32 s8, $0x2  }
0x3e0: {  	v7 =	vbroadcast @!p0 v7, $0xF;
	v9 =	vbroadcast @!p0 v9, $0xF;
	v10 =	vmov @!p0 s9;
	s6 =	sadd.s32 $0x1, s28;
	s7 =	sadd.s32 $0xEC00, s8;
	s8 =	sadd.s32 $0xEF80, s8  }
.LBB2_83:
0x3e1: {  	v11 =	vld [tilespmem:s7+$0x0];
	_ =	sdelay $0x2  }
0x3e2: {  	v12 =	vor.u32 s29, v0  }
0x3e3: {  	vm1 =	vge.s32 v12, v8;
	vm2 =	vle.s32 v12, v7  }
0x3e4: {  	vm1 =	vmand vm1, vm2;
	vm2 =	vgt.f32 v9, v11  }
0x3e5: {  	vm1 =	vmand vm1, vm2  }
0x3e6: {  	v11 =	vsel vm1, v9, v11  }
0x3e7: {  	[tilespmem:s7+$0x0] =	vst v11  }
0x3e8: {  	p0 =	sne.s32 s6, $0x1;
	v11 =	vld [tilespmem:s8+$0x0]  }
.Ltmp65:
0x3e9: {  	_ = 	snop;
	(pc) =	sbr.rel @!p0 .LBB2_85-.Ltmp65, $3  }
0x3ea: {  	_ =	sdelay $0x1  }
0x3eb: {  	s10 =	sadd.s32 $0xFFFFFFFF, s6  }
0x3ec: {  	s9 =	smov.u32 s8;
	s11 =	smov.u32 s7;
	s12 =	smov.u32 s29;
	v11 =	vsel vm1, v10, v11  }
.LBB2_84:
0x3ed: {  	[tilespmem:s9+$0x0] =	vst v11;
	s11 =	sadd.s32 $0x10, s11;
	s9 =	sadd.s32 $0x10, s9;
	s12 =	sadd.s32 $0x10, s12  }
0x3ee: {  	p0 =	sne.s32 s10, $0x1;
	s10 =	sadd.s32 $0xFFFFFFFF, s10;
	v11 =	vld [tilespmem:s11+$0x0];
	_ =	sdelay $0x2  }
0x3ef: {  	v12 =	vor.u32 s12, v0  }
0x3f0: {  	vm1 =	vge.s32 v12, v8;
	vm2 =	vle.s32 v12, v7  }
0x3f1: {  	vm1 =	vmand vm1, vm2;
	vm2 =	vgt.f32 v9, v11  }
0x3f2: {  	vm1 =	vmand vm1, vm2  }
0x3f3: {  	v11 =	vsel vm1, v9, v11  }
0x3f4: {  	[tilespmem:s11+$0x0] =	vst v11  }
0x3f5: {  	v11 =	vld [tilespmem:s9+$0x0]  }
.Ltmp66:
0x3f6: {  	(pc) =	sbr.rel @p0 .LBB2_84-.Ltmp66, $2  }
0x3f7: {  	_ =	sdelay $0x2  }
0x3f8: {  	v11 =	vsel vm1, v10, v11  }
.LBB2_85:
0x3f9: {  	p0 =	slt.s32 s5, s2  }
.Ltmp67:
0x3fa: {  	_ = 	snop;
	(pc) =	sbr.rel @p0 .LBB2_83-.Ltmp67, $4  }
.Ltmp68:
0x3fb: {  	_ = 	snop;
	(pc) =	sbr.rel @!p0 .LBB2_86-.Ltmp68, $4  }
0x3fc: {  	_ = 	snop  }
0x3fd: {  	s10 =	sadd.s32 $0x1, s5  }
0x3fe: {  	[tilespmem:s9+$0x0] =	vst v11;
	s7 =	sadd.s32 $0x70, s7;
	s8 =	sadd.s32 $0x70, s8;
	s5 =	smov.u32 s10  }
0x3ff: {  	_ = 	snop  }
.LBB2_87:
0x400: {  	s2 =	simm.s32 $0x0  }
0x401: {  	v8 =	vld [tilespmem:s2+$0xEF80];
	_ =	sdelay $0x4  }
0x402: {  	vm1 =	vgt.s32 v8, $0x0  }
0x403: {  	v7 =	vnsel vm1, $0x0, v8;
	_ =	sdelay $0x1  }
0x404: {  	vm1 =	vgt.s32 v8, $0xFFFFFFFF  }
0x405: {  	v8 =	vsel vm1, $0x3F800000, v6  }
0x406: {  	[tilespmem:s2+$0xF300] =	vst v8  }
0x407: {  	v8 =	vld.idx.msk [tilespmem:v7+s30+$0x0], $0xffff;
	_ =	sdelay $0x3  }
0x408: {  	vm1 =	vmmov vm1  }
0x409: {  	v8 =	vnsel vm1, $0x0, v8  }
0x40a: {  	[tilespmem:s2+$0xF680] =	vst v8  }
0x40b: {  	v8 =	vld.idx.msk [tilespmem:v7+s31+$0x0], $0xffff;
	_ =	sdelay $0x2  }
0x40c: {  	s5 =	simm.s32 $0x10;
	s6 =	simm.s32 $0x80  }
.LBB2_88:
0x40d: {  	p0 =	sne.s32 s6, $0xC00;
	v9 =	vld [tilespmem:s5+$0xEF80]  }
0x40e: {  	v8 =	vnsel vm1, $0x0, v8  }
0x40f: {  	[tilespmem:s2+$0xFA00] =	vst v8  }
0x410: {  	v8 =	vld.idx.msk [tilespmem:v7+s1+$0x0], $0xffff;
	_ =	sdelay $0x1  }
0x411: {  	vm2 =	vgt.s32 v9, $0x0  }
0x412: {  	v7 =	vnsel vm2, $0x0, v9  }
0x413: {  	vm2 =	vgt.s32 v9, $0xFFFFFFFF  }
0x414: {  	v9 =	vsel vm2, $0x3F800000, v6  }
0x415: {  	v8 =	vnsel vm1, $0x0, v8;
	vm1 =	vmmov vm2;
	[tilespmem:s5+$0xF300] =	vst v9  }
0x416: {  	[tilespmem:s2+$0xFD80] =	vst v8;
	s2 =	smov.u32 s5  }
0x417: {  	v8 =	vld.idx.msk [tilespmem:v7+s30+$0x0], $0xffff;
	_ =	sdelay $0x5  }
0x418: {  	v8 =	vnsel vm1, $0x0, v8  }
0x419: {  	[tilespmem:s2+$0xF680] =	vst v8  }
.Ltmp69:
0x41a: {  	v8 =	vld.idx.msk [tilespmem:v7+s31+$0x0], $0xffff;
	(pc) =	sbr.rel @p0 .LBB2_88-.Ltmp69, $2  }
0x41b: {  	_ =	sdelay $0x2  }
0x41c: {  	s5 =	sshra.s32 s6, $0x2;
	s6 =	sadd.s32 $0x40, s6  }
0x41d: {  	v9 =	vld [tilespmem:s5+$0xEF80];
	_ =	sdelay $0x1  }
0x41e: {  	v8 =	vnsel vm1, $0x0, v8  }
0x41f: {  	[tilespmem:s2+$0xFA00] =	vst v8  }
0x420: {  	v7 =	vld.idx.msk [tilespmem:v7+s1+$0x0], $0xffff  }
0x421: {  	vm2 =	vgt.s32 v9, $0x0  }
0x422: {  	v8 =	vnsel vm2, $0x0, v9  }
0x423: {  	vm2 =	vgt.s32 v9, $0xFFFFFFFF  }
0x424: {  	v9 =	vsel vm2, $0x3F800000, v6  }
0x425: {  	v7 =	vnsel vm1, $0x0, v7;
	[tilespmem:s5+$0xF300] =	vst v9  }
0x426: {  	[tilespmem:s2+$0xFD80] =	vst v7  }
0x427: {  	v7 =	vld.idx.msk [tilespmem:v8+s30+$0x0], $0xffff;
	_ =	sdelay $0x3  }
0x428: {  	vm1 =	vmmov vm2  }
0x429: {  	v7 =	vnsel vm1, $0x0, v7  }
0x42a: {  	[tilespmem:s5+$0xF680] =	vst v7  }
0x42b: {  	v7 =	vld.idx.msk [tilespmem:v8+s31+$0x0], $0xffff;
	_ =	sdelay $0x4  }
0x42c: {  	v7 =	vnsel vm1, $0x0, v7  }
0x42d: {  	[tilespmem:s5+$0xFA00] =	vst v7  }
0x42e: {  	v7 =	vld.idx.msk [tilespmem:v8+s1+$0x0], $0xffff;
	_ =	sdelay $0x4  }
0x42f: {  	v7 =	vnsel vm1, $0x0, v7  }
0x430: {  	s12 =	simm.s32 $0xF300;
	[tilespmem:s5+$0xFD80] =	vst v7  }
0x431: {  	[hbm4b:s14+s3] =	stream.linear.scatter [tilespmem:s12], [sflag:$0x1], $0x310, $0x38;
	[tilespmem:$0x10100] =	vst v63  }
0x432: {  	_ =	swait.ge [sflag:s20], $0x310  }
0x433: {  	[sflag:s20] =	ssyncset.done $0x0  }
0x434: {  	s26 =	simm.s32 $0xF680;
	[sflag:s20] =	ssyncadd.s32 $0xFFFFFCF0  }
0x435: {  	[hbm4b:s15+s3] =	stream.linear.scatter [tilespmem:s26], [sflag:$0x1], $0x310, $0x38;
	[tilespmem:$0x10100] =	vst v63  }
0x436: {  	_ =	swait.ge [sflag:s20], $0x310  }
0x437: {  	[sflag:s20] =	ssyncset.done $0x0  }
0x438: {  	s28 =	simm.s32 $0xFA00;
	[sflag:s20] =	ssyncadd.s32 $0xFFFFFCF0  }
0x439: {  	[hbm4b:s16+s3] =	stream.linear.scatter [tilespmem:s28], [sflag:$0x1], $0x310, $0x38;
	[tilespmem:$0x10100] =	vst v63  }
0x43a: {  	s0 =	sadd.s32 $0x1, s0;
	_ =	swait.ge [sflag:s20], $0x310  }
0x43b: {  	p0 =	sne.s32 s0, s18;
	[sflag:s20] =	ssyncset.done $0x0  }
.Ltmp70:
0x43c: {  	s29 =	simm.s32 $0xFD80;
	[sflag:s20] =	ssyncadd.s32 $0xFFFFFCF0;
	(pc) =	sbr.rel @p0 .LBB2_1-.Ltmp70, $4  }
0x43d: {  	[hbm4b:s17+s3] =	stream.linear.scatter [tilespmem:s29], [sflag:$0x1], $0x310, $0x38;
	[tilespmem:$0x10100] =	vst v63  }
0x43e: {  	_ =	swait.ge [sflag:s20], $0x310  }
0x43f: {  	[sflag:s20] =	ssyncset.done $0x0  }
0x440: {  	[sflag:s20] =	ssyncadd.s32 $0xFFFFFCF0  }
0x441: {  	_ =	sfence.sel $0x180000  }
0x442: {  	[bflag:$0x0] =	sbarrier.arrive $0xFFFF  }
0x443: {  	_ =	strace $0x90000047  }
0x444: {  	s0 =	stileid.u32;
	[bflag:$0x2] =	sbarrier.arrive $0xFFFF  }
0x445: {  	p0 =	sne.s32 s0, $0x0;
	s0 =	rddreg [dreg:$0x3]  }
0x446: {  	s0 =	sadd.s32 @!p0 $0x100000, s0  }
0x447: {  	[sflag:s0] =	ssyncadd.tile.s32 @!p0 $0x1;
	_ =	shalt  }
.Lfunc_end2:
_tile_overlayer_lowered:
.L_overlay_start_2:
0x448: {  	(tag) =	ssettag $0x2  }
0x449: {  	s0 =	rddreg [dreg:$0x0];
	s2 =	stileid.u32  }
0x44a: {  	s1 =	rddreg [dreg:$0x1];
	p0 =	sne.s32 s2, $0x0  }
0x44b: {  	s3 =	rddreg [dreg:$0x2];
	[bflag:$0x3] =	sbarrier.arrive $0xFFFF;
	s2 =	simm.s32 @!p0 $0x1C01  }
0x44c: {  	[timem:s3], [sflag:s2] =	dma.local @!p0 [hbm:s0], s1  }
0x44d: {  	s0 =	simm.s32 @!p0 $0x1  }
0x44e: {  	_ =	swait.ge @!p0 [sflag:s0], s1  }
0x44f: {  	s1 =	ssub.s32 @!p0 $0x0, s1;
	[sflag:s0] =	ssyncset.done @!p0 $0x0  }
0x450: {  	[sflag:s0] =	ssyncadd.s32 @!p0 s1  }
0x451: {  	[bflag:$0x3] =	sbarrier.arrive $0xFFFF  }
0x452: {  	_ =	shalt  }

</sc_bundles>
